<compile_context>
chip_gen: v7x
topology: tpu7x:2x2x1
jax: 0.10.2.dev20260603
libtpu: 0.0.44.dev20260713+nightly
codegen_flags: <defaults>
</compile_context>

<pallas_src>
import functools

import jax
import jax.numpy as jnp
from jax import lax
from jax.experimental import pallas as pl
from jax.experimental.pallas import tpu as pltpu
from jax.experimental.pallas import tpu_sc as plsc

B = 16384
D = 32
QW = 128
NQ = 250000
NC = 2
NS = 16
NW = NC * NS
BPW = B // NW
HALF = BPW // 2
CHUNK = 128


def _dot_body(trip_hbm, table_hbm, out_hbm, trip_v, idx_v, off_v, lbuf_v,
              rbuf_v, acc_v, sem):
    wid = lax.axis_index("s") * NC + lax.axis_index("c")
    base = wid * BPW

    pltpu.sync_copy(trip_hbm.at[pl.ds(base * 3, BPW * 3)], trip_v)

    iota = lax.iota(jnp.int32, 16)
    iota3 = iota * 3

    for k in range(BPW // CHUNK):
        for jj in range(CHUNK // 16):
            fbase = iota3 + (k * CHUNK + jj * 16) * 3
            lid = plsc.load_gather(trip_v, [fbase])
            rid = plsc.load_gather(trip_v, [fbase + 2])
            s = pl.ds(jj * 16, 16)
            idx_v[k, s] = lax.shift_right_logical(lid, 2)
            idx_v[4 + k, s] = lax.shift_right_logical(rid, 2)
            t = pl.ds(k * CHUNK + jj * 16, 16)
            off_v[0, t] = lax.shift_left(jnp.bitwise_and(lid, 3), 5)
            off_v[1, t] = lax.shift_left(jnp.bitwise_and(rid, 3), 5)

    for h in range(2):
        copies = []
        for k in range(2):
            copies.append(pltpu.async_copy(
                table_hbm.at[idx_v.at[2 * h + k]],
                lbuf_v.at[pl.ds(k * CHUNK, CHUNK)], sem))
            copies.append(pltpu.async_copy(
                table_hbm.at[idx_v.at[4 + 2 * h + k]],
                rbuf_v.at[pl.ds(k * CHUNK, CHUNK)], sem))
        for c in copies:
            c.wait()

        def block(j, carry, h=h):
            t0 = h * HALF + j * 16
            rows = iota + j * 16
            loff = plsc.load_gather(off_v, [jnp.zeros((16,), jnp.int32),
                                            iota + t0])
            roff = plsc.load_gather(off_v, [jnp.ones((16,), jnp.int32),
                                            iota + t0])
            acc = jnp.zeros((16,), jnp.float32)
            for d in range(D):
                l = plsc.load_gather(lbuf_v, [rows, loff + d])
                r = plsc.load_gather(rbuf_v, [rows, roff + d])
                acc = acc + l * r
            acc_v[pl.ds(t0, 16)] = acc
            return carry

        lax.fori_loop(0, HALF // 16, block, 0)

    pltpu.sync_copy(acc_v, out_hbm.at[pl.ds(base, BPW)])


def kernel(triplets, node_emb, vars):
    del vars
    mesh = plsc.VectorSubcoreMesh(core_axis_name="c", subcore_axis_name="s")
    f = functools.partial(
        pl.kernel,
        out_type=jax.ShapeDtypeStruct((B,), jnp.float32),
        mesh=mesh,
        compiler_params=pltpu.CompilerParams(
            needs_layout_passes=False, use_tc_tiling_on_sc=False),
        scratch_types=[
            pltpu.VMEM((BPW * 3,), jnp.int32),
            pltpu.VMEM((8, CHUNK), jnp.int32),
            pltpu.VMEM((2, BPW), jnp.int32),
            pltpu.VMEM((HALF, QW), jnp.float32),
            pltpu.VMEM((HALF, QW), jnp.float32),
            pltpu.VMEM((BPW,), jnp.float32),
            pltpu.SemaphoreType.DMA,
        ],
    )(_dot_body)
    return f(triplets.reshape(-1), node_emb.reshape(NQ, QW))

# --- scband reference (transcript-rebuilt; emitter-appended) ---
"""Pipeline reference for scband-dot-1743756722748 (READ-ONLY COPY).

The authoritative reference and input builder live on the scoring server;
editing this copy changes nothing except your own understanding.
"""

import jax, jax.numpy as jnp
import numpy as np

def setup_inputs(seed: int = 0) -> dict:
    key = jax.random.key(seed)
    k1, k2 = jax.random.split(key, 2)
    triplets = jax.random.randint(k1, (16384, 3), 0, 1000000, dtype=jnp.int64 if jax.config.read('jax_enable_x64') else jnp.int32).astype(jnp.int32)
    node_emb = jax.random.normal(k2, (1000000, 32), dtype=jnp.float32)
    vars_ = jnp.zeros((1,), dtype=jnp.float32)
    return {"triplets": triplets, "node_emb": node_emb, "vars": vars_}

def reference(triplets, node_emb, vars):
    left = triplets[:, 0]
    right = triplets[:, 2]
    left_emb = jnp.take(node_emb, left, axis=0)[:, None, :]   # [B, 1, d]
    right_emb = jnp.take(node_emb, right, axis=0)[:, :, None]  # [B, d, 1]
    scores = jnp.matmul(left_emb, right_emb)  # [B, 1, 1] batched matmul == bmm
    return jnp.squeeze(scores)

if __name__ == "__main__":
    import jax
    _d = setup_inputs()
    print(jax.jit(kernel)(*tuple(_d.values())))

</pallas_src>

<mosaic_0001>
#map = affine_map<(d0, d1) -> (0)>
#map1 = affine_map<(d0, d1) -> (0, 0)>
module attributes {stable_mosaic.version = 14 : i64} {
  func.func @_dot_body(%arg0: i32, %arg1: i32, %arg2: memref<49152xi32, #tpu.memory_space<hbm>>, %arg3: memref<250000x128xf32, #tpu.memory_space<hbm>>, %arg4: memref<16384xf32, #tpu.memory_space<hbm>>, %arg5: memref<1536xi32, #tpu.memory_space<vmem>>, %arg6: memref<8x128xi32, #tpu.memory_space<vmem>>, %arg7: memref<2x512xi32, #tpu.memory_space<vmem>>, %arg8: memref<256x128xf32, #tpu.memory_space<vmem>>, %arg9: memref<256x128xf32, #tpu.memory_space<vmem>>, %arg10: memref<512xf32, #tpu.memory_space<vmem>>, %arg11: memref<!tpu.dma_semaphore, #tpu.memory_space<semaphore_mem>>) attributes {dimension_semantics = [#tpu.dimension_semantics<core_parallel>, #tpu.dimension_semantics<subcore_parallel>], iteration_bounds = array<i64: 2, 16>, scalar_prefetch = 0 : i64, scratch_operands = 7 : i64, tpu.core_type = #tpu.core_type<sc_vector_subcore>, window_params = [{transform_indices = #map}, {transform_indices = #map1}, {transform_indices = #map}]} {
    %mul3A = arith.constant 2 : i32
    %mul3A_0 = arith.muli %arg1, %mul3A : i32
    %add3A = arith.addi %mul3A_0, %arg0 : i32
    %mul3A_1 = arith.constant 512 : i32
    %mul3A_2 = arith.muli %add3A, %mul3A_1 : i32
    %mul3A_3 = arith.constant 3 : i32
    %mul3A_4 = arith.muli %mul3A_2, %mul3A_3 : i32
    "tpu.region"() ({
      %run_scoped3A = tpu.sem_alloc : memref<!tpu.dma_semaphore, #tpu.memory_space<semaphore_mem>>
      %dma_start3A_1516 = tpu.memref_slice %arg2[%mul3A_4] : memref<49152xi32, #tpu.memory_space<hbm>> -> memref<1536xi32, #tpu.memory_space<hbm>>
      %dma_start3A_1517 = tpu.memref_slice %arg2[%mul3A_4] : memref<49152xi32, #tpu.memory_space<hbm>> -> memref<1536xi32, #tpu.memory_space<hbm>>
      tpu.enqueue_dma source(%dma_start3A_1517 : memref<1536xi32, #tpu.memory_space<hbm>>) target(%arg5 : memref<1536xi32, #tpu.memory_space<vmem>>) target_semaphore(%run_scoped3A : memref<!tpu.dma_semaphore, #tpu.memory_space<semaphore_mem>>)
      %dma_wait3A_1518 = tpu.memref_slice %arg2[%mul3A_4] : memref<49152xi32, #tpu.memory_space<hbm>> -> memref<1536xi32, #tpu.memory_space<hbm>>
      %dma_wait3A_1519 = tpu.memref_slice %arg2[%mul3A_4] : memref<49152xi32, #tpu.memory_space<hbm>> -> memref<1536xi32, #tpu.memory_space<hbm>>
      tpu.wait_dma2 semaphore(%run_scoped3A : memref<!tpu.dma_semaphore, #tpu.memory_space<semaphore_mem>>) src(%dma_wait3A_1519 : memref<1536xi32, #tpu.memory_space<hbm>>) dst(%arg5 : memref<1536xi32, #tpu.memory_space<vmem>>)
      tpu.yield
    }) : () -> ()
    %iota3A = tpu.iota {dimensions = array<i32: 0>} : vector<16xi32>
    %mul3A_5 = arith.constant 3 : i32
    %mul3A_6 = vector.broadcast %mul3A_5 : i32 to vector<16xi32>
    %mul3A_7 = arith.muli %iota3A, %mul3A_6 : vector<16xi32>
    %add3A_8 = arith.constant 0 : i32
    %add3A_9 = vector.broadcast %add3A_8 : i32 to vector<16xi32>
    %add3A_10 = arith.addi %mul3A_7, %add3A_9 : vector<16xi32>
    %gather3A = tpu.vector_load_idx %arg5[%add3A_10] : memref<1536xi32, #tpu.memory_space<vmem>>[vector<16xi32>], vector<16xi32>,
    %add3A_11 = arith.constant 2 : i32
    %add3A_12 = vector.broadcast %add3A_11 : i32 to vector<16xi32>
    %add3A_13 = arith.addi %add3A_10, %add3A_12 : vector<16xi32>
    %gather3A_14 = tpu.vector_load_idx %arg5[%add3A_13] : memref<1536xi32, #tpu.memory_space<vmem>>[vector<16xi32>], vector<16xi32>,
    %shift_right_logical3A = arith.constant 2 : i32
    %shift_right_logical3A_15 = vector.broadcast %shift_right_logical3A : i32 to vector<16xi32>
    %shift_right_logical3A_16 = arith.shrui %gather3A, %shift_right_logical3A_15 : vector<16xi32>
    %swap3A = arith.constant 0 : i32
    %swap3A_17 = arith.index_cast %swap3A : i32 to index
    %swap3A_18 = arith.constant 0 : index
    %swap3A_19 = tpu.vector_load %arg6[%swap3A_17, %swap3A_18] {strides = array<i32>} : memref<8x128xi32, #tpu.memory_space<vmem>>, vector<16xi32>,
    tpu.vector_store %arg6[%swap3A_17, %swap3A_18], %shift_right_logical3A_16 {strides = array<i32>} : memref<8x128xi32, #tpu.memory_space<vmem>>, vector<16xi32>,
    %shift_right_logical3A_20 = arith.constant 2 : i32
    %shift_right_logical3A_21 = vector.broadcast %shift_right_logical3A_20 : i32 to vector<16xi32>
    %shift_right_logical3A_22 = arith.shrui %gather3A_14, %shift_right_logical3A_21 : vector<16xi32>
    %swap3A_23 = arith.constant 4 : i32
    %swap3A_24 = arith.index_cast %swap3A_23 : i32 to index
    %swap3A_25 = arith.constant 0 : index
    %swap3A_26 = tpu.vector_load %arg6[%swap3A_24, %swap3A_25] {strides = array<i32>} : memref<8x128xi32, #tpu.memory_space<vmem>>, vector<16xi32>,
    tpu.vector_store %arg6[%swap3A_24, %swap3A_25], %shift_right_logical3A_22 {strides = array<i32>} : memref<8x128xi32, #tpu.memory_space<vmem>>, vector<16xi32>,
    %and3A = arith.constant 3 : i32
    %and3A_27 = vector.broadcast %and3A : i32 to vector<16xi32>
    %and3A_28 = arith.andi %gather3A, %and3A_27 : vector<16xi32>
    %shift_left3A = arith.constant 5 : i32
    %shift_left3A_29 = vector.broadcast %shift_left3A : i32 to vector<16xi32>
    %shift_left3A_30 = arith.shli %and3A_28, %shift_left3A_29 : vector<16xi32>
    %swap3A_31 = arith.constant 0 : i32
    %swap3A_32 = arith.index_cast %swap3A_31 : i32 to index
    %swap3A_33 = arith.constant 0 : index
    %swap3A_34 = tpu.vector_load %arg7[%swap3A_32, %swap3A_33] {strides = array<i32>} : memref<2x512xi32, #tpu.memory_space<vmem>>, vector<16xi32>,
    tpu.vector_store %arg7[%swap3A_32, %swap3A_33], %shift_left3A_30 {strides = array<i32>} : memref<2x512xi32, #tpu.memory_space<vmem>>, vector<16xi32>,
    %and3A_35 = arith.constant 3 : i32
    %and3A_36 = vector.broadcast %and3A_35 : i32 to vector<16xi32>
    %and3A_37 = arith.andi %gather3A_14, %and3A_36 : vector<16xi32>
    %shift_left3A_38 = arith.constant 5 : i32
    %shift_left3A_39 = vector.broadcast %shift_left3A_38 : i32 to vector<16xi32>
    %shift_left3A_40 = arith.shli %and3A_37, %shift_left3A_39 : vector<16xi32>
    %swap3A_41 = arith.constant 1 : i32
    %swap3A_42 = arith.index_cast %swap3A_41 : i32 to index
    %swap3A_43 = arith.constant 0 : index
    %swap3A_44 = tpu.vector_load %arg7[%swap3A_42, %swap3A_43] {strides = array<i32>} : memref<2x512xi32, #tpu.memory_space<vmem>>, vector<16xi32>,
    tpu.vector_store %arg7[%swap3A_42, %swap3A_43], %shift_left3A_40 {strides = array<i32>} : memref<2x512xi32, #tpu.memory_space<vmem>>, vector<16xi32>,
    %add3A_45 = arith.constant 48 : i32
    %add3A_46 = vector.broadcast %add3A_45 : i32 to vector<16xi32>
    %add3A_47 = arith.addi %mul3A_7, %add3A_46 : vector<16xi32>
    %gather3A_48 = tpu.vector_load_idx %arg5[%add3A_47] : memref<1536xi32, #tpu.memory_space<vmem>>[vector<16xi32>], vector<16xi32>,
    %add3A_49 = arith.constant 2 : i32
    %add3A_50 = vector.broadcast %add3A_49 : i32 to vector<16xi32>
    %add3A_51 = arith.addi %add3A_47, %add3A_50 : vector<16xi32>
    %gather3A_52 = tpu.vector_load_idx %arg5[%add3A_51] : memref<1536xi32, #tpu.memory_space<vmem>>[vector<16xi32>], vector<16xi32>,
    %shift_right_logical3A_53 = arith.constant 2 : i32
    %shift_right_logical3A_54 = vector.broadcast %shift_right_logical3A_53 : i32 to vector<16xi32>
    %shift_right_logical3A_55 = arith.shrui %gather3A_48, %shift_right_logical3A_54 : vector<16xi32>
    %swap3A_56 = arith.constant 0 : i32
    %swap3A_57 = arith.index_cast %swap3A_56 : i32 to index
    %swap3A_58 = arith.constant 16 : index
    %swap3A_59 = tpu.vector_load %arg6[%swap3A_57, %swap3A_58] {strides = array<i32>} : memref<8x128xi32, #tpu.memory_space<vmem>>, vector<16xi32>,
    tpu.vector_store %arg6[%swap3A_57, %swap3A_58], %shift_right_logical3A_55 {strides = array<i32>} : memref<8x128xi32, #tpu.memory_space<vmem>>, vector<16xi32>,
    %shift_right_logical3A_60 = arith.constant 2 : i32
    %shift_right_logical3A_61 = vector.broadcast %shift_right_logical3A_60 : i32 to vector<16xi32>
    %shift_right_logical3A_62 = arith.shrui %gather3A_52, %shift_right_logical3A_61 : vector<16xi32>
    %swap3A_63 = arith.constant 4 : i32
    %swap3A_64 = arith.index_cast %swap3A_63 : i32 to index
    %swap3A_65 = arith.constant 16 : index
    %swap3A_66 = tpu.vector_load %arg6[%swap3A_64, %swap3A_65] {strides = array<i32>} : memref<8x128xi32, #tpu.memory_space<vmem>>, vector<16xi32>,
    tpu.vector_store %arg6[%swap3A_64, %swap3A_65], %shift_right_logical3A_62 {strides = array<i32>} : memref<8x128xi32, #tpu.memory_space<vmem>>, vector<16xi32>,
    %and3A_67 = arith.constant 3 : i32
    %and3A_68 = vector.broadcast %and3A_67 : i32 to vector<16xi32>
    %and3A_69 = arith.andi %gather3A_48, %and3A_68 : vector<16xi32>
    %shift_left3A_70 = arith.constant 5 : i32
    %shift_left3A_71 = vector.broadcast %shift_left3A_70 : i32 to vector<16xi32>
    %shift_left3A_72 = arith.shli %and3A_69, %shift_left3A_71 : vector<16xi32>
    %swap3A_73 = arith.constant 0 : i32
    %swap3A_74 = arith.index_cast %swap3A_73 : i32 to index
    %swap3A_75 = arith.constant 16 : index
    %swap3A_76 = tpu.vector_load %arg7[%swap3A_74, %swap3A_75] {strides = array<i32>} : memref<2x512xi32, #tpu.memory_space<vmem>>, vector<16xi32>,
    tpu.vector_store %arg7[%swap3A_74, %swap3A_75], %shift_left3A_72 {strides = array<i32>} : memref<2x512xi32, #tpu.memory_space<vmem>>, vector<16xi32>,
    %and3A_77 = arith.constant 3 : i32
    %and3A_78 = vector.broadcast %and3A_77 : i32 to vector<16xi32>
    %and3A_79 = arith.andi %gather3A_52, %and3A_78 : vector<16xi32>
    %shift_left3A_80 = arith.constant 5 : i32
    %shift_left3A_81 = vector.broadcast %shift_left3A_80 : i32 to vector<16xi32>
    %shift_left3A_82 = arith.shli %and3A_79, %shift_left3A_81 : vector<16xi32>
    %swap3A_83 = arith.constant 1 : i32
    %swap3A_84 = arith.index_cast %swap3A_83 : i32 to index
    %swap3A_85 = arith.constant 16 : index
    %swap3A_86 = tpu.vector_load %arg7[%swap3A_84, %swap3A_85] {strides = array<i32>} : memref<2x512xi32, #tpu.memory_space<vmem>>, vector<16xi32>,
    tpu.vector_store %arg7[%swap3A_84, %swap3A_85], %shift_left3A_82 {strides = array<i32>} : memref<2x512xi32, #tpu.memory_space<vmem>>, vector<16xi32>,
    %add3A_87 = arith.constant 96 : i32
    %add3A_88 = vector.broadcast %add3A_87 : i32 to vector<16xi32>
    %add3A_89 = arith.addi %mul3A_7, %add3A_88 : vector<16xi32>
    %gather3A_90 = tpu.vector_load_idx %arg5[%add3A_89] : memref<1536xi32, #tpu.memory_space<vmem>>[vector<16xi32>], vector<16xi32>,
    %add3A_91 = arith.constant 2 : i32
    %add3A_92 = vector.broadcast %add3A_91 : i32 to vector<16xi32>
    %add3A_93 = arith.addi %add3A_89, %add3A_92 : vector<16xi32>
    %gather3A_94 = tpu.vector_load_idx %arg5[%add3A_93] : memref<1536xi32, #tpu.memory_space<vmem>>[vector<16xi32>], vector<16xi32>,
    %shift_right_logical3A_95 = arith.constant 2 : i32
    %shift_right_logical3A_96 = vector.broadcast %shift_right_logical3A_95 : i32 to vector<16xi32>
    %shift_right_logical3A_97 = arith.shrui %gather3A_90, %shift_right_logical3A_96 : vector<16xi32>
    %swap3A_98 = arith.constant 0 : i32
    %swap3A_99 = arith.index_cast %swap3A_98 : i32 to index
    %swap3A_100 = arith.constant 32 : index
    %swap3A_101 = tpu.vector_load %arg6[%swap3A_99, %swap3A_100] {strides = array<i32>} : memref<8x128xi32, #tpu.memory_space<vmem>>, vector<16xi32>,
    tpu.vector_store %arg6[%swap3A_99, %swap3A_100], %shift_right_logical3A_97 {strides = array<i32>} : memref<8x128xi32, #tpu.memory_space<vmem>>, vector<16xi32>,
    %shift_right_logical3A_102 = arith.constant 2 : i32
    %shift_right_logical3A_103 = vector.broadcast %shift_right_logical3A_102 : i32 to vector<16xi32>
    %shift_right_logical3A_104 = arith.shrui %gather3A_94, %shift_right_logical3A_103 : vector<16xi32>
    %swap3A_105 = arith.constant 4 : i32
    %swap3A_106 = arith.index_cast %swap3A_105 : i32 to index
    %swap3A_107 = arith.constant 32 : index
    %swap3A_108 = tpu.vector_load %arg6[%swap3A_106, %swap3A_107] {strides = array<i32>} : memref<8x128xi32, #tpu.memory_space<vmem>>, vector<16xi32>,
    tpu.vector_store %arg6[%swap3A_106, %swap3A_107], %shift_right_logical3A_104 {strides = array<i32>} : memref<8x128xi32, #tpu.memory_space<vmem>>, vector<16xi32>,
    %and3A_109 = arith.constant 3 : i32
    %and3A_110 = vector.broadcast %and3A_109 : i32 to vector<16xi32>
    %and3A_111 = arith.andi %gather3A_90, %and3A_110 : vector<16xi32>
    %shift_left3A_112 = arith.constant 5 : i32
    %shift_left3A_113 = vector.broadcast %shift_left3A_112 : i32 to vector<16xi32>
    %shift_left3A_114 = arith.shli %and3A_111, %shift_left3A_113 : vector<16xi32>
    %swap3A_115 = arith.constant 0 : i32
    %swap3A_116 = arith.index_cast %swap3A_115 : i32 to index
    %swap3A_117 = arith.constant 32 : index
    %swap3A_118 = tpu.vector_load %arg7[%swap3A_116, %swap3A_117] {strides = array<i32>} : memref<2x512xi32, #tpu.memory_space<vmem>>, vector<16xi32>,
    tpu.vector_store %arg7[%swap3A_116, %swap3A_117], %shift_left3A_114 {strides = array<i32>} : memref<2x512xi32, #tpu.memory_space<vmem>>, vector<16xi32>,
    %and3A_119 = arith.constant 3 : i32
    %and3A_120 = vector.broadcast %and3A_119 : i32 to vector<16xi32>
    %and3A_121 = arith.andi %gather3A_94, %and3A_120 : vector<16xi32>
    %shift_left3A_122 = arith.constant 5 : i32
    %shift_left3A_123 = vector.broadcast %shift_left3A_122 : i32 to vector<16xi32>
    %shift_left3A_124 = arith.shli %and3A_121, %shift_left3A_123 : vector<16xi32>
    %swap3A_125 = arith.constant 1 : i32
    %swap3A_126 = arith.index_cast %swap3A_125 : i32 to index
    %swap3A_127 = arith.constant 32 : index
    %swap3A_128 = tpu.vector_load %arg7[%swap3A_126, %swap3A_127] {strides = array<i32>} : memref<2x512xi32, #tpu.memory_space<vmem>>, vector<16xi32>,
    tpu.vector_store %arg7[%swap3A_126, %swap3A_127], %shift_left3A_124 {strides = array<i32>} : memref<2x512xi32, #tpu.memory_space<vmem>>, vector<16xi32>,
    %add3A_129 = arith.constant 144 : i32
    %add3A_130 = vector.broadcast %add3A_129 : i32 to vector<16xi32>
    %add3A_131 = arith.addi %mul3A_7, %add3A_130 : vector<16xi32>
    %gather3A_132 = tpu.vector_load_idx %arg5[%add3A_131] : memref<1536xi32, #tpu.memory_space<vmem>>[vector<16xi32>], vector<16xi32>,
    %add3A_133 = arith.constant 2 : i32
    %add3A_134 = vector.broadcast %add3A_133 : i32 to vector<16xi32>
    %add3A_135 = arith.addi %add3A_131, %add3A_134 : vector<16xi32>
    %gather3A_136 = tpu.vector_load_idx %arg5[%add3A_135] : memref<1536xi32, #tpu.memory_space<vmem>>[vector<16xi32>], vector<16xi32>,
    %shift_right_logical3A_137 = arith.constant 2 : i32
    %shift_right_logical3A_138 = vector.broadcast %shift_right_logical3A_137 : i32 to vector<16xi32>
    %shift_right_logical3A_139 = arith.shrui %gather3A_132, %shift_right_logical3A_138 : vector<16xi32>
    %swap3A_140 = arith.constant 0 : i32
    %swap3A_141 = arith.index_cast %swap3A_140 : i32 to index
    %swap3A_142 = arith.constant 48 : index
    %swap3A_143 = tpu.vector_load %arg6[%swap3A_141, %swap3A_142] {strides = array<i32>} : memref<8x128xi32, #tpu.memory_space<vmem>>, vector<16xi32>,
    tpu.vector_store %arg6[%swap3A_141, %swap3A_142], %shift_right_logical3A_139 {strides = array<i32>} : memref<8x128xi32, #tpu.memory_space<vmem>>, vector<16xi32>,
    %shift_right_logical3A_144 = arith.constant 2 : i32
    %shift_right_logical3A_145 = vector.broadcast %shift_right_logical3A_144 : i32 to vector<16xi32>
    %shift_right_logical3A_146 = arith.shrui %gather3A_136, %shift_right_logical3A_145 : vector<16xi32>
    %swap3A_147 = arith.constant 4 : i32
    %swap3A_148 = arith.index_cast %swap3A_147 : i32 to index
    %swap3A_149 = arith.constant 48 : index
    %swap3A_150 = tpu.vector_load %arg6[%swap3A_148, %swap3A_149] {strides = array<i32>} : memref<8x128xi32, #tpu.memory_space<vmem>>, vector<16xi32>,
    tpu.vector_store %arg6[%swap3A_148, %swap3A_149], %shift_right_logical3A_146 {strides = array<i32>} : memref<8x128xi32, #tpu.memory_space<vmem>>, vector<16xi32>,
    %and3A_151 = arith.constant 3 : i32
    %and3A_152 = vector.broadcast %and3A_151 : i32 to vector<16xi32>
    %and3A_153 = arith.andi %gather3A_132, %and3A_152 : vector<16xi32>
    %shift_left3A_154 = arith.constant 5 : i32
    %shift_left3A_155 = vector.broadcast %shift_left3A_154 : i32 to vector<16xi32>
    %shift_left3A_156 = arith.shli %and3A_153, %shift_left3A_155 : vector<16xi32>
    %swap3A_157 = arith.constant 0 : i32
    %swap3A_158 = arith.index_cast %swap3A_157 : i32 to index
    %swap3A_159 = arith.constant 48 : index
    %swap3A_160 = tpu.vector_load %arg7[%swap3A_158, %swap3A_159] {strides = array<i32>} : memref<2x512xi32, #tpu.memory_space<vmem>>, vector<16xi32>,
    tpu.vector_store %arg7[%swap3A_158, %swap3A_159], %shift_left3A_156 {strides = array<i32>} : memref<2x512xi32, #tpu.memory_space<vmem>>, vector<16xi32>,
    %and3A_161 = arith.constant 3 : i32
    %and3A_162 = vector.broadcast %and3A_161 : i32 to vector<16xi32>
    %and3A_163 = arith.andi %gather3A_136, %and3A_162 : vector<16xi32>
    %shift_left3A_164 = arith.constant 5 : i32
    %shift_left3A_165 = vector.broadcast %shift_left3A_164 : i32 to vector<16xi32>
    %shift_left3A_166 = arith.shli %and3A_163, %shift_left3A_165 : vector<16xi32>
    %swap3A_167 = arith.constant 1 : i32
    %swap3A_168 = arith.index_cast %swap3A_167 : i32 to index
    %swap3A_169 = arith.constant 48 : index
    %swap3A_170 = tpu.vector_load %arg7[%swap3A_168, %swap3A_169] {strides = array<i32>} : memref<2x512xi32, #tpu.memory_space<vmem>>, vector<16xi32>,
    tpu.vector_store %arg7[%swap3A_168, %swap3A_169], %shift_left3A_166 {strides = array<i32>} : memref<2x512xi32, #tpu.memory_space<vmem>>, vector<16xi32>,
    %add3A_171 = arith.constant 192 : i32
    %add3A_172 = vector.broadcast %add3A_171 : i32 to vector<16xi32>
    %add3A_173 = arith.addi %mul3A_7, %add3A_172 : vector<16xi32>
    %gather3A_174 = tpu.vector_load_idx %arg5[%add3A_173] : memref<1536xi32, #tpu.memory_space<vmem>>[vector<16xi32>], vector<16xi32>,
    %add3A_175 = arith.constant 2 : i32
    %add3A_176 = vector.broadcast %add3A_175 : i32 to vector<16xi32>
    %add3A_177 = arith.addi %add3A_173, %add3A_176 : vector<16xi32>
    %gather3A_178 = tpu.vector_load_idx %arg5[%add3A_177] : memref<1536xi32, #tpu.memory_space<vmem>>[vector<16xi32>], vector<16xi32>,
    %shift_right_logical3A_179 = arith.constant 2 : i32
    %shift_right_logical3A_180 = vector.broadcast %shift_right_logical3A_179 : i32 to vector<16xi32>
    %shift_right_logical3A_181 = arith.shrui %gather3A_174, %shift_right_logical3A_180 : vector<16xi32>
    %swap3A_182 = arith.constant 0 : i32
    %swap3A_183 = arith.index_cast %swap3A_182 : i32 to index
    %swap3A_184 = arith.constant 64 : index
    %swap3A_185 = tpu.vector_load %arg6[%swap3A_183, %swap3A_184] {strides = array<i32>} : memref<8x128xi32, #tpu.memory_space<vmem>>, vector<16xi32>,
    tpu.vector_store %arg6[%swap3A_183, %swap3A_184], %shift_right_logical3A_181 {strides = array<i32>} : memref<8x128xi32, #tpu.memory_space<vmem>>, vector<16xi32>,
    %shift_right_logical3A_186 = arith.constant 2 : i32
    %shift_right_logical3A_187 = vector.broadcast %shift_right_logical3A_186 : i32 to vector<16xi32>
    %shift_right_logical3A_188 = arith.shrui %gather3A_178, %shift_right_logical3A_187 : vector<16xi32>
    %swap3A_189 = arith.constant 4 : i32
    %swap3A_190 = arith.index_cast %swap3A_189 : i32 to index
    %swap3A_191 = arith.constant 64 : index
    %swap3A_192 = tpu.vector_load %arg6[%swap3A_190, %swap3A_191] {strides = array<i32>} : memref<8x128xi32, #tpu.memory_space<vmem>>, vector<16xi32>,
    tpu.vector_store %arg6[%swap3A_190, %swap3A_191], %shift_right_logical3A_188 {strides = array<i32>} : memref<8x128xi32, #tpu.memory_space<vmem>>, vector<16xi32>,
    %and3A_193 = arith.constant 3 : i32
    %and3A_194 = vector.broadcast %and3A_193 : i32 to vector<16xi32>
    %and3A_195 = arith.andi %gather3A_174, %and3A_194 : vector<16xi32>
    %shift_left3A_196 = arith.constant 5 : i32
    %shift_left3A_197 = vector.broadcast %shift_left3A_196 : i32 to vector<16xi32>
    %shift_left3A_198 = arith.shli %and3A_195, %shift_left3A_197 : vector<16xi32>
    %swap3A_199 = arith.constant 0 : i32
    %swap3A_200 = arith.index_cast %swap3A_199 : i32 to index
    %swap3A_201 = arith.constant 64 : index
    %swap3A_202 = tpu.vector_load %arg7[%swap3A_200, %swap3A_201] {strides = array<i32>} : memref<2x512xi32, #tpu.memory_space<vmem>>, vector<16xi32>,
    tpu.vector_store %arg7[%swap3A_200, %swap3A_201], %shift_left3A_198 {strides = array<i32>} : memref<2x512xi32, #tpu.memory_space<vmem>>, vector<16xi32>,
    %and3A_203 = arith.constant 3 : i32
    %and3A_204 = vector.broadcast %and3A_203 : i32 to vector<16xi32>
    %and3A_205 = arith.andi %gather3A_178, %and3A_204 : vector<16xi32>
    %shift_left3A_206 = arith.constant 5 : i32
    %shift_left3A_207 = vector.broadcast %shift_left3A_206 : i32 to vector<16xi32>
    %shift_left3A_208 = arith.shli %and3A_205, %shift_left3A_207 : vector<16xi32>
    %swap3A_209 = arith.constant 1 : i32
    %swap3A_210 = arith.index_cast %swap3A_209 : i32 to index
    %swap3A_211 = arith.constant 64 : index
    %swap3A_212 = tpu.vector_load %arg7[%swap3A_210, %swap3A_211] {strides = array<i32>} : memref<2x512xi32, #tpu.memory_space<vmem>>, vector<16xi32>,
    tpu.vector_store %arg7[%swap3A_210, %swap3A_211], %shift_left3A_208 {strides = array<i32>} : memref<2x512xi32, #tpu.memory_space<vmem>>, vector<16xi32>,
    %add3A_213 = arith.constant 240 : i32
    %add3A_214 = vector.broadcast %add3A_213 : i32 to vector<16xi32>
    %add3A_215 = arith.addi %mul3A_7, %add3A_214 : vector<16xi32>
    %gather3A_216 = tpu.vector_load_idx %arg5[%add3A_215] : memref<1536xi32, #tpu.memory_space<vmem>>[vector<16xi32>], vector<16xi32>,
    %add3A_217 = arith.constant 2 : i32
    %add3A_218 = vector.broadcast %add3A_217 : i32 to vector<16xi32>
    %add3A_219 = arith.addi %add3A_215, %add3A_218 : vector<16xi32>
    %gather3A_220 = tpu.vector_load_idx %arg5[%add3A_219] : memref<1536xi32, #tpu.memory_space<vmem>>[vector<16xi32>], vector<16xi32>,
    %shift_right_logical3A_221 = arith.constant 2 : i32
    %shift_right_logical3A_222 = vector.broadcast %shift_right_logical3A_221 : i32 to vector<16xi32>
    %shift_right_logical3A_223 = arith.shrui %gather3A_216, %shift_right_logical3A_222 : vector<16xi32>
    %swap3A_224 = arith.constant 0 : i32
    %swap3A_225 = arith.index_cast %swap3A_224 : i32 to index
    %swap3A_226 = arith.constant 80 : index
    %swap3A_227 = tpu.vector_load %arg6[%swap3A_225, %swap3A_226] {strides = array<i32>} : memref<8x128xi32, #tpu.memory_space<vmem>>, vector<16xi32>,
    tpu.vector_store %arg6[%swap3A_225, %swap3A_226], %shift_right_logical3A_223 {strides = array<i32>} : memref<8x128xi32, #tpu.memory_space<vmem>>, vector<16xi32>,
    %shift_right_logical3A_228 = arith.constant 2 : i32
    %shift_right_logical3A_229 = vector.broadcast %shift_right_logical3A_228 : i32 to vector<16xi32>
    %shift_right_logical3A_230 = arith.shrui %gather3A_220, %shift_right_logical3A_229 : vector<16xi32>
    %swap3A_231 = arith.constant 4 : i32
    %swap3A_232 = arith.index_cast %swap3A_231 : i32 to index
    %swap3A_233 = arith.constant 80 : index
    %swap3A_234 = tpu.vector_load %arg6[%swap3A_232, %swap3A_233] {strides = array<i32>} : memref<8x128xi32, #tpu.memory_space<vmem>>, vector<16xi32>,
    tpu.vector_store %arg6[%swap3A_232, %swap3A_233], %shift_right_logical3A_230 {strides = array<i32>} : memref<8x128xi32, #tpu.memory_space<vmem>>, vector<16xi32>,
    %and3A_235 = arith.constant 3 : i32
    %and3A_236 = vector.broadcast %and3A_235 : i32 to vector<16xi32>
    %and3A_237 = arith.andi %gather3A_216, %and3A_236 : vector<16xi32>
    %shift_left3A_238 = arith.constant 5 : i32
    %shift_left3A_239 = vector.broadcast %shift_left3A_238 : i32 to vector<16xi32>
    %shift_left3A_240 = arith.shli %and3A_237, %shift_left3A_239 : vector<16xi32>
    %swap3A_241 = arith.constant 0 : i32
    %swap3A_242 = arith.index_cast %swap3A_241 : i32 to index
    %swap3A_243 = arith.constant 80 : index
    %swap3A_244 = tpu.vector_load %arg7[%swap3A_242, %swap3A_243] {strides = array<i32>} : memref<2x512xi32, #tpu.memory_space<vmem>>, vector<16xi32>,
    tpu.vector_store %arg7[%swap3A_242, %swap3A_243], %shift_left3A_240 {strides = array<i32>} : memref<2x512xi32, #tpu.memory_space<vmem>>, vector<16xi32>,
    %and3A_245 = arith.constant 3 : i32
    %and3A_246 = vector.broadcast %and3A_245 : i32 to vector<16xi32>
    %and3A_247 = arith.andi %gather3A_220, %and3A_246 : vector<16xi32>
    %shift_left3A_248 = arith.constant 5 : i32
    %shift_left3A_249 = vector.broadcast %shift_left3A_248 : i32 to vector<16xi32>
    %shift_left3A_250 = arith.shli %and3A_247, %shift_left3A_249 : vector<16xi32>
    %swap3A_251 = arith.constant 1 : i32
    %swap3A_252 = arith.index_cast %swap3A_251 : i32 to index
    %swap3A_253 = arith.constant 80 : index
    %swap3A_254 = tpu.vector_load %arg7[%swap3A_252, %swap3A_253] {strides = array<i32>} : memref<2x512xi32, #tpu.memory_space<vmem>>, vector<16xi32>,
    tpu.vector_store %arg7[%swap3A_252, %swap3A_253], %shift_left3A_250 {strides = array<i32>} : memref<2x512xi32, #tpu.memory_space<vmem>>, vector<16xi32>,
    %add3A_255 = arith.constant 288 : i32
    %add3A_256 = vector.broadcast %add3A_255 : i32 to vector<16xi32>
    %add3A_257 = arith.addi %mul3A_7, %add3A_256 : vector<16xi32>
    %gather3A_258 = tpu.vector_load_idx %arg5[%add3A_257] : memref<1536xi32, #tpu.memory_space<vmem>>[vector<16xi32>], vector<16xi32>,
    %add3A_259 = arith.constant 2 : i32
    %add3A_260 = vector.broadcast %add3A_259 : i32 to vector<16xi32>
    %add3A_261 = arith.addi %add3A_257, %add3A_260 : vector<16xi32>
    %gather3A_262 = tpu.vector_load_idx %arg5[%add3A_261] : memref<1536xi32, #tpu.memory_space<vmem>>[vector<16xi32>], vector<16xi32>,
    %shift_right_logical3A_263 = arith.constant 2 : i32
    %shift_right_logical3A_264 = vector.broadcast %shift_right_logical3A_263 : i32 to vector<16xi32>
    %shift_right_logical3A_265 = arith.shrui %gather3A_258, %shift_right_logical3A_264 : vector<16xi32>
    %swap3A_266 = arith.constant 0 : i32
    %swap3A_267 = arith.index_cast %swap3A_266 : i32 to index
    %swap3A_268 = arith.constant 96 : index
    %swap3A_269 = tpu.vector_load %arg6[%swap3A_267, %swap3A_268] {strides = array<i32>} : memref<8x128xi32, #tpu.memory_space<vmem>>, vector<16xi32>,
    tpu.vector_store %arg6[%swap3A_267, %swap3A_268], %shift_right_logical3A_265 {strides = array<i32>} : memref<8x128xi32, #tpu.memory_space<vmem>>, vector<16xi32>,
    %shift_right_logical3A_270 = arith.constant 2 : i32
    %shift_right_logical3A_271 = vector.broadcast %shift_right_logical3A_270 : i32 to vector<16xi32>
    %shift_right_logical3A_272 = arith.shrui %gather3A_262, %shift_right_logical3A_271 : vector<16xi32>
    %swap3A_273 = arith.constant 4 : i32
    %swap3A_274 = arith.index_cast %swap3A_273 : i32 to index
    %swap3A_275 = arith.constant 96 : index
    %swap3A_276 = tpu.vector_load %arg6[%swap3A_274, %swap3A_275] {strides = array<i32>} : memref<8x128xi32, #tpu.memory_space<vmem>>, vector<16xi32>,
    tpu.vector_store %arg6[%swap3A_274, %swap3A_275], %shift_right_logical3A_272 {strides = array<i32>} : memref<8x128xi32, #tpu.memory_space<vmem>>, vector<16xi32>,
    %and3A_277 = arith.constant 3 : i32
    %and3A_278 = vector.broadcast %and3A_277 : i32 to vector<16xi32>
    %and3A_279 = arith.andi %gather3A_258, %and3A_278 : vector<16xi32>
    %shift_left3A_280 = arith.constant 5 : i32
    %shift_left3A_281 = vector.broadcast %shift_left3A_280 : i32 to vector<16xi32>
    %shift_left3A_282 = arith.shli %and3A_279, %shift_left3A_281 : vector<16xi32>
    %swap3A_283 = arith.constant 0 : i32
    %swap3A_284 = arith.index_cast %swap3A_283 : i32 to index
    %swap3A_285 = arith.constant 96 : index
    %swap3A_286 = tpu.vector_load %arg7[%swap3A_284, %swap3A_285] {strides = array<i32>} : memref<2x512xi32, #tpu.memory_space<vmem>>, vector<16xi32>,
    tpu.vector_store %arg7[%swap3A_284, %swap3A_285], %shift_left3A_282 {strides = array<i32>} : memref<2x512xi32, #tpu.memory_space<vmem>>, vector<16xi32>,
    %and3A_287 = arith.constant 3 : i32
    %and3A_288 = vector.broadcast %and3A_287 : i32 to vector<16xi32>
    %and3A_289 = arith.andi %gather3A_262, %and3A_288 : vector<16xi32>
    %shift_left3A_290 = arith.constant 5 : i32
    %shift_left3A_291 = vector.broadcast %shift_left3A_290 : i32 to vector<16xi32>
    %shift_left3A_292 = arith.shli %and3A_289, %shift_left3A_291 : vector<16xi32>
    %swap3A_293 = arith.constant 1 : i32
    %swap3A_294 = arith.index_cast %swap3A_293 : i32 to index
    %swap3A_295 = arith.constant 96 : index
    %swap3A_296 = tpu.vector_load %arg7[%swap3A_294, %swap3A_295] {strides = array<i32>} : memref<2x512xi32, #tpu.memory_space<vmem>>, vector<16xi32>,
    tpu.vector_store %arg7[%swap3A_294, %swap3A_295], %shift_left3A_292 {strides = array<i32>} : memref<2x512xi32, #tpu.memory_space<vmem>>, vector<16xi32>,
    %add3A_297 = arith.constant 336 : i32
    %add3A_298 = vector.broadcast %add3A_297 : i32 to vector<16xi32>
    %add3A_299 = arith.addi %mul3A_7, %add3A_298 : vector<16xi32>
    %gather3A_300 = tpu.vector_load_idx %arg5[%add3A_299] : memref<1536xi32, #tpu.memory_space<vmem>>[vector<16xi32>], vector<16xi32>,
    %add3A_301 = arith.constant 2 : i32
    %add3A_302 = vector.broadcast %add3A_301 : i32 to vector<16xi32>
    %add3A_303 = arith.addi %add3A_299, %add3A_302 : vector<16xi32>
    %gather3A_304 = tpu.vector_load_idx %arg5[%add3A_303] : memref<1536xi32, #tpu.memory_space<vmem>>[vector<16xi32>], vector<16xi32>,
    %shift_right_logical3A_305 = arith.constant 2 : i32
    %shift_right_logical3A_306 = vector.broadcast %shift_right_logical3A_305 : i32 to vector<16xi32>
    %shift_right_logical3A_307 = arith.shrui %gather3A_300, %shift_right_logical3A_306 : vector<16xi32>
    %swap3A_308 = arith.constant 0 : i32
    %swap3A_309 = arith.index_cast %swap3A_308 : i32 to index
    %swap3A_310 = arith.constant 112 : index
    %swap3A_311 = tpu.vector_load %arg6[%swap3A_309, %swap3A_310] {strides = array<i32>} : memref<8x128xi32, #tpu.memory_space<vmem>>, vector<16xi32>,
    tpu.vector_store %arg6[%swap3A_309, %swap3A_310], %shift_right_logical3A_307 {strides = array<i32>} : memref<8x128xi32, #tpu.memory_space<vmem>>, vector<16xi32>,
    %shift_right_logical3A_312 = arith.constant 2 : i32
    %shift_right_logical3A_313 = vector.broadcast %shift_right_logical3A_312 : i32 to vector<16xi32>
    %shift_right_logical3A_314 = arith.shrui %gather3A_304, %shift_right_logical3A_313 : vector<16xi32>
    %swap3A_315 = arith.constant 4 : i32
    %swap3A_316 = arith.index_cast %swap3A_315 : i32 to index
    %swap3A_317 = arith.constant 112 : index
    %swap3A_318 = tpu.vector_load %arg6[%swap3A_316, %swap3A_317] {strides = array<i32>} : memref<8x128xi32, #tpu.memory_space<vmem>>, vector<16xi32>,
    tpu.vector_store %arg6[%swap3A_316, %swap3A_317], %shift_right_logical3A_314 {strides = array<i32>} : memref<8x128xi32, #tpu.memory_space<vmem>>, vector<16xi32>,
    %and3A_319 = arith.constant 3 : i32
    %and3A_320 = vector.broadcast %and3A_319 : i32 to vector<16xi32>
    %and3A_321 = arith.andi %gather3A_300, %and3A_320 : vector<16xi32>
    %shift_left3A_322 = arith.constant 5 : i32
    %shift_left3A_323 = vector.broadcast %shift_left3A_322 : i32 to vector<16xi32>
    %shift_left3A_324 = arith.shli %and3A_321, %shift_left3A_323 : vector<16xi32>
    %swap3A_325 = arith.constant 0 : i32
    %swap3A_326 = arith.index_cast %swap3A_325 : i32 to index
    %swap3A_327 = arith.constant 112 : index
    %swap3A_328 = tpu.vector_load %arg7[%swap3A_326, %swap3A_327] {strides = array<i32>} : memref<2x512xi32, #tpu.memory_space<vmem>>, vector<16xi32>,
    tpu.vector_store %arg7[%swap3A_326, %swap3A_327], %shift_left3A_324 {strides = array<i32>} : memref<2x512xi32, #tpu.memory_space<vmem>>, vector<16xi32>,
    %and3A_329 = arith.constant 3 : i32
    %and3A_330 = vector.broadcast %and3A_329 : i32 to vector<16xi32>
    %and3A_331 = arith.andi %gather3A_304, %and3A_330 : vector<16xi32>
    %shift_left3A_332 = arith.constant 5 : i32
    %shift_left3A_333 = vector.broadcast %shift_left3A_332 : i32 to vector<16xi32>
    %shift_left3A_334 = arith.shli %and3A_331, %shift_left3A_333 : vector<16xi32>
    %swap3A_335 = arith.constant 1 : i32
    %swap3A_336 = arith.index_cast %swap3A_335 : i32 to index
    %swap3A_337 = arith.constant 112 : index
    %swap3A_338 = tpu.vector_load %arg7[%swap3A_336, %swap3A_337] {strides = array<i32>} : memref<2x512xi32, #tpu.memory_space<vmem>>, vector<16xi32>,
    tpu.vector_store %arg7[%swap3A_336, %swap3A_337], %shift_left3A_334 {strides = array<i32>} : memref<2x512xi32, #tpu.memory_space<vmem>>, vector<16xi32>,
    %add3A_339 = arith.constant 384 : i32
    %add3A_340 = vector.broadcast %add3A_339 : i32 to vector<16xi32>
    %add3A_341 = arith.addi %mul3A_7, %add3A_340 : vector<16xi32>
    %gather3A_342 = tpu.vector_load_idx %arg5[%add3A_341] : memref<1536xi32, #tpu.memory_space<vmem>>[vector<16xi32>], vector<16xi32>,
    %add3A_343 = arith.constant 2 : i32
    %add3A_344 = vector.broadcast %add3A_343 : i32 to vector<16xi32>
    %add3A_345 = arith.addi %add3A_341, %add3A_344 : vector<16xi32>
    %gather3A_346 = tpu.vector_load_idx %arg5[%add3A_345] : memref<1536xi32, #tpu.memory_space<vmem>>[vector<16xi32>], vector<16xi32>,
    %shift_right_logical3A_347 = arith.constant 2 : i32
    %shift_right_logical3A_348 = vector.broadcast %shift_right_logical3A_347 : i32 to vector<16xi32>
    %shift_right_logical3A_349 = arith.shrui %gather3A_342, %shift_right_logical3A_348 : vector<16xi32>
    %swap3A_350 = arith.constant 1 : i32
    %swap3A_351 = arith.index_cast %swap3A_350 : i32 to index
    %swap3A_352 = arith.constant 0 : index
    %swap3A_353 = tpu.vector_load %arg6[%swap3A_351, %swap3A_352] {strides = array<i32>} : memref<8x128xi32, #tpu.memory_space<vmem>>, vector<16xi32>,
    tpu.vector_store %arg6[%swap3A_351, %swap3A_352], %shift_right_logical3A_349 {strides = array<i32>} : memref<8x128xi32, #tpu.memory_space<vmem>>, vector<16xi32>,
    %shift_right_logical3A_354 = arith.constant 2 : i32
    %shift_right_logical3A_355 = vector.broadcast %shift_right_logical3A_354 : i32 to vector<16xi32>
    %shift_right_logical3A_356 = arith.shrui %gather3A_346, %shift_right_logical3A_355 : vector<16xi32>
    %swap3A_357 = arith.constant 5 : i32
    %swap3A_358 = arith.index_cast %swap3A_357 : i32 to index
    %swap3A_359 = arith.constant 0 : index
    %swap3A_360 = tpu.vector_load %arg6[%swap3A_358, %swap3A_359] {strides = array<i32>} : memref<8x128xi32, #tpu.memory_space<vmem>>, vector<16xi32>,
    tpu.vector_store %arg6[%swap3A_358, %swap3A_359], %shift_right_logical3A_356 {strides = array<i32>} : memref<8x128xi32, #tpu.memory_space<vmem>>, vector<16xi32>,
    %and3A_361 = arith.constant 3 : i32
    %and3A_362 = vector.broadcast %and3A_361 : i32 to vector<16xi32>
    %and3A_363 = arith.andi %gather3A_342, %and3A_362 : vector<16xi32>
    %shift_left3A_364 = arith.constant 5 : i32
    %shift_left3A_365 = vector.broadcast %shift_left3A_364 : i32 to vector<16xi32>
    %shift_left3A_366 = arith.shli %and3A_363, %shift_left3A_365 : vector<16xi32>
    %swap3A_367 = arith.constant 0 : i32
    %swap3A_368 = arith.index_cast %swap3A_367 : i32 to index
    %swap3A_369 = arith.constant 128 : index
    %swap3A_370 = tpu.vector_load %arg7[%swap3A_368, %swap3A_369] {strides = array<i32>} : memref<2x512xi32, #tpu.memory_space<vmem>>, vector<16xi32>,
    tpu.vector_store %arg7[%swap3A_368, %swap3A_369], %shift_left3A_366 {strides = array<i32>} : memref<2x512xi32, #tpu.memory_space<vmem>>, vector<16xi32>,
    %and3A_371 = arith.constant 3 : i32
    %and3A_372 = vector.broadcast %and3A_371 : i32 to vector<16xi32>
    %and3A_373 = arith.andi %gather3A_346, %and3A_372 : vector<16xi32>
    %shift_left3A_374 = arith.constant 5 : i32
    %shift_left3A_375 = vector.broadcast %shift_left3A_374 : i32 to vector<16xi32>
    %shift_left3A_376 = arith.shli %and3A_373, %shift_left3A_375 : vector<16xi32>
    %swap3A_377 = arith.constant 1 : i32
    %swap3A_378 = arith.index_cast %swap3A_377 : i32 to index
    %swap3A_379 = arith.constant 128 : index
    %swap3A_380 = tpu.vector_load %arg7[%swap3A_378, %swap3A_379] {strides = array<i32>} : memref<2x512xi32, #tpu.memory_space<vmem>>, vector<16xi32>,
    tpu.vector_store %arg7[%swap3A_378, %swap3A_379], %shift_left3A_376 {strides = array<i32>} : memref<2x512xi32, #tpu.memory_space<vmem>>, vector<16xi32>,
    %add3A_381 = arith.constant 432 : i32
    %add3A_382 = vector.broadcast %add3A_381 : i32 to vector<16xi32>
    %add3A_383 = arith.addi %mul3A_7, %add3A_382 : vector<16xi32>
    %gather3A_384 = tpu.vector_load_idx %arg5[%add3A_383] : memref<1536xi32, #tpu.memory_space<vmem>>[vector<16xi32>], vector<16xi32>,
    %add3A_385 = arith.constant 2 : i32
    %add3A_386 = vector.broadcast %add3A_385 : i32 to vector<16xi32>
    %add3A_387 = arith.addi %add3A_383, %add3A_386 : vector<16xi32>
    %gather3A_388 = tpu.vector_load_idx %arg5[%add3A_387] : memref<1536xi32, #tpu.memory_space<vmem>>[vector<16xi32>], vector<16xi32>,
    %shift_right_logical3A_389 = arith.constant 2 : i32
    %shift_right_logical3A_390 = vector.broadcast %shift_right_logical3A_389 : i32 to vector<16xi32>
    %shift_right_logical3A_391 = arith.shrui %gather3A_384, %shift_right_logical3A_390 : vector<16xi32>
    %swap3A_392 = arith.constant 1 : i32
    %swap3A_393 = arith.index_cast %swap3A_392 : i32 to index
    %swap3A_394 = arith.constant 16 : index
    %swap3A_395 = tpu.vector_load %arg6[%swap3A_393, %swap3A_394] {strides = array<i32>} : memref<8x128xi32, #tpu.memory_space<vmem>>, vector<16xi32>,
    tpu.vector_store %arg6[%swap3A_393, %swap3A_394], %shift_right_logical3A_391 {strides = array<i32>} : memref<8x128xi32, #tpu.memory_space<vmem>>, vector<16xi32>,
    %shift_right_logical3A_396 = arith.constant 2 : i32
    %shift_right_logical3A_397 = vector.broadcast %shift_right_logical3A_396 : i32 to vector<16xi32>
    %shift_right_logical3A_398 = arith.shrui %gather3A_388, %shift_right_logical3A_397 : vector<16xi32>
    %swap3A_399 = arith.constant 5 : i32
    %swap3A_400 = arith.index_cast %swap3A_399 : i32 to index
    %swap3A_401 = arith.constant 16 : index
    %swap3A_402 = tpu.vector_load %arg6[%swap3A_400, %swap3A_401] {strides = array<i32>} : memref<8x128xi32, #tpu.memory_space<vmem>>, vector<16xi32>,
    tpu.vector_store %arg6[%swap3A_400, %swap3A_401], %shift_right_logical3A_398 {strides = array<i32>} : memref<8x128xi32, #tpu.memory_space<vmem>>, vector<16xi32>,
    %and3A_403 = arith.constant 3 : i32
    %and3A_404 = vector.broadcast %and3A_403 : i32 to vector<16xi32>
    %and3A_405 = arith.andi %gather3A_384, %and3A_404 : vector<16xi32>
    %shift_left3A_406 = arith.constant 5 : i32
    %shift_left3A_407 = vector.broadcast %shift_left3A_406 : i32 to vector<16xi32>
    %shift_left3A_408 = arith.shli %and3A_405, %shift_left3A_407 : vector<16xi32>
    %swap3A_409 = arith.constant 0 : i32
    %swap3A_410 = arith.index_cast %swap3A_409 : i32 to index
    %swap3A_411 = arith.constant 144 : index
    %swap3A_412 = tpu.vector_load %arg7[%swap3A_410, %swap3A_411] {strides = array<i32>} : memref<2x512xi32, #tpu.memory_space<vmem>>, vector<16xi32>,
    tpu.vector_store %arg7[%swap3A_410, %swap3A_411], %shift_left3A_408 {strides = array<i32>} : memref<2x512xi32, #tpu.memory_space<vmem>>, vector<16xi32>,
    %and3A_413 = arith.constant 3 : i32
    %and3A_414 = vector.broadcast %and3A_413 : i32 to vector<16xi32>
    %and3A_415 = arith.andi %gather3A_388, %and3A_414 : vector<16xi32>
    %shift_left3A_416 = arith.constant 5 : i32
    %shift_left3A_417 = vector.broadcast %shift_left3A_416 : i32 to vector<16xi32>
    %shift_left3A_418 = arith.shli %and3A_415, %shift_left3A_417 : vector<16xi32>
    %swap3A_419 = arith.constant 1 : i32
    %swap3A_420 = arith.index_cast %swap3A_419 : i32 to index
    %swap3A_421 = arith.constant 144 : index
    %swap3A_422 = tpu.vector_load %arg7[%swap3A_420, %swap3A_421] {strides = array<i32>} : memref<2x512xi32, #tpu.memory_space<vmem>>, vector<16xi32>,
    tpu.vector_store %arg7[%swap3A_420, %swap3A_421], %shift_left3A_418 {strides = array<i32>} : memref<2x512xi32, #tpu.memory_space<vmem>>, vector<16xi32>,
    %add3A_423 = arith.constant 480 : i32
    %add3A_424 = vector.broadcast %add3A_423 : i32 to vector<16xi32>
    %add3A_425 = arith.addi %mul3A_7, %add3A_424 : vector<16xi32>
    %gather3A_426 = tpu.vector_load_idx %arg5[%add3A_425] : memref<1536xi32, #tpu.memory_space<vmem>>[vector<16xi32>], vector<16xi32>,
    %add3A_427 = arith.constant 2 : i32
    %add3A_428 = vector.broadcast %add3A_427 : i32 to vector<16xi32>
    %add3A_429 = arith.addi %add3A_425, %add3A_428 : vector<16xi32>
    %gather3A_430 = tpu.vector_load_idx %arg5[%add3A_429] : memref<1536xi32, #tpu.memory_space<vmem>>[vector<16xi32>], vector<16xi32>,
    %shift_right_logical3A_431 = arith.constant 2 : i32
    %shift_right_logical3A_432 = vector.broadcast %shift_right_logical3A_431 : i32 to vector<16xi32>
    %shift_right_logical3A_433 = arith.shrui %gather3A_426, %shift_right_logical3A_432 : vector<16xi32>
    %swap3A_434 = arith.constant 1 : i32
    %swap3A_435 = arith.index_cast %swap3A_434 : i32 to index
    %swap3A_436 = arith.constant 32 : index
    %swap3A_437 = tpu.vector_load %arg6[%swap3A_435, %swap3A_436] {strides = array<i32>} : memref<8x128xi32, #tpu.memory_space<vmem>>, vector<16xi32>,
    tpu.vector_store %arg6[%swap3A_435, %swap3A_436], %shift_right_logical3A_433 {strides = array<i32>} : memref<8x128xi32, #tpu.memory_space<vmem>>, vector<16xi32>,
    %shift_right_logical3A_438 = arith.constant 2 : i32
    %shift_right_logical3A_439 = vector.broadcast %shift_right_logical3A_438 : i32 to vector<16xi32>
    %shift_right_logical3A_440 = arith.shrui %gather3A_430, %shift_right_logical3A_439 : vector<16xi32>
    %swap3A_441 = arith.constant 5 : i32
    %swap3A_442 = arith.index_cast %swap3A_441 : i32 to index
    %swap3A_443 = arith.constant 32 : index
    %swap3A_444 = tpu.vector_load %arg6[%swap3A_442, %swap3A_443] {strides = array<i32>} : memref<8x128xi32, #tpu.memory_space<vmem>>, vector<16xi32>,
    tpu.vector_store %arg6[%swap3A_442, %swap3A_443], %shift_right_logical3A_440 {strides = array<i32>} : memref<8x128xi32, #tpu.memory_space<vmem>>, vector<16xi32>,
    %and3A_445 = arith.constant 3 : i32
    %and3A_446 = vector.broadcast %and3A_445 : i32 to vector<16xi32>
    %and3A_447 = arith.andi %gather3A_426, %and3A_446 : vector<16xi32>
    %shift_left3A_448 = arith.constant 5 : i32
    %shift_left3A_449 = vector.broadcast %shift_left3A_448 : i32 to vector<16xi32>
    %shift_left3A_450 = arith.shli %and3A_447, %shift_left3A_449 : vector<16xi32>
    %swap3A_451 = arith.constant 0 : i32
    %swap3A_452 = arith.index_cast %swap3A_451 : i32 to index
    %swap3A_453 = arith.constant 160 : index
    %swap3A_454 = tpu.vector_load %arg7[%swap3A_452, %swap3A_453] {strides = array<i32>} : memref<2x512xi32, #tpu.memory_space<vmem>>, vector<16xi32>,
    tpu.vector_store %arg7[%swap3A_452, %swap3A_453], %shift_left3A_450 {strides = array<i32>} : memref<2x512xi32, #tpu.memory_space<vmem>>, vector<16xi32>,
    %and3A_455 = arith.constant 3 : i32
    %and3A_456 = vector.broadcast %and3A_455 : i32 to vector<16xi32>
    %and3A_457 = arith.andi %gather3A_430, %and3A_456 : vector<16xi32>
    %shift_left3A_458 = arith.constant 5 : i32
    %shift_left3A_459 = vector.broadcast %shift_left3A_458 : i32 to vector<16xi32>
    %shift_left3A_460 = arith.shli %and3A_457, %shift_left3A_459 : vector<16xi32>
    %swap3A_461 = arith.constant 1 : i32
    %swap3A_462 = arith.index_cast %swap3A_461 : i32 to index
    %swap3A_463 = arith.constant 160 : index
    %swap3A_464 = tpu.vector_load %arg7[%swap3A_462, %swap3A_463] {strides = array<i32>} : memref<2x512xi32, #tpu.memory_space<vmem>>, vector<16xi32>,
    tpu.vector_store %arg7[%swap3A_462, %swap3A_463], %shift_left3A_460 {strides = array<i32>} : memref<2x512xi32, #tpu.memory_space<vmem>>, vector<16xi32>,
    %add3A_465 = arith.constant 528 : i32
    %add3A_466 = vector.broadcast %add3A_465 : i32 to vector<16xi32>
    %add3A_467 = arith.addi %mul3A_7, %add3A_466 : vector<16xi32>
    %gather3A_468 = tpu.vector_load_idx %arg5[%add3A_467] : memref<1536xi32, #tpu.memory_space<vmem>>[vector<16xi32>], vector<16xi32>,
    %add3A_469 = arith.constant 2 : i32
    %add3A_470 = vector.broadcast %add3A_469 : i32 to vector<16xi32>
    %add3A_471 = arith.addi %add3A_467, %add3A_470 : vector<16xi32>
    %gather3A_472 = tpu.vector_load_idx %arg5[%add3A_471] : memref<1536xi32, #tpu.memory_space<vmem>>[vector<16xi32>], vector<16xi32>,
    %shift_right_logical3A_473 = arith.constant 2 : i32
    %shift_right_logical3A_474 = vector.broadcast %shift_right_logical3A_473 : i32 to vector<16xi32>
    %shift_right_logical3A_475 = arith.shrui %gather3A_468, %shift_right_logical3A_474 : vector<16xi32>
    %swap3A_476 = arith.constant 1 : i32
    %swap3A_477 = arith.index_cast %swap3A_476 : i32 to index
    %swap3A_478 = arith.constant 48 : index
    %swap3A_479 = tpu.vector_load %arg6[%swap3A_477, %swap3A_478] {strides = array<i32>} : memref<8x128xi32, #tpu.memory_space<vmem>>, vector<16xi32>,
    tpu.vector_store %arg6[%swap3A_477, %swap3A_478], %shift_right_logical3A_475 {strides = array<i32>} : memref<8x128xi32, #tpu.memory_space<vmem>>, vector<16xi32>,
    %shift_right_logical3A_480 = arith.constant 2 : i32
    %shift_right_logical3A_481 = vector.broadcast %shift_right_logical3A_480 : i32 to vector<16xi32>
    %shift_right_logical3A_482 = arith.shrui %gather3A_472, %shift_right_logical3A_481 : vector<16xi32>
    %swap3A_483 = arith.constant 5 : i32
    %swap3A_484 = arith.index_cast %swap3A_483 : i32 to index
    %swap3A_485 = arith.constant 48 : index
    %swap3A_486 = tpu.vector_load %arg6[%swap3A_484, %swap3A_485] {strides = array<i32>} : memref<8x128xi32, #tpu.memory_space<vmem>>, vector<16xi32>,
    tpu.vector_store %arg6[%swap3A_484, %swap3A_485], %shift_right_logical3A_482 {strides = array<i32>} : memref<8x128xi32, #tpu.memory_space<vmem>>, vector<16xi32>,
    %and3A_487 = arith.constant 3 : i32
    %and3A_488 = vector.broadcast %and3A_487 : i32 to vector<16xi32>
    %and3A_489 = arith.andi %gather3A_468, %and3A_488 : vector<16xi32>
    %shift_left3A_490 = arith.constant 5 : i32
    %shift_left3A_491 = vector.broadcast %shift_left3A_490 : i32 to vector<16xi32>
    %shift_left3A_492 = arith.shli %and3A_489, %shift_left3A_491 : vector<16xi32>
    %swap3A_493 = arith.constant 0 : i32
    %swap3A_494 = arith.index_cast %swap3A_493 : i32 to index
    %swap3A_495 = arith.constant 176 : index
    %swap3A_496 = tpu.vector_load %arg7[%swap3A_494, %swap3A_495] {strides = array<i32>} : memref<2x512xi32, #tpu.memory_space<vmem>>, vector<16xi32>,
    tpu.vector_store %arg7[%swap3A_494, %swap3A_495], %shift_left3A_492 {strides = array<i32>} : memref<2x512xi32, #tpu.memory_space<vmem>>, vector<16xi32>,
    %and3A_497 = arith.constant 3 : i32
    %and3A_498 = vector.broadcast %and3A_497 : i32 to vector<16xi32>
    %and3A_499 = arith.andi %gather3A_472, %and3A_498 : vector<16xi32>
    %shift_left3A_500 = arith.constant 5 : i32
    %shift_left3A_501 = vector.broadcast %shift_left3A_500 : i32 to vector<16xi32>
    %shift_left3A_502 = arith.shli %and3A_499, %shift_left3A_501 : vector<16xi32>
    %swap3A_503 = arith.constant 1 : i32
    %swap3A_504 = arith.index_cast %swap3A_503 : i32 to index
    %swap3A_505 = arith.constant 176 : index
    %swap3A_506 = tpu.vector_load %arg7[%swap3A_504, %swap3A_505] {strides = array<i32>} : memref<2x512xi32, #tpu.memory_space<vmem>>, vector<16xi32>,
    tpu.vector_store %arg7[%swap3A_504, %swap3A_505], %shift_left3A_502 {strides = array<i32>} : memref<2x512xi32, #tpu.memory_space<vmem>>, vector<16xi32>,
    %add3A_507 = arith.constant 576 : i32
    %add3A_508 = vector.broadcast %add3A_507 : i32 to vector<16xi32>
    %add3A_509 = arith.addi %mul3A_7, %add3A_508 : vector<16xi32>
    %gather3A_510 = tpu.vector_load_idx %arg5[%add3A_509] : memref<1536xi32, #tpu.memory_space<vmem>>[vector<16xi32>], vector<16xi32>,
    %add3A_511 = arith.constant 2 : i32
    %add3A_512 = vector.broadcast %add3A_511 : i32 to vector<16xi32>
    %add3A_513 = arith.addi %add3A_509, %add3A_512 : vector<16xi32>
    %gather3A_514 = tpu.vector_load_idx %arg5[%add3A_513] : memref<1536xi32, #tpu.memory_space<vmem>>[vector<16xi32>], vector<16xi32>,
    %shift_right_logical3A_515 = arith.constant 2 : i32
    %shift_right_logical3A_516 = vector.broadcast %shift_right_logical3A_515 : i32 to vector<16xi32>
    %shift_right_logical3A_517 = arith.shrui %gather3A_510, %shift_right_logical3A_516 : vector<16xi32>
    %swap3A_518 = arith.constant 1 : i32
    %swap3A_519 = arith.index_cast %swap3A_518 : i32 to index
    %swap3A_520 = arith.constant 64 : index
    %swap3A_521 = tpu.vector_load %arg6[%swap3A_519, %swap3A_520] {strides = array<i32>} : memref<8x128xi32, #tpu.memory_space<vmem>>, vector<16xi32>,
    tpu.vector_store %arg6[%swap3A_519, %swap3A_520], %shift_right_logical3A_517 {strides = array<i32>} : memref<8x128xi32, #tpu.memory_space<vmem>>, vector<16xi32>,
    %shift_right_logical3A_522 = arith.constant 2 : i32
    %shift_right_logical3A_523 = vector.broadcast %shift_right_logical3A_522 : i32 to vector<16xi32>
    %shift_right_logical3A_524 = arith.shrui %gather3A_514, %shift_right_logical3A_523 : vector<16xi32>
    %swap3A_525 = arith.constant 5 : i32
    %swap3A_526 = arith.index_cast %swap3A_525 : i32 to index
    %swap3A_527 = arith.constant 64 : index
    %swap3A_528 = tpu.vector_load %arg6[%swap3A_526, %swap3A_527] {strides = array<i32>} : memref<8x128xi32, #tpu.memory_space<vmem>>, vector<16xi32>,
    tpu.vector_store %arg6[%swap3A_526, %swap3A_527], %shift_right_logical3A_524 {strides = array<i32>} : memref<8x128xi32, #tpu.memory_space<vmem>>, vector<16xi32>,
    %and3A_529 = arith.constant 3 : i32
    %and3A_530 = vector.broadcast %and3A_529 : i32 to vector<16xi32>
    %and3A_531 = arith.andi %gather3A_510, %and3A_530 : vector<16xi32>
    %shift_left3A_532 = arith.constant 5 : i32
    %shift_left3A_533 = vector.broadcast %shift_left3A_532 : i32 to vector<16xi32>
    %shift_left3A_534 = arith.shli %and3A_531, %shift_left3A_533 : vector<16xi32>
    %swap3A_535 = arith.constant 0 : i32
    %swap3A_536 = arith.index_cast %swap3A_535 : i32 to index
    %swap3A_537 = arith.constant 192 : index
    %swap3A_538 = tpu.vector_load %arg7[%swap3A_536, %swap3A_537] {strides = array<i32>} : memref<2x512xi32, #tpu.memory_space<vmem>>, vector<16xi32>,
    tpu.vector_store %arg7[%swap3A_536, %swap3A_537], %shift_left3A_534 {strides = array<i32>} : memref<2x512xi32, #tpu.memory_space<vmem>>, vector<16xi32>,
    %and3A_539 = arith.constant 3 : i32
    %and3A_540 = vector.broadcast %and3A_539 : i32 to vector<16xi32>
    %and3A_541 = arith.andi %gather3A_514, %and3A_540 : vector<16xi32>
    %shift_left3A_542 = arith.constant 5 : i32
    %shift_left3A_543 = vector.broadcast %shift_left3A_542 : i32 to vector<16xi32>
    %shift_left3A_544 = arith.shli %and3A_541, %shift_left3A_543 : vector<16xi32>
    %swap3A_545 = arith.constant 1 : i32
    %swap3A_546 = arith.index_cast %swap3A_545 : i32 to index
    %swap3A_547 = arith.constant 192 : index
    %swap3A_548 = tpu.vector_load %arg7[%swap3A_546, %swap3A_547] {strides = array<i32>} : memref<2x512xi32, #tpu.memory_space<vmem>>, vector<16xi32>,
    tpu.vector_store %arg7[%swap3A_546, %swap3A_547], %shift_left3A_544 {strides = array<i32>} : memref<2x512xi32, #tpu.memory_space<vmem>>, vector<16xi32>,
    %add3A_549 = arith.constant 624 : i32
    %add3A_550 = vector.broadcast %add3A_549 : i32 to vector<16xi32>
    %add3A_551 = arith.addi %mul3A_7, %add3A_550 : vector<16xi32>
    %gather3A_552 = tpu.vector_load_idx %arg5[%add3A_551] : memref<1536xi32, #tpu.memory_space<vmem>>[vector<16xi32>], vector<16xi32>,
    %add3A_553 = arith.constant 2 : i32
    %add3A_554 = vector.broadcast %add3A_553 : i32 to vector<16xi32>
    %add3A_555 = arith.addi %add3A_551, %add3A_554 : vector<16xi32>
    %gather3A_556 = tpu.vector_load_idx %arg5[%add3A_555] : memref<1536xi32, #tpu.memory_space<vmem>>[vector<16xi32>], vector<16xi32>,
    %shift_right_logical3A_557 = arith.constant 2 : i32
    %shift_right_logical3A_558 = vector.broadcast %shift_right_logical3A_557 : i32 to vector<16xi32>
    %shift_right_logical3A_559 = arith.shrui %gather3A_552, %shift_right_logical3A_558 : vector<16xi32>
    %swap3A_560 = arith.constant 1 : i32
    %swap3A_561 = arith.index_cast %swap3A_560 : i32 to index
    %swap3A_562 = arith.constant 80 : index
    %swap3A_563 = tpu.vector_load %arg6[%swap3A_561, %swap3A_562] {strides = array<i32>} : memref<8x128xi32, #tpu.memory_space<vmem>>, vector<16xi32>,
    tpu.vector_store %arg6[%swap3A_561, %swap3A_562], %shift_right_logical3A_559 {strides = array<i32>} : memref<8x128xi32, #tpu.memory_space<vmem>>, vector<16xi32>,
    %shift_right_logical3A_564 = arith.constant 2 : i32
    %shift_right_logical3A_565 = vector.broadcast %shift_right_logical3A_564 : i32 to vector<16xi32>
    %shift_right_logical3A_566 = arith.shrui %gather3A_556, %shift_right_logical3A_565 : vector<16xi32>
    %swap3A_567 = arith.constant 5 : i32
    %swap3A_568 = arith.index_cast %swap3A_567 : i32 to index
    %swap3A_569 = arith.constant 80 : index
    %swap3A_570 = tpu.vector_load %arg6[%swap3A_568, %swap3A_569] {strides = array<i32>} : memref<8x128xi32, #tpu.memory_space<vmem>>, vector<16xi32>,
    tpu.vector_store %arg6[%swap3A_568, %swap3A_569], %shift_right_logical3A_566 {strides = array<i32>} : memref<8x128xi32, #tpu.memory_space<vmem>>, vector<16xi32>,
    %and3A_571 = arith.constant 3 : i32
    %and3A_572 = vector.broadcast %and3A_571 : i32 to vector<16xi32>
    %and3A_573 = arith.andi %gather3A_552, %and3A_572 : vector<16xi32>
    %shift_left3A_574 = arith.constant 5 : i32
    %shift_left3A_575 = vector.broadcast %shift_left3A_574 : i32 to vector<16xi32>
    %shift_left3A_576 = arith.shli %and3A_573, %shift_left3A_575 : vector<16xi32>
    %swap3A_577 = arith.constant 0 : i32
    %swap3A_578 = arith.index_cast %swap3A_577 : i32 to index
    %swap3A_579 = arith.constant 208 : index
    %swap3A_580 = tpu.vector_load %arg7[%swap3A_578, %swap3A_579] {strides = array<i32>} : memref<2x512xi32, #tpu.memory_space<vmem>>, vector<16xi32>,
    tpu.vector_store %arg7[%swap3A_578, %swap3A_579], %shift_left3A_576 {strides = array<i32>} : memref<2x512xi32, #tpu.memory_space<vmem>>, vector<16xi32>,
    %and3A_581 = arith.constant 3 : i32
    %and3A_582 = vector.broadcast %and3A_581 : i32 to vector<16xi32>
    %and3A_583 = arith.andi %gather3A_556, %and3A_582 : vector<16xi32>
    %shift_left3A_584 = arith.constant 5 : i32
    %shift_left3A_585 = vector.broadcast %shift_left3A_584 : i32 to vector<16xi32>
    %shift_left3A_586 = arith.shli %and3A_583, %shift_left3A_585 : vector<16xi32>
    %swap3A_587 = arith.constant 1 : i32
    %swap3A_588 = arith.index_cast %swap3A_587 : i32 to index
    %swap3A_589 = arith.constant 208 : index
    %swap3A_590 = tpu.vector_load %arg7[%swap3A_588, %swap3A_589] {strides = array<i32>} : memref<2x512xi32, #tpu.memory_space<vmem>>, vector<16xi32>,
    tpu.vector_store %arg7[%swap3A_588, %swap3A_589], %shift_left3A_586 {strides = array<i32>} : memref<2x512xi32, #tpu.memory_space<vmem>>, vector<16xi32>,
    %add3A_591 = arith.constant 672 : i32
    %add3A_592 = vector.broadcast %add3A_591 : i32 to vector<16xi32>
    %add3A_593 = arith.addi %mul3A_7, %add3A_592 : vector<16xi32>
    %gather3A_594 = tpu.vector_load_idx %arg5[%add3A_593] : memref<1536xi32, #tpu.memory_space<vmem>>[vector<16xi32>], vector<16xi32>,
    %add3A_595 = arith.constant 2 : i32
    %add3A_596 = vector.broadcast %add3A_595 : i32 to vector<16xi32>
    %add3A_597 = arith.addi %add3A_593, %add3A_596 : vector<16xi32>
    %gather3A_598 = tpu.vector_load_idx %arg5[%add3A_597] : memref<1536xi32, #tpu.memory_space<vmem>>[vector<16xi32>], vector<16xi32>,
    %shift_right_logical3A_599 = arith.constant 2 : i32
    %shift_right_logical3A_600 = vector.broadcast %shift_right_logical3A_599 : i32 to vector<16xi32>
    %shift_right_logical3A_601 = arith.shrui %gather3A_594, %shift_right_logical3A_600 : vector<16xi32>
    %swap3A_602 = arith.constant 1 : i32
    %swap3A_603 = arith.index_cast %swap3A_602 : i32 to index
    %swap3A_604 = arith.constant 96 : index
    %swap3A_605 = tpu.vector_load %arg6[%swap3A_603, %swap3A_604] {strides = array<i32>} : memref<8x128xi32, #tpu.memory_space<vmem>>, vector<16xi32>,
    tpu.vector_store %arg6[%swap3A_603, %swap3A_604], %shift_right_logical3A_601 {strides = array<i32>} : memref<8x128xi32, #tpu.memory_space<vmem>>, vector<16xi32>,
    %shift_right_logical3A_606 = arith.constant 2 : i32
    %shift_right_logical3A_607 = vector.broadcast %shift_right_logical3A_606 : i32 to vector<16xi32>
    %shift_right_logical3A_608 = arith.shrui %gather3A_598, %shift_right_logical3A_607 : vector<16xi32>
    %swap3A_609 = arith.constant 5 : i32
    %swap3A_610 = arith.index_cast %swap3A_609 : i32 to index
    %swap3A_611 = arith.constant 96 : index
    %swap3A_612 = tpu.vector_load %arg6[%swap3A_610, %swap3A_611] {strides = array<i32>} : memref<8x128xi32, #tpu.memory_space<vmem>>, vector<16xi32>,
    tpu.vector_store %arg6[%swap3A_610, %swap3A_611], %shift_right_logical3A_608 {strides = array<i32>} : memref<8x128xi32, #tpu.memory_space<vmem>>, vector<16xi32>,
    %and3A_613 = arith.constant 3 : i32
    %and3A_614 = vector.broadcast %and3A_613 : i32 to vector<16xi32>
    %and3A_615 = arith.andi %gather3A_594, %and3A_614 : vector<16xi32>
    %shift_left3A_616 = arith.constant 5 : i32
    %shift_left3A_617 = vector.broadcast %shift_left3A_616 : i32 to vector<16xi32>
    %shift_left3A_618 = arith.shli %and3A_615, %shift_left3A_617 : vector<16xi32>
    %swap3A_619 = arith.constant 0 : i32
    %swap3A_620 = arith.index_cast %swap3A_619 : i32 to index
    %swap3A_621 = arith.constant 224 : index
    %swap3A_622 = tpu.vector_load %arg7[%swap3A_620, %swap3A_621] {strides = array<i32>} : memref<2x512xi32, #tpu.memory_space<vmem>>, vector<16xi32>,
    tpu.vector_store %arg7[%swap3A_620, %swap3A_621], %shift_left3A_618 {strides = array<i32>} : memref<2x512xi32, #tpu.memory_space<vmem>>, vector<16xi32>,
    %and3A_623 = arith.constant 3 : i32
    %and3A_624 = vector.broadcast %and3A_623 : i32 to vector<16xi32>
    %and3A_625 = arith.andi %gather3A_598, %and3A_624 : vector<16xi32>
    %shift_left3A_626 = arith.constant 5 : i32
    %shift_left3A_627 = vector.broadcast %shift_left3A_626 : i32 to vector<16xi32>
    %shift_left3A_628 = arith.shli %and3A_625, %shift_left3A_627 : vector<16xi32>
    %swap3A_629 = arith.constant 1 : i32
    %swap3A_630 = arith.index_cast %swap3A_629 : i32 to index
    %swap3A_631 = arith.constant 224 : index
    %swap3A_632 = tpu.vector_load %arg7[%swap3A_630, %swap3A_631] {strides = array<i32>} : memref<2x512xi32, #tpu.memory_space<vmem>>, vector<16xi32>,
    tpu.vector_store %arg7[%swap3A_630, %swap3A_631], %shift_left3A_628 {strides = array<i32>} : memref<2x512xi32, #tpu.memory_space<vmem>>, vector<16xi32>,
    %add3A_633 = arith.constant 720 : i32
    %add3A_634 = vector.broadcast %add3A_633 : i32 to vector<16xi32>
    %add3A_635 = arith.addi %mul3A_7, %add3A_634 : vector<16xi32>
    %gather3A_636 = tpu.vector_load_idx %arg5[%add3A_635] : memref<1536xi32, #tpu.memory_space<vmem>>[vector<16xi32>], vector<16xi32>,
    %add3A_637 = arith.constant 2 : i32
    %add3A_638 = vector.broadcast %add3A_637 : i32 to vector<16xi32>
    %add3A_639 = arith.addi %add3A_635, %add3A_638 : vector<16xi32>
    %gather3A_640 = tpu.vector_load_idx %arg5[%add3A_639] : memref<1536xi32, #tpu.memory_space<vmem>>[vector<16xi32>], vector<16xi32>,
    %shift_right_logical3A_641 = arith.constant 2 : i32
    %shift_right_logical3A_642 = vector.broadcast %shift_right_logical3A_641 : i32 to vector<16xi32>
    %shift_right_logical3A_643 = arith.shrui %gather3A_636, %shift_right_logical3A_642 : vector<16xi32>
    %swap3A_644 = arith.constant 1 : i32
    %swap3A_645 = arith.index_cast %swap3A_644 : i32 to index
    %swap3A_646 = arith.constant 112 : index
    %swap3A_647 = tpu.vector_load %arg6[%swap3A_645, %swap3A_646] {strides = array<i32>} : memref<8x128xi32, #tpu.memory_space<vmem>>, vector<16xi32>,
    tpu.vector_store %arg6[%swap3A_645, %swap3A_646], %shift_right_logical3A_643 {strides = array<i32>} : memref<8x128xi32, #tpu.memory_space<vmem>>, vector<16xi32>,
    %shift_right_logical3A_648 = arith.constant 2 : i32
    %shift_right_logical3A_649 = vector.broadcast %shift_right_logical3A_648 : i32 to vector<16xi32>
    %shift_right_logical3A_650 = arith.shrui %gather3A_640, %shift_right_logical3A_649 : vector<16xi32>
    %swap3A_651 = arith.constant 5 : i32
    %swap3A_652 = arith.index_cast %swap3A_651 : i32 to index
    %swap3A_653 = arith.constant 112 : index
    %swap3A_654 = tpu.vector_load %arg6[%swap3A_652, %swap3A_653] {strides = array<i32>} : memref<8x128xi32, #tpu.memory_space<vmem>>, vector<16xi32>,
    tpu.vector_store %arg6[%swap3A_652, %swap3A_653], %shift_right_logical3A_650 {strides = array<i32>} : memref<8x128xi32, #tpu.memory_space<vmem>>, vector<16xi32>,
    %and3A_655 = arith.constant 3 : i32
    %and3A_656 = vector.broadcast %and3A_655 : i32 to vector<16xi32>
    %and3A_657 = arith.andi %gather3A_636, %and3A_656 : vector<16xi32>
    %shift_left3A_658 = arith.constant 5 : i32
    %shift_left3A_659 = vector.broadcast %shift_left3A_658 : i32 to vector<16xi32>
    %shift_left3A_660 = arith.shli %and3A_657, %shift_left3A_659 : vector<16xi32>
    %swap3A_661 = arith.constant 0 : i32
    %swap3A_662 = arith.index_cast %swap3A_661 : i32 to index
    %swap3A_663 = arith.constant 240 : index
    %swap3A_664 = tpu.vector_load %arg7[%swap3A_662, %swap3A_663] {strides = array<i32>} : memref<2x512xi32, #tpu.memory_space<vmem>>, vector<16xi32>,
    tpu.vector_store %arg7[%swap3A_662, %swap3A_663], %shift_left3A_660 {strides = array<i32>} : memref<2x512xi32, #tpu.memory_space<vmem>>, vector<16xi32>,
    %and3A_665 = arith.constant 3 : i32
    %and3A_666 = vector.broadcast %and3A_665 : i32 to vector<16xi32>
    %and3A_667 = arith.andi %gather3A_640, %and3A_666 : vector<16xi32>
    %shift_left3A_668 = arith.constant 5 : i32
    %shift_left3A_669 = vector.broadcast %shift_left3A_668 : i32 to vector<16xi32>
    %shift_left3A_670 = arith.shli %and3A_667, %shift_left3A_669 : vector<16xi32>
    %swap3A_671 = arith.constant 1 : i32
    %swap3A_672 = arith.index_cast %swap3A_671 : i32 to index
    %swap3A_673 = arith.constant 240 : index
    %swap3A_674 = tpu.vector_load %arg7[%swap3A_672, %swap3A_673] {strides = array<i32>} : memref<2x512xi32, #tpu.memory_space<vmem>>, vector<16xi32>,
    tpu.vector_store %arg7[%swap3A_672, %swap3A_673], %shift_left3A_670 {strides = array<i32>} : memref<2x512xi32, #tpu.memory_space<vmem>>, vector<16xi32>,
    %add3A_675 = arith.constant 768 : i32
    %add3A_676 = vector.broadcast %add3A_675 : i32 to vector<16xi32>
    %add3A_677 = arith.addi %mul3A_7, %add3A_676 : vector<16xi32>
    %gather3A_678 = tpu.vector_load_idx %arg5[%add3A_677] : memref<1536xi32, #tpu.memory_space<vmem>>[vector<16xi32>], vector<16xi32>,
    %add3A_679 = arith.constant 2 : i32
    %add3A_680 = vector.broadcast %add3A_679 : i32 to vector<16xi32>
    %add3A_681 = arith.addi %add3A_677, %add3A_680 : vector<16xi32>
    %gather3A_682 = tpu.vector_load_idx %arg5[%add3A_681] : memref<1536xi32, #tpu.memory_space<vmem>>[vector<16xi32>], vector<16xi32>,
    %shift_right_logical3A_683 = arith.constant 2 : i32
    %shift_right_logical3A_684 = vector.broadcast %shift_right_logical3A_683 : i32 to vector<16xi32>
    %shift_right_logical3A_685 = arith.shrui %gather3A_678, %shift_right_logical3A_684 : vector<16xi32>
    %swap3A_686 = arith.constant 2 : i32
    %swap3A_687 = arith.index_cast %swap3A_686 : i32 to index
    %swap3A_688 = arith.constant 0 : index
    %swap3A_689 = tpu.vector_load %arg6[%swap3A_687, %swap3A_688] {strides = array<i32>} : memref<8x128xi32, #tpu.memory_space<vmem>>, vector<16xi32>,
    tpu.vector_store %arg6[%swap3A_687, %swap3A_688], %shift_right_logical3A_685 {strides = array<i32>} : memref<8x128xi32, #tpu.memory_space<vmem>>, vector<16xi32>,
    %shift_right_logical3A_690 = arith.constant 2 : i32
    %shift_right_logical3A_691 = vector.broadcast %shift_right_logical3A_690 : i32 to vector<16xi32>
    %shift_right_logical3A_692 = arith.shrui %gather3A_682, %shift_right_logical3A_691 : vector<16xi32>
    %swap3A_693 = arith.constant 6 : i32
    %swap3A_694 = arith.index_cast %swap3A_693 : i32 to index
    %swap3A_695 = arith.constant 0 : index
    %swap3A_696 = tpu.vector_load %arg6[%swap3A_694, %swap3A_695] {strides = array<i32>} : memref<8x128xi32, #tpu.memory_space<vmem>>, vector<16xi32>,
    tpu.vector_store %arg6[%swap3A_694, %swap3A_695], %shift_right_logical3A_692 {strides = array<i32>} : memref<8x128xi32, #tpu.memory_space<vmem>>, vector<16xi32>,
    %and3A_697 = arith.constant 3 : i32
    %and3A_698 = vector.broadcast %and3A_697 : i32 to vector<16xi32>
    %and3A_699 = arith.andi %gather3A_678, %and3A_698 : vector<16xi32>
    %shift_left3A_700 = arith.constant 5 : i32
    %shift_left3A_701 = vector.broadcast %shift_left3A_700 : i32 to vector<16xi32>
    %shift_left3A_702 = arith.shli %and3A_699, %shift_left3A_701 : vector<16xi32>
    %swap3A_703 = arith.constant 0 : i32
    %swap3A_704 = arith.index_cast %swap3A_703 : i32 to index
    %swap3A_705 = arith.constant 256 : index
    %swap3A_706 = tpu.vector_load %arg7[%swap3A_704, %swap3A_705] {strides = array<i32>} : memref<2x512xi32, #tpu.memory_space<vmem>>, vector<16xi32>,
    tpu.vector_store %arg7[%swap3A_704, %swap3A_705], %shift_left3A_702 {strides = array<i32>} : memref<2x512xi32, #tpu.memory_space<vmem>>, vector<16xi32>,
    %and3A_707 = arith.constant 3 : i32
    %and3A_708 = vector.broadcast %and3A_707 : i32 to vector<16xi32>
    %and3A_709 = arith.andi %gather3A_682, %and3A_708 : vector<16xi32>
    %shift_left3A_710 = arith.constant 5 : i32
    %shift_left3A_711 = vector.broadcast %shift_left3A_710 : i32 to vector<16xi32>
    %shift_left3A_712 = arith.shli %and3A_709, %shift_left3A_711 : vector<16xi32>
    %swap3A_713 = arith.constant 1 : i32
    %swap3A_714 = arith.index_cast %swap3A_713 : i32 to index
    %swap3A_715 = arith.constant 256 : index
    %swap3A_716 = tpu.vector_load %arg7[%swap3A_714, %swap3A_715] {strides = array<i32>} : memref<2x512xi32, #tpu.memory_space<vmem>>, vector<16xi32>,
    tpu.vector_store %arg7[%swap3A_714, %swap3A_715], %shift_left3A_712 {strides = array<i32>} : memref<2x512xi32, #tpu.memory_space<vmem>>, vector<16xi32>,
    %add3A_717 = arith.constant 816 : i32
    %add3A_718 = vector.broadcast %add3A_717 : i32 to vector<16xi32>
    %add3A_719 = arith.addi %mul3A_7, %add3A_718 : vector<16xi32>
    %gather3A_720 = tpu.vector_load_idx %arg5[%add3A_719] : memref<1536xi32, #tpu.memory_space<vmem>>[vector<16xi32>], vector<16xi32>,
    %add3A_721 = arith.constant 2 : i32
    %add3A_722 = vector.broadcast %add3A_721 : i32 to vector<16xi32>
    %add3A_723 = arith.addi %add3A_719, %add3A_722 : vector<16xi32>
    %gather3A_724 = tpu.vector_load_idx %arg5[%add3A_723] : memref<1536xi32, #tpu.memory_space<vmem>>[vector<16xi32>], vector<16xi32>,
    %shift_right_logical3A_725 = arith.constant 2 : i32
    %shift_right_logical3A_726 = vector.broadcast %shift_right_logical3A_725 : i32 to vector<16xi32>
    %shift_right_logical3A_727 = arith.shrui %gather3A_720, %shift_right_logical3A_726 : vector<16xi32>
    %swap3A_728 = arith.constant 2 : i32
    %swap3A_729 = arith.index_cast %swap3A_728 : i32 to index
    %swap3A_730 = arith.constant 16 : index
    %swap3A_731 = tpu.vector_load %arg6[%swap3A_729, %swap3A_730] {strides = array<i32>} : memref<8x128xi32, #tpu.memory_space<vmem>>, vector<16xi32>,
    tpu.vector_store %arg6[%swap3A_729, %swap3A_730], %shift_right_logical3A_727 {strides = array<i32>} : memref<8x128xi32, #tpu.memory_space<vmem>>, vector<16xi32>,
    %shift_right_logical3A_732 = arith.constant 2 : i32
    %shift_right_logical3A_733 = vector.broadcast %shift_right_logical3A_732 : i32 to vector<16xi32>
    %shift_right_logical3A_734 = arith.shrui %gather3A_724, %shift_right_logical3A_733 : vector<16xi32>
    %swap3A_735 = arith.constant 6 : i32
    %swap3A_736 = arith.index_cast %swap3A_735 : i32 to index
    %swap3A_737 = arith.constant 16 : index
    %swap3A_738 = tpu.vector_load %arg6[%swap3A_736, %swap3A_737] {strides = array<i32>} : memref<8x128xi32, #tpu.memory_space<vmem>>, vector<16xi32>,
    tpu.vector_store %arg6[%swap3A_736, %swap3A_737], %shift_right_logical3A_734 {strides = array<i32>} : memref<8x128xi32, #tpu.memory_space<vmem>>, vector<16xi32>,
    %and3A_739 = arith.constant 3 : i32
    %and3A_740 = vector.broadcast %and3A_739 : i32 to vector<16xi32>
    %and3A_741 = arith.andi %gather3A_720, %and3A_740 : vector<16xi32>
    %shift_left3A_742 = arith.constant 5 : i32
    %shift_left3A_743 = vector.broadcast %shift_left3A_742 : i32 to vector<16xi32>
    %shift_left3A_744 = arith.shli %and3A_741, %shift_left3A_743 : vector<16xi32>
    %swap3A_745 = arith.constant 0 : i32
    %swap3A_746 = arith.index_cast %swap3A_745 : i32 to index
    %swap3A_747 = arith.constant 272 : index
    %swap3A_748 = tpu.vector_load %arg7[%swap3A_746, %swap3A_747] {strides = array<i32>} : memref<2x512xi32, #tpu.memory_space<vmem>>, vector<16xi32>,
    tpu.vector_store %arg7[%swap3A_746, %swap3A_747], %shift_left3A_744 {strides = array<i32>} : memref<2x512xi32, #tpu.memory_space<vmem>>, vector<16xi32>,
    %and3A_749 = arith.constant 3 : i32
    %and3A_750 = vector.broadcast %and3A_749 : i32 to vector<16xi32>
    %and3A_751 = arith.andi %gather3A_724, %and3A_750 : vector<16xi32>
    %shift_left3A_752 = arith.constant 5 : i32
    %shift_left3A_753 = vector.broadcast %shift_left3A_752 : i32 to vector<16xi32>
    %shift_left3A_754 = arith.shli %and3A_751, %shift_left3A_753 : vector<16xi32>
    %swap3A_755 = arith.constant 1 : i32
    %swap3A_756 = arith.index_cast %swap3A_755 : i32 to index
    %swap3A_757 = arith.constant 272 : index
    %swap3A_758 = tpu.vector_load %arg7[%swap3A_756, %swap3A_757] {strides = array<i32>} : memref<2x512xi32, #tpu.memory_space<vmem>>, vector<16xi32>,
    tpu.vector_store %arg7[%swap3A_756, %swap3A_757], %shift_left3A_754 {strides = array<i32>} : memref<2x512xi32, #tpu.memory_space<vmem>>, vector<16xi32>,
    %add3A_759 = arith.constant 864 : i32
    %add3A_760 = vector.broadcast %add3A_759 : i32 to vector<16xi32>
    %add3A_761 = arith.addi %mul3A_7, %add3A_760 : vector<16xi32>
    %gather3A_762 = tpu.vector_load_idx %arg5[%add3A_761] : memref<1536xi32, #tpu.memory_space<vmem>>[vector<16xi32>], vector<16xi32>,
    %add3A_763 = arith.constant 2 : i32
    %add3A_764 = vector.broadcast %add3A_763 : i32 to vector<16xi32>
    %add3A_765 = arith.addi %add3A_761, %add3A_764 : vector<16xi32>
    %gather3A_766 = tpu.vector_load_idx %arg5[%add3A_765] : memref<1536xi32, #tpu.memory_space<vmem>>[vector<16xi32>], vector<16xi32>,
    %shift_right_logical3A_767 = arith.constant 2 : i32
    %shift_right_logical3A_768 = vector.broadcast %shift_right_logical3A_767 : i32 to vector<16xi32>
    %shift_right_logical3A_769 = arith.shrui %gather3A_762, %shift_right_logical3A_768 : vector<16xi32>
    %swap3A_770 = arith.constant 2 : i32
    %swap3A_771 = arith.index_cast %swap3A_770 : i32 to index
    %swap3A_772 = arith.constant 32 : index
    %swap3A_773 = tpu.vector_load %arg6[%swap3A_771, %swap3A_772] {strides = array<i32>} : memref<8x128xi32, #tpu.memory_space<vmem>>, vector<16xi32>,
    tpu.vector_store %arg6[%swap3A_771, %swap3A_772], %shift_right_logical3A_769 {strides = array<i32>} : memref<8x128xi32, #tpu.memory_space<vmem>>, vector<16xi32>,
    %shift_right_logical3A_774 = arith.constant 2 : i32
    %shift_right_logical3A_775 = vector.broadcast %shift_right_logical3A_774 : i32 to vector<16xi32>
    %shift_right_logical3A_776 = arith.shrui %gather3A_766, %shift_right_logical3A_775 : vector<16xi32>
    %swap3A_777 = arith.constant 6 : i32
    %swap3A_778 = arith.index_cast %swap3A_777 : i32 to index
    %swap3A_779 = arith.constant 32 : index
    %swap3A_780 = tpu.vector_load %arg6[%swap3A_778, %swap3A_779] {strides = array<i32>} : memref<8x128xi32, #tpu.memory_space<vmem>>, vector<16xi32>,
    tpu.vector_store %arg6[%swap3A_778, %swap3A_779], %shift_right_logical3A_776 {strides = array<i32>} : memref<8x128xi32, #tpu.memory_space<vmem>>, vector<16xi32>,
    %and3A_781 = arith.constant 3 : i32
    %and3A_782 = vector.broadcast %and3A_781 : i32 to vector<16xi32>
    %and3A_783 = arith.andi %gather3A_762, %and3A_782 : vector<16xi32>
    %shift_left3A_784 = arith.constant 5 : i32
    %shift_left3A_785 = vector.broadcast %shift_left3A_784 : i32 to vector<16xi32>
    %shift_left3A_786 = arith.shli %and3A_783, %shift_left3A_785 : vector<16xi32>
    %swap3A_787 = arith.constant 0 : i32
    %swap3A_788 = arith.index_cast %swap3A_787 : i32 to index
    %swap3A_789 = arith.constant 288 : index
    %swap3A_790 = tpu.vector_load %arg7[%swap3A_788, %swap3A_789] {strides = array<i32>} : memref<2x512xi32, #tpu.memory_space<vmem>>, vector<16xi32>,
    tpu.vector_store %arg7[%swap3A_788, %swap3A_789], %shift_left3A_786 {strides = array<i32>} : memref<2x512xi32, #tpu.memory_space<vmem>>, vector<16xi32>,
    %and3A_791 = arith.constant 3 : i32
    %and3A_792 = vector.broadcast %and3A_791 : i32 to vector<16xi32>
    %and3A_793 = arith.andi %gather3A_766, %and3A_792 : vector<16xi32>
    %shift_left3A_794 = arith.constant 5 : i32
    %shift_left3A_795 = vector.broadcast %shift_left3A_794 : i32 to vector<16xi32>
    %shift_left3A_796 = arith.shli %and3A_793, %shift_left3A_795 : vector<16xi32>
    %swap3A_797 = arith.constant 1 : i32
    %swap3A_798 = arith.index_cast %swap3A_797 : i32 to index
    %swap3A_799 = arith.constant 288 : index
    %swap3A_800 = tpu.vector_load %arg7[%swap3A_798, %swap3A_799] {strides = array<i32>} : memref<2x512xi32, #tpu.memory_space<vmem>>, vector<16xi32>,
    tpu.vector_store %arg7[%swap3A_798, %swap3A_799], %shift_left3A_796 {strides = array<i32>} : memref<2x512xi32, #tpu.memory_space<vmem>>, vector<16xi32>,
    %add3A_801 = arith.constant 912 : i32
    %add3A_802 = vector.broadcast %add3A_801 : i32 to vector<16xi32>
    %add3A_803 = arith.addi %mul3A_7, %add3A_802 : vector<16xi32>
    %gather3A_804 = tpu.vector_load_idx %arg5[%add3A_803] : memref<1536xi32, #tpu.memory_space<vmem>>[vector<16xi32>], vector<16xi32>,
    %add3A_805 = arith.constant 2 : i32
    %add3A_806 = vector.broadcast %add3A_805 : i32 to vector<16xi32>
    %add3A_807 = arith.addi %add3A_803, %add3A_806 : vector<16xi32>
    %gather3A_808 = tpu.vector_load_idx %arg5[%add3A_807] : memref<1536xi32, #tpu.memory_space<vmem>>[vector<16xi32>], vector<16xi32>,
    %shift_right_logical3A_809 = arith.constant 2 : i32
    %shift_right_logical3A_810 = vector.broadcast %shift_right_logical3A_809 : i32 to vector<16xi32>
    %shift_right_logical3A_811 = arith.shrui %gather3A_804, %shift_right_logical3A_810 : vector<16xi32>
    %swap3A_812 = arith.constant 2 : i32
    %swap3A_813 = arith.index_cast %swap3A_812 : i32 to index
    %swap3A_814 = arith.constant 48 : index
    %swap3A_815 = tpu.vector_load %arg6[%swap3A_813, %swap3A_814] {strides = array<i32>} : memref<8x128xi32, #tpu.memory_space<vmem>>, vector<16xi32>,
    tpu.vector_store %arg6[%swap3A_813, %swap3A_814], %shift_right_logical3A_811 {strides = array<i32>} : memref<8x128xi32, #tpu.memory_space<vmem>>, vector<16xi32>,
    %shift_right_logical3A_816 = arith.constant 2 : i32
    %shift_right_logical3A_817 = vector.broadcast %shift_right_logical3A_816 : i32 to vector<16xi32>
    %shift_right_logical3A_818 = arith.shrui %gather3A_808, %shift_right_logical3A_817 : vector<16xi32>
    %swap3A_819 = arith.constant 6 : i32
    %swap3A_820 = arith.index_cast %swap3A_819 : i32 to index
    %swap3A_821 = arith.constant 48 : index
    %swap3A_822 = tpu.vector_load %arg6[%swap3A_820, %swap3A_821] {strides = array<i32>} : memref<8x128xi32, #tpu.memory_space<vmem>>, vector<16xi32>,
    tpu.vector_store %arg6[%swap3A_820, %swap3A_821], %shift_right_logical3A_818 {strides = array<i32>} : memref<8x128xi32, #tpu.memory_space<vmem>>, vector<16xi32>,
    %and3A_823 = arith.constant 3 : i32
    %and3A_824 = vector.broadcast %and3A_823 : i32 to vector<16xi32>
    %and3A_825 = arith.andi %gather3A_804, %and3A_824 : vector<16xi32>
    %shift_left3A_826 = arith.constant 5 : i32
    %shift_left3A_827 = vector.broadcast %shift_left3A_826 : i32 to vector<16xi32>
    %shift_left3A_828 = arith.shli %and3A_825, %shift_left3A_827 : vector<16xi32>
    %swap3A_829 = arith.constant 0 : i32
    %swap3A_830 = arith.index_cast %swap3A_829 : i32 to index
    %swap3A_831 = arith.constant 304 : index
    %swap3A_832 = tpu.vector_load %arg7[%swap3A_830, %swap3A_831] {strides = array<i32>} : memref<2x512xi32, #tpu.memory_space<vmem>>, vector<16xi32>,
    tpu.vector_store %arg7[%swap3A_830, %swap3A_831], %shift_left3A_828 {strides = array<i32>} : memref<2x512xi32, #tpu.memory_space<vmem>>, vector<16xi32>,
    %and3A_833 = arith.constant 3 : i32
    %and3A_834 = vector.broadcast %and3A_833 : i32 to vector<16xi32>
    %and3A_835 = arith.andi %gather3A_808, %and3A_834 : vector<16xi32>
    %shift_left3A_836 = arith.constant 5 : i32
    %shift_left3A_837 = vector.broadcast %shift_left3A_836 : i32 to vector<16xi32>
    %shift_left3A_838 = arith.shli %and3A_835, %shift_left3A_837 : vector<16xi32>
    %swap3A_839 = arith.constant 1 : i32
    %swap3A_840 = arith.index_cast %swap3A_839 : i32 to index
    %swap3A_841 = arith.constant 304 : index
    %swap3A_842 = tpu.vector_load %arg7[%swap3A_840, %swap3A_841] {strides = array<i32>} : memref<2x512xi32, #tpu.memory_space<vmem>>, vector<16xi32>,
    tpu.vector_store %arg7[%swap3A_840, %swap3A_841], %shift_left3A_838 {strides = array<i32>} : memref<2x512xi32, #tpu.memory_space<vmem>>, vector<16xi32>,
    %add3A_843 = arith.constant 960 : i32
    %add3A_844 = vector.broadcast %add3A_843 : i32 to vector<16xi32>
    %add3A_845 = arith.addi %mul3A_7, %add3A_844 : vector<16xi32>
    %gather3A_846 = tpu.vector_load_idx %arg5[%add3A_845] : memref<1536xi32, #tpu.memory_space<vmem>>[vector<16xi32>], vector<16xi32>,
    %add3A_847 = arith.constant 2 : i32
    %add3A_848 = vector.broadcast %add3A_847 : i32 to vector<16xi32>
    %add3A_849 = arith.addi %add3A_845, %add3A_848 : vector<16xi32>
    %gather3A_850 = tpu.vector_load_idx %arg5[%add3A_849] : memref<1536xi32, #tpu.memory_space<vmem>>[vector<16xi32>], vector<16xi32>,
    %shift_right_logical3A_851 = arith.constant 2 : i32
    %shift_right_logical3A_852 = vector.broadcast %shift_right_logical3A_851 : i32 to vector<16xi32>
    %shift_right_logical3A_853 = arith.shrui %gather3A_846, %shift_right_logical3A_852 : vector<16xi32>
    %swap3A_854 = arith.constant 2 : i32
    %swap3A_855 = arith.index_cast %swap3A_854 : i32 to index
    %swap3A_856 = arith.constant 64 : index
    %swap3A_857 = tpu.vector_load %arg6[%swap3A_855, %swap3A_856] {strides = array<i32>} : memref<8x128xi32, #tpu.memory_space<vmem>>, vector<16xi32>,
    tpu.vector_store %arg6[%swap3A_855, %swap3A_856], %shift_right_logical3A_853 {strides = array<i32>} : memref<8x128xi32, #tpu.memory_space<vmem>>, vector<16xi32>,
    %shift_right_logical3A_858 = arith.constant 2 : i32
    %shift_right_logical3A_859 = vector.broadcast %shift_right_logical3A_858 : i32 to vector<16xi32>
    %shift_right_logical3A_860 = arith.shrui %gather3A_850, %shift_right_logical3A_859 : vector<16xi32>
    %swap3A_861 = arith.constant 6 : i32
    %swap3A_862 = arith.index_cast %swap3A_861 : i32 to index
    %swap3A_863 = arith.constant 64 : index
    %swap3A_864 = tpu.vector_load %arg6[%swap3A_862, %swap3A_863] {strides = array<i32>} : memref<8x128xi32, #tpu.memory_space<vmem>>, vector<16xi32>,
    tpu.vector_store %arg6[%swap3A_862, %swap3A_863], %shift_right_logical3A_860 {strides = array<i32>} : memref<8x128xi32, #tpu.memory_space<vmem>>, vector<16xi32>,
    %and3A_865 = arith.constant 3 : i32
    %and3A_866 = vector.broadcast %and3A_865 : i32 to vector<16xi32>
    %and3A_867 = arith.andi %gather3A_846, %and3A_866 : vector<16xi32>
    %shift_left3A_868 = arith.constant 5 : i32
    %shift_left3A_869 = vector.broadcast %shift_left3A_868 : i32 to vector<16xi32>
    %shift_left3A_870 = arith.shli %and3A_867, %shift_left3A_869 : vector<16xi32>
    %swap3A_871 = arith.constant 0 : i32
    %swap3A_872 = arith.index_cast %swap3A_871 : i32 to index
    %swap3A_873 = arith.constant 320 : index
    %swap3A_874 = tpu.vector_load %arg7[%swap3A_872, %swap3A_873] {strides = array<i32>} : memref<2x512xi32, #tpu.memory_space<vmem>>, vector<16xi32>,
    tpu.vector_store %arg7[%swap3A_872, %swap3A_873], %shift_left3A_870 {strides = array<i32>} : memref<2x512xi32, #tpu.memory_space<vmem>>, vector<16xi32>,
    %and3A_875 = arith.constant 3 : i32
    %and3A_876 = vector.broadcast %and3A_875 : i32 to vector<16xi32>
    %and3A_877 = arith.andi %gather3A_850, %and3A_876 : vector<16xi32>
    %shift_left3A_878 = arith.constant 5 : i32
    %shift_left3A_879 = vector.broadcast %shift_left3A_878 : i32 to vector<16xi32>
    %shift_left3A_880 = arith.shli %and3A_877, %shift_left3A_879 : vector<16xi32>
    %swap3A_881 = arith.constant 1 : i32
    %swap3A_882 = arith.index_cast %swap3A_881 : i32 to index
    %swap3A_883 = arith.constant 320 : index
    %swap3A_884 = tpu.vector_load %arg7[%swap3A_882, %swap3A_883] {strides = array<i32>} : memref<2x512xi32, #tpu.memory_space<vmem>>, vector<16xi32>,
    tpu.vector_store %arg7[%swap3A_882, %swap3A_883], %shift_left3A_880 {strides = array<i32>} : memref<2x512xi32, #tpu.memory_space<vmem>>, vector<16xi32>,
    %add3A_885 = arith.constant 1008 : i32
    %add3A_886 = vector.broadcast %add3A_885 : i32 to vector<16xi32>
    %add3A_887 = arith.addi %mul3A_7, %add3A_886 : vector<16xi32>
    %gather3A_888 = tpu.vector_load_idx %arg5[%add3A_887] : memref<1536xi32, #tpu.memory_space<vmem>>[vector<16xi32>], vector<16xi32>,
    %add3A_889 = arith.constant 2 : i32
    %add3A_890 = vector.broadcast %add3A_889 : i32 to vector<16xi32>
    %add3A_891 = arith.addi %add3A_887, %add3A_890 : vector<16xi32>
    %gather3A_892 = tpu.vector_load_idx %arg5[%add3A_891] : memref<1536xi32, #tpu.memory_space<vmem>>[vector<16xi32>], vector<16xi32>,
    %shift_right_logical3A_893 = arith.constant 2 : i32
    %shift_right_logical3A_894 = vector.broadcast %shift_right_logical3A_893 : i32 to vector<16xi32>
    %shift_right_logical3A_895 = arith.shrui %gather3A_888, %shift_right_logical3A_894 : vector<16xi32>
    %swap3A_896 = arith.constant 2 : i32
    %swap3A_897 = arith.index_cast %swap3A_896 : i32 to index
    %swap3A_898 = arith.constant 80 : index
    %swap3A_899 = tpu.vector_load %arg6[%swap3A_897, %swap3A_898] {strides = array<i32>} : memref<8x128xi32, #tpu.memory_space<vmem>>, vector<16xi32>,
    tpu.vector_store %arg6[%swap3A_897, %swap3A_898], %shift_right_logical3A_895 {strides = array<i32>} : memref<8x128xi32, #tpu.memory_space<vmem>>, vector<16xi32>,
    %shift_right_logical3A_900 = arith.constant 2 : i32
    %shift_right_logical3A_901 = vector.broadcast %shift_right_logical3A_900 : i32 to vector<16xi32>
    %shift_right_logical3A_902 = arith.shrui %gather3A_892, %shift_right_logical3A_901 : vector<16xi32>
    %swap3A_903 = arith.constant 6 : i32
    %swap3A_904 = arith.index_cast %swap3A_903 : i32 to index
    %swap3A_905 = arith.constant 80 : index
    %swap3A_906 = tpu.vector_load %arg6[%swap3A_904, %swap3A_905] {strides = array<i32>} : memref<8x128xi32, #tpu.memory_space<vmem>>, vector<16xi32>,
    tpu.vector_store %arg6[%swap3A_904, %swap3A_905], %shift_right_logical3A_902 {strides = array<i32>} : memref<8x128xi32, #tpu.memory_space<vmem>>, vector<16xi32>,
    %and3A_907 = arith.constant 3 : i32
    %and3A_908 = vector.broadcast %and3A_907 : i32 to vector<16xi32>
    %and3A_909 = arith.andi %gather3A_888, %and3A_908 : vector<16xi32>
    %shift_left3A_910 = arith.constant 5 : i32
    %shift_left3A_911 = vector.broadcast %shift_left3A_910 : i32 to vector<16xi32>
    %shift_left3A_912 = arith.shli %and3A_909, %shift_left3A_911 : vector<16xi32>
    %swap3A_913 = arith.constant 0 : i32
    %swap3A_914 = arith.index_cast %swap3A_913 : i32 to index
    %swap3A_915 = arith.constant 336 : index
    %swap3A_916 = tpu.vector_load %arg7[%swap3A_914, %swap3A_915] {strides = array<i32>} : memref<2x512xi32, #tpu.memory_space<vmem>>, vector<16xi32>,
    tpu.vector_store %arg7[%swap3A_914, %swap3A_915], %shift_left3A_912 {strides = array<i32>} : memref<2x512xi32, #tpu.memory_space<vmem>>, vector<16xi32>,
    %and3A_917 = arith.constant 3 : i32
    %and3A_918 = vector.broadcast %and3A_917 : i32 to vector<16xi32>
    %and3A_919 = arith.andi %gather3A_892, %and3A_918 : vector<16xi32>
    %shift_left3A_920 = arith.constant 5 : i32
    %shift_left3A_921 = vector.broadcast %shift_left3A_920 : i32 to vector<16xi32>
    %shift_left3A_922 = arith.shli %and3A_919, %shift_left3A_921 : vector<16xi32>
    %swap3A_923 = arith.constant 1 : i32
    %swap3A_924 = arith.index_cast %swap3A_923 : i32 to index
    %swap3A_925 = arith.constant 336 : index
    %swap3A_926 = tpu.vector_load %arg7[%swap3A_924, %swap3A_925] {strides = array<i32>} : memref<2x512xi32, #tpu.memory_space<vmem>>, vector<16xi32>,
    tpu.vector_store %arg7[%swap3A_924, %swap3A_925], %shift_left3A_922 {strides = array<i32>} : memref<2x512xi32, #tpu.memory_space<vmem>>, vector<16xi32>,
    %add3A_927 = arith.constant 1056 : i32
    %add3A_928 = vector.broadcast %add3A_927 : i32 to vector<16xi32>
    %add3A_929 = arith.addi %mul3A_7, %add3A_928 : vector<16xi32>
    %gather3A_930 = tpu.vector_load_idx %arg5[%add3A_929] : memref<1536xi32, #tpu.memory_space<vmem>>[vector<16xi32>], vector<16xi32>,
    %add3A_931 = arith.constant 2 : i32
    %add3A_932 = vector.broadcast %add3A_931 : i32 to vector<16xi32>
    %add3A_933 = arith.addi %add3A_929, %add3A_932 : vector<16xi32>
    %gather3A_934 = tpu.vector_load_idx %arg5[%add3A_933] : memref<1536xi32, #tpu.memory_space<vmem>>[vector<16xi32>], vector<16xi32>,
    %shift_right_logical3A_935 = arith.constant 2 : i32
    %shift_right_logical3A_936 = vector.broadcast %shift_right_logical3A_935 : i32 to vector<16xi32>
    %shift_right_logical3A_937 = arith.shrui %gather3A_930, %shift_right_logical3A_936 : vector<16xi32>
    %swap3A_938 = arith.constant 2 : i32
    %swap3A_939 = arith.index_cast %swap3A_938 : i32 to index
    %swap3A_940 = arith.constant 96 : index
    %swap3A_941 = tpu.vector_load %arg6[%swap3A_939, %swap3A_940] {strides = array<i32>} : memref<8x128xi32, #tpu.memory_space<vmem>>, vector<16xi32>,
    tpu.vector_store %arg6[%swap3A_939, %swap3A_940], %shift_right_logical3A_937 {strides = array<i32>} : memref<8x128xi32, #tpu.memory_space<vmem>>, vector<16xi32>,
    %shift_right_logical3A_942 = arith.constant 2 : i32
    %shift_right_logical3A_943 = vector.broadcast %shift_right_logical3A_942 : i32 to vector<16xi32>
    %shift_right_logical3A_944 = arith.shrui %gather3A_934, %shift_right_logical3A_943 : vector<16xi32>
    %swap3A_945 = arith.constant 6 : i32
    %swap3A_946 = arith.index_cast %swap3A_945 : i32 to index
    %swap3A_947 = arith.constant 96 : index
    %swap3A_948 = tpu.vector_load %arg6[%swap3A_946, %swap3A_947] {strides = array<i32>} : memref<8x128xi32, #tpu.memory_space<vmem>>, vector<16xi32>,
    tpu.vector_store %arg6[%swap3A_946, %swap3A_947], %shift_right_logical3A_944 {strides = array<i32>} : memref<8x128xi32, #tpu.memory_space<vmem>>, vector<16xi32>,
    %and3A_949 = arith.constant 3 : i32
    %and3A_950 = vector.broadcast %and3A_949 : i32 to vector<16xi32>
    %and3A_951 = arith.andi %gather3A_930, %and3A_950 : vector<16xi32>
    %shift_left3A_952 = arith.constant 5 : i32
    %shift_left3A_953 = vector.broadcast %shift_left3A_952 : i32 to vector<16xi32>
    %shift_left3A_954 = arith.shli %and3A_951, %shift_left3A_953 : vector<16xi32>
    %swap3A_955 = arith.constant 0 : i32
    %swap3A_956 = arith.index_cast %swap3A_955 : i32 to index
    %swap3A_957 = arith.constant 352 : index
    %swap3A_958 = tpu.vector_load %arg7[%swap3A_956, %swap3A_957] {strides = array<i32>} : memref<2x512xi32, #tpu.memory_space<vmem>>, vector<16xi32>,
    tpu.vector_store %arg7[%swap3A_956, %swap3A_957], %shift_left3A_954 {strides = array<i32>} : memref<2x512xi32, #tpu.memory_space<vmem>>, vector<16xi32>,
    %and3A_959 = arith.constant 3 : i32
    %and3A_960 = vector.broadcast %and3A_959 : i32 to vector<16xi32>
    %and3A_961 = arith.andi %gather3A_934, %and3A_960 : vector<16xi32>
    %shift_left3A_962 = arith.constant 5 : i32
    %shift_left3A_963 = vector.broadcast %shift_left3A_962 : i32 to vector<16xi32>
    %shift_left3A_964 = arith.shli %and3A_961, %shift_left3A_963 : vector<16xi32>
    %swap3A_965 = arith.constant 1 : i32
    %swap3A_966 = arith.index_cast %swap3A_965 : i32 to index
    %swap3A_967 = arith.constant 352 : index
    %swap3A_968 = tpu.vector_load %arg7[%swap3A_966, %swap3A_967] {strides = array<i32>} : memref<2x512xi32, #tpu.memory_space<vmem>>, vector<16xi32>,
    tpu.vector_store %arg7[%swap3A_966, %swap3A_967], %shift_left3A_964 {strides = array<i32>} : memref<2x512xi32, #tpu.memory_space<vmem>>, vector<16xi32>,
    %add3A_969 = arith.constant 1104 : i32
    %add3A_970 = vector.broadcast %add3A_969 : i32 to vector<16xi32>
    %add3A_971 = arith.addi %mul3A_7, %add3A_970 : vector<16xi32>
    %gather3A_972 = tpu.vector_load_idx %arg5[%add3A_971] : memref<1536xi32, #tpu.memory_space<vmem>>[vector<16xi32>], vector<16xi32>,
    %add3A_973 = arith.constant 2 : i32
    %add3A_974 = vector.broadcast %add3A_973 : i32 to vector<16xi32>
    %add3A_975 = arith.addi %add3A_971, %add3A_974 : vector<16xi32>
    %gather3A_976 = tpu.vector_load_idx %arg5[%add3A_975] : memref<1536xi32, #tpu.memory_space<vmem>>[vector<16xi32>], vector<16xi32>,
    %shift_right_logical3A_977 = arith.constant 2 : i32
    %shift_right_logical3A_978 = vector.broadcast %shift_right_logical3A_977 : i32 to vector<16xi32>
    %shift_right_logical3A_979 = arith.shrui %gather3A_972, %shift_right_logical3A_978 : vector<16xi32>
    %swap3A_980 = arith.constant 2 : i32
    %swap3A_981 = arith.index_cast %swap3A_980 : i32 to index
    %swap3A_982 = arith.constant 112 : index
    %swap3A_983 = tpu.vector_load %arg6[%swap3A_981, %swap3A_982] {strides = array<i32>} : memref<8x128xi32, #tpu.memory_space<vmem>>, vector<16xi32>,
    tpu.vector_store %arg6[%swap3A_981, %swap3A_982], %shift_right_logical3A_979 {strides = array<i32>} : memref<8x128xi32, #tpu.memory_space<vmem>>, vector<16xi32>,
    %shift_right_logical3A_984 = arith.constant 2 : i32
    %shift_right_logical3A_985 = vector.broadcast %shift_right_logical3A_984 : i32 to vector<16xi32>
    %shift_right_logical3A_986 = arith.shrui %gather3A_976, %shift_right_logical3A_985 : vector<16xi32>
    %swap3A_987 = arith.constant 6 : i32
    %swap3A_988 = arith.index_cast %swap3A_987 : i32 to index
    %swap3A_989 = arith.constant 112 : index
    %swap3A_990 = tpu.vector_load %arg6[%swap3A_988, %swap3A_989] {strides = array<i32>} : memref<8x128xi32, #tpu.memory_space<vmem>>, vector<16xi32>,
    tpu.vector_store %arg6[%swap3A_988, %swap3A_989], %shift_right_logical3A_986 {strides = array<i32>} : memref<8x128xi32, #tpu.memory_space<vmem>>, vector<16xi32>,
    %and3A_991 = arith.constant 3 : i32
    %and3A_992 = vector.broadcast %and3A_991 : i32 to vector<16xi32>
    %and3A_993 = arith.andi %gather3A_972, %and3A_992 : vector<16xi32>
    %shift_left3A_994 = arith.constant 5 : i32
    %shift_left3A_995 = vector.broadcast %shift_left3A_994 : i32 to vector<16xi32>
    %shift_left3A_996 = arith.shli %and3A_993, %shift_left3A_995 : vector<16xi32>
    %swap3A_997 = arith.constant 0 : i32
    %swap3A_998 = arith.index_cast %swap3A_997 : i32 to index
    %swap3A_999 = arith.constant 368 : index
    %swap3A_1000 = tpu.vector_load %arg7[%swap3A_998, %swap3A_999] {strides = array<i32>} : memref<2x512xi32, #tpu.memory_space<vmem>>, vector<16xi32>,
    tpu.vector_store %arg7[%swap3A_998, %swap3A_999], %shift_left3A_996 {strides = array<i32>} : memref<2x512xi32, #tpu.memory_space<vmem>>, vector<16xi32>,
    %and3A_1001 = arith.constant 3 : i32
    %and3A_1002 = vector.broadcast %and3A_1001 : i32 to vector<16xi32>
    %and3A_1003 = arith.andi %gather3A_976, %and3A_1002 : vector<16xi32>
    %shift_left3A_1004 = arith.constant 5 : i32
    %shift_left3A_1005 = vector.broadcast %shift_left3A_1004 : i32 to vector<16xi32>
    %shift_left3A_1006 = arith.shli %and3A_1003, %shift_left3A_1005 : vector<16xi32>
    %swap3A_1007 = arith.constant 1 : i32
    %swap3A_1008 = arith.index_cast %swap3A_1007 : i32 to index
    %swap3A_1009 = arith.constant 368 : index
    %swap3A_1010 = tpu.vector_load %arg7[%swap3A_1008, %swap3A_1009] {strides = array<i32>} : memref<2x512xi32, #tpu.memory_space<vmem>>, vector<16xi32>,
    tpu.vector_store %arg7[%swap3A_1008, %swap3A_1009], %shift_left3A_1006 {strides = array<i32>} : memref<2x512xi32, #tpu.memory_space<vmem>>, vector<16xi32>,
    %add3A_1011 = arith.constant 1152 : i32
    %add3A_1012 = vector.broadcast %add3A_1011 : i32 to vector<16xi32>
    %add3A_1013 = arith.addi %mul3A_7, %add3A_1012 : vector<16xi32>
    %gather3A_1014 = tpu.vector_load_idx %arg5[%add3A_1013] : memref<1536xi32, #tpu.memory_space<vmem>>[vector<16xi32>], vector<16xi32>,
    %add3A_1015 = arith.constant 2 : i32
    %add3A_1016 = vector.broadcast %add3A_1015 : i32 to vector<16xi32>
    %add3A_1017 = arith.addi %add3A_1013, %add3A_1016 : vector<16xi32>
    %gather3A_1018 = tpu.vector_load_idx %arg5[%add3A_1017] : memref<1536xi32, #tpu.memory_space<vmem>>[vector<16xi32>], vector<16xi32>,
    %shift_right_logical3A_1019 = arith.constant 2 : i32
    %shift_right_logical3A_1020 = vector.broadcast %shift_right_logical3A_1019 : i32 to vector<16xi32>
    %shift_right_logical3A_1021 = arith.shrui %gather3A_1014, %shift_right_logical3A_1020 : vector<16xi32>
    %swap3A_1022 = arith.constant 3 : i32
    %swap3A_1023 = arith.index_cast %swap3A_1022 : i32 to index
    %swap3A_1024 = arith.constant 0 : index
    %swap3A_1025 = tpu.vector_load %arg6[%swap3A_1023, %swap3A_1024] {strides = array<i32>} : memref<8x128xi32, #tpu.memory_space<vmem>>, vector<16xi32>,
    tpu.vector_store %arg6[%swap3A_1023, %swap3A_1024], %shift_right_logical3A_1021 {strides = array<i32>} : memref<8x128xi32, #tpu.memory_space<vmem>>, vector<16xi32>,
    %shift_right_logical3A_1026 = arith.constant 2 : i32
    %shift_right_logical3A_1027 = vector.broadcast %shift_right_logical3A_1026 : i32 to vector<16xi32>
    %shift_right_logical3A_1028 = arith.shrui %gather3A_1018, %shift_right_logical3A_1027 : vector<16xi32>
    %swap3A_1029 = arith.constant 7 : i32
    %swap3A_1030 = arith.index_cast %swap3A_1029 : i32 to index
    %swap3A_1031 = arith.constant 0 : index
    %swap3A_1032 = tpu.vector_load %arg6[%swap3A_1030, %swap3A_1031] {strides = array<i32>} : memref<8x128xi32, #tpu.memory_space<vmem>>, vector<16xi32>,
    tpu.vector_store %arg6[%swap3A_1030, %swap3A_1031], %shift_right_logical3A_1028 {strides = array<i32>} : memref<8x128xi32, #tpu.memory_space<vmem>>, vector<16xi32>,
    %and3A_1033 = arith.constant 3 : i32
    %and3A_1034 = vector.broadcast %and3A_1033 : i32 to vector<16xi32>
    %and3A_1035 = arith.andi %gather3A_1014, %and3A_1034 : vector<16xi32>
    %shift_left3A_1036 = arith.constant 5 : i32
    %shift_left3A_1037 = vector.broadcast %shift_left3A_1036 : i32 to vector<16xi32>
    %shift_left3A_1038 = arith.shli %and3A_1035, %shift_left3A_1037 : vector<16xi32>
    %swap3A_1039 = arith.constant 0 : i32
    %swap3A_1040 = arith.index_cast %swap3A_1039 : i32 to index
    %swap3A_1041 = arith.constant 384 : index
    %swap3A_1042 = tpu.vector_load %arg7[%swap3A_1040, %swap3A_1041] {strides = array<i32>} : memref<2x512xi32, #tpu.memory_space<vmem>>, vector<16xi32>,
    tpu.vector_store %arg7[%swap3A_1040, %swap3A_1041], %shift_left3A_1038 {strides = array<i32>} : memref<2x512xi32, #tpu.memory_space<vmem>>, vector<16xi32>,
    %and3A_1043 = arith.constant 3 : i32
    %and3A_1044 = vector.broadcast %and3A_1043 : i32 to vector<16xi32>
    %and3A_1045 = arith.andi %gather3A_1018, %and3A_1044 : vector<16xi32>
    %shift_left3A_1046 = arith.constant 5 : i32
    %shift_left3A_1047 = vector.broadcast %shift_left3A_1046 : i32 to vector<16xi32>
    %shift_left3A_1048 = arith.shli %and3A_1045, %shift_left3A_1047 : vector<16xi32>
    %swap3A_1049 = arith.constant 1 : i32
    %swap3A_1050 = arith.index_cast %swap3A_1049 : i32 to index
    %swap3A_1051 = arith.constant 384 : index
    %swap3A_1052 = tpu.vector_load %arg7[%swap3A_1050, %swap3A_1051] {strides = array<i32>} : memref<2x512xi32, #tpu.memory_space<vmem>>, vector<16xi32>,
    tpu.vector_store %arg7[%swap3A_1050, %swap3A_1051], %shift_left3A_1048 {strides = array<i32>} : memref<2x512xi32, #tpu.memory_space<vmem>>, vector<16xi32>,
    %add3A_1053 = arith.constant 1200 : i32
    %add3A_1054 = vector.broadcast %add3A_1053 : i32 to vector<16xi32>
    %add3A_1055 = arith.addi %mul3A_7, %add3A_1054 : vector<16xi32>
    %gather3A_1056 = tpu.vector_load_idx %arg5[%add3A_1055] : memref<1536xi32, #tpu.memory_space<vmem>>[vector<16xi32>], vector<16xi32>,
    %add3A_1057 = arith.constant 2 : i32
    %add3A_1058 = vector.broadcast %add3A_1057 : i32 to vector<16xi32>
    %add3A_1059 = arith.addi %add3A_1055, %add3A_1058 : vector<16xi32>
    %gather3A_1060 = tpu.vector_load_idx %arg5[%add3A_1059] : memref<1536xi32, #tpu.memory_space<vmem>>[vector<16xi32>], vector<16xi32>,
    %shift_right_logical3A_1061 = arith.constant 2 : i32
    %shift_right_logical3A_1062 = vector.broadcast %shift_right_logical3A_1061 : i32 to vector<16xi32>
    %shift_right_logical3A_1063 = arith.shrui %gather3A_1056, %shift_right_logical3A_1062 : vector<16xi32>
    %swap3A_1064 = arith.constant 3 : i32
    %swap3A_1065 = arith.index_cast %swap3A_1064 : i32 to index
    %swap3A_1066 = arith.constant 16 : index
    %swap3A_1067 = tpu.vector_load %arg6[%swap3A_1065, %swap3A_1066] {strides = array<i32>} : memref<8x128xi32, #tpu.memory_space<vmem>>, vector<16xi32>,
    tpu.vector_store %arg6[%swap3A_1065, %swap3A_1066], %shift_right_logical3A_1063 {strides = array<i32>} : memref<8x128xi32, #tpu.memory_space<vmem>>, vector<16xi32>,
    %shift_right_logical3A_1068 = arith.constant 2 : i32
    %shift_right_logical3A_1069 = vector.broadcast %shift_right_logical3A_1068 : i32 to vector<16xi32>
    %shift_right_logical3A_1070 = arith.shrui %gather3A_1060, %shift_right_logical3A_1069 : vector<16xi32>
    %swap3A_1071 = arith.constant 7 : i32
    %swap3A_1072 = arith.index_cast %swap3A_1071 : i32 to index
    %swap3A_1073 = arith.constant 16 : index
    %swap3A_1074 = tpu.vector_load %arg6[%swap3A_1072, %swap3A_1073] {strides = array<i32>} : memref<8x128xi32, #tpu.memory_space<vmem>>, vector<16xi32>,
    tpu.vector_store %arg6[%swap3A_1072, %swap3A_1073], %shift_right_logical3A_1070 {strides = array<i32>} : memref<8x128xi32, #tpu.memory_space<vmem>>, vector<16xi32>,
    %and3A_1075 = arith.constant 3 : i32
    %and3A_1076 = vector.broadcast %and3A_1075 : i32 to vector<16xi32>
    %and3A_1077 = arith.andi %gather3A_1056, %and3A_1076 : vector<16xi32>
    %shift_left3A_1078 = arith.constant 5 : i32
    %shift_left3A_1079 = vector.broadcast %shift_left3A_1078 : i32 to vector<16xi32>
    %shift_left3A_1080 = arith.shli %and3A_1077, %shift_left3A_1079 : vector<16xi32>
    %swap3A_1081 = arith.constant 0 : i32
    %swap3A_1082 = arith.index_cast %swap3A_1081 : i32 to index
    %swap3A_1083 = arith.constant 400 : index
    %swap3A_1084 = tpu.vector_load %arg7[%swap3A_1082, %swap3A_1083] {strides = array<i32>} : memref<2x512xi32, #tpu.memory_space<vmem>>, vector<16xi32>,
    tpu.vector_store %arg7[%swap3A_1082, %swap3A_1083], %shift_left3A_1080 {strides = array<i32>} : memref<2x512xi32, #tpu.memory_space<vmem>>, vector<16xi32>,
    %and3A_1085 = arith.constant 3 : i32
    %and3A_1086 = vector.broadcast %and3A_1085 : i32 to vector<16xi32>
    %and3A_1087 = arith.andi %gather3A_1060, %and3A_1086 : vector<16xi32>
    %shift_left3A_1088 = arith.constant 5 : i32
    %shift_left3A_1089 = vector.broadcast %shift_left3A_1088 : i32 to vector<16xi32>
    %shift_left3A_1090 = arith.shli %and3A_1087, %shift_left3A_1089 : vector<16xi32>
    %swap3A_1091 = arith.constant 1 : i32
    %swap3A_1092 = arith.index_cast %swap3A_1091 : i32 to index
    %swap3A_1093 = arith.constant 400 : index
    %swap3A_1094 = tpu.vector_load %arg7[%swap3A_1092, %swap3A_1093] {strides = array<i32>} : memref<2x512xi32, #tpu.memory_space<vmem>>, vector<16xi32>,
    tpu.vector_store %arg7[%swap3A_1092, %swap3A_1093], %shift_left3A_1090 {strides = array<i32>} : memref<2x512xi32, #tpu.memory_space<vmem>>, vector<16xi32>,
    %add3A_1095 = arith.constant 1248 : i32
    %add3A_1096 = vector.broadcast %add3A_1095 : i32 to vector<16xi32>
    %add3A_1097 = arith.addi %mul3A_7, %add3A_1096 : vector<16xi32>
    %gather3A_1098 = tpu.vector_load_idx %arg5[%add3A_1097] : memref<1536xi32, #tpu.memory_space<vmem>>[vector<16xi32>], vector<16xi32>,
    %add3A_1099 = arith.constant 2 : i32
    %add3A_1100 = vector.broadcast %add3A_1099 : i32 to vector<16xi32>
    %add3A_1101 = arith.addi %add3A_1097, %add3A_1100 : vector<16xi32>
    %gather3A_1102 = tpu.vector_load_idx %arg5[%add3A_1101] : memref<1536xi32, #tpu.memory_space<vmem>>[vector<16xi32>], vector<16xi32>,
    %shift_right_logical3A_1103 = arith.constant 2 : i32
    %shift_right_logical3A_1104 = vector.broadcast %shift_right_logical3A_1103 : i32 to vector<16xi32>
    %shift_right_logical3A_1105 = arith.shrui %gather3A_1098, %shift_right_logical3A_1104 : vector<16xi32>
    %swap3A_1106 = arith.constant 3 : i32
    %swap3A_1107 = arith.index_cast %swap3A_1106 : i32 to index
    %swap3A_1108 = arith.constant 32 : index
    %swap3A_1109 = tpu.vector_load %arg6[%swap3A_1107, %swap3A_1108] {strides = array<i32>} : memref<8x128xi32, #tpu.memory_space<vmem>>, vector<16xi32>,
    tpu.vector_store %arg6[%swap3A_1107, %swap3A_1108], %shift_right_logical3A_1105 {strides = array<i32>} : memref<8x128xi32, #tpu.memory_space<vmem>>, vector<16xi32>,
    %shift_right_logical3A_1110 = arith.constant 2 : i32
    %shift_right_logical3A_1111 = vector.broadcast %shift_right_logical3A_1110 : i32 to vector<16xi32>
    %shift_right_logical3A_1112 = arith.shrui %gather3A_1102, %shift_right_logical3A_1111 : vector<16xi32>
    %swap3A_1113 = arith.constant 7 : i32
    %swap3A_1114 = arith.index_cast %swap3A_1113 : i32 to index
    %swap3A_1115 = arith.constant 32 : index
    %swap3A_1116 = tpu.vector_load %arg6[%swap3A_1114, %swap3A_1115] {strides = array<i32>} : memref<8x128xi32, #tpu.memory_space<vmem>>, vector<16xi32>,
    tpu.vector_store %arg6[%swap3A_1114, %swap3A_1115], %shift_right_logical3A_1112 {strides = array<i32>} : memref<8x128xi32, #tpu.memory_space<vmem>>, vector<16xi32>,
    %and3A_1117 = arith.constant 3 : i32
    %and3A_1118 = vector.broadcast %and3A_1117 : i32 to vector<16xi32>
    %and3A_1119 = arith.andi %gather3A_1098, %and3A_1118 : vector<16xi32>
    %shift_left3A_1120 = arith.constant 5 : i32
    %shift_left3A_1121 = vector.broadcast %shift_left3A_1120 : i32 to vector<16xi32>
    %shift_left3A_1122 = arith.shli %and3A_1119, %shift_left3A_1121 : vector<16xi32>
    %swap3A_1123 = arith.constant 0 : i32
    %swap3A_1124 = arith.index_cast %swap3A_1123 : i32 to index
    %swap3A_1125 = arith.constant 416 : index
    %swap3A_1126 = tpu.vector_load %arg7[%swap3A_1124, %swap3A_1125] {strides = array<i32>} : memref<2x512xi32, #tpu.memory_space<vmem>>, vector<16xi32>,
    tpu.vector_store %arg7[%swap3A_1124, %swap3A_1125], %shift_left3A_1122 {strides = array<i32>} : memref<2x512xi32, #tpu.memory_space<vmem>>, vector<16xi32>,
    %and3A_1127 = arith.constant 3 : i32
    %and3A_1128 = vector.broadcast %and3A_1127 : i32 to vector<16xi32>
    %and3A_1129 = arith.andi %gather3A_1102, %and3A_1128 : vector<16xi32>
    %shift_left3A_1130 = arith.constant 5 : i32
    %shift_left3A_1131 = vector.broadcast %shift_left3A_1130 : i32 to vector<16xi32>
    %shift_left3A_1132 = arith.shli %and3A_1129, %shift_left3A_1131 : vector<16xi32>
    %swap3A_1133 = arith.constant 1 : i32
    %swap3A_1134 = arith.index_cast %swap3A_1133 : i32 to index
    %swap3A_1135 = arith.constant 416 : index
    %swap3A_1136 = tpu.vector_load %arg7[%swap3A_1134, %swap3A_1135] {strides = array<i32>} : memref<2x512xi32, #tpu.memory_space<vmem>>, vector<16xi32>,
    tpu.vector_store %arg7[%swap3A_1134, %swap3A_1135], %shift_left3A_1132 {strides = array<i32>} : memref<2x512xi32, #tpu.memory_space<vmem>>, vector<16xi32>,
    %add3A_1137 = arith.constant 1296 : i32
    %add3A_1138 = vector.broadcast %add3A_1137 : i32 to vector<16xi32>
    %add3A_1139 = arith.addi %mul3A_7, %add3A_1138 : vector<16xi32>
    %gather3A_1140 = tpu.vector_load_idx %arg5[%add3A_1139] : memref<1536xi32, #tpu.memory_space<vmem>>[vector<16xi32>], vector<16xi32>,
    %add3A_1141 = arith.constant 2 : i32
    %add3A_1142 = vector.broadcast %add3A_1141 : i32 to vector<16xi32>
    %add3A_1143 = arith.addi %add3A_1139, %add3A_1142 : vector<16xi32>
    %gather3A_1144 = tpu.vector_load_idx %arg5[%add3A_1143] : memref<1536xi32, #tpu.memory_space<vmem>>[vector<16xi32>], vector<16xi32>,
    %shift_right_logical3A_1145 = arith.constant 2 : i32
    %shift_right_logical3A_1146 = vector.broadcast %shift_right_logical3A_1145 : i32 to vector<16xi32>
    %shift_right_logical3A_1147 = arith.shrui %gather3A_1140, %shift_right_logical3A_1146 : vector<16xi32>
    %swap3A_1148 = arith.constant 3 : i32
    %swap3A_1149 = arith.index_cast %swap3A_1148 : i32 to index
    %swap3A_1150 = arith.constant 48 : index
    %swap3A_1151 = tpu.vector_load %arg6[%swap3A_1149, %swap3A_1150] {strides = array<i32>} : memref<8x128xi32, #tpu.memory_space<vmem>>, vector<16xi32>,
    tpu.vector_store %arg6[%swap3A_1149, %swap3A_1150], %shift_right_logical3A_1147 {strides = array<i32>} : memref<8x128xi32, #tpu.memory_space<vmem>>, vector<16xi32>,
    %shift_right_logical3A_1152 = arith.constant 2 : i32
    %shift_right_logical3A_1153 = vector.broadcast %shift_right_logical3A_1152 : i32 to vector<16xi32>
    %shift_right_logical3A_1154 = arith.shrui %gather3A_1144, %shift_right_logical3A_1153 : vector<16xi32>
    %swap3A_1155 = arith.constant 7 : i32
    %swap3A_1156 = arith.index_cast %swap3A_1155 : i32 to index
    %swap3A_1157 = arith.constant 48 : index
    %swap3A_1158 = tpu.vector_load %arg6[%swap3A_1156, %swap3A_1157] {strides = array<i32>} : memref<8x128xi32, #tpu.memory_space<vmem>>, vector<16xi32>,
    tpu.vector_store %arg6[%swap3A_1156, %swap3A_1157], %shift_right_logical3A_1154 {strides = array<i32>} : memref<8x128xi32, #tpu.memory_space<vmem>>, vector<16xi32>,
    %and3A_1159 = arith.constant 3 : i32
    %and3A_1160 = vector.broadcast %and3A_1159 : i32 to vector<16xi32>
    %and3A_1161 = arith.andi %gather3A_1140, %and3A_1160 : vector<16xi32>
    %shift_left3A_1162 = arith.constant 5 : i32
    %shift_left3A_1163 = vector.broadcast %shift_left3A_1162 : i32 to vector<16xi32>
    %shift_left3A_1164 = arith.shli %and3A_1161, %shift_left3A_1163 : vector<16xi32>
    %swap3A_1165 = arith.constant 0 : i32
    %swap3A_1166 = arith.index_cast %swap3A_1165 : i32 to index
    %swap3A_1167 = arith.constant 432 : index
    %swap3A_1168 = tpu.vector_load %arg7[%swap3A_1166, %swap3A_1167] {strides = array<i32>} : memref<2x512xi32, #tpu.memory_space<vmem>>, vector<16xi32>,
    tpu.vector_store %arg7[%swap3A_1166, %swap3A_1167], %shift_left3A_1164 {strides = array<i32>} : memref<2x512xi32, #tpu.memory_space<vmem>>, vector<16xi32>,
    %and3A_1169 = arith.constant 3 : i32
    %and3A_1170 = vector.broadcast %and3A_1169 : i32 to vector<16xi32>
    %and3A_1171 = arith.andi %gather3A_1144, %and3A_1170 : vector<16xi32>
    %shift_left3A_1172 = arith.constant 5 : i32
    %shift_left3A_1173 = vector.broadcast %shift_left3A_1172 : i32 to vector<16xi32>
    %shift_left3A_1174 = arith.shli %and3A_1171, %shift_left3A_1173 : vector<16xi32>
    %swap3A_1175 = arith.constant 1 : i32
    %swap3A_1176 = arith.index_cast %swap3A_1175 : i32 to index
    %swap3A_1177 = arith.constant 432 : index
    %swap3A_1178 = tpu.vector_load %arg7[%swap3A_1176, %swap3A_1177] {strides = array<i32>} : memref<2x512xi32, #tpu.memory_space<vmem>>, vector<16xi32>,
    tpu.vector_store %arg7[%swap3A_1176, %swap3A_1177], %shift_left3A_1174 {strides = array<i32>} : memref<2x512xi32, #tpu.memory_space<vmem>>, vector<16xi32>,
    %add3A_1179 = arith.constant 1344 : i32
    %add3A_1180 = vector.broadcast %add3A_1179 : i32 to vector<16xi32>
    %add3A_1181 = arith.addi %mul3A_7, %add3A_1180 : vector<16xi32>
    %gather3A_1182 = tpu.vector_load_idx %arg5[%add3A_1181] : memref<1536xi32, #tpu.memory_space<vmem>>[vector<16xi32>], vector<16xi32>,
    %add3A_1183 = arith.constant 2 : i32
    %add3A_1184 = vector.broadcast %add3A_1183 : i32 to vector<16xi32>
    %add3A_1185 = arith.addi %add3A_1181, %add3A_1184 : vector<16xi32>
    %gather3A_1186 = tpu.vector_load_idx %arg5[%add3A_1185] : memref<1536xi32, #tpu.memory_space<vmem>>[vector<16xi32>], vector<16xi32>,
    %shift_right_logical3A_1187 = arith.constant 2 : i32
    %shift_right_logical3A_1188 = vector.broadcast %shift_right_logical3A_1187 : i32 to vector<16xi32>
    %shift_right_logical3A_1189 = arith.shrui %gather3A_1182, %shift_right_logical3A_1188 : vector<16xi32>
    %swap3A_1190 = arith.constant 3 : i32
    %swap3A_1191 = arith.index_cast %swap3A_1190 : i32 to index
    %swap3A_1192 = arith.constant 64 : index
    %swap3A_1193 = tpu.vector_load %arg6[%swap3A_1191, %swap3A_1192] {strides = array<i32>} : memref<8x128xi32, #tpu.memory_space<vmem>>, vector<16xi32>,
    tpu.vector_store %arg6[%swap3A_1191, %swap3A_1192], %shift_right_logical3A_1189 {strides = array<i32>} : memref<8x128xi32, #tpu.memory_space<vmem>>, vector<16xi32>,
    %shift_right_logical3A_1194 = arith.constant 2 : i32
    %shift_right_logical3A_1195 = vector.broadcast %shift_right_logical3A_1194 : i32 to vector<16xi32>
    %shift_right_logical3A_1196 = arith.shrui %gather3A_1186, %shift_right_logical3A_1195 : vector<16xi32>
    %swap3A_1197 = arith.constant 7 : i32
    %swap3A_1198 = arith.index_cast %swap3A_1197 : i32 to index
    %swap3A_1199 = arith.constant 64 : index
    %swap3A_1200 = tpu.vector_load %arg6[%swap3A_1198, %swap3A_1199] {strides = array<i32>} : memref<8x128xi32, #tpu.memory_space<vmem>>, vector<16xi32>,
    tpu.vector_store %arg6[%swap3A_1198, %swap3A_1199], %shift_right_logical3A_1196 {strides = array<i32>} : memref<8x128xi32, #tpu.memory_space<vmem>>, vector<16xi32>,
    %and3A_1201 = arith.constant 3 : i32
    %and3A_1202 = vector.broadcast %and3A_1201 : i32 to vector<16xi32>
    %and3A_1203 = arith.andi %gather3A_1182, %and3A_1202 : vector<16xi32>
    %shift_left3A_1204 = arith.constant 5 : i32
    %shift_left3A_1205 = vector.broadcast %shift_left3A_1204 : i32 to vector<16xi32>
    %shift_left3A_1206 = arith.shli %and3A_1203, %shift_left3A_1205 : vector<16xi32>
    %swap3A_1207 = arith.constant 0 : i32
    %swap3A_1208 = arith.index_cast %swap3A_1207 : i32 to index
    %swap3A_1209 = arith.constant 448 : index
    %swap3A_1210 = tpu.vector_load %arg7[%swap3A_1208, %swap3A_1209] {strides = array<i32>} : memref<2x512xi32, #tpu.memory_space<vmem>>, vector<16xi32>,
    tpu.vector_store %arg7[%swap3A_1208, %swap3A_1209], %shift_left3A_1206 {strides = array<i32>} : memref<2x512xi32, #tpu.memory_space<vmem>>, vector<16xi32>,
    %and3A_1211 = arith.constant 3 : i32
    %and3A_1212 = vector.broadcast %and3A_1211 : i32 to vector<16xi32>
    %and3A_1213 = arith.andi %gather3A_1186, %and3A_1212 : vector<16xi32>
    %shift_left3A_1214 = arith.constant 5 : i32
    %shift_left3A_1215 = vector.broadcast %shift_left3A_1214 : i32 to vector<16xi32>
    %shift_left3A_1216 = arith.shli %and3A_1213, %shift_left3A_1215 : vector<16xi32>
    %swap3A_1217 = arith.constant 1 : i32
    %swap3A_1218 = arith.index_cast %swap3A_1217 : i32 to index
    %swap3A_1219 = arith.constant 448 : index
    %swap3A_1220 = tpu.vector_load %arg7[%swap3A_1218, %swap3A_1219] {strides = array<i32>} : memref<2x512xi32, #tpu.memory_space<vmem>>, vector<16xi32>,
    tpu.vector_store %arg7[%swap3A_1218, %swap3A_1219], %shift_left3A_1216 {strides = array<i32>} : memref<2x512xi32, #tpu.memory_space<vmem>>, vector<16xi32>,
    %add3A_1221 = arith.constant 1392 : i32
    %add3A_1222 = vector.broadcast %add3A_1221 : i32 to vector<16xi32>
    %add3A_1223 = arith.addi %mul3A_7, %add3A_1222 : vector<16xi32>
    %gather3A_1224 = tpu.vector_load_idx %arg5[%add3A_1223] : memref<1536xi32, #tpu.memory_space<vmem>>[vector<16xi32>], vector<16xi32>,
    %add3A_1225 = arith.constant 2 : i32
    %add3A_1226 = vector.broadcast %add3A_1225 : i32 to vector<16xi32>
    %add3A_1227 = arith.addi %add3A_1223, %add3A_1226 : vector<16xi32>
    %gather3A_1228 = tpu.vector_load_idx %arg5[%add3A_1227] : memref<1536xi32, #tpu.memory_space<vmem>>[vector<16xi32>], vector<16xi32>,
    %shift_right_logical3A_1229 = arith.constant 2 : i32
    %shift_right_logical3A_1230 = vector.broadcast %shift_right_logical3A_1229 : i32 to vector<16xi32>
    %shift_right_logical3A_1231 = arith.shrui %gather3A_1224, %shift_right_logical3A_1230 : vector<16xi32>
    %swap3A_1232 = arith.constant 3 : i32
    %swap3A_1233 = arith.index_cast %swap3A_1232 : i32 to index
    %swap3A_1234 = arith.constant 80 : index
    %swap3A_1235 = tpu.vector_load %arg6[%swap3A_1233, %swap3A_1234] {strides = array<i32>} : memref<8x128xi32, #tpu.memory_space<vmem>>, vector<16xi32>,
    tpu.vector_store %arg6[%swap3A_1233, %swap3A_1234], %shift_right_logical3A_1231 {strides = array<i32>} : memref<8x128xi32, #tpu.memory_space<vmem>>, vector<16xi32>,
    %shift_right_logical3A_1236 = arith.constant 2 : i32
    %shift_right_logical3A_1237 = vector.broadcast %shift_right_logical3A_1236 : i32 to vector<16xi32>
    %shift_right_logical3A_1238 = arith.shrui %gather3A_1228, %shift_right_logical3A_1237 : vector<16xi32>
    %swap3A_1239 = arith.constant 7 : i32
    %swap3A_1240 = arith.index_cast %swap3A_1239 : i32 to index
    %swap3A_1241 = arith.constant 80 : index
    %swap3A_1242 = tpu.vector_load %arg6[%swap3A_1240, %swap3A_1241] {strides = array<i32>} : memref<8x128xi32, #tpu.memory_space<vmem>>, vector<16xi32>,
    tpu.vector_store %arg6[%swap3A_1240, %swap3A_1241], %shift_right_logical3A_1238 {strides = array<i32>} : memref<8x128xi32, #tpu.memory_space<vmem>>, vector<16xi32>,
    %and3A_1243 = arith.constant 3 : i32
    %and3A_1244 = vector.broadcast %and3A_1243 : i32 to vector<16xi32>
    %and3A_1245 = arith.andi %gather3A_1224, %and3A_1244 : vector<16xi32>
    %shift_left3A_1246 = arith.constant 5 : i32
    %shift_left3A_1247 = vector.broadcast %shift_left3A_1246 : i32 to vector<16xi32>
    %shift_left3A_1248 = arith.shli %and3A_1245, %shift_left3A_1247 : vector<16xi32>
    %swap3A_1249 = arith.constant 0 : i32
    %swap3A_1250 = arith.index_cast %swap3A_1249 : i32 to index
    %swap3A_1251 = arith.constant 464 : index
    %swap3A_1252 = tpu.vector_load %arg7[%swap3A_1250, %swap3A_1251] {strides = array<i32>} : memref<2x512xi32, #tpu.memory_space<vmem>>, vector<16xi32>,
    tpu.vector_store %arg7[%swap3A_1250, %swap3A_1251], %shift_left3A_1248 {strides = array<i32>} : memref<2x512xi32, #tpu.memory_space<vmem>>, vector<16xi32>,
    %and3A_1253 = arith.constant 3 : i32
    %and3A_1254 = vector.broadcast %and3A_1253 : i32 to vector<16xi32>
    %and3A_1255 = arith.andi %gather3A_1228, %and3A_1254 : vector<16xi32>
    %shift_left3A_1256 = arith.constant 5 : i32
    %shift_left3A_1257 = vector.broadcast %shift_left3A_1256 : i32 to vector<16xi32>
    %shift_left3A_1258 = arith.shli %and3A_1255, %shift_left3A_1257 : vector<16xi32>
    %swap3A_1259 = arith.constant 1 : i32
    %swap3A_1260 = arith.index_cast %swap3A_1259 : i32 to index
    %swap3A_1261 = arith.constant 464 : index
    %swap3A_1262 = tpu.vector_load %arg7[%swap3A_1260, %swap3A_1261] {strides = array<i32>} : memref<2x512xi32, #tpu.memory_space<vmem>>, vector<16xi32>,
    tpu.vector_store %arg7[%swap3A_1260, %swap3A_1261], %shift_left3A_1258 {strides = array<i32>} : memref<2x512xi32, #tpu.memory_space<vmem>>, vector<16xi32>,
    %add3A_1263 = arith.constant 1440 : i32
    %add3A_1264 = vector.broadcast %add3A_1263 : i32 to vector<16xi32>
    %add3A_1265 = arith.addi %mul3A_7, %add3A_1264 : vector<16xi32>
    %gather3A_1266 = tpu.vector_load_idx %arg5[%add3A_1265] : memref<1536xi32, #tpu.memory_space<vmem>>[vector<16xi32>], vector<16xi32>,
    %add3A_1267 = arith.constant 2 : i32
    %add3A_1268 = vector.broadcast %add3A_1267 : i32 to vector<16xi32>
    %add3A_1269 = arith.addi %add3A_1265, %add3A_1268 : vector<16xi32>
    %gather3A_1270 = tpu.vector_load_idx %arg5[%add3A_1269] : memref<1536xi32, #tpu.memory_space<vmem>>[vector<16xi32>], vector<16xi32>,
    %shift_right_logical3A_1271 = arith.constant 2 : i32
    %shift_right_logical3A_1272 = vector.broadcast %shift_right_logical3A_1271 : i32 to vector<16xi32>
    %shift_right_logical3A_1273 = arith.shrui %gather3A_1266, %shift_right_logical3A_1272 : vector<16xi32>
    %swap3A_1274 = arith.constant 3 : i32
    %swap3A_1275 = arith.index_cast %swap3A_1274 : i32 to index
    %swap3A_1276 = arith.constant 96 : index
    %swap3A_1277 = tpu.vector_load %arg6[%swap3A_1275, %swap3A_1276] {strides = array<i32>} : memref<8x128xi32, #tpu.memory_space<vmem>>, vector<16xi32>,
    tpu.vector_store %arg6[%swap3A_1275, %swap3A_1276], %shift_right_logical3A_1273 {strides = array<i32>} : memref<8x128xi32, #tpu.memory_space<vmem>>, vector<16xi32>,
    %shift_right_logical3A_1278 = arith.constant 2 : i32
    %shift_right_logical3A_1279 = vector.broadcast %shift_right_logical3A_1278 : i32 to vector<16xi32>
    %shift_right_logical3A_1280 = arith.shrui %gather3A_1270, %shift_right_logical3A_1279 : vector<16xi32>
    %swap3A_1281 = arith.constant 7 : i32
    %swap3A_1282 = arith.index_cast %swap3A_1281 : i32 to index
    %swap3A_1283 = arith.constant 96 : index
    %swap3A_1284 = tpu.vector_load %arg6[%swap3A_1282, %swap3A_1283] {strides = array<i32>} : memref<8x128xi32, #tpu.memory_space<vmem>>, vector<16xi32>,
    tpu.vector_store %arg6[%swap3A_1282, %swap3A_1283], %shift_right_logical3A_1280 {strides = array<i32>} : memref<8x128xi32, #tpu.memory_space<vmem>>, vector<16xi32>,
    %and3A_1285 = arith.constant 3 : i32
    %and3A_1286 = vector.broadcast %and3A_1285 : i32 to vector<16xi32>
    %and3A_1287 = arith.andi %gather3A_1266, %and3A_1286 : vector<16xi32>
    %shift_left3A_1288 = arith.constant 5 : i32
    %shift_left3A_1289 = vector.broadcast %shift_left3A_1288 : i32 to vector<16xi32>
    %shift_left3A_1290 = arith.shli %and3A_1287, %shift_left3A_1289 : vector<16xi32>
    %swap3A_1291 = arith.constant 0 : i32
    %swap3A_1292 = arith.index_cast %swap3A_1291 : i32 to index
    %swap3A_1293 = arith.constant 480 : index
    %swap3A_1294 = tpu.vector_load %arg7[%swap3A_1292, %swap3A_1293] {strides = array<i32>} : memref<2x512xi32, #tpu.memory_space<vmem>>, vector<16xi32>,
    tpu.vector_store %arg7[%swap3A_1292, %swap3A_1293], %shift_left3A_1290 {strides = array<i32>} : memref<2x512xi32, #tpu.memory_space<vmem>>, vector<16xi32>,
    %and3A_1295 = arith.constant 3 : i32
    %and3A_1296 = vector.broadcast %and3A_1295 : i32 to vector<16xi32>
    %and3A_1297 = arith.andi %gather3A_1270, %and3A_1296 : vector<16xi32>
    %shift_left3A_1298 = arith.constant 5 : i32
    %shift_left3A_1299 = vector.broadcast %shift_left3A_1298 : i32 to vector<16xi32>
    %shift_left3A_1300 = arith.shli %and3A_1297, %shift_left3A_1299 : vector<16xi32>
    %swap3A_1301 = arith.constant 1 : i32
    %swap3A_1302 = arith.index_cast %swap3A_1301 : i32 to index
    %swap3A_1303 = arith.constant 480 : index
    %swap3A_1304 = tpu.vector_load %arg7[%swap3A_1302, %swap3A_1303] {strides = array<i32>} : memref<2x512xi32, #tpu.memory_space<vmem>>, vector<16xi32>,
    tpu.vector_store %arg7[%swap3A_1302, %swap3A_1303], %shift_left3A_1300 {strides = array<i32>} : memref<2x512xi32, #tpu.memory_space<vmem>>, vector<16xi32>,
    %add3A_1305 = arith.constant 1488 : i32
    %add3A_1306 = vector.broadcast %add3A_1305 : i32 to vector<16xi32>
    %add3A_1307 = arith.addi %mul3A_7, %add3A_1306 : vector<16xi32>
    %gather3A_1308 = tpu.vector_load_idx %arg5[%add3A_1307] : memref<1536xi32, #tpu.memory_space<vmem>>[vector<16xi32>], vector<16xi32>,
    %add3A_1309 = arith.constant 2 : i32
    %add3A_1310 = vector.broadcast %add3A_1309 : i32 to vector<16xi32>
    %add3A_1311 = arith.addi %add3A_1307, %add3A_1310 : vector<16xi32>
    %gather3A_1312 = tpu.vector_load_idx %arg5[%add3A_1311] : memref<1536xi32, #tpu.memory_space<vmem>>[vector<16xi32>], vector<16xi32>,
    %shift_right_logical3A_1313 = arith.constant 2 : i32
    %shift_right_logical3A_1314 = vector.broadcast %shift_right_logical3A_1313 : i32 to vector<16xi32>
    %shift_right_logical3A_1315 = arith.shrui %gather3A_1308, %shift_right_logical3A_1314 : vector<16xi32>
    %swap3A_1316 = arith.constant 3 : i32
    %swap3A_1317 = arith.index_cast %swap3A_1316 : i32 to index
    %swap3A_1318 = arith.constant 112 : index
    %swap3A_1319 = tpu.vector_load %arg6[%swap3A_1317, %swap3A_1318] {strides = array<i32>} : memref<8x128xi32, #tpu.memory_space<vmem>>, vector<16xi32>,
    tpu.vector_store %arg6[%swap3A_1317, %swap3A_1318], %shift_right_logical3A_1315 {strides = array<i32>} : memref<8x128xi32, #tpu.memory_space<vmem>>, vector<16xi32>,
    %shift_right_logical3A_1320 = arith.constant 2 : i32
    %shift_right_logical3A_1321 = vector.broadcast %shift_right_logical3A_1320 : i32 to vector<16xi32>
    %shift_right_logical3A_1322 = arith.shrui %gather3A_1312, %shift_right_logical3A_1321 : vector<16xi32>
    %swap3A_1323 = arith.constant 7 : i32
    %swap3A_1324 = arith.index_cast %swap3A_1323 : i32 to index
    %swap3A_1325 = arith.constant 112 : index
    %swap3A_1326 = tpu.vector_load %arg6[%swap3A_1324, %swap3A_1325] {strides = array<i32>} : memref<8x128xi32, #tpu.memory_space<vmem>>, vector<16xi32>,
    tpu.vector_store %arg6[%swap3A_1324, %swap3A_1325], %shift_right_logical3A_1322 {strides = array<i32>} : memref<8x128xi32, #tpu.memory_space<vmem>>, vector<16xi32>,
    %and3A_1327 = arith.constant 3 : i32
    %and3A_1328 = vector.broadcast %and3A_1327 : i32 to vector<16xi32>
    %and3A_1329 = arith.andi %gather3A_1308, %and3A_1328 : vector<16xi32>
    %shift_left3A_1330 = arith.constant 5 : i32
    %shift_left3A_1331 = vector.broadcast %shift_left3A_1330 : i32 to vector<16xi32>
    %shift_left3A_1332 = arith.shli %and3A_1329, %shift_left3A_1331 : vector<16xi32>
    %swap3A_1333 = arith.constant 0 : i32
    %swap3A_1334 = arith.index_cast %swap3A_1333 : i32 to index
    %swap3A_1335 = arith.constant 496 : index
    %swap3A_1336 = tpu.vector_load %arg7[%swap3A_1334, %swap3A_1335] {strides = array<i32>} : memref<2x512xi32, #tpu.memory_space<vmem>>, vector<16xi32>,
    tpu.vector_store %arg7[%swap3A_1334, %swap3A_1335], %shift_left3A_1332 {strides = array<i32>} : memref<2x512xi32, #tpu.memory_space<vmem>>, vector<16xi32>,
    %and3A_1337 = arith.constant 3 : i32
    %and3A_1338 = vector.broadcast %and3A_1337 : i32 to vector<16xi32>
    %and3A_1339 = arith.andi %gather3A_1312, %and3A_1338 : vector<16xi32>
    %shift_left3A_1340 = arith.constant 5 : i32
    %shift_left3A_1341 = vector.broadcast %shift_left3A_1340 : i32 to vector<16xi32>
    %shift_left3A_1342 = arith.shli %and3A_1339, %shift_left3A_1341 : vector<16xi32>
    %swap3A_1343 = arith.constant 1 : i32
    %swap3A_1344 = arith.index_cast %swap3A_1343 : i32 to index
    %swap3A_1345 = arith.constant 496 : index
    %swap3A_1346 = tpu.vector_load %arg7[%swap3A_1344, %swap3A_1345] {strides = array<i32>} : memref<2x512xi32, #tpu.memory_space<vmem>>, vector<16xi32>,
    tpu.vector_store %arg7[%swap3A_1344, %swap3A_1345], %shift_left3A_1342 {strides = array<i32>} : memref<2x512xi32, #tpu.memory_space<vmem>>, vector<16xi32>,
    %dma_start3A = arith.constant 0 : i32
    %dma_start3A_1347 = arith.constant 0 : i32
    %dma_start3A_1348 = arith.constant 0 : i32
    %dma_start3A_1349 = tpu.memref_slice %arg8[%dma_start3A_1347, %dma_start3A_1348] : memref<256x128xf32, #tpu.memory_space<vmem>> -> memref<128x128xf32, #tpu.memory_space<vmem>>
    %dma_start3A_1350 = arith.constant 0 : i32
    %dma_start3A_1351 = tpu.memref_slice %arg6[%dma_start3A, %dma_start3A_1350] : memref<8x128xi32, #tpu.memory_space<vmem>> -> memref<1x128xi32, #tpu.memory_space<vmem>>
    %dma_start3A_1352 = tpu.memref_squeeze %dma_start3A_1351 : memref<1x128xi32, #tpu.memory_space<vmem>> -> memref<128xi32, #tpu.memory_space<vmem>>
    %dma_start3A_1353 = arith.constant 0 : i32
    %dma_start3A_1354 = arith.constant 0 : i32
    %dma_start3A_1355 = tpu.memref_slice %arg3[%dma_start3A_1353, %dma_start3A_1354] : memref<250000x128xf32, #tpu.memory_space<hbm>> -> memref<250000x128xf32, #tpu.memory_space<hbm>>
    tpu.enqueue_indirect_dma source(%dma_start3A_1355 : memref<250000x128xf32, #tpu.memory_space<hbm>>) target(%dma_start3A_1349 : memref<128x128xf32, #tpu.memory_space<vmem>>) offsets(%dma_start3A_1352 : memref<128xi32, #tpu.memory_space<vmem>>) semaphore(%arg11 : memref<!tpu.dma_semaphore, #tpu.memory_space<semaphore_mem>>)
    %dma_start3A_1356 = arith.constant 4 : i32
    %dma_start3A_1357 = arith.constant 0 : i32
    %dma_start3A_1358 = arith.constant 0 : i32
    %dma_start3A_1359 = tpu.memref_slice %arg9[%dma_start3A_1357, %dma_start3A_1358] : memref<256x128xf32, #tpu.memory_space<vmem>> -> memref<128x128xf32, #tpu.memory_space<vmem>>
    %dma_start3A_1360 = arith.constant 0 : i32
    %dma_start3A_1361 = tpu.memref_slice %arg6[%dma_start3A_1356, %dma_start3A_1360] : memref<8x128xi32, #tpu.memory_space<vmem>> -> memref<1x128xi32, #tpu.memory_space<vmem>>
    %dma_start3A_1362 = tpu.memref_squeeze %dma_start3A_1361 : memref<1x128xi32, #tpu.memory_space<vmem>> -> memref<128xi32, #tpu.memory_space<vmem>>
    %dma_start3A_1363 = arith.constant 0 : i32
    %dma_start3A_1364 = arith.constant 0 : i32
    %dma_start3A_1365 = tpu.memref_slice %arg3[%dma_start3A_1363, %dma_start3A_1364] : memref<250000x128xf32, #tpu.memory_space<hbm>> -> memref<250000x128xf32, #tpu.memory_space<hbm>>
    tpu.enqueue_indirect_dma source(%dma_start3A_1365 : memref<250000x128xf32, #tpu.memory_space<hbm>>) target(%dma_start3A_1359 : memref<128x128xf32, #tpu.memory_space<vmem>>) offsets(%dma_start3A_1362 : memref<128xi32, #tpu.memory_space<vmem>>) semaphore(%arg11 : memref<!tpu.dma_semaphore, #tpu.memory_space<semaphore_mem>>)
    %dma_start3A_1366 = arith.constant 1 : i32
    %dma_start3A_1367 = arith.constant 128 : i32
    %dma_start3A_1368 = arith.constant 0 : i32
    %dma_start3A_1369 = tpu.memref_slice %arg8[%dma_start3A_1367, %dma_start3A_1368] : memref<256x128xf32, #tpu.memory_space<vmem>> -> memref<128x128xf32, #tpu.memory_space<vmem>>
    %dma_start3A_1370 = arith.constant 0 : i32
    %dma_start3A_1371 = tpu.memref_slice %arg6[%dma_start3A_1366, %dma_start3A_1370] : memref<8x128xi32, #tpu.memory_space<vmem>> -> memref<1x128xi32, #tpu.memory_space<vmem>>
    %dma_start3A_1372 = tpu.memref_squeeze %dma_start3A_1371 : memref<1x128xi32, #tpu.memory_space<vmem>> -> memref<128xi32, #tpu.memory_space<vmem>>
    %dma_start3A_1373 = arith.constant 0 : i32
    %dma_start3A_1374 = arith.constant 0 : i32
    %dma_start3A_1375 = tpu.memref_slice %arg3[%dma_start3A_1373, %dma_start3A_1374] : memref<250000x128xf32, #tpu.memory_space<hbm>> -> memref<250000x128xf32, #tpu.memory_space<hbm>>
    tpu.enqueue_indirect_dma source(%dma_start3A_1375 : memref<250000x128xf32, #tpu.memory_space<hbm>>) target(%dma_start3A_1369 : memref<128x128xf32, #tpu.memory_space<vmem>>) offsets(%dma_start3A_1372 : memref<128xi32, #tpu.memory_space<vmem>>) semaphore(%arg11 : memref<!tpu.dma_semaphore, #tpu.memory_space<semaphore_mem>>)
    %dma_start3A_1376 = arith.constant 5 : i32
    %dma_start3A_1377 = arith.constant 128 : i32
    %dma_start3A_1378 = arith.constant 0 : i32
    %dma_start3A_1379 = tpu.memref_slice %arg9[%dma_start3A_1377, %dma_start3A_1378] : memref<256x128xf32, #tpu.memory_space<vmem>> -> memref<128x128xf32, #tpu.memory_space<vmem>>
    %dma_start3A_1380 = arith.constant 0 : i32
    %dma_start3A_1381 = tpu.memref_slice %arg6[%dma_start3A_1376, %dma_start3A_1380] : memref<8x128xi32, #tpu.memory_space<vmem>> -> memref<1x128xi32, #tpu.memory_space<vmem>>
    %dma_start3A_1382 = tpu.memref_squeeze %dma_start3A_1381 : memref<1x128xi32, #tpu.memory_space<vmem>> -> memref<128xi32, #tpu.memory_space<vmem>>
    %dma_start3A_1383 = arith.constant 0 : i32
    %dma_start3A_1384 = arith.constant 0 : i32
    %dma_start3A_1385 = tpu.memref_slice %arg3[%dma_start3A_1383, %dma_start3A_1384] : memref<250000x128xf32, #tpu.memory_space<hbm>> -> memref<250000x128xf32, #tpu.memory_space<hbm>>
    tpu.enqueue_indirect_dma source(%dma_start3A_1385 : memref<250000x128xf32, #tpu.memory_space<hbm>>) target(%dma_start3A_1379 : memref<128x128xf32, #tpu.memory_space<vmem>>) offsets(%dma_start3A_1382 : memref<128xi32, #tpu.memory_space<vmem>>) semaphore(%arg11 : memref<!tpu.dma_semaphore, #tpu.memory_space<semaphore_mem>>)
    %dma_wait3A = arith.constant 0 : i32
    %dma_wait3A_1386 = arith.constant 0 : i32
    %dma_wait3A_1387 = arith.constant 0 : i32
    %dma_wait3A_1388 = tpu.memref_slice %arg8[%dma_wait3A_1386, %dma_wait3A_1387] : memref<256x128xf32, #tpu.memory_space<vmem>> -> memref<128x128xf32, #tpu.memory_space<vmem>>
    %dma_wait3A_1389 = arith.constant 0 : i32
    %dma_wait3A_1390 = tpu.memref_slice %arg6[%dma_wait3A, %dma_wait3A_1389] : memref<8x128xi32, #tpu.memory_space<vmem>> -> memref<1x128xi32, #tpu.memory_space<vmem>>
    %dma_wait3A_1391 = tpu.memref_squeeze %dma_wait3A_1390 : memref<1x128xi32, #tpu.memory_space<vmem>> -> memref<128xi32, #tpu.memory_space<vmem>>
    %dma_wait3A_1392 = arith.constant 0 : i32
    %dma_wait3A_1393 = arith.constant 0 : i32
    %dma_wait3A_1394 = tpu.memref_slice %arg3[%dma_wait3A_1392, %dma_wait3A_1393] : memref<250000x128xf32, #tpu.memory_space<hbm>> -> memref<250000x128xf32, #tpu.memory_space<hbm>>
    tpu.wait_indirect_dma semaphore(%arg11 : memref<!tpu.dma_semaphore, #tpu.memory_space<semaphore_mem>>) src(%dma_wait3A_1394 : memref<250000x128xf32, #tpu.memory_space<hbm>>) dst(%dma_wait3A_1388 : memref<128x128xf32, #tpu.memory_space<vmem>>)
    %dma_wait3A_1395 = arith.constant 4 : i32
    %dma_wait3A_1396 = arith.constant 0 : i32
    %dma_wait3A_1397 = arith.constant 0 : i32
    %dma_wait3A_1398 = tpu.memref_slice %arg9[%dma_wait3A_1396, %dma_wait3A_1397] : memref<256x128xf32, #tpu.memory_space<vmem>> -> memref<128x128xf32, #tpu.memory_space<vmem>>
    %dma_wait3A_1399 = arith.constant 0 : i32
    %dma_wait3A_1400 = tpu.memref_slice %arg6[%dma_wait3A_1395, %dma_wait3A_1399] : memref<8x128xi32, #tpu.memory_space<vmem>> -> memref<1x128xi32, #tpu.memory_space<vmem>>
    %dma_wait3A_1401 = tpu.memref_squeeze %dma_wait3A_1400 : memref<1x128xi32, #tpu.memory_space<vmem>> -> memref<128xi32, #tpu.memory_space<vmem>>
    %dma_wait3A_1402 = arith.constant 0 : i32
    %dma_wait3A_1403 = arith.constant 0 : i32
    %dma_wait3A_1404 = tpu.memref_slice %arg3[%dma_wait3A_1402, %dma_wait3A_1403] : memref<250000x128xf32, #tpu.memory_space<hbm>> -> memref<250000x128xf32, #tpu.memory_space<hbm>>
    tpu.wait_indirect_dma semaphore(%arg11 : memref<!tpu.dma_semaphore, #tpu.memory_space<semaphore_mem>>) src(%dma_wait3A_1404 : memref<250000x128xf32, #tpu.memory_space<hbm>>) dst(%dma_wait3A_1398 : memref<128x128xf32, #tpu.memory_space<vmem>>)
    %dma_wait3A_1405 = arith.constant 1 : i32
    %dma_wait3A_1406 = arith.constant 128 : i32
    %dma_wait3A_1407 = arith.constant 0 : i32
    %dma_wait3A_1408 = tpu.memref_slice %arg8[%dma_wait3A_1406, %dma_wait3A_1407] : memref<256x128xf32, #tpu.memory_space<vmem>> -> memref<128x128xf32, #tpu.memory_space<vmem>>
    %dma_wait3A_1409 = arith.constant 0 : i32
    %dma_wait3A_1410 = tpu.memref_slice %arg6[%dma_wait3A_1405, %dma_wait3A_1409] : memref<8x128xi32, #tpu.memory_space<vmem>> -> memref<1x128xi32, #tpu.memory_space<vmem>>
    %dma_wait3A_1411 = tpu.memref_squeeze %dma_wait3A_1410 : memref<1x128xi32, #tpu.memory_space<vmem>> -> memref<128xi32, #tpu.memory_space<vmem>>
    %dma_wait3A_1412 = arith.constant 0 : i32
    %dma_wait3A_1413 = arith.constant 0 : i32
    %dma_wait3A_1414 = tpu.memref_slice %arg3[%dma_wait3A_1412, %dma_wait3A_1413] : memref<250000x128xf32, #tpu.memory_space<hbm>> -> memref<250000x128xf32, #tpu.memory_space<hbm>>
    tpu.wait_indirect_dma semaphore(%arg11 : memref<!tpu.dma_semaphore, #tpu.memory_space<semaphore_mem>>) src(%dma_wait3A_1414 : memref<250000x128xf32, #tpu.memory_space<hbm>>) dst(%dma_wait3A_1408 : memref<128x128xf32, #tpu.memory_space<vmem>>)
    %dma_wait3A_1415 = arith.constant 5 : i32
    %dma_wait3A_1416 = arith.constant 128 : i32
    %dma_wait3A_1417 = arith.constant 0 : i32
    %dma_wait3A_1418 = tpu.memref_slice %arg9[%dma_wait3A_1416, %dma_wait3A_1417] : memref<256x128xf32, #tpu.memory_space<vmem>> -> memref<128x128xf32, #tpu.memory_space<vmem>>
    %dma_wait3A_1419 = arith.constant 0 : i32
    %dma_wait3A_1420 = tpu.memref_slice %arg6[%dma_wait3A_1415, %dma_wait3A_1419] : memref<8x128xi32, #tpu.memory_space<vmem>> -> memref<1x128xi32, #tpu.memory_space<vmem>>
    %dma_wait3A_1421 = tpu.memref_squeeze %dma_wait3A_1420 : memref<1x128xi32, #tpu.memory_space<vmem>> -> memref<128xi32, #tpu.memory_space<vmem>>
    %dma_wait3A_1422 = arith.constant 0 : i32
    %dma_wait3A_1423 = arith.constant 0 : i32
    %dma_wait3A_1424 = tpu.memref_slice %arg3[%dma_wait3A_1422, %dma_wait3A_1423] : memref<250000x128xf32, #tpu.memory_space<hbm>> -> memref<250000x128xf32, #tpu.memory_space<hbm>>
    tpu.wait_indirect_dma semaphore(%arg11 : memref<!tpu.dma_semaphore, #tpu.memory_space<semaphore_mem>>) src(%dma_wait3A_1424 : memref<250000x128xf32, #tpu.memory_space<hbm>>) dst(%dma_wait3A_1418 : memref<128x128xf32, #tpu.memory_space<vmem>>)
    %scan3A = arith.constant 0 : i32
    %scan3A_1425 = arith.constant 0 : i32
    %scan3A_1426 = arith.constant 16 : i32
    %scan3A_1427 = arith.addi %scan3A_1425, %scan3A_1426 : i32
    %scan3A_1428 = arith.constant 1 : i32
    scf.for %scan3A_1516 = %scan3A_1425 to %scan3A_1427 step %scan3A_1428  : i32 {
      %mul3A_1517 = arith.constant 16 : i32
      %mul3A_1518 = arith.muli %scan3A_1516, %mul3A_1517 : i32
      %add3A_1519 = arith.constant 0 : i32
      %add3A_1520 = arith.addi %add3A_1519, %mul3A_1518 : i32
      %mul3A_1521 = arith.constant 16 : i32
      %mul3A_1522 = arith.muli %scan3A_1516, %mul3A_1521 : i32
      %add3A_1523 = vector.broadcast %mul3A_1522 : i32 to vector<16xi32>
      %add3A_1524 = arith.addi %iota3A, %add3A_1523 : vector<16xi32>
      %broadcast_in_dim3A = arith.constant 0 : i32
      %broadcast_in_dim3A_1525 = vector.broadcast %broadcast_in_dim3A : i32 to vector<16xi32>
      %add3A_1526 = vector.broadcast %add3A_1520 : i32 to vector<16xi32>
      %add3A_1527 = arith.addi %iota3A, %add3A_1526 : vector<16xi32>
      %gather3A_1528 = tpu.vector_load_idx %arg7[%broadcast_in_dim3A_1525, %add3A_1527] : memref<2x512xi32, #tpu.memory_space<vmem>>[vector<16xi32>, vector<16xi32>], vector<16xi32>,
      %broadcast_in_dim3A_1529 = arith.constant 1 : i32
      %broadcast_in_dim3A_1530 = vector.broadcast %broadcast_in_dim3A_1529 : i32 to vector<16xi32>
      %add3A_1531 = vector.broadcast %add3A_1520 : i32 to vector<16xi32>
      %add3A_1532 = arith.addi %iota3A, %add3A_1531 : vector<16xi32>
      %gather3A_1533 = tpu.vector_load_idx %arg7[%broadcast_in_dim3A_1530, %add3A_1532] : memref<2x512xi32, #tpu.memory_space<vmem>>[vector<16xi32>, vector<16xi32>], vector<16xi32>,
      %broadcast_in_dim3A_1534 = arith.constant 0.000000e+00 : f32
      %broadcast_in_dim3A_1535 = vector.broadcast %broadcast_in_dim3A_1534 : f32 to vector<16xf32>
      %add3A_1536 = arith.constant 0 : i32
      %add3A_1537 = vector.broadcast %add3A_1536 : i32 to vector<16xi32>
      %add3A_1538 = arith.addi %gather3A_1528, %add3A_1537 : vector<16xi32>
      %gather3A_1539 = tpu.vector_load_idx %arg8[%add3A_1524, %add3A_1538] : memref<256x128xf32, #tpu.memory_space<vmem>>[vector<16xi32>, vector<16xi32>], vector<16xf32>,
      %add3A_1540 = arith.constant 0 : i32
      %add3A_1541 = vector.broadcast %add3A_1540 : i32 to vector<16xi32>
      %add3A_1542 = arith.addi %gather3A_1533, %add3A_1541 : vector<16xi32>
      %gather3A_1543 = tpu.vector_load_idx %arg9[%add3A_1524, %add3A_1542] : memref<256x128xf32, #tpu.memory_space<vmem>>[vector<16xi32>, vector<16xi32>], vector<16xf32>,
      %mul3A_1544 = arith.mulf %gather3A_1539, %gather3A_1543 : vector<16xf32>
      %add3A_1545 = arith.addf %broadcast_in_dim3A_1535, %mul3A_1544 : vector<16xf32>
      %add3A_1546 = arith.constant 1 : i32
      %add3A_1547 = vector.broadcast %add3A_1546 : i32 to vector<16xi32>
      %add3A_1548 = arith.addi %gather3A_1528, %add3A_1547 : vector<16xi32>
      %gather3A_1549 = tpu.vector_load_idx %arg8[%add3A_1524, %add3A_1548] : memref<256x128xf32, #tpu.memory_space<vmem>>[vector<16xi32>, vector<16xi32>], vector<16xf32>,
      %add3A_1550 = arith.constant 1 : i32
      %add3A_1551 = vector.broadcast %add3A_1550 : i32 to vector<16xi32>
      %add3A_1552 = arith.addi %gather3A_1533, %add3A_1551 : vector<16xi32>
      %gather3A_1553 = tpu.vector_load_idx %arg9[%add3A_1524, %add3A_1552] : memref<256x128xf32, #tpu.memory_space<vmem>>[vector<16xi32>, vector<16xi32>], vector<16xf32>,
      %mul3A_1554 = arith.mulf %gather3A_1549, %gather3A_1553 : vector<16xf32>
      %add3A_1555 = arith.addf %add3A_1545, %mul3A_1554 : vector<16xf32>
      %add3A_1556 = arith.constant 2 : i32
      %add3A_1557 = vector.broadcast %add3A_1556 : i32 to vector<16xi32>
      %add3A_1558 = arith.addi %gather3A_1528, %add3A_1557 : vector<16xi32>
      %gather3A_1559 = tpu.vector_load_idx %arg8[%add3A_1524, %add3A_1558] : memref<256x128xf32, #tpu.memory_space<vmem>>[vector<16xi32>, vector<16xi32>], vector<16xf32>,
      %add3A_1560 = arith.constant 2 : i32
      %add3A_1561 = vector.broadcast %add3A_1560 : i32 to vector<16xi32>
      %add3A_1562 = arith.addi %gather3A_1533, %add3A_1561 : vector<16xi32>
      %gather3A_1563 = tpu.vector_load_idx %arg9[%add3A_1524, %add3A_1562] : memref<256x128xf32, #tpu.memory_space<vmem>>[vector<16xi32>, vector<16xi32>], vector<16xf32>,
      %mul3A_1564 = arith.mulf %gather3A_1559, %gather3A_1563 : vector<16xf32>
      %add3A_1565 = arith.addf %add3A_1555, %mul3A_1564 : vector<16xf32>
      %add3A_1566 = arith.constant 3 : i32
      %add3A_1567 = vector.broadcast %add3A_1566 : i32 to vector<16xi32>
      %add3A_1568 = arith.addi %gather3A_1528, %add3A_1567 : vector<16xi32>
      %gather3A_1569 = tpu.vector_load_idx %arg8[%add3A_1524, %add3A_1568] : memref<256x128xf32, #tpu.memory_space<vmem>>[vector<16xi32>, vector<16xi32>], vector<16xf32>,
      %add3A_1570 = arith.constant 3 : i32
      %add3A_1571 = vector.broadcast %add3A_1570 : i32 to vector<16xi32>
      %add3A_1572 = arith.addi %gather3A_1533, %add3A_1571 : vector<16xi32>
      %gather3A_1573 = tpu.vector_load_idx %arg9[%add3A_1524, %add3A_1572] : memref<256x128xf32, #tpu.memory_space<vmem>>[vector<16xi32>, vector<16xi32>], vector<16xf32>,
      %mul3A_1574 = arith.mulf %gather3A_1569, %gather3A_1573 : vector<16xf32>
      %add3A_1575 = arith.addf %add3A_1565, %mul3A_1574 : vector<16xf32>
      %add3A_1576 = arith.constant 4 : i32
      %add3A_1577 = vector.broadcast %add3A_1576 : i32 to vector<16xi32>
      %add3A_1578 = arith.addi %gather3A_1528, %add3A_1577 : vector<16xi32>
      %gather3A_1579 = tpu.vector_load_idx %arg8[%add3A_1524, %add3A_1578] : memref<256x128xf32, #tpu.memory_space<vmem>>[vector<16xi32>, vector<16xi32>], vector<16xf32>,
      %add3A_1580 = arith.constant 4 : i32
      %add3A_1581 = vector.broadcast %add3A_1580 : i32 to vector<16xi32>
      %add3A_1582 = arith.addi %gather3A_1533, %add3A_1581 : vector<16xi32>
      %gather3A_1583 = tpu.vector_load_idx %arg9[%add3A_1524, %add3A_1582] : memref<256x128xf32, #tpu.memory_space<vmem>>[vector<16xi32>, vector<16xi32>], vector<16xf32>,
      %mul3A_1584 = arith.mulf %gather3A_1579, %gather3A_1583 : vector<16xf32>
      %add3A_1585 = arith.addf %add3A_1575, %mul3A_1584 : vector<16xf32>
      %add3A_1586 = arith.constant 5 : i32
      %add3A_1587 = vector.broadcast %add3A_1586 : i32 to vector<16xi32>
      %add3A_1588 = arith.addi %gather3A_1528, %add3A_1587 : vector<16xi32>
      %gather3A_1589 = tpu.vector_load_idx %arg8[%add3A_1524, %add3A_1588] : memref<256x128xf32, #tpu.memory_space<vmem>>[vector<16xi32>, vector<16xi32>], vector<16xf32>,
      %add3A_1590 = arith.constant 5 : i32
      %add3A_1591 = vector.broadcast %add3A_1590 : i32 to vector<16xi32>
      %add3A_1592 = arith.addi %gather3A_1533, %add3A_1591 : vector<16xi32>
      %gather3A_1593 = tpu.vector_load_idx %arg9[%add3A_1524, %add3A_1592] : memref<256x128xf32, #tpu.memory_space<vmem>>[vector<16xi32>, vector<16xi32>], vector<16xf32>,
      %mul3A_1594 = arith.mulf %gather3A_1589, %gather3A_1593 : vector<16xf32>
      %add3A_1595 = arith.addf %add3A_1585, %mul3A_1594 : vector<16xf32>
      %add3A_1596 = arith.constant 6 : i32
      %add3A_1597 = vector.broadcast %add3A_1596 : i32 to vector<16xi32>
      %add3A_1598 = arith.addi %gather3A_1528, %add3A_1597 : vector<16xi32>
      %gather3A_1599 = tpu.vector_load_idx %arg8[%add3A_1524, %add3A_1598] : memref<256x128xf32, #tpu.memory_space<vmem>>[vector<16xi32>, vector<16xi32>], vector<16xf32>,
      %add3A_1600 = arith.constant 6 : i32
      %add3A_1601 = vector.broadcast %add3A_1600 : i32 to vector<16xi32>
      %add3A_1602 = arith.addi %gather3A_1533, %add3A_1601 : vector<16xi32>
      %gather3A_1603 = tpu.vector_load_idx %arg9[%add3A_1524, %add3A_1602] : memref<256x128xf32, #tpu.memory_space<vmem>>[vector<16xi32>, vector<16xi32>], vector<16xf32>,
      %mul3A_1604 = arith.mulf %gather3A_1599, %gather3A_1603 : vector<16xf32>
      %add3A_1605 = arith.addf %add3A_1595, %mul3A_1604 : vector<16xf32>
      %add3A_1606 = arith.constant 7 : i32
      %add3A_1607 = vector.broadcast %add3A_1606 : i32 to vector<16xi32>
      %add3A_1608 = arith.addi %gather3A_1528, %add3A_1607 : vector<16xi32>
      %gather3A_1609 = tpu.vector_load_idx %arg8[%add3A_1524, %add3A_1608] : memref<256x128xf32, #tpu.memory_space<vmem>>[vector<16xi32>, vector<16xi32>], vector<16xf32>,
      %add3A_1610 = arith.constant 7 : i32
      %add3A_1611 = vector.broadcast %add3A_1610 : i32 to vector<16xi32>
      %add3A_1612 = arith.addi %gather3A_1533, %add3A_1611 : vector<16xi32>
      %gather3A_1613 = tpu.vector_load_idx %arg9[%add3A_1524, %add3A_1612] : memref<256x128xf32, #tpu.memory_space<vmem>>[vector<16xi32>, vector<16xi32>], vector<16xf32>,
      %mul3A_1614 = arith.mulf %gather3A_1609, %gather3A_1613 : vector<16xf32>
      %add3A_1615 = arith.addf %add3A_1605, %mul3A_1614 : vector<16xf32>
      %add3A_1616 = arith.constant 8 : i32
      %add3A_1617 = vector.broadcast %add3A_1616 : i32 to vector<16xi32>
      %add3A_1618 = arith.addi %gather3A_1528, %add3A_1617 : vector<16xi32>
      %gather3A_1619 = tpu.vector_load_idx %arg8[%add3A_1524, %add3A_1618] : memref<256x128xf32, #tpu.memory_space<vmem>>[vector<16xi32>, vector<16xi32>], vector<16xf32>,
      %add3A_1620 = arith.constant 8 : i32
      %add3A_1621 = vector.broadcast %add3A_1620 : i32 to vector<16xi32>
      %add3A_1622 = arith.addi %gather3A_1533, %add3A_1621 : vector<16xi32>
      %gather3A_1623 = tpu.vector_load_idx %arg9[%add3A_1524, %add3A_1622] : memref<256x128xf32, #tpu.memory_space<vmem>>[vector<16xi32>, vector<16xi32>], vector<16xf32>,
      %mul3A_1624 = arith.mulf %gather3A_1619, %gather3A_1623 : vector<16xf32>
      %add3A_1625 = arith.addf %add3A_1615, %mul3A_1624 : vector<16xf32>
      %add3A_1626 = arith.constant 9 : i32
      %add3A_1627 = vector.broadcast %add3A_1626 : i32 to vector<16xi32>
      %add3A_1628 = arith.addi %gather3A_1528, %add3A_1627 : vector<16xi32>
      %gather3A_1629 = tpu.vector_load_idx %arg8[%add3A_1524, %add3A_1628] : memref<256x128xf32, #tpu.memory_space<vmem>>[vector<16xi32>, vector<16xi32>], vector<16xf32>,
      %add3A_1630 = arith.constant 9 : i32
      %add3A_1631 = vector.broadcast %add3A_1630 : i32 to vector<16xi32>
      %add3A_1632 = arith.addi %gather3A_1533, %add3A_1631 : vector<16xi32>
      %gather3A_1633 = tpu.vector_load_idx %arg9[%add3A_1524, %add3A_1632] : memref<256x128xf32, #tpu.memory_space<vmem>>[vector<16xi32>, vector<16xi32>], vector<16xf32>,
      %mul3A_1634 = arith.mulf %gather3A_1629, %gather3A_1633 : vector<16xf32>
      %add3A_1635 = arith.addf %add3A_1625, %mul3A_1634 : vector<16xf32>
      %add3A_1636 = arith.constant 10 : i32
      %add3A_1637 = vector.broadcast %add3A_1636 : i32 to vector<16xi32>
      %add3A_1638 = arith.addi %gather3A_1528, %add3A_1637 : vector<16xi32>
      %gather3A_1639 = tpu.vector_load_idx %arg8[%add3A_1524, %add3A_1638] : memref<256x128xf32, #tpu.memory_space<vmem>>[vector<16xi32>, vector<16xi32>], vector<16xf32>,
      %add3A_1640 = arith.constant 10 : i32
      %add3A_1641 = vector.broadcast %add3A_1640 : i32 to vector<16xi32>
      %add3A_1642 = arith.addi %gather3A_1533, %add3A_1641 : vector<16xi32>
      %gather3A_1643 = tpu.vector_load_idx %arg9[%add3A_1524, %add3A_1642] : memref<256x128xf32, #tpu.memory_space<vmem>>[vector<16xi32>, vector<16xi32>], vector<16xf32>,
      %mul3A_1644 = arith.mulf %gather3A_1639, %gather3A_1643 : vector<16xf32>
      %add3A_1645 = arith.addf %add3A_1635, %mul3A_1644 : vector<16xf32>
      %add3A_1646 = arith.constant 11 : i32
      %add3A_1647 = vector.broadcast %add3A_1646 : i32 to vector<16xi32>
      %add3A_1648 = arith.addi %gather3A_1528, %add3A_1647 : vector<16xi32>
      %gather3A_1649 = tpu.vector_load_idx %arg8[%add3A_1524, %add3A_1648] : memref<256x128xf32, #tpu.memory_space<vmem>>[vector<16xi32>, vector<16xi32>], vector<16xf32>,
      %add3A_1650 = arith.constant 11 : i32
      %add3A_1651 = vector.broadcast %add3A_1650 : i32 to vector<16xi32>
      %add3A_1652 = arith.addi %gather3A_1533, %add3A_1651 : vector<16xi32>
      %gather3A_1653 = tpu.vector_load_idx %arg9[%add3A_1524, %add3A_1652] : memref<256x128xf32, #tpu.memory_space<vmem>>[vector<16xi32>, vector<16xi32>], vector<16xf32>,
      %mul3A_1654 = arith.mulf %gather3A_1649, %gather3A_1653 : vector<16xf32>
      %add3A_1655 = arith.addf %add3A_1645, %mul3A_1654 : vector<16xf32>
      %add3A_1656 = arith.constant 12 : i32
      %add3A_1657 = vector.broadcast %add3A_1656 : i32 to vector<16xi32>
      %add3A_1658 = arith.addi %gather3A_1528, %add3A_1657 : vector<16xi32>
      %gather3A_1659 = tpu.vector_load_idx %arg8[%add3A_1524, %add3A_1658] : memref<256x128xf32, #tpu.memory_space<vmem>>[vector<16xi32>, vector<16xi32>], vector<16xf32>,
      %add3A_1660 = arith.constant 12 : i32
      %add3A_1661 = vector.broadcast %add3A_1660 : i32 to vector<16xi32>
      %add3A_1662 = arith.addi %gather3A_1533, %add3A_1661 : vector<16xi32>
      %gather3A_1663 = tpu.vector_load_idx %arg9[%add3A_1524, %add3A_1662] : memref<256x128xf32, #tpu.memory_space<vmem>>[vector<16xi32>, vector<16xi32>], vector<16xf32>,
      %mul3A_1664 = arith.mulf %gather3A_1659, %gather3A_1663 : vector<16xf32>
      %add3A_1665 = arith.addf %add3A_1655, %mul3A_1664 : vector<16xf32>
      %add3A_1666 = arith.constant 13 : i32
      %add3A_1667 = vector.broadcast %add3A_1666 : i32 to vector<16xi32>
      %add3A_1668 = arith.addi %gather3A_1528, %add3A_1667 : vector<16xi32>
      %gather3A_1669 = tpu.vector_load_idx %arg8[%add3A_1524, %add3A_1668] : memref<256x128xf32, #tpu.memory_space<vmem>>[vector<16xi32>, vector<16xi32>], vector<16xf32>,
      %add3A_1670 = arith.constant 13 : i32
      %add3A_1671 = vector.broadcast %add3A_1670 : i32 to vector<16xi32>
      %add3A_1672 = arith.addi %gather3A_1533, %add3A_1671 : vector<16xi32>
      %gather3A_1673 = tpu.vector_load_idx %arg9[%add3A_1524, %add3A_1672] : memref<256x128xf32, #tpu.memory_space<vmem>>[vector<16xi32>, vector<16xi32>], vector<16xf32>,
      %mul3A_1674 = arith.mulf %gather3A_1669, %gather3A_1673 : vector<16xf32>
      %add3A_1675 = arith.addf %add3A_1665, %mul3A_1674 : vector<16xf32>
      %add3A_1676 = arith.constant 14 : i32
      %add3A_1677 = vector.broadcast %add3A_1676 : i32 to vector<16xi32>
      %add3A_1678 = arith.addi %gather3A_1528, %add3A_1677 : vector<16xi32>
      %gather3A_1679 = tpu.vector_load_idx %arg8[%add3A_1524, %add3A_1678] : memref<256x128xf32, #tpu.memory_space<vmem>>[vector<16xi32>, vector<16xi32>], vector<16xf32>,
      %add3A_1680 = arith.constant 14 : i32
      %add3A_1681 = vector.broadcast %add3A_1680 : i32 to vector<16xi32>
      %add3A_1682 = arith.addi %gather3A_1533, %add3A_1681 : vector<16xi32>
      %gather3A_1683 = tpu.vector_load_idx %arg9[%add3A_1524, %add3A_1682] : memref<256x128xf32, #tpu.memory_space<vmem>>[vector<16xi32>, vector<16xi32>], vector<16xf32>,
      %mul3A_1684 = arith.mulf %gather3A_1679, %gather3A_1683 : vector<16xf32>
      %add3A_1685 = arith.addf %add3A_1675, %mul3A_1684 : vector<16xf32>
      %add3A_1686 = arith.constant 15 : i32
      %add3A_1687 = vector.broadcast %add3A_1686 : i32 to vector<16xi32>
      %add3A_1688 = arith.addi %gather3A_1528, %add3A_1687 : vector<16xi32>
      %gather3A_1689 = tpu.vector_load_idx %arg8[%add3A_1524, %add3A_1688] : memref<256x128xf32, #tpu.memory_space<vmem>>[vector<16xi32>, vector<16xi32>], vector<16xf32>,
      %add3A_1690 = arith.constant 15 : i32
      %add3A_1691 = vector.broadcast %add3A_1690 : i32 to vector<16xi32>
      %add3A_1692 = arith.addi %gather3A_1533, %add3A_1691 : vector<16xi32>
      %gather3A_1693 = tpu.vector_load_idx %arg9[%add3A_1524, %add3A_1692] : memref<256x128xf32, #tpu.memory_space<vmem>>[vector<16xi32>, vector<16xi32>], vector<16xf32>,
      %mul3A_1694 = arith.mulf %gather3A_1689, %gather3A_1693 : vector<16xf32>
      %add3A_1695 = arith.addf %add3A_1685, %mul3A_1694 : vector<16xf32>
      %add3A_1696 = arith.constant 16 : i32
      %add3A_1697 = vector.broadcast %add3A_1696 : i32 to vector<16xi32>
      %add3A_1698 = arith.addi %gather3A_1528, %add3A_1697 : vector<16xi32>
      %gather3A_1699 = tpu.vector_load_idx %arg8[%add3A_1524, %add3A_1698] : memref<256x128xf32, #tpu.memory_space<vmem>>[vector<16xi32>, vector<16xi32>], vector<16xf32>,
      %add3A_1700 = arith.constant 16 : i32
      %add3A_1701 = vector.broadcast %add3A_1700 : i32 to vector<16xi32>
      %add3A_1702 = arith.addi %gather3A_1533, %add3A_1701 : vector<16xi32>
      %gather3A_1703 = tpu.vector_load_idx %arg9[%add3A_1524, %add3A_1702] : memref<256x128xf32, #tpu.memory_space<vmem>>[vector<16xi32>, vector<16xi32>], vector<16xf32>,
      %mul3A_1704 = arith.mulf %gather3A_1699, %gather3A_1703 : vector<16xf32>
      %add3A_1705 = arith.addf %add3A_1695, %mul3A_1704 : vector<16xf32>
      %add3A_1706 = arith.constant 17 : i32
      %add3A_1707 = vector.broadcast %add3A_1706 : i32 to vector<16xi32>
      %add3A_1708 = arith.addi %gather3A_1528, %add3A_1707 : vector<16xi32>
      %gather3A_1709 = tpu.vector_load_idx %arg8[%add3A_1524, %add3A_1708] : memref<256x128xf32, #tpu.memory_space<vmem>>[vector<16xi32>, vector<16xi32>], vector<16xf32>,
      %add3A_1710 = arith.constant 17 : i32
      %add3A_1711 = vector.broadcast %add3A_1710 : i32 to vector<16xi32>
      %add3A_1712 = arith.addi %gather3A_1533, %add3A_1711 : vector<16xi32>
      %gather3A_1713 = tpu.vector_load_idx %arg9[%add3A_1524, %add3A_1712] : memref<256x128xf32, #tpu.memory_space<vmem>>[vector<16xi32>, vector<16xi32>], vector<16xf32>,
      %mul3A_1714 = arith.mulf %gather3A_1709, %gather3A_1713 : vector<16xf32>
      %add3A_1715 = arith.addf %add3A_1705, %mul3A_1714 : vector<16xf32>
      %add3A_1716 = arith.constant 18 : i32
      %add3A_1717 = vector.broadcast %add3A_1716 : i32 to vector<16xi32>
      %add3A_1718 = arith.addi %gather3A_1528, %add3A_1717 : vector<16xi32>
      %gather3A_1719 = tpu.vector_load_idx %arg8[%add3A_1524, %add3A_1718] : memref<256x128xf32, #tpu.memory_space<vmem>>[vector<16xi32>, vector<16xi32>], vector<16xf32>,
      %add3A_1720 = arith.constant 18 : i32
      %add3A_1721 = vector.broadcast %add3A_1720 : i32 to vector<16xi32>
      %add3A_1722 = arith.addi %gather3A_1533, %add3A_1721 : vector<16xi32>
      %gather3A_1723 = tpu.vector_load_idx %arg9[%add3A_1524, %add3A_1722] : memref<256x128xf32, #tpu.memory_space<vmem>>[vector<16xi32>, vector<16xi32>], vector<16xf32>,
      %mul3A_1724 = arith.mulf %gather3A_1719, %gather3A_1723 : vector<16xf32>
      %add3A_1725 = arith.addf %add3A_1715, %mul3A_1724 : vector<16xf32>
      %add3A_1726 = arith.constant 19 : i32
      %add3A_1727 = vector.broadcast %add3A_1726 : i32 to vector<16xi32>
      %add3A_1728 = arith.addi %gather3A_1528, %add3A_1727 : vector<16xi32>
      %gather3A_1729 = tpu.vector_load_idx %arg8[%add3A_1524, %add3A_1728] : memref<256x128xf32, #tpu.memory_space<vmem>>[vector<16xi32>, vector<16xi32>], vector<16xf32>,
      %add3A_1730 = arith.constant 19 : i32
      %add3A_1731 = vector.broadcast %add3A_1730 : i32 to vector<16xi32>
      %add3A_1732 = arith.addi %gather3A_1533, %add3A_1731 : vector<16xi32>
      %gather3A_1733 = tpu.vector_load_idx %arg9[%add3A_1524, %add3A_1732] : memref<256x128xf32, #tpu.memory_space<vmem>>[vector<16xi32>, vector<16xi32>], vector<16xf32>,
      %mul3A_1734 = arith.mulf %gather3A_1729, %gather3A_1733 : vector<16xf32>
      %add3A_1735 = arith.addf %add3A_1725, %mul3A_1734 : vector<16xf32>
      %add3A_1736 = arith.constant 20 : i32
      %add3A_1737 = vector.broadcast %add3A_1736 : i32 to vector<16xi32>
      %add3A_1738 = arith.addi %gather3A_1528, %add3A_1737 : vector<16xi32>
      %gather3A_1739 = tpu.vector_load_idx %arg8[%add3A_1524, %add3A_1738] : memref<256x128xf32, #tpu.memory_space<vmem>>[vector<16xi32>, vector<16xi32>], vector<16xf32>,
      %add3A_1740 = arith.constant 20 : i32
      %add3A_1741 = vector.broadcast %add3A_1740 : i32 to vector<16xi32>
      %add3A_1742 = arith.addi %gather3A_1533, %add3A_1741 : vector<16xi32>
      %gather3A_1743 = tpu.vector_load_idx %arg9[%add3A_1524, %add3A_1742] : memref<256x128xf32, #tpu.memory_space<vmem>>[vector<16xi32>, vector<16xi32>], vector<16xf32>,
      %mul3A_1744 = arith.mulf %gather3A_1739, %gather3A_1743 : vector<16xf32>
      %add3A_1745 = arith.addf %add3A_1735, %mul3A_1744 : vector<16xf32>
      %add3A_1746 = arith.constant 21 : i32
      %add3A_1747 = vector.broadcast %add3A_1746 : i32 to vector<16xi32>
      %add3A_1748 = arith.addi %gather3A_1528, %add3A_1747 : vector<16xi32>
      %gather3A_1749 = tpu.vector_load_idx %arg8[%add3A_1524, %add3A_1748] : memref<256x128xf32, #tpu.memory_space<vmem>>[vector<16xi32>, vector<16xi32>], vector<16xf32>,
      %add3A_1750 = arith.constant 21 : i32
      %add3A_1751 = vector.broadcast %add3A_1750 : i32 to vector<16xi32>
      %add3A_1752 = arith.addi %gather3A_1533, %add3A_1751 : vector<16xi32>
      %gather3A_1753 = tpu.vector_load_idx %arg9[%add3A_1524, %add3A_1752] : memref<256x128xf32, #tpu.memory_space<vmem>>[vector<16xi32>, vector<16xi32>], vector<16xf32>,
      %mul3A_1754 = arith.mulf %gather3A_1749, %gather3A_1753 : vector<16xf32>
      %add3A_1755 = arith.addf %add3A_1745, %mul3A_1754 : vector<16xf32>
      %add3A_1756 = arith.constant 22 : i32
      %add3A_1757 = vector.broadcast %add3A_1756 : i32 to vector<16xi32>
      %add3A_1758 = arith.addi %gather3A_1528, %add3A_1757 : vector<16xi32>
      %gather3A_1759 = tpu.vector_load_idx %arg8[%add3A_1524, %add3A_1758] : memref<256x128xf32, #tpu.memory_space<vmem>>[vector<16xi32>, vector<16xi32>], vector<16xf32>,
      %add3A_1760 = arith.constant 22 : i32
      %add3A_1761 = vector.broadcast %add3A_1760 : i32 to vector<16xi32>
      %add3A_1762 = arith.addi %gather3A_1533, %add3A_1761 : vector<16xi32>
      %gather3A_1763 = tpu.vector_load_idx %arg9[%add3A_1524, %add3A_1762] : memref<256x128xf32, #tpu.memory_space<vmem>>[vector<16xi32>, vector<16xi32>], vector<16xf32>,
      %mul3A_1764 = arith.mulf %gather3A_1759, %gather3A_1763 : vector<16xf32>
      %add3A_1765 = arith.addf %add3A_1755, %mul3A_1764 : vector<16xf32>
      %add3A_1766 = arith.constant 23 : i32
      %add3A_1767 = vector.broadcast %add3A_1766 : i32 to vector<16xi32>
      %add3A_1768 = arith.addi %gather3A_1528, %add3A_1767 : vector<16xi32>
      %gather3A_1769 = tpu.vector_load_idx %arg8[%add3A_1524, %add3A_1768] : memref<256x128xf32, #tpu.memory_space<vmem>>[vector<16xi32>, vector<16xi32>], vector<16xf32>,
      %add3A_1770 = arith.constant 23 : i32
      %add3A_1771 = vector.broadcast %add3A_1770 : i32 to vector<16xi32>
      %add3A_1772 = arith.addi %gather3A_1533, %add3A_1771 : vector<16xi32>
      %gather3A_1773 = tpu.vector_load_idx %arg9[%add3A_1524, %add3A_1772] : memref<256x128xf32, #tpu.memory_space<vmem>>[vector<16xi32>, vector<16xi32>], vector<16xf32>,
      %mul3A_1774 = arith.mulf %gather3A_1769, %gather3A_1773 : vector<16xf32>
      %add3A_1775 = arith.addf %add3A_1765, %mul3A_1774 : vector<16xf32>
      %add3A_1776 = arith.constant 24 : i32
      %add3A_1777 = vector.broadcast %add3A_1776 : i32 to vector<16xi32>
      %add3A_1778 = arith.addi %gather3A_1528, %add3A_1777 : vector<16xi32>
      %gather3A_1779 = tpu.vector_load_idx %arg8[%add3A_1524, %add3A_1778] : memref<256x128xf32, #tpu.memory_space<vmem>>[vector<16xi32>, vector<16xi32>], vector<16xf32>,
      %add3A_1780 = arith.constant 24 : i32
      %add3A_1781 = vector.broadcast %add3A_1780 : i32 to vector<16xi32>
      %add3A_1782 = arith.addi %gather3A_1533, %add3A_1781 : vector<16xi32>
      %gather3A_1783 = tpu.vector_load_idx %arg9[%add3A_1524, %add3A_1782] : memref<256x128xf32, #tpu.memory_space<vmem>>[vector<16xi32>, vector<16xi32>], vector<16xf32>,
      %mul3A_1784 = arith.mulf %gather3A_1779, %gather3A_1783 : vector<16xf32>
      %add3A_1785 = arith.addf %add3A_1775, %mul3A_1784 : vector<16xf32>
      %add3A_1786 = arith.constant 25 : i32
      %add3A_1787 = vector.broadcast %add3A_1786 : i32 to vector<16xi32>
      %add3A_1788 = arith.addi %gather3A_1528, %add3A_1787 : vector<16xi32>
      %gather3A_1789 = tpu.vector_load_idx %arg8[%add3A_1524, %add3A_1788] : memref<256x128xf32, #tpu.memory_space<vmem>>[vector<16xi32>, vector<16xi32>], vector<16xf32>,
      %add3A_1790 = arith.constant 25 : i32
      %add3A_1791 = vector.broadcast %add3A_1790 : i32 to vector<16xi32>
      %add3A_1792 = arith.addi %gather3A_1533, %add3A_1791 : vector<16xi32>
      %gather3A_1793 = tpu.vector_load_idx %arg9[%add3A_1524, %add3A_1792] : memref<256x128xf32, #tpu.memory_space<vmem>>[vector<16xi32>, vector<16xi32>], vector<16xf32>,
      %mul3A_1794 = arith.mulf %gather3A_1789, %gather3A_1793 : vector<16xf32>
      %add3A_1795 = arith.addf %add3A_1785, %mul3A_1794 : vector<16xf32>
      %add3A_1796 = arith.constant 26 : i32
      %add3A_1797 = vector.broadcast %add3A_1796 : i32 to vector<16xi32>
      %add3A_1798 = arith.addi %gather3A_1528, %add3A_1797 : vector<16xi32>
      %gather3A_1799 = tpu.vector_load_idx %arg8[%add3A_1524, %add3A_1798] : memref<256x128xf32, #tpu.memory_space<vmem>>[vector<16xi32>, vector<16xi32>], vector<16xf32>,
      %add3A_1800 = arith.constant 26 : i32
      %add3A_1801 = vector.broadcast %add3A_1800 : i32 to vector<16xi32>
      %add3A_1802 = arith.addi %gather3A_1533, %add3A_1801 : vector<16xi32>
      %gather3A_1803 = tpu.vector_load_idx %arg9[%add3A_1524, %add3A_1802] : memref<256x128xf32, #tpu.memory_space<vmem>>[vector<16xi32>, vector<16xi32>], vector<16xf32>,
      %mul3A_1804 = arith.mulf %gather3A_1799, %gather3A_1803 : vector<16xf32>
      %add3A_1805 = arith.addf %add3A_1795, %mul3A_1804 : vector<16xf32>
      %add3A_1806 = arith.constant 27 : i32
      %add3A_1807 = vector.broadcast %add3A_1806 : i32 to vector<16xi32>
      %add3A_1808 = arith.addi %gather3A_1528, %add3A_1807 : vector<16xi32>
      %gather3A_1809 = tpu.vector_load_idx %arg8[%add3A_1524, %add3A_1808] : memref<256x128xf32, #tpu.memory_space<vmem>>[vector<16xi32>, vector<16xi32>], vector<16xf32>,
      %add3A_1810 = arith.constant 27 : i32
      %add3A_1811 = vector.broadcast %add3A_1810 : i32 to vector<16xi32>
      %add3A_1812 = arith.addi %gather3A_1533, %add3A_1811 : vector<16xi32>
      %gather3A_1813 = tpu.vector_load_idx %arg9[%add3A_1524, %add3A_1812] : memref<256x128xf32, #tpu.memory_space<vmem>>[vector<16xi32>, vector<16xi32>], vector<16xf32>,
      %mul3A_1814 = arith.mulf %gather3A_1809, %gather3A_1813 : vector<16xf32>
      %add3A_1815 = arith.addf %add3A_1805, %mul3A_1814 : vector<16xf32>
      %add3A_1816 = arith.constant 28 : i32
      %add3A_1817 = vector.broadcast %add3A_1816 : i32 to vector<16xi32>
      %add3A_1818 = arith.addi %gather3A_1528, %add3A_1817 : vector<16xi32>
      %gather3A_1819 = tpu.vector_load_idx %arg8[%add3A_1524, %add3A_1818] : memref<256x128xf32, #tpu.memory_space<vmem>>[vector<16xi32>, vector<16xi32>], vector<16xf32>,
      %add3A_1820 = arith.constant 28 : i32
      %add3A_1821 = vector.broadcast %add3A_1820 : i32 to vector<16xi32>
      %add3A_1822 = arith.addi %gather3A_1533, %add3A_1821 : vector<16xi32>
      %gather3A_1823 = tpu.vector_load_idx %arg9[%add3A_1524, %add3A_1822] : memref<256x128xf32, #tpu.memory_space<vmem>>[vector<16xi32>, vector<16xi32>], vector<16xf32>,
      %mul3A_1824 = arith.mulf %gather3A_1819, %gather3A_1823 : vector<16xf32>
      %add3A_1825 = arith.addf %add3A_1815, %mul3A_1824 : vector<16xf32>
      %add3A_1826 = arith.constant 29 : i32
      %add3A_1827 = vector.broadcast %add3A_1826 : i32 to vector<16xi32>
      %add3A_1828 = arith.addi %gather3A_1528, %add3A_1827 : vector<16xi32>
      %gather3A_1829 = tpu.vector_load_idx %arg8[%add3A_1524, %add3A_1828] : memref<256x128xf32, #tpu.memory_space<vmem>>[vector<16xi32>, vector<16xi32>], vector<16xf32>,
      %add3A_1830 = arith.constant 29 : i32
      %add3A_1831 = vector.broadcast %add3A_1830 : i32 to vector<16xi32>
      %add3A_1832 = arith.addi %gather3A_1533, %add3A_1831 : vector<16xi32>
      %gather3A_1833 = tpu.vector_load_idx %arg9[%add3A_1524, %add3A_1832] : memref<256x128xf32, #tpu.memory_space<vmem>>[vector<16xi32>, vector<16xi32>], vector<16xf32>,
      %mul3A_1834 = arith.mulf %gather3A_1829, %gather3A_1833 : vector<16xf32>
      %add3A_1835 = arith.addf %add3A_1825, %mul3A_1834 : vector<16xf32>
      %add3A_1836 = arith.constant 30 : i32
      %add3A_1837 = vector.broadcast %add3A_1836 : i32 to vector<16xi32>
      %add3A_1838 = arith.addi %gather3A_1528, %add3A_1837 : vector<16xi32>
      %gather3A_1839 = tpu.vector_load_idx %arg8[%add3A_1524, %add3A_1838] : memref<256x128xf32, #tpu.memory_space<vmem>>[vector<16xi32>, vector<16xi32>], vector<16xf32>,
      %add3A_1840 = arith.constant 30 : i32
      %add3A_1841 = vector.broadcast %add3A_1840 : i32 to vector<16xi32>
      %add3A_1842 = arith.addi %gather3A_1533, %add3A_1841 : vector<16xi32>
      %gather3A_1843 = tpu.vector_load_idx %arg9[%add3A_1524, %add3A_1842] : memref<256x128xf32, #tpu.memory_space<vmem>>[vector<16xi32>, vector<16xi32>], vector<16xf32>,
      %mul3A_1844 = arith.mulf %gather3A_1839, %gather3A_1843 : vector<16xf32>
      %add3A_1845 = arith.addf %add3A_1835, %mul3A_1844 : vector<16xf32>
      %add3A_1846 = arith.constant 31 : i32
      %add3A_1847 = vector.broadcast %add3A_1846 : i32 to vector<16xi32>
      %add3A_1848 = arith.addi %gather3A_1528, %add3A_1847 : vector<16xi32>
      %gather3A_1849 = tpu.vector_load_idx %arg8[%add3A_1524, %add3A_1848] : memref<256x128xf32, #tpu.memory_space<vmem>>[vector<16xi32>, vector<16xi32>], vector<16xf32>,
      %add3A_1850 = arith.constant 31 : i32
      %add3A_1851 = vector.broadcast %add3A_1850 : i32 to vector<16xi32>
      %add3A_1852 = arith.addi %gather3A_1533, %add3A_1851 : vector<16xi32>
      %gather3A_1853 = tpu.vector_load_idx %arg9[%add3A_1524, %add3A_1852] : memref<256x128xf32, #tpu.memory_space<vmem>>[vector<16xi32>, vector<16xi32>], vector<16xf32>,
      %mul3A_1854 = arith.mulf %gather3A_1849, %gather3A_1853 : vector<16xf32>
      %add3A_1855 = arith.addf %add3A_1845, %mul3A_1854 : vector<16xf32>
      %swap3A_1856 = arith.index_cast %add3A_1520 : i32 to index
      %swap3A_1857 = tpu.vector_load %arg10[%swap3A_1856] {strides = array<i32>} : memref<512xf32, #tpu.memory_space<vmem>>, vector<16xf32>,
      tpu.vector_store %arg10[%swap3A_1856], %add3A_1855 {strides = array<i32>} : memref<512xf32, #tpu.memory_space<vmem>>, vector<16xf32>,
    }
    %scan3A_1429 = arith.constant 16 : i32
    %dma_start3A_1430 = arith.constant 2 : i32
    %dma_start3A_1431 = arith.constant 0 : i32
    %dma_start3A_1432 = arith.constant 0 : i32
    %dma_start3A_1433 = tpu.memref_slice %arg8[%dma_start3A_1431, %dma_start3A_1432] : memref<256x128xf32, #tpu.memory_space<vmem>> -> memref<128x128xf32, #tpu.memory_space<vmem>>
    %dma_start3A_1434 = arith.constant 0 : i32
    %dma_start3A_1435 = tpu.memref_slice %arg6[%dma_start3A_1430, %dma_start3A_1434] : memref<8x128xi32, #tpu.memory_space<vmem>> -> memref<1x128xi32, #tpu.memory_space<vmem>>
    %dma_start3A_1436 = tpu.memref_squeeze %dma_start3A_1435 : memref<1x128xi32, #tpu.memory_space<vmem>> -> memref<128xi32, #tpu.memory_space<vmem>>
    %dma_start3A_1437 = arith.constant 0 : i32
    %dma_start3A_1438 = arith.constant 0 : i32
    %dma_start3A_1439 = tpu.memref_slice %arg3[%dma_start3A_1437, %dma_start3A_1438] : memref<250000x128xf32, #tpu.memory_space<hbm>> -> memref<250000x128xf32, #tpu.memory_space<hbm>>
    tpu.enqueue_indirect_dma source(%dma_start3A_1439 : memref<250000x128xf32, #tpu.memory_space<hbm>>) target(%dma_start3A_1433 : memref<128x128xf32, #tpu.memory_space<vmem>>) offsets(%dma_start3A_1436 : memref<128xi32, #tpu.memory_space<vmem>>) semaphore(%arg11 : memref<!tpu.dma_semaphore, #tpu.memory_space<semaphore_mem>>)
    %dma_start3A_1440 = arith.constant 6 : i32
    %dma_start3A_1441 = arith.constant 0 : i32
    %dma_start3A_1442 = arith.constant 0 : i32
    %dma_start3A_1443 = tpu.memref_slice %arg9[%dma_start3A_1441, %dma_start3A_1442] : memref<256x128xf32, #tpu.memory_space<vmem>> -> memref<128x128xf32, #tpu.memory_space<vmem>>
    %dma_start3A_1444 = arith.constant 0 : i32
    %dma_start3A_1445 = tpu.memref_slice %arg6[%dma_start3A_1440, %dma_start3A_1444] : memref<8x128xi32, #tpu.memory_space<vmem>> -> memref<1x128xi32, #tpu.memory_space<vmem>>
    %dma_start3A_1446 = tpu.memref_squeeze %dma_start3A_1445 : memref<1x128xi32, #tpu.memory_space<vmem>> -> memref<128xi32, #tpu.memory_space<vmem>>
    %dma_start3A_1447 = arith.constant 0 : i32
    %dma_start3A_1448 = arith.constant 0 : i32
    %dma_start3A_1449 = tpu.memref_slice %arg3[%dma_start3A_1447, %dma_start3A_1448] : memref<250000x128xf32, #tpu.memory_space<hbm>> -> memref<250000x128xf32, #tpu.memory_space<hbm>>
    tpu.enqueue_indirect_dma source(%dma_start3A_1449 : memref<250000x128xf32, #tpu.memory_space<hbm>>) target(%dma_start3A_1443 : memref<128x128xf32, #tpu.memory_space<vmem>>) offsets(%dma_start3A_1446 : memref<128xi32, #tpu.memory_space<vmem>>) semaphore(%arg11 : memref<!tpu.dma_semaphore, #tpu.memory_space<semaphore_mem>>)
    %dma_start3A_1450 = arith.constant 3 : i32
    %dma_start3A_1451 = arith.constant 128 : i32
    %dma_start3A_1452 = arith.constant 0 : i32
    %dma_start3A_1453 = tpu.memref_slice %arg8[%dma_start3A_1451, %dma_start3A_1452] : memref<256x128xf32, #tpu.memory_space<vmem>> -> memref<128x128xf32, #tpu.memory_space<vmem>>
    %dma_start3A_1454 = arith.constant 0 : i32
    %dma_start3A_1455 = tpu.memref_slice %arg6[%dma_start3A_1450, %dma_start3A_1454] : memref<8x128xi32, #tpu.memory_space<vmem>> -> memref<1x128xi32, #tpu.memory_space<vmem>>
    %dma_start3A_1456 = tpu.memref_squeeze %dma_start3A_1455 : memref<1x128xi32, #tpu.memory_space<vmem>> -> memref<128xi32, #tpu.memory_space<vmem>>
    %dma_start3A_1457 = arith.constant 0 : i32
    %dma_start3A_1458 = arith.constant 0 : i32
    %dma_start3A_1459 = tpu.memref_slice %arg3[%dma_start3A_1457, %dma_start3A_1458] : memref<250000x128xf32, #tpu.memory_space<hbm>> -> memref<250000x128xf32, #tpu.memory_space<hbm>>
    tpu.enqueue_indirect_dma source(%dma_start3A_1459 : memref<250000x128xf32, #tpu.memory_space<hbm>>) target(%dma_start3A_1453 : memref<128x128xf32, #tpu.memory_space<vmem>>) offsets(%dma_start3A_1456 : memref<128xi32, #tpu.memory_space<vmem>>) semaphore(%arg11 : memref<!tpu.dma_semaphore, #tpu.memory_space<semaphore_mem>>)
    %dma_start3A_1460 = arith.constant 7 : i32
    %dma_start3A_1461 = arith.constant 128 : i32
    %dma_start3A_1462 = arith.constant 0 : i32
    %dma_start3A_1463 = tpu.memref_slice %arg9[%dma_start3A_1461, %dma_start3A_1462] : memref<256x128xf32, #tpu.memory_space<vmem>> -> memref<128x128xf32, #tpu.memory_space<vmem>>
    %dma_start3A_1464 = arith.constant 0 : i32
    %dma_start3A_1465 = tpu.memref_slice %arg6[%dma_start3A_1460, %dma_start3A_1464] : memref<8x128xi32, #tpu.memory_space<vmem>> -> memref<1x128xi32, #tpu.memory_space<vmem>>
    %dma_start3A_1466 = tpu.memref_squeeze %dma_start3A_1465 : memref<1x128xi32, #tpu.memory_space<vmem>> -> memref<128xi32, #tpu.memory_space<vmem>>
    %dma_start3A_1467 = arith.constant 0 : i32
    %dma_start3A_1468 = arith.constant 0 : i32
    %dma_start3A_1469 = tpu.memref_slice %arg3[%dma_start3A_1467, %dma_start3A_1468] : memref<250000x128xf32, #tpu.memory_space<hbm>> -> memref<250000x128xf32, #tpu.memory_space<hbm>>
    tpu.enqueue_indirect_dma source(%dma_start3A_1469 : memref<250000x128xf32, #tpu.memory_space<hbm>>) target(%dma_start3A_1463 : memref<128x128xf32, #tpu.memory_space<vmem>>) offsets(%dma_start3A_1466 : memref<128xi32, #tpu.memory_space<vmem>>) semaphore(%arg11 : memref<!tpu.dma_semaphore, #tpu.memory_space<semaphore_mem>>)
    %dma_wait3A_1470 = arith.constant 2 : i32
    %dma_wait3A_1471 = arith.constant 0 : i32
    %dma_wait3A_1472 = arith.constant 0 : i32
    %dma_wait3A_1473 = tpu.memref_slice %arg8[%dma_wait3A_1471, %dma_wait3A_1472] : memref<256x128xf32, #tpu.memory_space<vmem>> -> memref<128x128xf32, #tpu.memory_space<vmem>>
    %dma_wait3A_1474 = arith.constant 0 : i32
    %dma_wait3A_1475 = tpu.memref_slice %arg6[%dma_wait3A_1470, %dma_wait3A_1474] : memref<8x128xi32, #tpu.memory_space<vmem>> -> memref<1x128xi32, #tpu.memory_space<vmem>>
    %dma_wait3A_1476 = tpu.memref_squeeze %dma_wait3A_1475 : memref<1x128xi32, #tpu.memory_space<vmem>> -> memref<128xi32, #tpu.memory_space<vmem>>
    %dma_wait3A_1477 = arith.constant 0 : i32
    %dma_wait3A_1478 = arith.constant 0 : i32
    %dma_wait3A_1479 = tpu.memref_slice %arg3[%dma_wait3A_1477, %dma_wait3A_1478] : memref<250000x128xf32, #tpu.memory_space<hbm>> -> memref<250000x128xf32, #tpu.memory_space<hbm>>
    tpu.wait_indirect_dma semaphore(%arg11 : memref<!tpu.dma_semaphore, #tpu.memory_space<semaphore_mem>>) src(%dma_wait3A_1479 : memref<250000x128xf32, #tpu.memory_space<hbm>>) dst(%dma_wait3A_1473 : memref<128x128xf32, #tpu.memory_space<vmem>>)
    %dma_wait3A_1480 = arith.constant 6 : i32
    %dma_wait3A_1481 = arith.constant 0 : i32
    %dma_wait3A_1482 = arith.constant 0 : i32
    %dma_wait3A_1483 = tpu.memref_slice %arg9[%dma_wait3A_1481, %dma_wait3A_1482] : memref<256x128xf32, #tpu.memory_space<vmem>> -> memref<128x128xf32, #tpu.memory_space<vmem>>
    %dma_wait3A_1484 = arith.constant 0 : i32
    %dma_wait3A_1485 = tpu.memref_slice %arg6[%dma_wait3A_1480, %dma_wait3A_1484] : memref<8x128xi32, #tpu.memory_space<vmem>> -> memref<1x128xi32, #tpu.memory_space<vmem>>
    %dma_wait3A_1486 = tpu.memref_squeeze %dma_wait3A_1485 : memref<1x128xi32, #tpu.memory_space<vmem>> -> memref<128xi32, #tpu.memory_space<vmem>>
    %dma_wait3A_1487 = arith.constant 0 : i32
    %dma_wait3A_1488 = arith.constant 0 : i32
    %dma_wait3A_1489 = tpu.memref_slice %arg3[%dma_wait3A_1487, %dma_wait3A_1488] : memref<250000x128xf32, #tpu.memory_space<hbm>> -> memref<250000x128xf32, #tpu.memory_space<hbm>>
    tpu.wait_indirect_dma semaphore(%arg11 : memref<!tpu.dma_semaphore, #tpu.memory_space<semaphore_mem>>) src(%dma_wait3A_1489 : memref<250000x128xf32, #tpu.memory_space<hbm>>) dst(%dma_wait3A_1483 : memref<128x128xf32, #tpu.memory_space<vmem>>)
    %dma_wait3A_1490 = arith.constant 3 : i32
    %dma_wait3A_1491 = arith.constant 128 : i32
    %dma_wait3A_1492 = arith.constant 0 : i32
    %dma_wait3A_1493 = tpu.memref_slice %arg8[%dma_wait3A_1491, %dma_wait3A_1492] : memref<256x128xf32, #tpu.memory_space<vmem>> -> memref<128x128xf32, #tpu.memory_space<vmem>>
    %dma_wait3A_1494 = arith.constant 0 : i32
    %dma_wait3A_1495 = tpu.memref_slice %arg6[%dma_wait3A_1490, %dma_wait3A_1494] : memref<8x128xi32, #tpu.memory_space<vmem>> -> memref<1x128xi32, #tpu.memory_space<vmem>>
    %dma_wait3A_1496 = tpu.memref_squeeze %dma_wait3A_1495 : memref<1x128xi32, #tpu.memory_space<vmem>> -> memref<128xi32, #tpu.memory_space<vmem>>
    %dma_wait3A_1497 = arith.constant 0 : i32
    %dma_wait3A_1498 = arith.constant 0 : i32
    %dma_wait3A_1499 = tpu.memref_slice %arg3[%dma_wait3A_1497, %dma_wait3A_1498] : memref<250000x128xf32, #tpu.memory_space<hbm>> -> memref<250000x128xf32, #tpu.memory_space<hbm>>
    tpu.wait_indirect_dma semaphore(%arg11 : memref<!tpu.dma_semaphore, #tpu.memory_space<semaphore_mem>>) src(%dma_wait3A_1499 : memref<250000x128xf32, #tpu.memory_space<hbm>>) dst(%dma_wait3A_1493 : memref<128x128xf32, #tpu.memory_space<vmem>>)
    %dma_wait3A_1500 = arith.constant 7 : i32
    %dma_wait3A_1501 = arith.constant 128 : i32
    %dma_wait3A_1502 = arith.constant 0 : i32
    %dma_wait3A_1503 = tpu.memref_slice %arg9[%dma_wait3A_1501, %dma_wait3A_1502] : memref<256x128xf32, #tpu.memory_space<vmem>> -> memref<128x128xf32, #tpu.memory_space<vmem>>
    %dma_wait3A_1504 = arith.constant 0 : i32
    %dma_wait3A_1505 = tpu.memref_slice %arg6[%dma_wait3A_1500, %dma_wait3A_1504] : memref<8x128xi32, #tpu.memory_space<vmem>> -> memref<1x128xi32, #tpu.memory_space<vmem>>
    %dma_wait3A_1506 = tpu.memref_squeeze %dma_wait3A_1505 : memref<1x128xi32, #tpu.memory_space<vmem>> -> memref<128xi32, #tpu.memory_space<vmem>>
    %dma_wait3A_1507 = arith.constant 0 : i32
    %dma_wait3A_1508 = arith.constant 0 : i32
    %dma_wait3A_1509 = tpu.memref_slice %arg3[%dma_wait3A_1507, %dma_wait3A_1508] : memref<250000x128xf32, #tpu.memory_space<hbm>> -> memref<250000x128xf32, #tpu.memory_space<hbm>>
    tpu.wait_indirect_dma semaphore(%arg11 : memref<!tpu.dma_semaphore, #tpu.memory_space<semaphore_mem>>) src(%dma_wait3A_1509 : memref<250000x128xf32, #tpu.memory_space<hbm>>) dst(%dma_wait3A_1503 : memref<128x128xf32, #tpu.memory_space<vmem>>)
    %scan3A_1510 = arith.constant 0 : i32
    %scan3A_1511 = arith.constant 0 : i32
    %scan3A_1512 = arith.constant 16 : i32
    %scan3A_1513 = arith.addi %scan3A_1511, %scan3A_1512 : i32
    %scan3A_1514 = arith.constant 1 : i32
    scf.for %scan3A_1516 = %scan3A_1511 to %scan3A_1513 step %scan3A_1514  : i32 {
      %mul3A_1517 = arith.constant 16 : i32
      %mul3A_1518 = arith.muli %scan3A_1516, %mul3A_1517 : i32
      %add3A_1519 = arith.constant 256 : i32
      %add3A_1520 = arith.addi %add3A_1519, %mul3A_1518 : i32
      %mul3A_1521 = arith.constant 16 : i32
      %mul3A_1522 = arith.muli %scan3A_1516, %mul3A_1521 : i32
      %add3A_1523 = vector.broadcast %mul3A_1522 : i32 to vector<16xi32>
      %add3A_1524 = arith.addi %iota3A, %add3A_1523 : vector<16xi32>
      %broadcast_in_dim3A = arith.constant 0 : i32
      %broadcast_in_dim3A_1525 = vector.broadcast %broadcast_in_dim3A : i32 to vector<16xi32>
      %add3A_1526 = vector.broadcast %add3A_1520 : i32 to vector<16xi32>
      %add3A_1527 = arith.addi %iota3A, %add3A_1526 : vector<16xi32>
      %gather3A_1528 = tpu.vector_load_idx %arg7[%broadcast_in_dim3A_1525, %add3A_1527] : memref<2x512xi32, #tpu.memory_space<vmem>>[vector<16xi32>, vector<16xi32>], vector<16xi32>,
      %broadcast_in_dim3A_1529 = arith.constant 1 : i32
      %broadcast_in_dim3A_1530 = vector.broadcast %broadcast_in_dim3A_1529 : i32 to vector<16xi32>
      %add3A_1531 = vector.broadcast %add3A_1520 : i32 to vector<16xi32>
      %add3A_1532 = arith.addi %iota3A, %add3A_1531 : vector<16xi32>
      %gather3A_1533 = tpu.vector_load_idx %arg7[%broadcast_in_dim3A_1530, %add3A_1532] : memref<2x512xi32, #tpu.memory_space<vmem>>[vector<16xi32>, vector<16xi32>], vector<16xi32>,
      %broadcast_in_dim3A_1534 = arith.constant 0.000000e+00 : f32
      %broadcast_in_dim3A_1535 = vector.broadcast %broadcast_in_dim3A_1534 : f32 to vector<16xf32>
      %add3A_1536 = arith.constant 0 : i32
      %add3A_1537 = vector.broadcast %add3A_1536 : i32 to vector<16xi32>
      %add3A_1538 = arith.addi %gather3A_1528, %add3A_1537 : vector<16xi32>
      %gather3A_1539 = tpu.vector_load_idx %arg8[%add3A_1524, %add3A_1538] : memref<256x128xf32, #tpu.memory_space<vmem>>[vector<16xi32>, vector<16xi32>], vector<16xf32>,
      %add3A_1540 = arith.constant 0 : i32
      %add3A_1541 = vector.broadcast %add3A_1540 : i32 to vector<16xi32>
      %add3A_1542 = arith.addi %gather3A_1533, %add3A_1541 : vector<16xi32>
      %gather3A_1543 = tpu.vector_load_idx %arg9[%add3A_1524, %add3A_1542] : memref<256x128xf32, #tpu.memory_space<vmem>>[vector<16xi32>, vector<16xi32>], vector<16xf32>,
      %mul3A_1544 = arith.mulf %gather3A_1539, %gather3A_1543 : vector<16xf32>
      %add3A_1545 = arith.addf %broadcast_in_dim3A_1535, %mul3A_1544 : vector<16xf32>
      %add3A_1546 = arith.constant 1 : i32
      %add3A_1547 = vector.broadcast %add3A_1546 : i32 to vector<16xi32>
      %add3A_1548 = arith.addi %gather3A_1528, %add3A_1547 : vector<16xi32>
      %gather3A_1549 = tpu.vector_load_idx %arg8[%add3A_1524, %add3A_1548] : memref<256x128xf32, #tpu.memory_space<vmem>>[vector<16xi32>, vector<16xi32>], vector<16xf32>,
      %add3A_1550 = arith.constant 1 : i32
      %add3A_1551 = vector.broadcast %add3A_1550 : i32 to vector<16xi32>
      %add3A_1552 = arith.addi %gather3A_1533, %add3A_1551 : vector<16xi32>
      %gather3A_1553 = tpu.vector_load_idx %arg9[%add3A_1524, %add3A_1552] : memref<256x128xf32, #tpu.memory_space<vmem>>[vector<16xi32>, vector<16xi32>], vector<16xf32>,
      %mul3A_1554 = arith.mulf %gather3A_1549, %gather3A_1553 : vector<16xf32>
      %add3A_1555 = arith.addf %add3A_1545, %mul3A_1554 : vector<16xf32>
      %add3A_1556 = arith.constant 2 : i32
      %add3A_1557 = vector.broadcast %add3A_1556 : i32 to vector<16xi32>
      %add3A_1558 = arith.addi %gather3A_1528, %add3A_1557 : vector<16xi32>
      %gather3A_1559 = tpu.vector_load_idx %arg8[%add3A_1524, %add3A_1558] : memref<256x128xf32, #tpu.memory_space<vmem>>[vector<16xi32>, vector<16xi32>], vector<16xf32>,
      %add3A_1560 = arith.constant 2 : i32
      %add3A_1561 = vector.broadcast %add3A_1560 : i32 to vector<16xi32>
      %add3A_1562 = arith.addi %gather3A_1533, %add3A_1561 : vector<16xi32>
      %gather3A_1563 = tpu.vector_load_idx %arg9[%add3A_1524, %add3A_1562] : memref<256x128xf32, #tpu.memory_space<vmem>>[vector<16xi32>, vector<16xi32>], vector<16xf32>,
      %mul3A_1564 = arith.mulf %gather3A_1559, %gather3A_1563 : vector<16xf32>
      %add3A_1565 = arith.addf %add3A_1555, %mul3A_1564 : vector<16xf32>
      %add3A_1566 = arith.constant 3 : i32
      %add3A_1567 = vector.broadcast %add3A_1566 : i32 to vector<16xi32>
      %add3A_1568 = arith.addi %gather3A_1528, %add3A_1567 : vector<16xi32>
      %gather3A_1569 = tpu.vector_load_idx %arg8[%add3A_1524, %add3A_1568] : memref<256x128xf32, #tpu.memory_space<vmem>>[vector<16xi32>, vector<16xi32>], vector<16xf32>,
      %add3A_1570 = arith.constant 3 : i32
      %add3A_1571 = vector.broadcast %add3A_1570 : i32 to vector<16xi32>
      %add3A_1572 = arith.addi %gather3A_1533, %add3A_1571 : vector<16xi32>
      %gather3A_1573 = tpu.vector_load_idx %arg9[%add3A_1524, %add3A_1572] : memref<256x128xf32, #tpu.memory_space<vmem>>[vector<16xi32>, vector<16xi32>], vector<16xf32>,
      %mul3A_1574 = arith.mulf %gather3A_1569, %gather3A_1573 : vector<16xf32>
      %add3A_1575 = arith.addf %add3A_1565, %mul3A_1574 : vector<16xf32>
      %add3A_1576 = arith.constant 4 : i32
      %add3A_1577 = vector.broadcast %add3A_1576 : i32 to vector<16xi32>
      %add3A_1578 = arith.addi %gather3A_1528, %add3A_1577 : vector<16xi32>
      %gather3A_1579 = tpu.vector_load_idx %arg8[%add3A_1524, %add3A_1578] : memref<256x128xf32, #tpu.memory_space<vmem>>[vector<16xi32>, vector<16xi32>], vector<16xf32>,
      %add3A_1580 = arith.constant 4 : i32
      %add3A_1581 = vector.broadcast %add3A_1580 : i32 to vector<16xi32>
      %add3A_1582 = arith.addi %gather3A_1533, %add3A_1581 : vector<16xi32>
      %gather3A_1583 = tpu.vector_load_idx %arg9[%add3A_1524, %add3A_1582] : memref<256x128xf32, #tpu.memory_space<vmem>>[vector<16xi32>, vector<16xi32>], vector<16xf32>,
      %mul3A_1584 = arith.mulf %gather3A_1579, %gather3A_1583 : vector<16xf32>
      %add3A_1585 = arith.addf %add3A_1575, %mul3A_1584 : vector<16xf32>
      %add3A_1586 = arith.constant 5 : i32
      %add3A_1587 = vector.broadcast %add3A_1586 : i32 to vector<16xi32>
      %add3A_1588 = arith.addi %gather3A_1528, %add3A_1587 : vector<16xi32>
      %gather3A_1589 = tpu.vector_load_idx %arg8[%add3A_1524, %add3A_1588] : memref<256x128xf32, #tpu.memory_space<vmem>>[vector<16xi32>, vector<16xi32>], vector<16xf32>,
      %add3A_1590 = arith.constant 5 : i32
      %add3A_1591 = vector.broadcast %add3A_1590 : i32 to vector<16xi32>
      %add3A_1592 = arith.addi %gather3A_1533, %add3A_1591 : vector<16xi32>
      %gather3A_1593 = tpu.vector_load_idx %arg9[%add3A_1524, %add3A_1592] : memref<256x128xf32, #tpu.memory_space<vmem>>[vector<16xi32>, vector<16xi32>], vector<16xf32>,
      %mul3A_1594 = arith.mulf %gather3A_1589, %gather3A_1593 : vector<16xf32>
      %add3A_1595 = arith.addf %add3A_1585, %mul3A_1594 : vector<16xf32>
      %add3A_1596 = arith.constant 6 : i32
      %add3A_1597 = vector.broadcast %add3A_1596 : i32 to vector<16xi32>
      %add3A_1598 = arith.addi %gather3A_1528, %add3A_1597 : vector<16xi32>
      %gather3A_1599 = tpu.vector_load_idx %arg8[%add3A_1524, %add3A_1598] : memref<256x128xf32, #tpu.memory_space<vmem>>[vector<16xi32>, vector<16xi32>], vector<16xf32>,
      %add3A_1600 = arith.constant 6 : i32
      %add3A_1601 = vector.broadcast %add3A_1600 : i32 to vector<16xi32>
      %add3A_1602 = arith.addi %gather3A_1533, %add3A_1601 : vector<16xi32>
      %gather3A_1603 = tpu.vector_load_idx %arg9[%add3A_1524, %add3A_1602] : memref<256x128xf32, #tpu.memory_space<vmem>>[vector<16xi32>, vector<16xi32>], vector<16xf32>,
      %mul3A_1604 = arith.mulf %gather3A_1599, %gather3A_1603 : vector<16xf32>
      %add3A_1605 = arith.addf %add3A_1595, %mul3A_1604 : vector<16xf32>
      %add3A_1606 = arith.constant 7 : i32
      %add3A_1607 = vector.broadcast %add3A_1606 : i32 to vector<16xi32>
      %add3A_1608 = arith.addi %gather3A_1528, %add3A_1607 : vector<16xi32>
      %gather3A_1609 = tpu.vector_load_idx %arg8[%add3A_1524, %add3A_1608] : memref<256x128xf32, #tpu.memory_space<vmem>>[vector<16xi32>, vector<16xi32>], vector<16xf32>,
      %add3A_1610 = arith.constant 7 : i32
      %add3A_1611 = vector.broadcast %add3A_1610 : i32 to vector<16xi32>
      %add3A_1612 = arith.addi %gather3A_1533, %add3A_1611 : vector<16xi32>
      %gather3A_1613 = tpu.vector_load_idx %arg9[%add3A_1524, %add3A_1612] : memref<256x128xf32, #tpu.memory_space<vmem>>[vector<16xi32>, vector<16xi32>], vector<16xf32>,
      %mul3A_1614 = arith.mulf %gather3A_1609, %gather3A_1613 : vector<16xf32>
      %add3A_1615 = arith.addf %add3A_1605, %mul3A_1614 : vector<16xf32>
      %add3A_1616 = arith.constant 8 : i32
      %add3A_1617 = vector.broadcast %add3A_1616 : i32 to vector<16xi32>
      %add3A_1618 = arith.addi %gather3A_1528, %add3A_1617 : vector<16xi32>
      %gather3A_1619 = tpu.vector_load_idx %arg8[%add3A_1524, %add3A_1618] : memref<256x128xf32, #tpu.memory_space<vmem>>[vector<16xi32>, vector<16xi32>], vector<16xf32>,
      %add3A_1620 = arith.constant 8 : i32
      %add3A_1621 = vector.broadcast %add3A_1620 : i32 to vector<16xi32>
      %add3A_1622 = arith.addi %gather3A_1533, %add3A_1621 : vector<16xi32>
      %gather3A_1623 = tpu.vector_load_idx %arg9[%add3A_1524, %add3A_1622] : memref<256x128xf32, #tpu.memory_space<vmem>>[vector<16xi32>, vector<16xi32>], vector<16xf32>,
      %mul3A_1624 = arith.mulf %gather3A_1619, %gather3A_1623 : vector<16xf32>
      %add3A_1625 = arith.addf %add3A_1615, %mul3A_1624 : vector<16xf32>
      %add3A_1626 = arith.constant 9 : i32
      %add3A_1627 = vector.broadcast %add3A_1626 : i32 to vector<16xi32>
      %add3A_1628 = arith.addi %gather3A_1528, %add3A_1627 : vector<16xi32>
      %gather3A_1629 = tpu.vector_load_idx %arg8[%add3A_1524, %add3A_1628] : memref<256x128xf32, #tpu.memory_space<vmem>>[vector<16xi32>, vector<16xi32>], vector<16xf32>,
      %add3A_1630 = arith.constant 9 : i32
      %add3A_1631 = vector.broadcast %add3A_1630 : i32 to vector<16xi32>
      %add3A_1632 = arith.addi %gather3A_1533, %add3A_1631 : vector<16xi32>
      %gather3A_1633 = tpu.vector_load_idx %arg9[%add3A_1524, %add3A_1632] : memref<256x128xf32, #tpu.memory_space<vmem>>[vector<16xi32>, vector<16xi32>], vector<16xf32>,
      %mul3A_1634 = arith.mulf %gather3A_1629, %gather3A_1633 : vector<16xf32>
      %add3A_1635 = arith.addf %add3A_1625, %mul3A_1634 : vector<16xf32>
      %add3A_1636 = arith.constant 10 : i32
      %add3A_1637 = vector.broadcast %add3A_1636 : i32 to vector<16xi32>
      %add3A_1638 = arith.addi %gather3A_1528, %add3A_1637 : vector<16xi32>
      %gather3A_1639 = tpu.vector_load_idx %arg8[%add3A_1524, %add3A_1638] : memref<256x128xf32, #tpu.memory_space<vmem>>[vector<16xi32>, vector<16xi32>], vector<16xf32>,
      %add3A_1640 = arith.constant 10 : i32
      %add3A_1641 = vector.broadcast %add3A_1640 : i32 to vector<16xi32>
      %add3A_1642 = arith.addi %gather3A_1533, %add3A_1641 : vector<16xi32>
      %gather3A_1643 = tpu.vector_load_idx %arg9[%add3A_1524, %add3A_1642] : memref<256x128xf32, #tpu.memory_space<vmem>>[vector<16xi32>, vector<16xi32>], vector<16xf32>,
      %mul3A_1644 = arith.mulf %gather3A_1639, %gather3A_1643 : vector<16xf32>
      %add3A_1645 = arith.addf %add3A_1635, %mul3A_1644 : vector<16xf32>
      %add3A_1646 = arith.constant 11 : i32
      %add3A_1647 = vector.broadcast %add3A_1646 : i32 to vector<16xi32>
      %add3A_1648 = arith.addi %gather3A_1528, %add3A_1647 : vector<16xi32>
      %gather3A_1649 = tpu.vector_load_idx %arg8[%add3A_1524, %add3A_1648] : memref<256x128xf32, #tpu.memory_space<vmem>>[vector<16xi32>, vector<16xi32>], vector<16xf32>,
      %add3A_1650 = arith.constant 11 : i32
      %add3A_1651 = vector.broadcast %add3A_1650 : i32 to vector<16xi32>
      %add3A_1652 = arith.addi %gather3A_1533, %add3A_1651 : vector<16xi32>
      %gather3A_1653 = tpu.vector_load_idx %arg9[%add3A_1524, %add3A_1652] : memref<256x128xf32, #tpu.memory_space<vmem>>[vector<16xi32>, vector<16xi32>], vector<16xf32>,
      %mul3A_1654 = arith.mulf %gather3A_1649, %gather3A_1653 : vector<16xf32>
      %add3A_1655 = arith.addf %add3A_1645, %mul3A_1654 : vector<16xf32>
      %add3A_1656 = arith.constant 12 : i32
      %add3A_1657 = vector.broadcast %add3A_1656 : i32 to vector<16xi32>
      %add3A_1658 = arith.addi %gather3A_1528, %add3A_1657 : vector<16xi32>
      %gather3A_1659 = tpu.vector_load_idx %arg8[%add3A_1524, %add3A_1658] : memref<256x128xf32, #tpu.memory_space<vmem>>[vector<16xi32>, vector<16xi32>], vector<16xf32>,
      %add3A_1660 = arith.constant 12 : i32
      %add3A_1661 = vector.broadcast %add3A_1660 : i32 to vector<16xi32>
      %add3A_1662 = arith.addi %gather3A_1533, %add3A_1661 : vector<16xi32>
      %gather3A_1663 = tpu.vector_load_idx %arg9[%add3A_1524, %add3A_1662] : memref<256x128xf32, #tpu.memory_space<vmem>>[vector<16xi32>, vector<16xi32>], vector<16xf32>,
      %mul3A_1664 = arith.mulf %gather3A_1659, %gather3A_1663 : vector<16xf32>
      %add3A_1665 = arith.addf %add3A_1655, %mul3A_1664 : vector<16xf32>
      %add3A_1666 = arith.constant 13 : i32
      %add3A_1667 = vector.broadcast %add3A_1666 : i32 to vector<16xi32>
      %add3A_1668 = arith.addi %gather3A_1528, %add3A_1667 : vector<16xi32>
      %gather3A_1669 = tpu.vector_load_idx %arg8[%add3A_1524, %add3A_1668] : memref<256x128xf32, #tpu.memory_space<vmem>>[vector<16xi32>, vector<16xi32>], vector<16xf32>,
      %add3A_1670 = arith.constant 13 : i32
      %add3A_1671 = vector.broadcast %add3A_1670 : i32 to vector<16xi32>
      %add3A_1672 = arith.addi %gather3A_1533, %add3A_1671 : vector<16xi32>
      %gather3A_1673 = tpu.vector_load_idx %arg9[%add3A_1524, %add3A_1672] : memref<256x128xf32, #tpu.memory_space<vmem>>[vector<16xi32>, vector<16xi32>], vector<16xf32>,
      %mul3A_1674 = arith.mulf %gather3A_1669, %gather3A_1673 : vector<16xf32>
      %add3A_1675 = arith.addf %add3A_1665, %mul3A_1674 : vector<16xf32>
      %add3A_1676 = arith.constant 14 : i32
      %add3A_1677 = vector.broadcast %add3A_1676 : i32 to vector<16xi32>
      %add3A_1678 = arith.addi %gather3A_1528, %add3A_1677 : vector<16xi32>
      %gather3A_1679 = tpu.vector_load_idx %arg8[%add3A_1524, %add3A_1678] : memref<256x128xf32, #tpu.memory_space<vmem>>[vector<16xi32>, vector<16xi32>], vector<16xf32>,
      %add3A_1680 = arith.constant 14 : i32
      %add3A_1681 = vector.broadcast %add3A_1680 : i32 to vector<16xi32>
      %add3A_1682 = arith.addi %gather3A_1533, %add3A_1681 : vector<16xi32>
      %gather3A_1683 = tpu.vector_load_idx %arg9[%add3A_1524, %add3A_1682] : memref<256x128xf32, #tpu.memory_space<vmem>>[vector<16xi32>, vector<16xi32>], vector<16xf32>,
      %mul3A_1684 = arith.mulf %gather3A_1679, %gather3A_1683 : vector<16xf32>
      %add3A_1685 = arith.addf %add3A_1675, %mul3A_1684 : vector<16xf32>
      %add3A_1686 = arith.constant 15 : i32
      %add3A_1687 = vector.broadcast %add3A_1686 : i32 to vector<16xi32>
      %add3A_1688 = arith.addi %gather3A_1528, %add3A_1687 : vector<16xi32>
      %gather3A_1689 = tpu.vector_load_idx %arg8[%add3A_1524, %add3A_1688] : memref<256x128xf32, #tpu.memory_space<vmem>>[vector<16xi32>, vector<16xi32>], vector<16xf32>,
      %add3A_1690 = arith.constant 15 : i32
      %add3A_1691 = vector.broadcast %add3A_1690 : i32 to vector<16xi32>
      %add3A_1692 = arith.addi %gather3A_1533, %add3A_1691 : vector<16xi32>
      %gather3A_1693 = tpu.vector_load_idx %arg9[%add3A_1524, %add3A_1692] : memref<256x128xf32, #tpu.memory_space<vmem>>[vector<16xi32>, vector<16xi32>], vector<16xf32>,
      %mul3A_1694 = arith.mulf %gather3A_1689, %gather3A_1693 : vector<16xf32>
      %add3A_1695 = arith.addf %add3A_1685, %mul3A_1694 : vector<16xf32>
      %add3A_1696 = arith.constant 16 : i32
      %add3A_1697 = vector.broadcast %add3A_1696 : i32 to vector<16xi32>
      %add3A_1698 = arith.addi %gather3A_1528, %add3A_1697 : vector<16xi32>
      %gather3A_1699 = tpu.vector_load_idx %arg8[%add3A_1524, %add3A_1698] : memref<256x128xf32, #tpu.memory_space<vmem>>[vector<16xi32>, vector<16xi32>], vector<16xf32>,
      %add3A_1700 = arith.constant 16 : i32
      %add3A_1701 = vector.broadcast %add3A_1700 : i32 to vector<16xi32>
      %add3A_1702 = arith.addi %gather3A_1533, %add3A_1701 : vector<16xi32>
      %gather3A_1703 = tpu.vector_load_idx %arg9[%add3A_1524, %add3A_1702] : memref<256x128xf32, #tpu.memory_space<vmem>>[vector<16xi32>, vector<16xi32>], vector<16xf32>,
      %mul3A_1704 = arith.mulf %gather3A_1699, %gather3A_1703 : vector<16xf32>
      %add3A_1705 = arith.addf %add3A_1695, %mul3A_1704 : vector<16xf32>
      %add3A_1706 = arith.constant 17 : i32
      %add3A_1707 = vector.broadcast %add3A_1706 : i32 to vector<16xi32>
      %add3A_1708 = arith.addi %gather3A_1528, %add3A_1707 : vector<16xi32>
      %gather3A_1709 = tpu.vector_load_idx %arg8[%add3A_1524, %add3A_1708] : memref<256x128xf32, #tpu.memory_space<vmem>>[vector<16xi32>, vector<16xi32>], vector<16xf32>,
      %add3A_1710 = arith.constant 17 : i32
      %add3A_1711 = vector.broadcast %add3A_1710 : i32 to vector<16xi32>
      %add3A_1712 = arith.addi %gather3A_1533, %add3A_1711 : vector<16xi32>
      %gather3A_1713 = tpu.vector_load_idx %arg9[%add3A_1524, %add3A_1712] : memref<256x128xf32, #tpu.memory_space<vmem>>[vector<16xi32>, vector<16xi32>], vector<16xf32>,
      %mul3A_1714 = arith.mulf %gather3A_1709, %gather3A_1713 : vector<16xf32>
      %add3A_1715 = arith.addf %add3A_1705, %mul3A_1714 : vector<16xf32>
      %add3A_1716 = arith.constant 18 : i32
      %add3A_1717 = vector.broadcast %add3A_1716 : i32 to vector<16xi32>
      %add3A_1718 = arith.addi %gather3A_1528, %add3A_1717 : vector<16xi32>
      %gather3A_1719 = tpu.vector_load_idx %arg8[%add3A_1524, %add3A_1718] : memref<256x128xf32, #tpu.memory_space<vmem>>[vector<16xi32>, vector<16xi32>], vector<16xf32>,
      %add3A_1720 = arith.constant 18 : i32
      %add3A_1721 = vector.broadcast %add3A_1720 : i32 to vector<16xi32>
      %add3A_1722 = arith.addi %gather3A_1533, %add3A_1721 : vector<16xi32>
      %gather3A_1723 = tpu.vector_load_idx %arg9[%add3A_1524, %add3A_1722] : memref<256x128xf32, #tpu.memory_space<vmem>>[vector<16xi32>, vector<16xi32>], vector<16xf32>,
      %mul3A_1724 = arith.mulf %gather3A_1719, %gather3A_1723 : vector<16xf32>
      %add3A_1725 = arith.addf %add3A_1715, %mul3A_1724 : vector<16xf32>
      %add3A_1726 = arith.constant 19 : i32
      %add3A_1727 = vector.broadcast %add3A_1726 : i32 to vector<16xi32>
      %add3A_1728 = arith.addi %gather3A_1528, %add3A_1727 : vector<16xi32>
      %gather3A_1729 = tpu.vector_load_idx %arg8[%add3A_1524, %add3A_1728] : memref<256x128xf32, #tpu.memory_space<vmem>>[vector<16xi32>, vector<16xi32>], vector<16xf32>,
      %add3A_1730 = arith.constant 19 : i32
      %add3A_1731 = vector.broadcast %add3A_1730 : i32 to vector<16xi32>
      %add3A_1732 = arith.addi %gather3A_1533, %add3A_1731 : vector<16xi32>
      %gather3A_1733 = tpu.vector_load_idx %arg9[%add3A_1524, %add3A_1732] : memref<256x128xf32, #tpu.memory_space<vmem>>[vector<16xi32>, vector<16xi32>], vector<16xf32>,
      %mul3A_1734 = arith.mulf %gather3A_1729, %gather3A_1733 : vector<16xf32>
      %add3A_1735 = arith.addf %add3A_1725, %mul3A_1734 : vector<16xf32>
      %add3A_1736 = arith.constant 20 : i32
      %add3A_1737 = vector.broadcast %add3A_1736 : i32 to vector<16xi32>
      %add3A_1738 = arith.addi %gather3A_1528, %add3A_1737 : vector<16xi32>
      %gather3A_1739 = tpu.vector_load_idx %arg8[%add3A_1524, %add3A_1738] : memref<256x128xf32, #tpu.memory_space<vmem>>[vector<16xi32>, vector<16xi32>], vector<16xf32>,
      %add3A_1740 = arith.constant 20 : i32
      %add3A_1741 = vector.broadcast %add3A_1740 : i32 to vector<16xi32>
      %add3A_1742 = arith.addi %gather3A_1533, %add3A_1741 : vector<16xi32>
      %gather3A_1743 = tpu.vector_load_idx %arg9[%add3A_1524, %add3A_1742] : memref<256x128xf32, #tpu.memory_space<vmem>>[vector<16xi32>, vector<16xi32>], vector<16xf32>,
      %mul3A_1744 = arith.mulf %gather3A_1739, %gather3A_1743 : vector<16xf32>
      %add3A_1745 = arith.addf %add3A_1735, %mul3A_1744 : vector<16xf32>
      %add3A_1746 = arith.constant 21 : i32
      %add3A_1747 = vector.broadcast %add3A_1746 : i32 to vector<16xi32>
      %add3A_1748 = arith.addi %gather3A_1528, %add3A_1747 : vector<16xi32>
      %gather3A_1749 = tpu.vector_load_idx %arg8[%add3A_1524, %add3A_1748] : memref<256x128xf32, #tpu.memory_space<vmem>>[vector<16xi32>, vector<16xi32>], vector<16xf32>,
      %add3A_1750 = arith.constant 21 : i32
      %add3A_1751 = vector.broadcast %add3A_1750 : i32 to vector<16xi32>
      %add3A_1752 = arith.addi %gather3A_1533, %add3A_1751 : vector<16xi32>
      %gather3A_1753 = tpu.vector_load_idx %arg9[%add3A_1524, %add3A_1752] : memref<256x128xf32, #tpu.memory_space<vmem>>[vector<16xi32>, vector<16xi32>], vector<16xf32>,
      %mul3A_1754 = arith.mulf %gather3A_1749, %gather3A_1753 : vector<16xf32>
      %add3A_1755 = arith.addf %add3A_1745, %mul3A_1754 : vector<16xf32>
      %add3A_1756 = arith.constant 22 : i32
      %add3A_1757 = vector.broadcast %add3A_1756 : i32 to vector<16xi32>
      %add3A_1758 = arith.addi %gather3A_1528, %add3A_1757 : vector<16xi32>
      %gather3A_1759 = tpu.vector_load_idx %arg8[%add3A_1524, %add3A_1758] : memref<256x128xf32, #tpu.memory_space<vmem>>[vector<16xi32>, vector<16xi32>], vector<16xf32>,
      %add3A_1760 = arith.constant 22 : i32
      %add3A_1761 = vector.broadcast %add3A_1760 : i32 to vector<16xi32>
      %add3A_1762 = arith.addi %gather3A_1533, %add3A_1761 : vector<16xi32>
      %gather3A_1763 = tpu.vector_load_idx %arg9[%add3A_1524, %add3A_1762] : memref<256x128xf32, #tpu.memory_space<vmem>>[vector<16xi32>, vector<16xi32>], vector<16xf32>,
      %mul3A_1764 = arith.mulf %gather3A_1759, %gather3A_1763 : vector<16xf32>
      %add3A_1765 = arith.addf %add3A_1755, %mul3A_1764 : vector<16xf32>
      %add3A_1766 = arith.constant 23 : i32
      %add3A_1767 = vector.broadcast %add3A_1766 : i32 to vector<16xi32>
      %add3A_1768 = arith.addi %gather3A_1528, %add3A_1767 : vector<16xi32>
      %gather3A_1769 = tpu.vector_load_idx %arg8[%add3A_1524, %add3A_1768] : memref<256x128xf32, #tpu.memory_space<vmem>>[vector<16xi32>, vector<16xi32>], vector<16xf32>,
      %add3A_1770 = arith.constant 23 : i32
      %add3A_1771 = vector.broadcast %add3A_1770 : i32 to vector<16xi32>
      %add3A_1772 = arith.addi %gather3A_1533, %add3A_1771 : vector<16xi32>
      %gather3A_1773 = tpu.vector_load_idx %arg9[%add3A_1524, %add3A_1772] : memref<256x128xf32, #tpu.memory_space<vmem>>[vector<16xi32>, vector<16xi32>], vector<16xf32>,
      %mul3A_1774 = arith.mulf %gather3A_1769, %gather3A_1773 : vector<16xf32>
      %add3A_1775 = arith.addf %add3A_1765, %mul3A_1774 : vector<16xf32>
      %add3A_1776 = arith.constant 24 : i32
      %add3A_1777 = vector.broadcast %add3A_1776 : i32 to vector<16xi32>
      %add3A_1778 = arith.addi %gather3A_1528, %add3A_1777 : vector<16xi32>
      %gather3A_1779 = tpu.vector_load_idx %arg8[%add3A_1524, %add3A_1778] : memref<256x128xf32, #tpu.memory_space<vmem>>[vector<16xi32>, vector<16xi32>], vector<16xf32>,
      %add3A_1780 = arith.constant 24 : i32
      %add3A_1781 = vector.broadcast %add3A_1780 : i32 to vector<16xi32>
      %add3A_1782 = arith.addi %gather3A_1533, %add3A_1781 : vector<16xi32>
      %gather3A_1783 = tpu.vector_load_idx %arg9[%add3A_1524, %add3A_1782] : memref<256x128xf32, #tpu.memory_space<vmem>>[vector<16xi32>, vector<16xi32>], vector<16xf32>,
      %mul3A_1784 = arith.mulf %gather3A_1779, %gather3A_1783 : vector<16xf32>
      %add3A_1785 = arith.addf %add3A_1775, %mul3A_1784 : vector<16xf32>
      %add3A_1786 = arith.constant 25 : i32
      %add3A_1787 = vector.broadcast %add3A_1786 : i32 to vector<16xi32>
      %add3A_1788 = arith.addi %gather3A_1528, %add3A_1787 : vector<16xi32>
      %gather3A_1789 = tpu.vector_load_idx %arg8[%add3A_1524, %add3A_1788] : memref<256x128xf32, #tpu.memory_space<vmem>>[vector<16xi32>, vector<16xi32>], vector<16xf32>,
      %add3A_1790 = arith.constant 25 : i32
      %add3A_1791 = vector.broadcast %add3A_1790 : i32 to vector<16xi32>
      %add3A_1792 = arith.addi %gather3A_1533, %add3A_1791 : vector<16xi32>
      %gather3A_1793 = tpu.vector_load_idx %arg9[%add3A_1524, %add3A_1792] : memref<256x128xf32, #tpu.memory_space<vmem>>[vector<16xi32>, vector<16xi32>], vector<16xf32>,
      %mul3A_1794 = arith.mulf %gather3A_1789, %gather3A_1793 : vector<16xf32>
      %add3A_1795 = arith.addf %add3A_1785, %mul3A_1794 : vector<16xf32>
      %add3A_1796 = arith.constant 26 : i32
      %add3A_1797 = vector.broadcast %add3A_1796 : i32 to vector<16xi32>
      %add3A_1798 = arith.addi %gather3A_1528, %add3A_1797 : vector<16xi32>
      %gather3A_1799 = tpu.vector_load_idx %arg8[%add3A_1524, %add3A_1798] : memref<256x128xf32, #tpu.memory_space<vmem>>[vector<16xi32>, vector<16xi32>], vector<16xf32>,
      %add3A_1800 = arith.constant 26 : i32
      %add3A_1801 = vector.broadcast %add3A_1800 : i32 to vector<16xi32>
      %add3A_1802 = arith.addi %gather3A_1533, %add3A_1801 : vector<16xi32>
      %gather3A_1803 = tpu.vector_load_idx %arg9[%add3A_1524, %add3A_1802] : memref<256x128xf32, #tpu.memory_space<vmem>>[vector<16xi32>, vector<16xi32>], vector<16xf32>,
      %mul3A_1804 = arith.mulf %gather3A_1799, %gather3A_1803 : vector<16xf32>
      %add3A_1805 = arith.addf %add3A_1795, %mul3A_1804 : vector<16xf32>
      %add3A_1806 = arith.constant 27 : i32
      %add3A_1807 = vector.broadcast %add3A_1806 : i32 to vector<16xi32>
      %add3A_1808 = arith.addi %gather3A_1528, %add3A_1807 : vector<16xi32>
      %gather3A_1809 = tpu.vector_load_idx %arg8[%add3A_1524, %add3A_1808] : memref<256x128xf32, #tpu.memory_space<vmem>>[vector<16xi32>, vector<16xi32>], vector<16xf32>,
      %add3A_1810 = arith.constant 27 : i32
      %add3A_1811 = vector.broadcast %add3A_1810 : i32 to vector<16xi32>
      %add3A_1812 = arith.addi %gather3A_1533, %add3A_1811 : vector<16xi32>
      %gather3A_1813 = tpu.vector_load_idx %arg9[%add3A_1524, %add3A_1812] : memref<256x128xf32, #tpu.memory_space<vmem>>[vector<16xi32>, vector<16xi32>], vector<16xf32>,
      %mul3A_1814 = arith.mulf %gather3A_1809, %gather3A_1813 : vector<16xf32>
      %add3A_1815 = arith.addf %add3A_1805, %mul3A_1814 : vector<16xf32>
      %add3A_1816 = arith.constant 28 : i32
      %add3A_1817 = vector.broadcast %add3A_1816 : i32 to vector<16xi32>
      %add3A_1818 = arith.addi %gather3A_1528, %add3A_1817 : vector<16xi32>
      %gather3A_1819 = tpu.vector_load_idx %arg8[%add3A_1524, %add3A_1818] : memref<256x128xf32, #tpu.memory_space<vmem>>[vector<16xi32>, vector<16xi32>], vector<16xf32>,
      %add3A_1820 = arith.constant 28 : i32
      %add3A_1821 = vector.broadcast %add3A_1820 : i32 to vector<16xi32>
      %add3A_1822 = arith.addi %gather3A_1533, %add3A_1821 : vector<16xi32>
      %gather3A_1823 = tpu.vector_load_idx %arg9[%add3A_1524, %add3A_1822] : memref<256x128xf32, #tpu.memory_space<vmem>>[vector<16xi32>, vector<16xi32>], vector<16xf32>,
      %mul3A_1824 = arith.mulf %gather3A_1819, %gather3A_1823 : vector<16xf32>
      %add3A_1825 = arith.addf %add3A_1815, %mul3A_1824 : vector<16xf32>
      %add3A_1826 = arith.constant 29 : i32
      %add3A_1827 = vector.broadcast %add3A_1826 : i32 to vector<16xi32>
      %add3A_1828 = arith.addi %gather3A_1528, %add3A_1827 : vector<16xi32>
      %gather3A_1829 = tpu.vector_load_idx %arg8[%add3A_1524, %add3A_1828] : memref<256x128xf32, #tpu.memory_space<vmem>>[vector<16xi32>, vector<16xi32>], vector<16xf32>,
      %add3A_1830 = arith.constant 29 : i32
      %add3A_1831 = vector.broadcast %add3A_1830 : i32 to vector<16xi32>
      %add3A_1832 = arith.addi %gather3A_1533, %add3A_1831 : vector<16xi32>
      %gather3A_1833 = tpu.vector_load_idx %arg9[%add3A_1524, %add3A_1832] : memref<256x128xf32, #tpu.memory_space<vmem>>[vector<16xi32>, vector<16xi32>], vector<16xf32>,
      %mul3A_1834 = arith.mulf %gather3A_1829, %gather3A_1833 : vector<16xf32>
      %add3A_1835 = arith.addf %add3A_1825, %mul3A_1834 : vector<16xf32>
      %add3A_1836 = arith.constant 30 : i32
      %add3A_1837 = vector.broadcast %add3A_1836 : i32 to vector<16xi32>
      %add3A_1838 = arith.addi %gather3A_1528, %add3A_1837 : vector<16xi32>
      %gather3A_1839 = tpu.vector_load_idx %arg8[%add3A_1524, %add3A_1838] : memref<256x128xf32, #tpu.memory_space<vmem>>[vector<16xi32>, vector<16xi32>], vector<16xf32>,
      %add3A_1840 = arith.constant 30 : i32
      %add3A_1841 = vector.broadcast %add3A_1840 : i32 to vector<16xi32>
      %add3A_1842 = arith.addi %gather3A_1533, %add3A_1841 : vector<16xi32>
      %gather3A_1843 = tpu.vector_load_idx %arg9[%add3A_1524, %add3A_1842] : memref<256x128xf32, #tpu.memory_space<vmem>>[vector<16xi32>, vector<16xi32>], vector<16xf32>,
      %mul3A_1844 = arith.mulf %gather3A_1839, %gather3A_1843 : vector<16xf32>
      %add3A_1845 = arith.addf %add3A_1835, %mul3A_1844 : vector<16xf32>
      %add3A_1846 = arith.constant 31 : i32
      %add3A_1847 = vector.broadcast %add3A_1846 : i32 to vector<16xi32>
      %add3A_1848 = arith.addi %gather3A_1528, %add3A_1847 : vector<16xi32>
      %gather3A_1849 = tpu.vector_load_idx %arg8[%add3A_1524, %add3A_1848] : memref<256x128xf32, #tpu.memory_space<vmem>>[vector<16xi32>, vector<16xi32>], vector<16xf32>,
      %add3A_1850 = arith.constant 31 : i32
      %add3A_1851 = vector.broadcast %add3A_1850 : i32 to vector<16xi32>
      %add3A_1852 = arith.addi %gather3A_1533, %add3A_1851 : vector<16xi32>
      %gather3A_1853 = tpu.vector_load_idx %arg9[%add3A_1524, %add3A_1852] : memref<256x128xf32, #tpu.memory_space<vmem>>[vector<16xi32>, vector<16xi32>], vector<16xf32>,
      %mul3A_1854 = arith.mulf %gather3A_1849, %gather3A_1853 : vector<16xf32>
      %add3A_1855 = arith.addf %add3A_1845, %mul3A_1854 : vector<16xf32>
      %swap3A_1856 = arith.index_cast %add3A_1520 : i32 to index
      %swap3A_1857 = tpu.vector_load %arg10[%swap3A_1856] {strides = array<i32>} : memref<512xf32, #tpu.memory_space<vmem>>, vector<16xf32>,
      tpu.vector_store %arg10[%swap3A_1856], %add3A_1855 {strides = array<i32>} : memref<512xf32, #tpu.memory_space<vmem>>, vector<16xf32>,
    }
    %scan3A_1515 = arith.constant 16 : i32
    "tpu.region"() ({
      %run_scoped3A = tpu.sem_alloc : memref<!tpu.dma_semaphore, #tpu.memory_space<semaphore_mem>>
      %dma_start3A_1516 = tpu.memref_slice %arg4[%mul3A_2] : memref<16384xf32, #tpu.memory_space<hbm>> -> memref<512xf32, #tpu.memory_space<hbm>>
      %dma_start3A_1517 = tpu.memref_slice %arg4[%mul3A_2] : memref<16384xf32, #tpu.memory_space<hbm>> -> memref<512xf32, #tpu.memory_space<hbm>>
      tpu.enqueue_dma source(%arg10 : memref<512xf32, #tpu.memory_space<vmem>>) target(%dma_start3A_1517 : memref<512xf32, #tpu.memory_space<hbm>>) target_semaphore(%run_scoped3A : memref<!tpu.dma_semaphore, #tpu.memory_space<semaphore_mem>>)
      %dma_wait3A_1518 = tpu.memref_slice %arg4[%mul3A_2] : memref<16384xf32, #tpu.memory_space<hbm>> -> memref<512xf32, #tpu.memory_space<hbm>>
      %dma_wait3A_1519 = tpu.memref_slice %arg4[%mul3A_2] : memref<16384xf32, #tpu.memory_space<hbm>> -> memref<512xf32, #tpu.memory_space<hbm>>
      tpu.wait_dma2 semaphore(%run_scoped3A : memref<!tpu.dma_semaphore, #tpu.memory_space<semaphore_mem>>) src(%arg10 : memref<512xf32, #tpu.memory_space<vmem>>) dst(%dma_wait3A_1519 : memref<512xf32, #tpu.memory_space<hbm>>)
      tpu.yield
    }) : () -> ()
    return
  }
}

</mosaic_0001>

<sc_bundles>
// kernel: kernel.3.cloned.1.call-start
scs
__scs_entry_jumppad:
0x0: {  	(pc) =	sbr.rel $0x88, $3  }
0x1: {  	(tag) =	ssettag $0x0;
	lr =	simm.s32 $0x1  }
0x2: {  	[smem:$0x3F9F] =	sst lr;
	_ =	strace $0xD0000000  }
0x3: {  	_ = 	snop  }
0x4: {  	_ = 	snop  }
0x5: {  	_ = 	snop  }
0x6: {  	_ = 	snop  }
0x7: {  	_ = 	snop  }
__scs_overlays_trampoline_lowered:
0x8: {  	[smem:$0x3FAE] =	sst s0  }
0x9: {  	[smem:$0x3FAF] =	sst s1  }
0xa: {  	[smem:$0x3FB0] =	sst s2  }
0xb: {  	[smem:$0x3FB1] =	sst s3  }
0xc: {  	[smem:$0x3FB2] =	sst s4  }
0xd: {  	[smem:$0x3FB3] =	sst s5  }
0xe: {  	[smem:$0x3FB4] =	sst s6  }
0xf: {  	[smem:$0x3FB5] =	sst s7  }
0x10: {  	[smem:$0x3FB6] =	sst s8  }
0x11: {  	[smem:$0x3FB7] =	sst s9;
	s0 =	simm.s32 @!p0 $0x0  }
0x12: {  	s1 =	sld [smem:$0x3F9D];
	s0 =	simm.s32 @p0 $0x1  }
0x13: {  	[smem:$0x3FB8] =	sst s0;
	s0 =	simm.s32 @!p1 $0x0  }
0x14: {  	s2 =	sld [smem:$0x3F9C];
	s0 =	simm.s32 @p1 $0x1  }
0x15: {  	[smem:$0x3FB9] =	sst s0;
	s0 =	simm.s32 @!p2 $0x0  }
0x16: {  	s3 =	sld [smem:$0x3FDB];
	s0 =	simm.s32 @p2 $0x1  }
0x17: {  	s4 =	simm.s32 $0x1BF5;
	[smem:$0x3FBB] =	sst s0  }
0x18: {  	s0 =	sld [smem:$0x3F9E];
	_ =	swait.ge [sflag:s4], $0x0  }
0x19: {  	s7 =	sld [smem:$0x3F9F]  }
0x1a: {  	s8 =	sadd.s32 $0xFFFFE003, lr  }
0x1b: {  	s9 =	sadd.s32 $0xFFFFFEF7, lr;
	s5 =	simm.s32 $0xFFFFFFFF;
	p2 =	slt.u32 s8, $0xFFFFF086  }
0x1c: {  	p1 =	slt.u32 s9, $0xF7A;
	s5 =	simm.s32 @!p2 $0x0  }
0x1d: {  	s5 =	simm.s32 @p1 $0x1;
	p0 =	seq.s32 s7, s2  }
0x1e: {  	s7 =	smul.u32 @!p0 $0xF7A, s2;
	p2 =	seq.s32 @!p0 s5, $0x0  }
0x1f: {  	s9 =	smul.u32 $0xF7A, s1;
	s8 =	simm.s32 @!p0 $0x1BF5;
	p2 =	por !p2, p0  }
0x20: {  	[sflag:s8] =	ssyncset.s32 @!p0 $0xFFFFF086;
	s6 =	sadd.s32 @!p0 s3, s7;
	s7 =	simm.s32 @!p0 $0x108  }
0x21: {  	s3 =	sadd.s32 s3, s9;
	s6 =	sadd.s32 @!p0 $0x88, s6;
	s7 =	simm.s32 @p2 $0x1082  }
0x22: {  	[simem:s7], [sflag:s8] =	dma.local @!p0 [hbm:s6], $0xF7A  }
0x23: {  	s9 =	sor.u32 $0xD0000000, s2;
	s6 =	simm.s32 $0x108;
	_ =	swait.ge @!p0 [sflag:s8], $0x0  }
0x24: {  	s3 =	sadd.s32 $0x88, s3;
	s6 =	simm.s32 @!p1 $0x1082;
	[sflag:s4] =	ssyncset.s32 $0xFFFFF086  }
0x25: {  	[simem:s6], [sflag:s4] =	dma.local [hbm:s3], $0xF7A  }
0x26: {  	[smem:$0x3F9F] =	sst s1;
	(tag) =	ssettag s2;
	_ =	strace s9  }
0x27: {  	s1 =	sld [smem:$0x3FAF]  }
0x28: {  	s2 =	sld [smem:$0x3FB0]  }
0x29: {  	s4 =	sld [smem:$0x3FB2]  }
0x2a: {  	p0 =	seq.s32 s5, $0x0;
	s5 =	sld [smem:$0x3FB3]  }
0x2b: {  	s6 =	sld [smem:$0x3FB4]  }
0x2c: {  	s7 =	sld [smem:$0x3FB5]  }
0x2d: {  	s3 =	simm.s32 $0x108;
	s8 =	sld [smem:$0x3FB6]  }
0x2e: {  	s3 =	simm.s32 @!p0 $0x1082;
	s9 =	sld [smem:$0x3FB7]  }
0x2f: {  	lr =	sadd.s32 s0, s3;
	s0 =	sld [smem:$0x3FAE]  }
0x30: {  	s3 =	sld [smem:$0x3FB1]  }
0x31: {  	[smem:$0x3FBA] =	sst s10  }
0x32: {  	s10 =	sld [smem:$0x3FB8];
	_ =	sdelay $0x3  }
0x33: {  	p0 =	seq.s32 s10, $0x1;
	s10 =	sld [smem:$0x3FBA];
	_ =	sdelay $0x3  }
0x34: {  	[smem:$0x3FBA] =	sst s10  }
0x35: {  	s10 =	sld [smem:$0x3FB9];
	_ =	sdelay $0x3  }
0x36: {  	p1 =	seq.s32 s10, $0x1;
	s10 =	sld [smem:$0x3FBA];
	_ =	sdelay $0x3  }
0x37: {  	[smem:$0x3FBA] =	sst s10  }
0x38: {  	s10 =	sld [smem:$0x3FBB]  }
0x39: {  	_ = 	snop;
	(pc) =	sbr.ind lr, $3  }
0x3a: {  	_ = 	snop  }
0x3b: {  	_ = 	snop  }
0x3c: {  	p2 =	seq.s32 s10, $0x1;
	s10 =	sld [smem:$0x3FBA]  }
0x3d: {  	_ =	shalt  }
0x3e: {  	_ =	shalt  }
0x3f: {  	_ =	shalt  }
0x40: {  	_ =	shalt  }
0x41: {  	_ =	shalt  }
0x42: {  	_ =	shalt  }
0x43: {  	_ =	shalt  }
0x44: {  	_ =	shalt  }
0x45: {  	_ =	shalt  }
0x46: {  	_ =	shalt  }
0x47: {  	_ =	shalt  }
0x48: {  	_ =	shalt  }
0x49: {  	_ =	shalt  }
0x4a: {  	_ =	shalt  }
0x4b: {  	_ =	shalt  }
0x4c: {  	_ =	shalt  }
0x4d: {  	_ =	shalt  }
0x4e: {  	_ =	shalt  }
0x4f: {  	_ =	shalt  }
0x50: {  	_ =	shalt  }
0x51: {  	_ =	shalt  }
0x52: {  	_ =	shalt  }
0x53: {  	_ =	shalt  }
0x54: {  	_ =	shalt  }
0x55: {  	_ =	shalt  }
0x56: {  	_ =	shalt  }
0x57: {  	_ =	shalt  }
0x58: {  	_ =	shalt  }
0x59: {  	_ =	shalt  }
0x5a: {  	_ =	shalt  }
0x5b: {  	_ =	shalt  }
0x5c: {  	_ =	shalt  }
0x5d: {  	_ =	shalt  }
0x5e: {  	_ =	shalt  }
0x5f: {  	_ =	shalt  }
0x60: {  	_ =	shalt  }
0x61: {  	_ =	shalt  }
0x62: {  	_ =	shalt  }
0x63: {  	_ =	shalt  }
0x64: {  	_ =	shalt  }
0x65: {  	_ =	shalt  }
0x66: {  	_ =	shalt  }
0x67: {  	_ =	shalt  }
0x68: {  	_ =	shalt  }
0x69: {  	_ =	shalt  }
0x6a: {  	_ =	shalt  }
0x6b: {  	_ =	shalt  }
0x6c: {  	_ =	shalt  }
0x6d: {  	_ =	shalt  }
0x6e: {  	_ =	shalt  }
0x6f: {  	_ =	shalt  }
0x70: {  	_ =	shalt  }
0x71: {  	_ =	shalt  }
0x72: {  	_ =	shalt  }
0x73: {  	_ =	shalt  }
0x74: {  	_ =	shalt  }
0x75: {  	_ =	shalt  }
0x76: {  	_ =	shalt  }
0x77: {  	_ =	shalt  }
0x78: {  	_ =	shalt  }
0x79: {  	_ =	shalt  }
0x7a: {  	_ =	shalt  }
0x7b: {  	_ =	shalt  }
0x7c: {  	_ =	shalt  }
0x7d: {  	_ =	shalt  }
0x7e: {  	_ =	shalt  }
0x7f: {  	_ =	shalt  }
0x80: {  	_ =	shalt  }
0x81: {  	_ =	shalt  }
0x82: {  	_ =	shalt  }
0x83: {  	_ =	shalt  }
0x84: {  	_ =	shalt  }
0x85: {  	_ =	shalt  }
0x86: {  	_ =	shalt  }
0x87: {  	_ =	shalt  }
.Lfunc_end0:
.L_simem_size_0:
called_computation_lowered:
.L_overlay_start_0:
0x88: {  	s2 =	sld [smem:$0x3FD9]  }
0x89: {  	s3 =	sld [smem:$0x3FFE];
	_ =	sdelay $0x1  }
0x8a: {  	s1 =	srdreg.scid  }
0x8b: {  	s0 =	sand.u32 $0x1, s1  }
0x8c: {  	s17 =	sshll.u32 s0, $0xA;
	s2 =	sadd.s32 s3, s2  }
0x8d: {  	s2 =	sadd.s32 s2, s17  }
0x8e: {  	[smem:$0x3FC6] =	sst s2  }
0x8f: {  	_ = 	snop  }
0x90: {  	s2 =	sld [smem:$0x3FD0];
	(tm) =	ssettm $0x1  }
0x91: {  	s18 =	sld [smem:$0x3FFB];
	_ =	sdelay $0x3  }
0x92: {  	_ =	strace s18  }
0x93: {  	s3 =	sld [smem:$0x3FFC];
	_ =	sdelay $0x3  }
0x94: {  	_ =	strace s3  }
0x95: {  	s3 =	sld [smem:$0x3FFD];
	_ =	sdelay $0x3  }
0x96: {  	_ =	strace s3  }
0x97: {  	_ =	strace $0x8FFFFFFF  }
0x98: {  	s19 =	sld [smem:$0x3FDB];
	_ =	sdelay $0x1  }
0x99: {  	s4 =	simm.s32 $_scs_section_size  }
0x9a: {  	s5 =	simm.s32 $_size__tile_overlayer_lowered;
	s6 =	simm.s32 $_tile_overlayer_lowered  }
0x9b: {  	s22 =	simm.s32 $0x1BFF;
	s21 =	sshll.u32 s6, $0x1;
	s3 =	sadd.s32 s4, s19  }
0x9c: {  	s7 =	simm.s32 $0x0;
	s20 =	sshll.u32 s5, $0x1;
	s5 =	sadd.s32 s21, s3  }
0x9d: {  	[timem:s7], [sflag:s22] =	dma.local [hbm:s5], s20  }
0x9e: {  	_ =	swait.ge [sflag:s22], s20  }
0x9f: {  	s4 =	ssub.s32 $0x0, s20;
	[sflag:s22] =	ssyncset.done $0x0  }
0xa0: {  	[sflag:s22] =	ssyncadd.s32 s4;
	_ =	sdelay $0x1  }
0xa1: {  	s23 =	simm.s32 $0x1B8B  }
0xa2: {  	_ =	swait.ge [sflag:s23], $0x1  }
0xa3: {  	[sflag:s23] =	ssyncset.done $0x0  }
0xa4: {  	s25 =	simm.s32 $0x1B8E;
	s24 =	sld [smem:$0x3FFE];
	[sflag:s23] =	ssyncadd.s32 $0xFFFFFFFF  }
0xa5: {  	s26 =	simm.s32 $execute0_lowered;
	[smem:$0x3FD2] =	sst s25  }
0xa6: {  	s5 =	sshll.u32 s26, $0x1;
	_ =	strace $0x80000046;
	[dreg:$0x1] =	wrdreg $0xFFFFFFFF  }
0xa7: {  	s28 =	simm.s32 $_size_execute0_lowered;
	s3 =	sadd.s32 s3, s5;
	[dreg:$0x0] =	wrdreg $0x0  }
0xa8: {  	s5 =	sshll.u32 s28, $0x1;
	[dreg:$0x2] =	wrdreg s3  }
0xa9: {  	[dreg:$0x3] =	wrdreg s5  }
0xaa: {  	[dreg:$0x4] =	wrdreg $0xC0  }
0xab: {  	_ =	task [dreg:s7], $0x5FFFF  }
0xac: {  	[dreg:$0x1] =	wrdreg $0xFFFFFFFF  }
0xad: {  	[dreg:$0x0] =	wrdreg $0x60  }
0xae: {  	[dreg:$0x2] =	wrdreg s24  }
0xaf: {  	[dreg:$0x3] =	wrdreg s2  }
0xb0: {  	[dreg:$0x4] =	wrdreg $0x9  }
0xb1: {  	_ =	task.clear_ibuf [dreg:s7], $0x5FFFF;
	_ =	strace $0x90000046  }
0xb2: {  	s29 =	simm.s32 $0x9;
	_ =	strace $0x80000048  }
0xb3: {  	_ =	swait.ge [sflag:s29], $0x1  }
0xb4: {  	[sflag:s29] =	ssyncadd.s32 $0xFFFFFFFF  }
0xb5: {  	_ =	strace $0x90000048  }
0xb6: {  	_ =	sfence  }
0xb7: {  	s30 =	sld [smem:$0x0];
	_ =	sdelay $0x2  }
0xb8: {  	s31 =	sshll.u32 s1, $0xD;
	s1 =	sshrl.u32 s1, $0x2  }
0xb9: {  	s3 =	sand.u32 $0x4000, s31;
	s1 =	sadd.s32 s1, s30  }
0xba: {  	s0 =	sor.u32 s3, s0;
	s1 =	sshll.u32 s1, $0x11  }
0xbb: {  	s0 =	sor.u32 s1, s0  }
0xbc: {  	s0 =	sadd.s32 $0x8F2B, s0  }
0xbd: {  	[sflag:s0] =	ssyncadd.remote.s32 $0x1  }
0xbe: {  	_ =	sfence.sel $0xFFFF  }
0xbf: {  	[dreg:$0x0] =	wrdreg $0xFFFFFFFF;
	(pc) =	sbr.abs _section_cstart, $3  }
0xc0: {  	[dreg:$0x1] =	wrdreg $0xFFFFFFFF  }
0xc1: {  	_ =	task.clear_ibuf [dreg:s7], $0x2FFFF;
	_ =	strace $0x9FFFFFFF  }
0xc2: {  	(tm) =	ssettm $0x7FFFFFFF  }
0xc3: {  	_ =	shalt  }
tec
execute0_lowered:
.L_overlay_start_1:
0x0: {  	(tag) =	ssettag $0x1  }
0x1: {  	v0 =	vlaneseq.u32  }
0x2: {  	v1 =	vmul.u32 $0x3, v0;
	_ =	sdelay $0x1  }
0x3: {  	v2 =	vadd.s32 $0x2, v1  }
0x4: {  	[tilespmem:$0x1FC00] =	vst v2;
	v2 =	vadd.s32 $0x30, v1  }
0x5: {  	[tilespmem:$0x1FC10] =	vst v2;
	v2 =	vadd.s32 $0x32, v1  }
0x6: {  	[tilespmem:$0x1FC20] =	vst v2;
	v2 =	vadd.s32 $0x60, v1  }
0x7: {  	[tilespmem:$0x1FC30] =	vst v2;
	v2 =	vadd.s32 $0x62, v1  }
0x8: {  	[tilespmem:$0x1FC40] =	vst v2;
	v2 =	vadd.s32 $0x90, v1  }
0x9: {  	[tilespmem:$0x1FC50] =	vst v2;
	v2 =	vadd.s32 $0x92, v1  }
0xa: {  	[tilespmem:$0x1FC60] =	vst v2;
	v2 =	vor.u32 $0xC0, v1  }
0xb: {  	[tilespmem:$0x1FC70] =	vst v2;
	v2 =	vadd.s32 $0xC2, v1  }
0xc: {  	[tilespmem:$0x1FC80] =	vst v2;
	v2 =	vadd.s32 $0xF0, v1  }
0xd: {  	[tilespmem:$0x1FC90] =	vst v2;
	v2 =	vadd.s32 $0xF2, v1  }
0xe: {  	[tilespmem:$0x1FCA0] =	vst v2;
	v2 =	vadd.s32 $0x120, v1  }
0xf: {  	[tilespmem:$0x1FCB0] =	vst v2;
	v2 =	vadd.s32 $0x122, v1  }
0x10: {  	[tilespmem:$0x1FCC0] =	vst v2;
	v2 =	vadd.s32 $0x150, v1  }
0x11: {  	[tilespmem:$0x1FCD0] =	vst v2;
	v2 =	vadd.s32 $0x152, v1  }
0x12: {  	[tilespmem:$0x1FCE0] =	vst v2;
	v2 =	vor.u32 $0x180, v1  }
0x13: {  	[tilespmem:$0x1FCF0] =	vst v2;
	v2 =	vadd.s32 $0x182, v1  }
0x14: {  	[tilespmem:$0x1FD00] =	vst v2;
	v2 =	vadd.s32 $0x1B0, v1  }
0x15: {  	[tilespmem:$0x1FD10] =	vst v2;
	v2 =	vadd.s32 $0x1B2, v1  }
0x16: {  	[tilespmem:$0x1FD20] =	vst v2;
	v2 =	vadd.s32 $0x1E0, v1  }
0x17: {  	[tilespmem:$0x1FD30] =	vst v2;
	v2 =	vadd.s32 $0x1E2, v1  }
0x18: {  	[tilespmem:$0x1FD40] =	vst v2;
	v2 =	vadd.s32 $0x210, v1  }
0x19: {  	[tilespmem:$0x1FD50] =	vst v2;
	v2 =	vadd.s32 $0x212, v1  }
0x1a: {  	[tilespmem:$0x1FD60] =	vst v2;
	v2 =	vor.u32 $0x240, v1  }
0x1b: {  	[tilespmem:$0x1FD70] =	vst v2;
	v2 =	vadd.s32 $0x242, v1  }
0x1c: {  	[tilespmem:$0x1FD80] =	vst v2;
	v2 =	vadd.s32 $0x270, v1  }
0x1d: {  	[tilespmem:$0x1FD90] =	vst v2;
	v2 =	vadd.s32 $0x272, v1  }
0x1e: {  	[tilespmem:$0x1FDA0] =	vst v2;
	v2 =	vadd.s32 $0x2A0, v1  }
0x1f: {  	[tilespmem:$0x1FDB0] =	vst v2;
	v2 =	vadd.s32 $0x2A2, v1  }
0x20: {  	[tilespmem:$0x1FDC0] =	vst v2;
	v2 =	vadd.s32 $0x2D0, v1  }
0x21: {  	[tilespmem:$0x1FDD0] =	vst v2;
	v2 =	vadd.s32 $0x2D2, v1  }
0x22: {  	[tilespmem:$0x1FDE0] =	vst v2;
	v2 =	vor.u32 $0x300, v1  }
0x23: {  	[tilespmem:$0x1FDF0] =	vst v2;
	v2 =	vadd.s32 $0x302, v1  }
0x24: {  	[tilespmem:$0x1FE00] =	vst v2;
	v2 =	vadd.s32 $0x330, v1  }
0x25: {  	s3 =	rddreg [dreg:$0x0];
	[tilespmem:$0x1FE10] =	vst v2;
	v2 =	vadd.s32 $0x332, v1  }
0x26: {  	s5 =	rddreg [dreg:$0x1];
	s2 =	simm.s32 $0x0;
	[tilespmem:$0x1FE20] =	vst v2;
	v2 =	vadd.s32 $0x360, v1  }
0x27: {  	s1 =	srdreg.scid;
	[smem:$0x7FF] =	sst s2;
	[tilespmem:$0x1FE30] =	vst v2;
	v2 =	vadd.s32 $0x362, v1  }
0x28: {  	s4 =	sand.u32 $0x1, s1;
	s1 =	rddreg [dreg:$0x2];
	_ =	strace $0x80000047;
	[tilespmem:$0x1FE40] =	vst v2  }
0x29: {  	v2 =	vadd.s32 $0x390, v1;
	[tilespmem:$0x1FFE0] =	vst v1  }
0x2a: {  	[tilespmem:$0x1FE50] =	vst v2;
	v2 =	vadd.s32 $0x392, v1  }
0x2b: {  	[tilespmem:$0x1FE60] =	vst v2;
	v2 =	vor.u32 $0x3C0, v1  }
0x2c: {  	[tilespmem:$0x1FE70] =	vst v2;
	v2 =	vadd.s32 $0x3C2, v1  }
0x2d: {  	[tilespmem:$0x1FE80] =	vst v2;
	v2 =	vadd.s32 $0x3F0, v1  }
0x2e: {  	[tilespmem:$0x1FE90] =	vst v2;
	v2 =	vadd.s32 $0x3F2, v1  }
0x2f: {  	[tilespmem:$0x1FEA0] =	vst v2;
	v2 =	vadd.s32 $0x420, v1  }
0x30: {  	[tilespmem:$0x1FEB0] =	vst v2;
	v2 =	vadd.s32 $0x422, v1  }
0x31: {  	[tilespmem:$0x1FEC0] =	vst v2;
	v2 =	vadd.s32 $0x450, v1  }
0x32: {  	[tilespmem:$0x1FED0] =	vst v2;
	v2 =	vadd.s32 $0x452, v1  }
0x33: {  	[tilespmem:$0x1FEE0] =	vst v2;
	v2 =	vor.u32 $0x480, v1  }
0x34: {  	[tilespmem:$0x1FEF0] =	vst v2;
	v2 =	vadd.s32 $0x482, v1  }
0x35: {  	[tilespmem:$0x1FF00] =	vst v2;
	v2 =	vadd.s32 $0x4B0, v1  }
0x36: {  	[tilespmem:$0x1FF10] =	vst v2;
	v2 =	vadd.s32 $0x4B2, v1  }
0x37: {  	[tilespmem:$0x1FF20] =	vst v2;
	v2 =	vadd.s32 $0x4E0, v1  }
0x38: {  	[tilespmem:$0x1FF30] =	vst v2;
	v2 =	vadd.s32 $0x4E2, v1  }
0x39: {  	s0 =	stileid.u32;
	[tilespmem:$0x1FF40] =	vst v2;
	v2 =	vadd.s32 $0x510, v1  }
0x3a: {  	s9 =	simm.s32 $0x600;
	s10 =	simm.s32 $0xE00;
	s11 =	simm.s32 $0x800;
	[tilespmem:$0x1FF50] =	vst v2;
	v2 =	vadd.s32 $0x512, v1  }
0x3b: {  	s12 =	simm.s32 $0x8E00;
	s13 =	simm.s32 $0x680;
	s14 =	simm.s32 $0x4E00;
	[tilespmem:$0x1FF60] =	vst v2;
	v2 =	vor.u32 $0x540, v1  }
0x3c: {  	s15 =	simm.s32 $0x880;
	s16 =	simm.s32 $0xCE00;
	s17 =	simm.s32 $0x1;
	[tilespmem:$0x1FF70] =	vst v2;
	v2 =	vadd.s32 $0x542, v1  }
0x3d: {  	s18 =	simm.s32 $0xA00;
	s19 =	simm.s32 $0x700;
	s20 =	simm.s32 $0x900;
	[tilespmem:$0x1FF80] =	vst v2;
	v2 =	vadd.s32 $0x570, v1  }
0x3e: {  	s21 =	simm.s32 $0x780;
	s22 =	simm.s32 $0x980;
	s31 =	sshll.u32 s0, $0x1;
	[tilespmem:$0x1FF90] =	vst v2;
	v2 =	vadd.s32 $0x572, v1  }
0x3f: {  	s23 =	simm.s32 $0x10E00;
	s6 =	sor.u32 s4, s31;
	s4 =	ssub.s32 $0x2, s4;
	[tilespmem:$0x1FFA0] =	vst v2;
	v2 =	vadd.s32 $0x5A0, v1  }
0x40: {  	s7 =	smul.u32 $0xC0, s6;
	s8 =	sshrl.u32 s4, $0x1;
	s6 =	sshll.u32 s6, $0x6;
	[tilespmem:$0x1FFB0] =	vst v2;
	v2 =	vadd.s32 $0x5A2, v1  }
0x41: {  	s24 =	simm.s32 $0x0;
	s8 =	ssub.s32 s4, s8;
	s5 =	sadd.s32 s5, s6;
	[tilespmem:$0x1FFC0] =	vst v2;
	v2 =	vadd.s32 $0x5D0, v1  }
0x42: {  	s7 =	sadd.s32 s7, s3;
	s3 =	sadd.s32 $0xF42A00, s3;
	s6 =	smax.u32 s8, $0x1;
	v1 =	vadd.s32 $0x5D2, v1;
	[tilespmem:$0x1FFD0] =	vst v2  }
0x43: {  	s8 =	simm.s32 $0x80;
	s4 =	sadd.s32 $0x600, s7;
	s7 =	simm.s32 $0x2;
	[tilespmem:$0x1FFF0] =	vst v1  }
.LBB2_1:
0x44: {  	[tilespmem:s2], [sflag:$0x2] =	stream.linear.gather [hbm4b:s4+s2], $0x600, $0x38;
	[tilespmem:$0x11000] =	vst v63  }
0x45: {  	_ =	swait.ge [sflag:s7], $0x600  }
0x46: {  	v1 =	vld [tilespmem:$0x1FFE0];
	_ =	sdelay $0x5  }
0x47: {  	[sflag:s7] =	ssyncset.done $0x0  }
0x48: {  	[sflag:s7] =	ssyncadd.s32 $0xFFFFFA00  }
0x49: {  	v3 =	vld.idx.msk [tilespmem:v1+s2+$0x0], $0xffff  }
0x4a: {  	v1 =	vld [tilespmem:$0x1FC00];
	_ =	sdelay $0x7  }
0x4b: {  	v4 =	vld.idx.msk [tilespmem:v1+s2+$0x0], $0xffff  }
0x4c: {  	v1 =	vld [tilespmem:$0x1FC10];
	_ =	sdelay $0x2  }
0x4d: {  	v5 =	vshrl.u32 v3, $0x2;
	v3 =	vshll.u32 v3, $0x5  }
0x4e: {  	v3 =	vand.u32 $0x60, v3;
	[tilespmem:$0x600] =	vst v5  }
0x4f: {  	[tilespmem:$0xA00] =	vst v3;
	v5 =	vshrl.u32 v4, $0x2;
	v4 =	vshll.u32 v4, $0x5  }
0x50: {  	[tilespmem:$0x800] =	vst v5;
	v3 =	vand.u32 $0x60, v4  }
0x51: {  	[tilespmem:$0xC00] =	vst v3  }
0x52: {  	v3 =	vld.idx.msk [tilespmem:v1+s2+$0x0], $0xffff  }
0x53: {  	v1 =	vld [tilespmem:$0x1FC20];
	_ =	sdelay $0x7  }
0x54: {  	v4 =	vld.idx.msk [tilespmem:v1+s2+$0x0], $0xffff  }
0x55: {  	v1 =	vld [tilespmem:$0x1FC30];
	_ =	sdelay $0x2  }
0x56: {  	v5 =	vshrl.u32 v3, $0x2;
	v3 =	vshll.u32 v3, $0x5  }
0x57: {  	v3 =	vand.u32 $0x60, v3;
	[tilespmem:$0x610] =	vst v5  }
0x58: {  	[tilespmem:$0xA10] =	vst v3;
	v5 =	vshrl.u32 v4, $0x2;
	v4 =	vshll.u32 v4, $0x5  }
0x59: {  	[tilespmem:$0x810] =	vst v5;
	v3 =	vand.u32 $0x60, v4  }
0x5a: {  	[tilespmem:$0xC10] =	vst v3  }
0x5b: {  	v3 =	vld.idx.msk [tilespmem:v1+s2+$0x0], $0xffff  }
0x5c: {  	v1 =	vld [tilespmem:$0x1FC40];
	_ =	sdelay $0x7  }
0x5d: {  	v4 =	vld.idx.msk [tilespmem:v1+s2+$0x0], $0xffff  }
0x5e: {  	v1 =	vld [tilespmem:$0x1FC50];
	_ =	sdelay $0x2  }
0x5f: {  	v5 =	vshrl.u32 v3, $0x2;
	v3 =	vshll.u32 v3, $0x5  }
0x60: {  	v3 =	vand.u32 $0x60, v3;
	[tilespmem:$0x620] =	vst v5  }
0x61: {  	[tilespmem:$0xA20] =	vst v3;
	v5 =	vshrl.u32 v4, $0x2;
	v4 =	vshll.u32 v4, $0x5  }
0x62: {  	[tilespmem:$0x820] =	vst v5;
	v3 =	vand.u32 $0x60, v4  }
0x63: {  	[tilespmem:$0xC20] =	vst v3  }
0x64: {  	v3 =	vld.idx.msk [tilespmem:v1+s2+$0x0], $0xffff  }
0x65: {  	v1 =	vld [tilespmem:$0x1FC60];
	_ =	sdelay $0x7  }
0x66: {  	v4 =	vld.idx.msk [tilespmem:v1+s2+$0x0], $0xffff  }
0x67: {  	v1 =	vld [tilespmem:$0x1FC70];
	_ =	sdelay $0x2  }
0x68: {  	v5 =	vshrl.u32 v3, $0x2;
	v3 =	vshll.u32 v3, $0x5  }
0x69: {  	v3 =	vand.u32 $0x60, v3;
	[tilespmem:$0x630] =	vst v5  }
0x6a: {  	[tilespmem:$0xA30] =	vst v3;
	v5 =	vshrl.u32 v4, $0x2;
	v4 =	vshll.u32 v4, $0x5  }
0x6b: {  	[tilespmem:$0x830] =	vst v5;
	v3 =	vand.u32 $0x60, v4  }
0x6c: {  	[tilespmem:$0xC30] =	vst v3  }
0x6d: {  	v3 =	vld.idx.msk [tilespmem:v1+s2+$0x0], $0xffff  }
0x6e: {  	v1 =	vld [tilespmem:$0x1FC80];
	_ =	sdelay $0x7  }
0x6f: {  	v4 =	vld.idx.msk [tilespmem:v1+s2+$0x0], $0xffff  }
0x70: {  	v1 =	vld [tilespmem:$0x1FC90];
	_ =	sdelay $0x2  }
0x71: {  	v5 =	vshrl.u32 v3, $0x2;
	v3 =	vshll.u32 v3, $0x5  }
0x72: {  	v3 =	vand.u32 $0x60, v3;
	[tilespmem:$0x640] =	vst v5  }
0x73: {  	[tilespmem:$0xA40] =	vst v3;
	v5 =	vshrl.u32 v4, $0x2;
	v4 =	vshll.u32 v4, $0x5  }
0x74: {  	[tilespmem:$0x840] =	vst v5;
	v3 =	vand.u32 $0x60, v4  }
0x75: {  	[tilespmem:$0xC40] =	vst v3  }
0x76: {  	v3 =	vld.idx.msk [tilespmem:v1+s2+$0x0], $0xffff  }
0x77: {  	v1 =	vld [tilespmem:$0x1FCA0];
	_ =	sdelay $0x7  }
0x78: {  	v4 =	vld.idx.msk [tilespmem:v1+s2+$0x0], $0xffff  }
0x79: {  	v1 =	vld [tilespmem:$0x1FCB0];
	_ =	sdelay $0x2  }
0x7a: {  	v5 =	vshrl.u32 v3, $0x2;
	v3 =	vshll.u32 v3, $0x5  }
0x7b: {  	v3 =	vand.u32 $0x60, v3;
	[tilespmem:$0x650] =	vst v5  }
0x7c: {  	[tilespmem:$0xA50] =	vst v3;
	v5 =	vshrl.u32 v4, $0x2;
	v4 =	vshll.u32 v4, $0x5  }
0x7d: {  	[tilespmem:$0x850] =	vst v5;
	v3 =	vand.u32 $0x60, v4  }
0x7e: {  	[tilespmem:$0xC50] =	vst v3  }
0x7f: {  	v3 =	vld.idx.msk [tilespmem:v1+s2+$0x0], $0xffff  }
0x80: {  	v1 =	vld [tilespmem:$0x1FCC0];
	_ =	sdelay $0x7  }
0x81: {  	v4 =	vld.idx.msk [tilespmem:v1+s2+$0x0], $0xffff  }
0x82: {  	v1 =	vld [tilespmem:$0x1FCD0];
	_ =	sdelay $0x2  }
0x83: {  	v5 =	vshrl.u32 v3, $0x2;
	v3 =	vshll.u32 v3, $0x5  }
0x84: {  	v3 =	vand.u32 $0x60, v3;
	[tilespmem:$0x660] =	vst v5  }
0x85: {  	[tilespmem:$0xA60] =	vst v3;
	v5 =	vshrl.u32 v4, $0x2;
	v4 =	vshll.u32 v4, $0x5  }
0x86: {  	[tilespmem:$0x860] =	vst v5;
	v3 =	vand.u32 $0x60, v4  }
0x87: {  	[tilespmem:$0xC60] =	vst v3  }
0x88: {  	v3 =	vld.idx.msk [tilespmem:v1+s2+$0x0], $0xffff  }
0x89: {  	v1 =	vld [tilespmem:$0x1FCE0];
	_ =	sdelay $0x7  }
0x8a: {  	v4 =	vld.idx.msk [tilespmem:v1+s2+$0x0], $0xffff  }
0x8b: {  	v1 =	vld [tilespmem:$0x1FCF0];
	_ =	sdelay $0x2  }
0x8c: {  	v5 =	vshrl.u32 v3, $0x2;
	v3 =	vshll.u32 v3, $0x5  }
0x8d: {  	v3 =	vand.u32 $0x60, v3;
	[tilespmem:$0x670] =	vst v5  }
0x8e: {  	[tilespmem:$0xA70] =	vst v3;
	v5 =	vshrl.u32 v4, $0x2;
	v4 =	vshll.u32 v4, $0x5  }
0x8f: {  	[tilespmem:$0x870] =	vst v5;
	v3 =	vand.u32 $0x60, v4  }
0x90: {  	[tilespmem:$0xC70] =	vst v3  }
0x91: {  	v3 =	vld.idx.msk [tilespmem:v1+s2+$0x0], $0xffff  }
0x92: {  	v1 =	vld [tilespmem:$0x1FD00];
	_ =	sdelay $0x7  }
0x93: {  	v4 =	vld.idx.msk [tilespmem:v1+s2+$0x0], $0xffff  }
0x94: {  	v1 =	vld [tilespmem:$0x1FD10];
	_ =	sdelay $0x2  }
0x95: {  	v5 =	vshrl.u32 v3, $0x2;
	v3 =	vshll.u32 v3, $0x5  }
0x96: {  	v3 =	vand.u32 $0x60, v3;
	[tilespmem:$0x680] =	vst v5  }
0x97: {  	[tilespmem:$0xA80] =	vst v3;
	v5 =	vshrl.u32 v4, $0x2;
	v4 =	vshll.u32 v4, $0x5  }
0x98: {  	[tilespmem:$0x880] =	vst v5;
	v3 =	vand.u32 $0x60, v4  }
0x99: {  	[tilespmem:$0xC80] =	vst v3  }
0x9a: {  	v3 =	vld.idx.msk [tilespmem:v1+s2+$0x0], $0xffff  }
0x9b: {  	v1 =	vld [tilespmem:$0x1FD20];
	_ =	sdelay $0x7  }
0x9c: {  	v4 =	vld.idx.msk [tilespmem:v1+s2+$0x0], $0xffff  }
0x9d: {  	v1 =	vld [tilespmem:$0x1FD30];
	_ =	sdelay $0x2  }
0x9e: {  	v5 =	vshrl.u32 v3, $0x2;
	v3 =	vshll.u32 v3, $0x5  }
0x9f: {  	v3 =	vand.u32 $0x60, v3;
	[tilespmem:$0x690] =	vst v5  }
0xa0: {  	[tilespmem:$0xA90] =	vst v3;
	v5 =	vshrl.u32 v4, $0x2;
	v4 =	vshll.u32 v4, $0x5  }
0xa1: {  	[tilespmem:$0x890] =	vst v5;
	v3 =	vand.u32 $0x60, v4  }
0xa2: {  	[tilespmem:$0xC90] =	vst v3  }
0xa3: {  	v3 =	vld.idx.msk [tilespmem:v1+s2+$0x0], $0xffff  }
0xa4: {  	v1 =	vld [tilespmem:$0x1FD40];
	_ =	sdelay $0x7  }
0xa5: {  	v4 =	vld.idx.msk [tilespmem:v1+s2+$0x0], $0xffff  }
0xa6: {  	v1 =	vld [tilespmem:$0x1FD50];
	_ =	sdelay $0x2  }
0xa7: {  	v5 =	vshrl.u32 v3, $0x2;
	v3 =	vshll.u32 v3, $0x5  }
0xa8: {  	v3 =	vand.u32 $0x60, v3;
	[tilespmem:$0x6A0] =	vst v5  }
0xa9: {  	[tilespmem:$0xAA0] =	vst v3;
	v5 =	vshrl.u32 v4, $0x2;
	v4 =	vshll.u32 v4, $0x5  }
0xaa: {  	[tilespmem:$0x8A0] =	vst v5;
	v3 =	vand.u32 $0x60, v4  }
0xab: {  	[tilespmem:$0xCA0] =	vst v3  }
0xac: {  	v3 =	vld.idx.msk [tilespmem:v1+s2+$0x0], $0xffff  }
0xad: {  	v1 =	vld [tilespmem:$0x1FD60];
	_ =	sdelay $0x7  }
0xae: {  	v4 =	vld.idx.msk [tilespmem:v1+s2+$0x0], $0xffff  }
0xaf: {  	v1 =	vld [tilespmem:$0x1FD70];
	_ =	sdelay $0x2  }
0xb0: {  	v5 =	vshrl.u32 v3, $0x2;
	v3 =	vshll.u32 v3, $0x5  }
0xb1: {  	v3 =	vand.u32 $0x60, v3;
	[tilespmem:$0x6B0] =	vst v5  }
0xb2: {  	[tilespmem:$0xAB0] =	vst v3;
	v5 =	vshrl.u32 v4, $0x2;
	v4 =	vshll.u32 v4, $0x5  }
0xb3: {  	[tilespmem:$0x8B0] =	vst v5;
	v3 =	vand.u32 $0x60, v4  }
0xb4: {  	[tilespmem:$0xCB0] =	vst v3  }
0xb5: {  	v3 =	vld.idx.msk [tilespmem:v1+s2+$0x0], $0xffff  }
0xb6: {  	v1 =	vld [tilespmem:$0x1FD80];
	_ =	sdelay $0x7  }
0xb7: {  	v4 =	vld.idx.msk [tilespmem:v1+s2+$0x0], $0xffff  }
0xb8: {  	v1 =	vld [tilespmem:$0x1FD90];
	_ =	sdelay $0x2  }
0xb9: {  	v5 =	vshrl.u32 v3, $0x2;
	v3 =	vshll.u32 v3, $0x5  }
0xba: {  	v3 =	vand.u32 $0x60, v3;
	[tilespmem:$0x6C0] =	vst v5  }
0xbb: {  	[tilespmem:$0xAC0] =	vst v3;
	v5 =	vshrl.u32 v4, $0x2;
	v4 =	vshll.u32 v4, $0x5  }
0xbc: {  	[tilespmem:$0x8C0] =	vst v5;
	v3 =	vand.u32 $0x60, v4  }
0xbd: {  	[tilespmem:$0xCC0] =	vst v3  }
0xbe: {  	v3 =	vld.idx.msk [tilespmem:v1+s2+$0x0], $0xffff  }
0xbf: {  	v1 =	vld [tilespmem:$0x1FDA0];
	_ =	sdelay $0x7  }
0xc0: {  	v4 =	vld.idx.msk [tilespmem:v1+s2+$0x0], $0xffff  }
0xc1: {  	v1 =	vld [tilespmem:$0x1FDB0];
	_ =	sdelay $0x2  }
0xc2: {  	v5 =	vshrl.u32 v3, $0x2;
	v3 =	vshll.u32 v3, $0x5  }
0xc3: {  	v3 =	vand.u32 $0x60, v3;
	[tilespmem:$0x6D0] =	vst v5  }
0xc4: {  	[tilespmem:$0xAD0] =	vst v3;
	v5 =	vshrl.u32 v4, $0x2;
	v4 =	vshll.u32 v4, $0x5  }
0xc5: {  	[tilespmem:$0x8D0] =	vst v5;
	v3 =	vand.u32 $0x60, v4  }
0xc6: {  	[tilespmem:$0xCD0] =	vst v3  }
0xc7: {  	v3 =	vld.idx.msk [tilespmem:v1+s2+$0x0], $0xffff  }
0xc8: {  	v1 =	vld [tilespmem:$0x1FDC0];
	_ =	sdelay $0x7  }
0xc9: {  	v4 =	vld.idx.msk [tilespmem:v1+s2+$0x0], $0xffff  }
0xca: {  	v1 =	vld [tilespmem:$0x1FDD0];
	_ =	sdelay $0x2  }
0xcb: {  	v5 =	vshrl.u32 v3, $0x2;
	v3 =	vshll.u32 v3, $0x5  }
0xcc: {  	v3 =	vand.u32 $0x60, v3;
	[tilespmem:$0x6E0] =	vst v5  }
0xcd: {  	[tilespmem:$0xAE0] =	vst v3;
	v5 =	vshrl.u32 v4, $0x2;
	v4 =	vshll.u32 v4, $0x5  }
0xce: {  	[tilespmem:$0x8E0] =	vst v5;
	v3 =	vand.u32 $0x60, v4  }
0xcf: {  	[tilespmem:$0xCE0] =	vst v3  }
0xd0: {  	v3 =	vld.idx.msk [tilespmem:v1+s2+$0x0], $0xffff  }
0xd1: {  	v1 =	vld [tilespmem:$0x1FDE0];
	_ =	sdelay $0x7  }
0xd2: {  	v4 =	vld.idx.msk [tilespmem:v1+s2+$0x0], $0xffff  }
0xd3: {  	v1 =	vld [tilespmem:$0x1FDF0];
	_ =	sdelay $0x2  }
0xd4: {  	v5 =	vshrl.u32 v3, $0x2;
	v3 =	vshll.u32 v3, $0x5  }
0xd5: {  	v3 =	vand.u32 $0x60, v3;
	[tilespmem:$0x6F0] =	vst v5  }
0xd6: {  	[tilespmem:$0xAF0] =	vst v3;
	v5 =	vshrl.u32 v4, $0x2;
	v4 =	vshll.u32 v4, $0x5  }
0xd7: {  	[tilespmem:$0x8F0] =	vst v5;
	v3 =	vand.u32 $0x60, v4  }
0xd8: {  	[tilespmem:$0xCF0] =	vst v3  }
0xd9: {  	v3 =	vld.idx.msk [tilespmem:v1+s2+$0x0], $0xffff  }
0xda: {  	v1 =	vld [tilespmem:$0x1FE00];
	_ =	sdelay $0x7  }
0xdb: {  	v4 =	vld.idx.msk [tilespmem:v1+s2+$0x0], $0xffff  }
0xdc: {  	v1 =	vld [tilespmem:$0x1FE10];
	_ =	sdelay $0x2  }
0xdd: {  	v5 =	vshrl.u32 v3, $0x2;
	v3 =	vshll.u32 v3, $0x5  }
0xde: {  	v3 =	vand.u32 $0x60, v3;
	[tilespmem:$0x700] =	vst v5  }
0xdf: {  	[tilespmem:$0xB00] =	vst v3;
	v5 =	vshrl.u32 v4, $0x2;
	v4 =	vshll.u32 v4, $0x5  }
0xe0: {  	[tilespmem:$0x900] =	vst v5;
	v3 =	vand.u32 $0x60, v4  }
0xe1: {  	[tilespmem:$0xD00] =	vst v3  }
0xe2: {  	v3 =	vld.idx.msk [tilespmem:v1+s2+$0x0], $0xffff  }
0xe3: {  	v1 =	vld [tilespmem:$0x1FE20];
	_ =	sdelay $0x7  }
0xe4: {  	v4 =	vld.idx.msk [tilespmem:v1+s2+$0x0], $0xffff  }
0xe5: {  	v1 =	vld [tilespmem:$0x1FE30];
	_ =	sdelay $0x2  }
0xe6: {  	v5 =	vshrl.u32 v3, $0x2;
	v3 =	vshll.u32 v3, $0x5  }
0xe7: {  	v3 =	vand.u32 $0x60, v3;
	[tilespmem:$0x710] =	vst v5  }
0xe8: {  	[tilespmem:$0xB10] =	vst v3;
	v5 =	vshrl.u32 v4, $0x2;
	v4 =	vshll.u32 v4, $0x5  }
0xe9: {  	[tilespmem:$0x910] =	vst v5;
	v3 =	vand.u32 $0x60, v4  }
0xea: {  	[tilespmem:$0xD10] =	vst v3  }
0xeb: {  	v3 =	vld.idx.msk [tilespmem:v1+s2+$0x0], $0xffff  }
0xec: {  	v1 =	vld [tilespmem:$0x1FE40];
	_ =	sdelay $0x7  }
0xed: {  	v4 =	vld.idx.msk [tilespmem:v1+s2+$0x0], $0xffff  }
0xee: {  	v1 =	vld [tilespmem:$0x1FE50];
	_ =	sdelay $0x2  }
0xef: {  	v5 =	vshrl.u32 v3, $0x2;
	v3 =	vshll.u32 v3, $0x5  }
0xf0: {  	v3 =	vand.u32 $0x60, v3;
	[tilespmem:$0x720] =	vst v5  }
0xf1: {  	[tilespmem:$0xB20] =	vst v3;
	v5 =	vshrl.u32 v4, $0x2;
	v4 =	vshll.u32 v4, $0x5  }
0xf2: {  	[tilespmem:$0x920] =	vst v5;
	v3 =	vand.u32 $0x60, v4  }
0xf3: {  	[tilespmem:$0xD20] =	vst v3  }
0xf4: {  	v3 =	vld.idx.msk [tilespmem:v1+s2+$0x0], $0xffff  }
0xf5: {  	v1 =	vld [tilespmem:$0x1FE60];
	_ =	sdelay $0x7  }
0xf6: {  	v4 =	vld.idx.msk [tilespmem:v1+s2+$0x0], $0xffff  }
0xf7: {  	v1 =	vld [tilespmem:$0x1FE70];
	_ =	sdelay $0x2  }
0xf8: {  	v5 =	vshrl.u32 v3, $0x2;
	v3 =	vshll.u32 v3, $0x5  }
0xf9: {  	v3 =	vand.u32 $0x60, v3;
	[tilespmem:$0x730] =	vst v5  }
0xfa: {  	[tilespmem:$0xB30] =	vst v3;
	v5 =	vshrl.u32 v4, $0x2;
	v4 =	vshll.u32 v4, $0x5  }
0xfb: {  	[tilespmem:$0x930] =	vst v5;
	v3 =	vand.u32 $0x60, v4  }
0xfc: {  	[tilespmem:$0xD30] =	vst v3  }
0xfd: {  	v3 =	vld.idx.msk [tilespmem:v1+s2+$0x0], $0xffff  }
0xfe: {  	v1 =	vld [tilespmem:$0x1FE80];
	_ =	sdelay $0x7  }
0xff: {  	v4 =	vld.idx.msk [tilespmem:v1+s2+$0x0], $0xffff  }
0x100: {  	v1 =	vld [tilespmem:$0x1FE90];
	_ =	sdelay $0x2  }
0x101: {  	v5 =	vshrl.u32 v3, $0x2;
	v3 =	vshll.u32 v3, $0x5  }
0x102: {  	v3 =	vand.u32 $0x60, v3;
	[tilespmem:$0x740] =	vst v5  }
0x103: {  	[tilespmem:$0xB40] =	vst v3;
	v5 =	vshrl.u32 v4, $0x2;
	v4 =	vshll.u32 v4, $0x5  }
0x104: {  	[tilespmem:$0x940] =	vst v5;
	v3 =	vand.u32 $0x60, v4  }
0x105: {  	[tilespmem:$0xD40] =	vst v3  }
0x106: {  	v3 =	vld.idx.msk [tilespmem:v1+s2+$0x0], $0xffff  }
0x107: {  	v1 =	vld [tilespmem:$0x1FEA0];
	_ =	sdelay $0x7  }
0x108: {  	v4 =	vld.idx.msk [tilespmem:v1+s2+$0x0], $0xffff  }
0x109: {  	v1 =	vld [tilespmem:$0x1FEB0];
	_ =	sdelay $0x2  }
0x10a: {  	v5 =	vshrl.u32 v3, $0x2;
	v3 =	vshll.u32 v3, $0x5  }
0x10b: {  	v3 =	vand.u32 $0x60, v3;
	[tilespmem:$0x750] =	vst v5  }
0x10c: {  	[tilespmem:$0xB50] =	vst v3;
	v5 =	vshrl.u32 v4, $0x2;
	v4 =	vshll.u32 v4, $0x5  }
0x10d: {  	[tilespmem:$0x950] =	vst v5;
	v3 =	vand.u32 $0x60, v4  }
0x10e: {  	[tilespmem:$0xD50] =	vst v3  }
0x10f: {  	v3 =	vld.idx.msk [tilespmem:v1+s2+$0x0], $0xffff  }
0x110: {  	v1 =	vld [tilespmem:$0x1FEC0];
	_ =	sdelay $0x7  }
0x111: {  	v4 =	vld.idx.msk [tilespmem:v1+s2+$0x0], $0xffff  }
0x112: {  	v1 =	vld [tilespmem:$0x1FED0];
	_ =	sdelay $0x2  }
0x113: {  	v5 =	vshrl.u32 v3, $0x2;
	v3 =	vshll.u32 v3, $0x5  }
0x114: {  	v3 =	vand.u32 $0x60, v3;
	[tilespmem:$0x760] =	vst v5  }
0x115: {  	[tilespmem:$0xB60] =	vst v3;
	v5 =	vshrl.u32 v4, $0x2;
	v4 =	vshll.u32 v4, $0x5  }
0x116: {  	[tilespmem:$0x960] =	vst v5;
	v3 =	vand.u32 $0x60, v4  }
0x117: {  	[tilespmem:$0xD60] =	vst v3  }
0x118: {  	v3 =	vld.idx.msk [tilespmem:v1+s2+$0x0], $0xffff  }
0x119: {  	v1 =	vld [tilespmem:$0x1FEE0];
	_ =	sdelay $0x7  }
0x11a: {  	v4 =	vld.idx.msk [tilespmem:v1+s2+$0x0], $0xffff  }
0x11b: {  	v1 =	vld [tilespmem:$0x1FEF0];
	_ =	sdelay $0x2  }
0x11c: {  	v5 =	vshrl.u32 v3, $0x2;
	v3 =	vshll.u32 v3, $0x5  }
0x11d: {  	v3 =	vand.u32 $0x60, v3;
	[tilespmem:$0x770] =	vst v5  }
0x11e: {  	[tilespmem:$0xB70] =	vst v3;
	v5 =	vshrl.u32 v4, $0x2;
	v4 =	vshll.u32 v4, $0x5  }
0x11f: {  	[tilespmem:$0x970] =	vst v5;
	v3 =	vand.u32 $0x60, v4  }
0x120: {  	[tilespmem:$0xD70] =	vst v3  }
0x121: {  	v3 =	vld.idx.msk [tilespmem:v1+s2+$0x0], $0xffff  }
0x122: {  	v1 =	vld [tilespmem:$0x1FF00];
	_ =	sdelay $0x7  }
0x123: {  	v4 =	vld.idx.msk [tilespmem:v1+s2+$0x0], $0xffff  }
0x124: {  	v1 =	vld [tilespmem:$0x1FF10];
	_ =	sdelay $0x2  }
0x125: {  	v5 =	vshrl.u32 v3, $0x2;
	v3 =	vshll.u32 v3, $0x5  }
0x126: {  	v3 =	vand.u32 $0x60, v3;
	[tilespmem:$0x780] =	vst v5  }
0x127: {  	[tilespmem:$0xB80] =	vst v3;
	v5 =	vshrl.u32 v4, $0x2;
	v4 =	vshll.u32 v4, $0x5  }
0x128: {  	[tilespmem:$0x980] =	vst v5;
	v3 =	vand.u32 $0x60, v4  }
0x129: {  	[tilespmem:$0xD80] =	vst v3  }
0x12a: {  	v3 =	vld.idx.msk [tilespmem:v1+s2+$0x0], $0xffff  }
0x12b: {  	v1 =	vld [tilespmem:$0x1FF20];
	_ =	sdelay $0x7  }
0x12c: {  	v4 =	vld.idx.msk [tilespmem:v1+s2+$0x0], $0xffff  }
0x12d: {  	v1 =	vld [tilespmem:$0x1FF30];
	_ =	sdelay $0x2  }
0x12e: {  	v5 =	vshrl.u32 v3, $0x2;
	v3 =	vshll.u32 v3, $0x5  }
0x12f: {  	v3 =	vand.u32 $0x60, v3;
	[tilespmem:$0x790] =	vst v5  }
0x130: {  	[tilespmem:$0xB90] =	vst v3;
	v5 =	vshrl.u32 v4, $0x2;
	v4 =	vshll.u32 v4, $0x5  }
0x131: {  	[tilespmem:$0x990] =	vst v5;
	v3 =	vand.u32 $0x60, v4  }
0x132: {  	[tilespmem:$0xD90] =	vst v3  }
0x133: {  	v3 =	vld.idx.msk [tilespmem:v1+s2+$0x0], $0xffff  }
0x134: {  	v1 =	vld [tilespmem:$0x1FF40];
	_ =	sdelay $0x7  }
0x135: {  	v4 =	vld.idx.msk [tilespmem:v1+s2+$0x0], $0xffff  }
0x136: {  	v1 =	vld [tilespmem:$0x1FF50];
	_ =	sdelay $0x2  }
0x137: {  	v5 =	vshrl.u32 v3, $0x2;
	v3 =	vshll.u32 v3, $0x5  }
0x138: {  	v3 =	vand.u32 $0x60, v3;
	[tilespmem:$0x7A0] =	vst v5  }
0x139: {  	[tilespmem:$0xBA0] =	vst v3;
	v5 =	vshrl.u32 v4, $0x2;
	v4 =	vshll.u32 v4, $0x5  }
0x13a: {  	[tilespmem:$0x9A0] =	vst v5;
	v3 =	vand.u32 $0x60, v4  }
0x13b: {  	[tilespmem:$0xDA0] =	vst v3  }
0x13c: {  	v3 =	vld.idx.msk [tilespmem:v1+s2+$0x0], $0xffff  }
0x13d: {  	v1 =	vld [tilespmem:$0x1FF60];
	_ =	sdelay $0x7  }
0x13e: {  	v4 =	vld.idx.msk [tilespmem:v1+s2+$0x0], $0xffff  }
0x13f: {  	v1 =	vld [tilespmem:$0x1FF70];
	_ =	sdelay $0x2  }
0x140: {  	v5 =	vshrl.u32 v3, $0x2;
	v3 =	vshll.u32 v3, $0x5  }
0x141: {  	v3 =	vand.u32 $0x60, v3;
	[tilespmem:$0x7B0] =	vst v5  }
0x142: {  	[tilespmem:$0xBB0] =	vst v3;
	v5 =	vshrl.u32 v4, $0x2;
	v4 =	vshll.u32 v4, $0x5  }
0x143: {  	[tilespmem:$0x9B0] =	vst v5;
	v3 =	vand.u32 $0x60, v4  }
0x144: {  	[tilespmem:$0xDB0] =	vst v3  }
0x145: {  	v3 =	vld.idx.msk [tilespmem:v1+s2+$0x0], $0xffff  }
0x146: {  	v1 =	vld [tilespmem:$0x1FF80];
	_ =	sdelay $0x7  }
0x147: {  	v4 =	vld.idx.msk [tilespmem:v1+s2+$0x0], $0xffff  }
0x148: {  	v1 =	vld [tilespmem:$0x1FF90];
	_ =	sdelay $0x2  }
0x149: {  	v5 =	vshrl.u32 v3, $0x2;
	v3 =	vshll.u32 v3, $0x5  }
0x14a: {  	v3 =	vand.u32 $0x60, v3;
	[tilespmem:$0x7C0] =	vst v5  }
0x14b: {  	[tilespmem:$0xBC0] =	vst v3;
	v5 =	vshrl.u32 v4, $0x2;
	v4 =	vshll.u32 v4, $0x5  }
0x14c: {  	[tilespmem:$0x9C0] =	vst v5;
	v3 =	vand.u32 $0x60, v4  }
0x14d: {  	[tilespmem:$0xDC0] =	vst v3  }
0x14e: {  	v3 =	vld.idx.msk [tilespmem:v1+s2+$0x0], $0xffff  }
0x14f: {  	v1 =	vld [tilespmem:$0x1FFA0];
	_ =	sdelay $0x7  }
0x150: {  	v4 =	vld.idx.msk [tilespmem:v1+s2+$0x0], $0xffff  }
0x151: {  	v1 =	vld [tilespmem:$0x1FFB0];
	_ =	sdelay $0x2  }
0x152: {  	v5 =	vshrl.u32 v3, $0x2;
	v3 =	vshll.u32 v3, $0x5  }
0x153: {  	v3 =	vand.u32 $0x60, v3;
	[tilespmem:$0x7D0] =	vst v5  }
0x154: {  	[tilespmem:$0xBD0] =	vst v3;
	v5 =	vshrl.u32 v4, $0x2;
	v4 =	vshll.u32 v4, $0x5  }
0x155: {  	[tilespmem:$0x9D0] =	vst v5;
	v3 =	vand.u32 $0x60, v4  }
0x156: {  	[tilespmem:$0xDD0] =	vst v3  }
0x157: {  	v3 =	vld.idx.msk [tilespmem:v1+s2+$0x0], $0xffff  }
0x158: {  	v1 =	vld [tilespmem:$0x1FFC0];
	_ =	sdelay $0x7  }
0x159: {  	v4 =	vld.idx.msk [tilespmem:v1+s2+$0x0], $0xffff  }
0x15a: {  	v1 =	vld [tilespmem:$0x1FFD0];
	_ =	sdelay $0x2  }
0x15b: {  	v5 =	vshrl.u32 v3, $0x2;
	v3 =	vshll.u32 v3, $0x5  }
0x15c: {  	v3 =	vand.u32 $0x60, v3;
	[tilespmem:$0x7E0] =	vst v5  }
0x15d: {  	[tilespmem:$0xBE0] =	vst v3;
	v5 =	vshrl.u32 v4, $0x2;
	v4 =	vshll.u32 v4, $0x5  }
0x15e: {  	[tilespmem:$0x9E0] =	vst v5;
	v3 =	vand.u32 $0x60, v4  }
0x15f: {  	[tilespmem:$0xDE0] =	vst v3  }
0x160: {  	v3 =	vld.idx.msk [tilespmem:v1+s2+$0x0], $0xffff  }
0x161: {  	v1 =	vld [tilespmem:$0x1FFF0];
	_ =	sdelay $0x7  }
0x162: {  	v4 =	vld.idx.msk [tilespmem:v1+s2+$0x0], $0xffff;
	_ =	sdelay $0x2  }
0x163: {  	v5 =	vshrl.u32 v3, $0x2;
	v3 =	vshll.u32 v3, $0x5  }
0x164: {  	v3 =	vand.u32 $0x60, v3;
	[tilespmem:$0x7F0] =	vst v5  }
0x165: {  	[tilespmem:$0xBF0] =	vst v3;
	v5 =	vshrl.u32 v4, $0x2;
	v4 =	vshll.u32 v4, $0x5  }
0x166: {  	[tilespmem:$0x9F0] =	vst v5;
	v3 =	vand.u32 $0x60, v4  }
0x167: {  	[tilespmem:$0xDF0] =	vst v3  }
0x168: {  	[tilespmem:s10], [sflag:$0x1] =	stream.indirect.gather [hbm4b:s3+s8], $0x80, s9, s8, $0xb8;
	[tilespmem:$0x11000] =	vst v63  }
0x169: {  	_ = 	snop  }
0x16a: {  	[tilespmem:s12], [sflag:$0x1] =	stream.indirect.gather [hbm4b:s3+s8], $0x80, s11, s8, $0xb8;
	[tilespmem:$0x11000] =	vst v63  }
0x16b: {  	_ = 	snop  }
0x16c: {  	[tilespmem:s14], [sflag:$0x1] =	stream.indirect.gather [hbm4b:s3+s8], $0x80, s13, s8, $0xb8;
	[tilespmem:$0x11000] =	vst v63  }
0x16d: {  	_ = 	snop  }
0x16e: {  	[tilespmem:s16], [sflag:$0x1] =	stream.indirect.gather [hbm4b:s3+s8], $0x80, s15, s8, $0xb8;
	[tilespmem:$0x11000] =	vst v63  }
0x16f: {  	_ =	swait.ge [sflag:s17], $0x4000  }
0x170: {  	[sflag:s17] =	ssyncset.done $0x0  }
0x171: {  	[sflag:s17] =	ssyncadd.s32 $0xFFFFC000  }
0x172: {  	_ =	swait.ge [sflag:s17], $0x4000  }
0x173: {  	[sflag:s17] =	ssyncset.done $0x0  }
0x174: {  	v4 =	vand.u32 $0x7, v0;
	[sflag:s17] =	ssyncadd.s32 $0xFFFFC000  }
0x175: {  	v5 =	vor.u32 s2, v0;
	v3 =	vor.u32 $0xFFFFFFF8, v4;
	_ =	swait.ge [sflag:s17], $0x4000  }
0x176: {  	v6 =	vand.u32 v3, v5;
	[sflag:s17] =	ssyncset.done $0x0  }
0x177: {  	[sflag:s17] =	ssyncadd.s32 $0xFFFFC000  }
0x178: {  	_ =	swait.ge [sflag:s17], $0x4000  }
0x179: {  	[sflag:s17] =	ssyncset.done $0x0  }
0x17a: {  	[sflag:s17] =	ssyncadd.s32 $0xFFFFC000  }
0x17b: {  	v6 =	vld.idx.msk [tilespmem:v6+s18+$0x0], $0xffff;
	_ =	sdelay $0x3  }
0x17c: {  	v7 =	vand.u32 $0xF8, v5;
	v4 =	vor.u32 $0x200, v4;
	v5 =	vshll.u32 v5, $0x7  }
0x17d: {  	v13 =	vor.u32 v4, v7;
	v7 =	vadd.s32 $0x1E, v6;
	v8 =	vadd.s32 $0x1F, v6  }
0x17e: {  	v9 =	vadd.s32 $0x1B, v6;
	v10 =	vadd.s32 $0x1C, v6;
	v11 =	vadd.s32 $0x1D, v6  }
0x17f: {  	v12 =	vadd.s32 $0x17, v6;
	v14 =	vadd.s32 $0x19, v6;
	v15 =	vadd.s32 $0x1A, v6  }
0x180: {  	v16 =	vadd.s32 $0x14, v6;
	v17 =	vadd.s32 $0x15, v6;
	v18 =	vadd.s32 $0x16, v6  }
0x181: {  	v19 =	vadd.s32 $0x11, v6;
	v20 =	vadd.s32 $0x12, v6;
	v21 =	vadd.s32 $0x13, v6  }
0x182: {  	v22 =	vadd.s32 $0xD, v6;
	v23 =	vadd.s32 $0xE, v6;
	v24 =	vadd.s32 $0xF, v6  }
0x183: {  	v25 =	vadd.s32 $0xA, v6;
	v26 =	vadd.s32 $0xB, v6;
	v27 =	vadd.s32 $0xC, v6  }
0x184: {  	v28 =	vadd.s32 $0x6, v6;
	v29 =	vadd.s32 $0x7, v6;
	v30 =	vadd.s32 $0x9, v6  }
0x185: {  	v31 =	vadd.s32 $0x3, v6;
	v32 =	vadd.s32 $0x4, v6;
	v33 =	vadd.s32 $0x5, v6  }
0x186: {  	v34 =	vand.u32 $0x7, v6;
	v35 =	vadd.s32 $0x1, v6;
	v36 =	vadd.s32 $0x2, v6  }
0x187: {  	v37 =	vand.u32 $0xFFFFFFF8, v6;
	v38 =	vand.u32 $0xFFFFFFF8, v8;
	v6 =	vand.u32 $0x7, v8  }
0x188: {  	v39 =	vand.u32 $0x7, v11;
	v8 =	vand.u32 $0xFFFFFFF8, v7;
	v7 =	vand.u32 $0x7, v7  }
0x189: {  	v40 =	vand.u32 $0xFFFFFFF8, v10;
	v41 =	vand.u32 $0x7, v10;
	v10 =	vand.u32 $0xFFFFFFF8, v11  }
0x18a: {  	v11 =	vand.u32 $0x7, v15;
	v42 =	vand.u32 $0xFFFFFFF8, v9;
	v43 =	vand.u32 $0x7, v9  }
0x18b: {  	v44 =	vand.u32 $0xFFFFFFF8, v14;
	v45 =	vand.u32 $0x7, v14;
	v14 =	vand.u32 $0xFFFFFFF8, v15  }
0x18c: {  	v46 =	vand.u32 $0x7, v18;
	v15 =	vand.u32 $0xFFFFFFF8, v12;
	v47 =	vand.u32 $0x7, v12  }
0x18d: {  	v12 =	vand.u32 $0xFFFFFFF8, v17;
	v17 =	vand.u32 $0x7, v17;
	v18 =	vand.u32 $0xFFFFFFF8, v18  }
0x18e: {  	v48 =	vand.u32 $0x7, v21;
	v49 =	vand.u32 $0xFFFFFFF8, v16;
	v50 =	vand.u32 $0x7, v16  }
0x18f: {  	v16 =	vand.u32 $0xFFFFFFF8, v20;
	v51 =	vand.u32 $0x7, v20;
	v20 =	vand.u32 $0xFFFFFFF8, v21  }
0x190: {  	v21 =	vand.u32 $0x7, v24;
	v52 =	vand.u32 $0xFFFFFFF8, v19;
	v19 =	vand.u32 $0x7, v19  }
0x191: {  	v53 =	vand.u32 $0xFFFFFFF8, v23;
	v54 =	vand.u32 $0x7, v23;
	v23 =	vand.u32 $0xFFFFFFF8, v24  }
0x192: {  	v55 =	vand.u32 $0x7, v27;
	v24 =	vand.u32 $0xFFFFFFF8, v22;
	v56 =	vand.u32 $0x7, v22  }
0x193: {  	v22 =	vand.u32 $0xFFFFFFF8, v26;
	v26 =	vand.u32 $0x7, v26;
	v27 =	vand.u32 $0xFFFFFFF8, v27  }
0x194: {  	v57 =	vand.u32 $0x7, v30;
	v58 =	vand.u32 $0xFFFFFFF8, v25;
	v59 =	vand.u32 $0x7, v25  }
0x195: {  	v25 =	vand.u32 $0xFFFFFFF8, v29;
	v29 =	vand.u32 $0x7, v29;
	v30 =	vand.u32 $0xFFFFFFF8, v30  }
0x196: {  	v60 =	vand.u32 $0x7, v33;
	v61 =	vand.u32 $0xFFFFFFF8, v28;
	v62 =	vand.u32 $0x7, v28  }
0x197: {  	v28 =	vand.u32 $0xFFFFFFF8, v32;
	v63 =	vand.u32 $0x7, v32;
	v32 =	vand.u32 $0xFFFFFFF8, v33  }
0x198: {  	v2 =	vand.u32 $0x7, v36;
	v33 =	vand.u32 $0xFFFFFFF8, v31;
	v9 =	vadd.s32 v5, v37  }
0x199: {  	v31 =	vand.u32 $0x7, v31;
	v1 =	vand.u32 $0x7, v35;
	v37 =	vor.u32 v34, v9  }
0x19a: {  	v34 =	vand.u32 $0xFFFFFFF8, v35;
	v35 =	vand.u32 $0xFFFFFFF8, v36;
	v9 =	vadd.s32 v5, v8  }
0x19b: {  	v8 =	vadd.s32 v5, v38;
	v36 =	vadd.s32 v5, v42;
	v38 =	vadd.s32 v5, v40  }
0x19c: {  	v10 =	vadd.s32 v5, v10;
	v15 =	vadd.s32 v5, v15;
	v40 =	vadd.s32 v5, v44  }
0x19d: {  	v14 =	vadd.s32 v5, v14;
	v42 =	vadd.s32 v5, v49;
	v44 =	vadd.s32 v5, v12  }
0x19e: {  	v49 =	vadd.s32 v5, v18;
	v52 =	vadd.s32 v5, v52;
	v12 =	vadd.s32 v5, v16  }
0x19f: {  	v16 =	vadd.s32 v5, v20;
	v18 =	vadd.s32 v5, v24;
	v53 =	vadd.s32 v5, v53  }
0x1a0: {  	v20 =	vadd.s32 v5, v23;
	v58 =	vadd.s32 v5, v58;
	v22 =	vadd.s32 v5, v22  }
0x1a1: {  	v27 =	vadd.s32 v5, v27;
	v61 =	vadd.s32 v5, v61;
	v23 =	vadd.s32 v5, v25  }
0x1a2: {  	v24 =	vadd.s32 v5, v30;
	v25 =	vadd.s32 v5, v33;
	v28 =	vadd.s32 v5, v28  }
0x1a3: {  	v30 =	vadd.s32 v5, v32;
	v34 =	vadd.s32 v5, v34;
	v32 =	vadd.s32 v5, v35  }
0x1a4: {  	v10 =	vor.u32 v39, v10;
	v14 =	vor.u32 v11, v14;
	v39 =	vor.u32 v43, v36  }
0x1a5: {  	v11 =	vor.u32 v41, v38;
	v41 =	vor.u32 v47, v15;
	v38 =	vadd.s32 $0x18, v37  }
0x1a6: {  	v15 =	vor.u32 v45, v40;
	v43 =	vor.u32 v50, v42;
	v42 =	vor.u32 v17, v44  }
0x1a7: {  	v40 =	vor.u32 v46, v49;
	v45 =	vor.u32 v19, v52;
	v44 =	vor.u32 v51, v12  }
0x1a8: {  	v13 =	vld.idx.msk [tilespmem:v13+s18+$0x0], $0xffff;
	v12 =	vor.u32 v48, v16;
	v33 =	vor.u32 v54, v53;
	v20 =	vor.u32 v21, v20  }
0x1a9: {  	v16 =	vadd.s32 $0x10, v37;
	v22 =	vor.u32 v26, v22;
	v36 =	vor.u32 v55, v27  }
0x1aa: {  	v35 =	vor.u32 v56, v18;
	v18 =	vadd.s32 $0x8, v37;
	v24 =	vor.u32 v57, v24  }
0x1ab: {  	v46 =	vor.u32 v59, v58;
	v30 =	vor.u32 v60, v30;
	v47 =	vor.u32 v62, v61  }
0x1ac: {  	v23 =	vor.u32 v29, v23;
	v25 =	vor.u32 v31, v25;
	v28 =	vor.u32 v63, v28  }
0x1ad: {  	v17 =	vadd.s32 $0x1E, v13;
	v27 =	vadd.s32 $0x17, v13;
	v21 =	vadd.s32 $0x1C, v13  }
0x1ae: {  	v19 =	vadd.s32 $0x1D, v13;
	v26 =	vand.u32 $0xFFFFFFF8, v13;
	v31 =	vadd.s32 $0x15, v13  }
0x1af: {  	v29 =	vadd.s32 $0x16, v13;
	v53 =	vand.u32 $0x7, v13;
	v54 =	vadd.s32 $0x1, v13  }
0x1b0: {  	v56 =	vadd.s32 $0x2, v13;
	v50 =	vadd.s32 $0xF, v13;
	v58 =	vadd.s32 $0x3, v13  }
0x1b1: {  	v52 =	vadd.s32 $0xE, v13;
	v60 =	vadd.s32 $0x4, v13;
	v26 =	vadd.s32 v5, v26  }
0x1b2: {  	v2 =	vor.u32 v2, v32;
	v55 =	vand.u32 $0xFFFFFFF8, v54;
	v26 =	vor.u32 v53, v26  }
0x1b3: {  	v1 =	vor.u32 v1, v34;
	v48 =	vand.u32 $0x7, v54;
	v32 =	vadd.s32 v5, v55  }
0x1b4: {  	v62 =	vadd.s32 $0x5, v13;
	v57 =	vand.u32 $0xFFFFFFF8, v56;
	v32 =	vor.u32 v48, v32  }
0x1b5: {  	v34 =	vadd.s32 $0x14, v13;
	v49 =	vand.u32 $0x7, v56;
	v48 =	vadd.s32 v5, v57  }
0x1b6: {  	v59 =	vand.u32 $0xFFFFFFF8, v58;
	v51 =	vand.u32 $0x7, v58;
	v48 =	vor.u32 v49, v48;
	v37 =	vld.idx.msk [tilespmem:v37+s10+$0x0], $0xffff  }
0x1b7: {  	v61 =	vand.u32 $0xFFFFFFF8, v60;
	v63 =	vand.u32 $0xFFFFFFF8, v62;
	v49 =	vadd.s32 v5, v59;
	v54 =	vld.idx.msk [tilespmem:v26+s12+$0x0], $0xffff  }
0x1b8: {  	v56 =	vand.u32 $0x7, v62;
	v62 =	vadd.s32 $0x7, v13;
	v49 =	vor.u32 v51, v49;
	v1 =	vld.idx.msk [tilespmem:v1+s10+$0x0], $0xffff  }
0x1b9: {  	v58 =	vadd.s32 $0xB, v13;
	v53 =	vand.u32 $0x7, v60;
	v51 =	vadd.s32 v5, v61;
	v32 =	vld.idx.msk [tilespmem:v32+s12+$0x0], $0xffff  }
0x1ba: {  	v55 =	vadd.s32 $0xD, v13;
	v60 =	vadd.s32 $0x6, v13;
	v51 =	vor.u32 v53, v51;
	v2 =	vld.idx.msk [tilespmem:v2+s10+$0x0], $0xffff  }
0x1bb: {  	v57 =	vadd.s32 $0xC, v13;
	v61 =	vand.u32 $0xFFFFFFF8, v60;
	v53 =	vadd.s32 v5, v63;
	v48 =	vld.idx.msk [tilespmem:v48+s12+$0x0], $0xffff  }
0x1bc: {  	v25 =	vld.idx.msk [tilespmem:v25+s10+$0x0], $0xffff;
	v63 =	vand.u32 $0x7, v60;
	v53 =	vor.u32 v56, v53;
	v37 =	vmul.f32 v54, v37  }
0x1bd: {  	v60 =	vand.u32 $0xFFFFFFF8, v62;
	v56 =	vadd.s32 v5, v61;
	v61 =	vand.u32 $0x7, v62;
	v49 =	vld.idx.msk [tilespmem:v49+s12+$0x0], $0xffff  }
0x1be: {  	v28 =	vld.idx.msk [tilespmem:v28+s10+$0x0], $0xffff;
	v54 =	vor.u32 v63, v56;
	v1 =	vmul.f32 v32, v1;
	v37 =	vadd.f32 $0.0e+00, v37  }
0x1bf: {  	v62 =	vadd.s32 v5, v60;
	v60 =	vadd.s32 $0x9, v13;
	v51 =	vld.idx.msk [tilespmem:v51+s12+$0x0], $0xffff;
	v63 =	vadd.s32 $0xA, v13  }
0x1c0: {  	v30 =	vld.idx.msk [tilespmem:v30+s10+$0x0], $0xffff;
	v32 =	vor.u32 v61, v62;
	v2 =	vmul.f32 v48, v2;
	v1 =	vadd.f32 v1, v37  }
0x1c1: {  	v59 =	vand.u32 $0xFFFFFFF8, v58;
	v61 =	vand.u32 $0xFFFFFFF8, v60;
	v62 =	vand.u32 $0xFFFFFFF8, v63;
	v48 =	vld.idx.msk [tilespmem:v53+s12+$0x0], $0xffff  }
0x1c2: {  	v47 =	vld.idx.msk [tilespmem:v47+s10+$0x0], $0xffff;
	v53 =	vadd.s32 $0x8, v26;
	v1 =	vadd.f32 v2, v1;
	v2 =	vmul.f32 v49, v25  }
0x1c3: {  	v63 =	vand.u32 $0x7, v63;
	v37 =	vand.u32 $0x7, v60;
	v25 =	vadd.s32 v5, v61;
	v49 =	vld.idx.msk [tilespmem:v54+s12+$0x0], $0xffff  }
0x1c4: {  	v23 =	vld.idx.msk [tilespmem:v23+s10+$0x0], $0xffff;
	v25 =	vor.u32 v37, v25;
	v1 =	vadd.f32 v2, v1;
	v2 =	vmul.f32 v51, v28  }
0x1c5: {  	v60 =	vand.u32 $0x7, v58;
	v32 =	vld.idx.msk [tilespmem:v32+s12+$0x0], $0xffff;
	v28 =	vadd.s32 v5, v62;
	v62 =	vand.u32 $0xFFFFFFF8, v57  }
0x1c6: {  	v18 =	vld.idx.msk [tilespmem:v18+s10+$0x0], $0xffff;
	v28 =	vor.u32 v63, v28;
	v1 =	vadd.f32 v2, v1;
	v2 =	vmul.f32 v48, v30  }
0x1c7: {  	v61 =	vld.idx.msk [tilespmem:v53+s12+$0x0], $0xffff;
	v63 =	vand.u32 $0x7, v57;
	v53 =	vadd.s32 v5, v62;
	v30 =	vadd.s32 v5, v59  }
0x1c8: {  	v24 =	vld.idx.msk [tilespmem:v24+s10+$0x0], $0xffff;
	v30 =	vor.u32 v60, v30;
	v1 =	vadd.f32 v2, v1;
	v2 =	vmul.f32 v49, v47  }
0x1c9: {  	v54 =	vand.u32 $0xFFFFFFF8, v55;
	v55 =	vand.u32 $0x7, v55;
	v25 =	vld.idx.msk [tilespmem:v25+s12+$0x0], $0xffff;
	v47 =	vor.u32 v63, v53  }
0x1ca: {  	v46 =	vld.idx.msk [tilespmem:v46+s10+$0x0], $0xffff;
	v1 =	vadd.f32 v2, v1;
	v2 =	vmul.f32 v32, v23;
	v23 =	vadd.s32 v5, v54  }
0x1cb: {  	v56 =	vand.u32 $0xFFFFFFF8, v52;
	v57 =	vand.u32 $0x7, v52;
	v28 =	vld.idx.msk [tilespmem:v28+s12+$0x0], $0xffff;
	v23 =	vor.u32 v55, v23  }
0x1cc: {  	v22 =	vld.idx.msk [tilespmem:v22+s10+$0x0], $0xffff;
	v1 =	vadd.f32 v2, v1;
	v2 =	vmul.f32 v61, v18;
	v18 =	vadd.s32 v5, v56  }
0x1cd: {  	v58 =	vand.u32 $0xFFFFFFF8, v50;
	v59 =	vand.u32 $0x7, v50;
	v30 =	vld.idx.msk [tilespmem:v30+s12+$0x0], $0xffff;
	v18 =	vor.u32 v57, v18  }
0x1ce: {  	v36 =	vld.idx.msk [tilespmem:v36+s10+$0x0], $0xffff;
	v1 =	vadd.f32 v2, v1;
	v2 =	vmul.f32 v25, v24;
	v24 =	vadd.s32 v5, v58  }
0x1cf: {  	v62 =	vadd.s32 $0x10, v26;
	v60 =	vadd.s32 $0x12, v13;
	v25 =	vld.idx.msk [tilespmem:v47+s12+$0x0], $0xffff;
	v24 =	vor.u32 v59, v24  }
0x1d0: {  	v35 =	vld.idx.msk [tilespmem:v35+s10+$0x0], $0xffff;
	v1 =	vadd.f32 v2, v1;
	v2 =	vmul.f32 v28, v46;
	v28 =	vadd.s32 $0x11, v13  }
0x1d1: {  	v61 =	vadd.s32 $0x13, v13;
	v23 =	vld.idx.msk [tilespmem:v23+s12+$0x0], $0xffff;
	v63 =	vand.u32 $0xFFFFFFF8, v28;
	v28 =	vand.u32 $0x7, v28  }
0x1d2: {  	v33 =	vld.idx.msk [tilespmem:v33+s10+$0x0], $0xffff;
	v1 =	vadd.f32 v2, v1;
	v2 =	vmul.f32 v30, v22;
	v22 =	vadd.s32 v5, v63  }
0x1d3: {  	v18 =	vld.idx.msk [tilespmem:v18+s12+$0x0], $0xffff;
	v30 =	vand.u32 $0x7, v60;
	v22 =	vor.u32 v28, v22;
	v28 =	vand.u32 $0xFFFFFFF8, v60  }
0x1d4: {  	v20 =	vld.idx.msk [tilespmem:v20+s10+$0x0], $0xffff;
	v1 =	vadd.f32 v2, v1;
	v2 =	vmul.f32 v25, v36;
	v25 =	vadd.s32 v5, v28  }
0x1d5: {  	v24 =	vld.idx.msk [tilespmem:v24+s12+$0x0], $0xffff;
	v28 =	vand.u32 $0xFFFFFFF8, v61;
	v25 =	vor.u32 v30, v25;
	v30 =	vand.u32 $0x7, v61  }
0x1d6: {  	v16 =	vld.idx.msk [tilespmem:v16+s10+$0x0], $0xffff;
	v1 =	vadd.f32 v2, v1;
	v2 =	vmul.f32 v23, v35;
	v23 =	vadd.s32 v5, v28  }
0x1d7: {  	v46 =	vand.u32 $0x7, v34;
	v28 =	vld.idx.msk [tilespmem:v62+s12+$0x0], $0xffff;
	v23 =	vor.u32 v30, v23;
	v30 =	vand.u32 $0xFFFFFFF8, v34  }
0x1d8: {  	v47 =	vld.idx.msk [tilespmem:v45+s10+$0x0], $0xffff;
	v1 =	vadd.f32 v2, v1;
	v2 =	vmul.f32 v18, v33;
	v18 =	vadd.s32 v5, v30  }
0x1d9: {  	v22 =	vld.idx.msk [tilespmem:v22+s12+$0x0], $0xffff;
	v30 =	vand.u32 $0xFFFFFFF8, v31;
	v31 =	vand.u32 $0x7, v31;
	v18 =	vor.u32 v46, v18  }
0x1da: {  	v48 =	vld.idx.msk [tilespmem:v44+s10+$0x0], $0xffff;
	v1 =	vadd.f32 v2, v1;
	v2 =	vmul.f32 v24, v20;
	v20 =	vadd.s32 v5, v30  }
0x1db: {  	v24 =	vld.idx.msk [tilespmem:v25+s12+$0x0], $0xffff;
	v25 =	vand.u32 $0xFFFFFFF8, v29;
	v29 =	vand.u32 $0x7, v29;
	v20 =	vor.u32 v31, v20  }
0x1dc: {  	v12 =	vld.idx.msk [tilespmem:v12+s10+$0x0], $0xffff;
	v1 =	vadd.f32 v2, v1;
	v2 =	vmul.f32 v28, v16;
	v16 =	vadd.s32 v5, v25  }
0x1dd: {  	v23 =	vld.idx.msk [tilespmem:v23+s12+$0x0], $0xffff;
	v25 =	vand.u32 $0xFFFFFFF8, v27;
	v27 =	vand.u32 $0x7, v27;
	v16 =	vor.u32 v29, v16  }
0x1de: {  	v28 =	vld.idx.msk [tilespmem:v43+s10+$0x0], $0xffff;
	v1 =	vadd.f32 v2, v1;
	v2 =	vmul.f32 v22, v47;
	v22 =	vadd.s32 v5, v25  }
0x1df: {  	v26 =	vadd.s32 $0x18, v26;
	v18 =	vld.idx.msk [tilespmem:v18+s12+$0x0], $0xffff;
	v25 =	vadd.s32 $0x1A, v13;
	v22 =	vor.u32 v27, v22  }
0x1e0: {  	v29 =	vld.idx.msk [tilespmem:v42+s10+$0x0], $0xffff;
	v1 =	vadd.f32 v2, v1;
	v2 =	vmul.f32 v24, v48;
	v24 =	vadd.s32 $0x19, v13  }
0x1e1: {  	v27 =	vadd.s32 $0x1B, v13;
	v20 =	vld.idx.msk [tilespmem:v20+s12+$0x0], $0xffff;
	v30 =	vand.u32 $0xFFFFFFF8, v24;
	v24 =	vand.u32 $0x7, v24  }
0x1e2: {  	v31 =	vld.idx.msk [tilespmem:v40+s10+$0x0], $0xffff;
	v1 =	vadd.f32 v2, v1;
	v2 =	vmul.f32 v23, v12;
	v12 =	vadd.s32 v5, v30  }
0x1e3: {  	v16 =	vld.idx.msk [tilespmem:v16+s12+$0x0], $0xffff;
	v23 =	vand.u32 $0xFFFFFFF8, v25;
	v12 =	vor.u32 v24, v12;
	v24 =	vand.u32 $0x7, v25  }
0x1e4: {  	v25 =	vld.idx.msk [tilespmem:v41+s10+$0x0], $0xffff;
	v1 =	vadd.f32 v2, v1;
	v2 =	vmul.f32 v18, v28;
	v18 =	vadd.s32 v5, v23  }
0x1e5: {  	v22 =	vld.idx.msk [tilespmem:v22+s12+$0x0], $0xffff;
	v23 =	vand.u32 $0xFFFFFFF8, v27;
	v18 =	vor.u32 v24, v18;
	v24 =	vand.u32 $0x7, v27  }
0x1e6: {  	v27 =	vld.idx.msk [tilespmem:v38+s10+$0x0], $0xffff;
	v1 =	vadd.f32 v2, v1;
	v2 =	vmul.f32 v20, v29;
	v20 =	vadd.s32 v5, v23  }
0x1e7: {  	v23 =	vld.idx.msk [tilespmem:v26+s12+$0x0], $0xffff;
	v20 =	vor.u32 v24, v20;
	v24 =	vand.u32 $0xFFFFFFF8, v21;
	v21 =	vand.u32 $0x7, v21  }
0x1e8: {  	v15 =	vld.idx.msk [tilespmem:v15+s10+$0x0], $0xffff;
	v1 =	vadd.f32 v2, v1;
	v2 =	vmul.f32 v16, v31;
	v16 =	vadd.s32 v5, v24  }
0x1e9: {  	v12 =	vld.idx.msk [tilespmem:v12+s12+$0x0], $0xffff;
	v16 =	vor.u32 v21, v16;
	v21 =	vand.u32 $0xFFFFFFF8, v19;
	v19 =	vand.u32 $0x7, v19  }
0x1ea: {  	v14 =	vld.idx.msk [tilespmem:v14+s10+$0x0], $0xffff;
	v1 =	vadd.f32 v2, v1;
	v2 =	vmul.f32 v22, v25;
	v21 =	vadd.s32 v5, v21  }
0x1eb: {  	v7 =	vor.u32 v7, v9;
	v9 =	vadd.s32 $0x1F, v13;
	v18 =	vld.idx.msk [tilespmem:v18+s12+$0x0], $0xffff;
	v19 =	vor.u32 v19, v21  }
0x1ec: {  	v22 =	vld.idx.msk [tilespmem:v39+s10+$0x0], $0xffff;
	v21 =	vand.u32 $0xFFFFFFF8, v17;
	v1 =	vadd.f32 v2, v1;
	v2 =	vmul.f32 v23, v27  }
0x1ed: {  	v17 =	vand.u32 $0x7, v17;
	v21 =	vadd.s32 v5, v21;
	v13 =	vld.idx.msk [tilespmem:v20+s12+$0x0], $0xffff;
	v20 =	vand.u32 $0xFFFFFFF8, v9  }
0x1ee: {  	v11 =	vld.idx.msk [tilespmem:v11+s10+$0x0], $0xffff;
	v17 =	vor.u32 v17, v21;
	v1 =	vadd.f32 v2, v1;
	v2 =	vmul.f32 v12, v15  }
0x1ef: {  	v6 =	vor.u32 v6, v8;
	v8 =	vand.u32 $0x7, v9;
	v5 =	vadd.s32 v5, v20;
	v9 =	vld.idx.msk [tilespmem:v16+s12+$0x0], $0xffff  }
0x1f0: {  	v10 =	vld.idx.msk [tilespmem:v10+s10+$0x0], $0xffff;
	v5 =	vor.u32 v8, v5;
	v1 =	vadd.f32 v2, v1;
	v2 =	vmul.f32 v18, v14  }
0x1f1: {  	v8 =	vld.idx.msk [tilespmem:v19+s12+$0x0], $0xffff  }
0x1f2: {  	v7 =	vld.idx.msk [tilespmem:v7+s10+$0x0], $0xffff;
	v1 =	vadd.f32 v2, v1;
	v2 =	vmul.f32 v13, v22  }
0x1f3: {  	v12 =	vld.idx.msk [tilespmem:v17+s12+$0x0], $0xffff  }
0x1f4: {  	v6 =	vld.idx.msk [tilespmem:v6+s10+$0x0], $0xffff;
	v1 =	vadd.f32 v2, v1;
	v2 =	vmul.f32 v9, v11  }
0x1f5: {  	v5 =	vld.idx.msk [tilespmem:v5+s12+$0x0], $0xffff  }
0x1f6: {  	v1 =	vadd.f32 v2, v1;
	v2 =	vmul.f32 v8, v10;
	_ =	sdelay $0x1  }
0x1f7: {  	s25 =	simm.s32 $0x10;
	v1 =	vadd.f32 v2, v1;
	v2 =	vmul.f32 v12, v7  }
0x1f8: {  	v7 =	vor.u32 s25, v0  }
0x1f9: {  	v8 =	vand.u32 v3, v7;
	v1 =	vadd.f32 v2, v1;
	v2 =	vmul.f32 v5, v6;
	_ =	sdelay $0x1  }
0x1fa: {  	v1 =	vadd.f32 v2, v1;
	_ =	sdelay $0x1  }
0x1fb: {  	[tilespmem:s23+$0x0] =	vst v1  }
0x1fc: {  	v1 =	vld.idx.msk [tilespmem:v8+s18+$0x0], $0xffff;
	_ =	sdelay $0x3  }
0x1fd: {  	v5 =	vshll.u32 v7, $0x7;
	v2 =	vand.u32 $0xF8, v7  }
0x1fe: {  	v13 =	vor.u32 v4, v2;
	v2 =	vadd.s32 $0x1E, v1;
	v6 =	vadd.s32 $0x1F, v1  }
0x1ff: {  	v9 =	vadd.s32 $0x1B, v1;
	v10 =	vadd.s32 $0x1C, v1;
	v11 =	vadd.s32 $0x1D, v1  }
0x200: {  	v12 =	vadd.s32 $0x17, v1;
	v16 =	vadd.s32 $0x19, v1;
	v17 =	vadd.s32 $0x1A, v1  }
0x201: {  	v20 =	vadd.s32 $0x14, v1;
	v19 =	vadd.s32 $0x15, v1;
	v21 =	vadd.s32 $0x16, v1  }
0x202: {  	v22 =	vadd.s32 $0x11, v1;
	v24 =	vadd.s32 $0x12, v1;
	v25 =	vadd.s32 $0x13, v1  }
0x203: {  	v27 =	vadd.s32 $0xD, v1;
	v28 =	vadd.s32 $0xE, v1;
	v30 =	vadd.s32 $0xF, v1  }
0x204: {  	v31 =	vadd.s32 $0xA, v1;
	v49 =	vadd.s32 $0xB, v1;
	v50 =	vadd.s32 $0xC, v1  }
0x205: {  	v35 =	vadd.s32 $0x6, v1;
	v36 =	vadd.s32 $0x7, v1;
	v38 =	vadd.s32 $0x9, v1  }
0x206: {  	v42 =	vadd.s32 $0x3, v1;
	v39 =	vadd.s32 $0x4, v1;
	v43 =	vadd.s32 $0x5, v1  }
0x207: {  	v45 =	vand.u32 $0x7, v1;
	v46 =	vadd.s32 $0x1, v1;
	v47 =	vadd.s32 $0x2, v1  }
0x208: {  	v44 =	vand.u32 $0xFFFFFFF8, v1;
	v7 =	vand.u32 $0xFFFFFFF8, v6;
	v0 =	vand.u32 $0x7, v6  }
0x209: {  	[tilespmem:$0x1FB60] =	vst v3;
	v3 =	vand.u32 $0x7, v11;
	v1 =	vand.u32 $0xFFFFFFF8, v2;
	v6 =	vand.u32 $0xFFFFFFF8, v10  }
0x20a: {  	[tilespmem:$0x1FB70] =	vst v4;
	v4 =	vand.u32 $0x7, v10;
	v8 =	vand.u32 $0xFFFFFFF8, v11;
	v11 =	vand.u32 $0x7, v17  }
0x20b: {  	v63 =	vand.u32 $0xFFFFFFF8, v9;
	v15 =	vand.u32 $0x7, v9;
	v10 =	vand.u32 $0xFFFFFFF8, v16  }
0x20c: {  	v18 =	vand.u32 $0x7, v16;
	v14 =	vand.u32 $0xFFFFFFF8, v17;
	[tilespmem:$0x1FB80] =	vst v0;
	v0 =	vand.u32 $0x7, v2  }
0x20d: {  	v17 =	vand.u32 $0x7, v21;
	v54 =	vand.u32 $0xFFFFFFF8, v12;
	v1 =	vadd.s32 v5, v1;
	[tilespmem:$0x1FB90] =	vst v0  }
0x20e: {  	v16 =	vand.u32 $0x7, v12;
	v55 =	vand.u32 $0xFFFFFFF8, v21;
	v0 =	vand.u32 $0xFFFFFFF8, v19;
	[tilespmem:$0x1FBA0] =	vst v1  }
0x20f: {  	v23 =	vand.u32 $0x7, v25;
	v53 =	vand.u32 $0xFFFFFFF8, v20;
	v1 =	vadd.s32 v5, v7;
	[tilespmem:$0x1FBC0] =	vst v0  }
0x210: {  	v20 =	vand.u32 $0x7, v20;
	v26 =	vand.u32 $0x7, v30;
	v57 =	vand.u32 $0xFFFFFFF8, v22;
	[tilespmem:$0x1FBB0] =	vst v1;
	v1 =	vld [tilespmem:$0x1FBC0]  }
0x211: {  	v29 =	vand.u32 $0x7, v28;
	v62 =	vand.u32 $0xFFFFFFF8, v30;
	v56 =	vand.u32 $0xFFFFFFF8, v27  }
0x212: {  	v30 =	vand.u32 $0x7, v27;
	v58 =	vand.u32 $0xFFFFFFF8, v49;
	v0 =	vand.u32 $0xFFFFFFF8, v24  }
0x213: {  	v59 =	vand.u32 $0xFFFFFFF8, v50;
	v9 =	vadd.s32 v5, v44;
	[tilespmem:$0x1FBD0] =	vst v0;
	v0 =	vand.u32 $0xFFFFFFF8, v25  }
0x214: {  	v44 =	vand.u32 $0x7, v42;
	[tilespmem:$0x1FBE0] =	vst v0;
	v0 =	vand.u32 $0xFFFFFFF8, v28;
	v28 =	vand.u32 $0x7, v50  }
0x215: {  	v50 =	vand.u32 $0xFFFFFFF8, v42;
	v42 =	vadd.s32 v5, v54;
	v54 =	vadd.s32 v5, v1;
	v1 =	vld [tilespmem:$0x1FBD0]  }
0x216: {  	v34 =	vand.u32 $0x7, v49;
	v33 =	vand.u32 $0x7, v38;
	v49 =	vand.u32 $0xFFFFFFF8, v31  }
0x217: {  	v37 =	vand.u32 $0x7, v31;
	v61 =	vand.u32 $0xFFFFFFF8, v36;
	v36 =	vand.u32 $0x7, v36  }
0x218: {  	v60 =	vand.u32 $0xFFFFFFF8, v38;
	v40 =	vand.u32 $0x7, v43;
	v48 =	vand.u32 $0xFFFFFFF8, v35  }
0x219: {  	v41 =	vand.u32 $0x7, v35;
	v51 =	vand.u32 $0xFFFFFFF8, v39;
	v39 =	vand.u32 $0x7, v39  }
0x21a: {  	v52 =	vand.u32 $0xFFFFFFF8, v43;
	v43 =	vand.u32 $0x7, v47;
	v38 =	vadd.s32 v5, v1;
	v1 =	vld [tilespmem:$0x1FBE0]  }
0x21b: {  	v35 =	vor.u32 v45, v9;
	v2 =	vand.u32 $0xFFFFFFF8, v46;
	v45 =	vand.u32 $0x7, v46  }
0x21c: {  	v21 =	vadd.s32 v5, v63;
	v12 =	vadd.s32 v5, v8;
	v27 =	vadd.s32 v5, v10  }
0x21d: {  	v63 =	vadd.s32 v5, v14;
	v53 =	vadd.s32 v5, v53;
	v55 =	vadd.s32 v5, v55  }
0x21e: {  	v32 =	vadd.s32 v5, v57;
	v46 =	vadd.s32 v5, v56;
	v57 =	vadd.s32 v5, v62;
	[tilespmem:$0x1FBF0] =	vst v0  }
0x21f: {  	v58 =	vadd.s32 v5, v58;
	v59 =	vadd.s32 v5, v59;
	v31 =	vadd.s32 v5, v1;
	v1 =	vld [tilespmem:$0x1FBF0]  }
0x220: {  	v48 =	vadd.s32 v5, v48;
	v60 =	vadd.s32 v5, v60;
	v51 =	vadd.s32 v5, v51  }
0x221: {  	v62 =	vadd.s32 v5, v52;
	v19 =	vand.u32 $0x7, v19;
	v52 =	vadd.s32 v5, v2  }
0x222: {  	v24 =	vand.u32 $0x7, v24;
	v25 =	vand.u32 $0x7, v22;
	v22 =	vadd.s32 v5, v6  }
0x223: {  	v0 =	vand.u32 $0xFFFFFFF8, v47;
	v47 =	vadd.s32 v5, v49;
	v49 =	vadd.s32 v5, v61  }
0x224: {  	s26 =	simm.s32 $0x20;
	s25 =	simm.s32 $0x10E00;
	v50 =	vadd.s32 v5, v50;
	v61 =	vadd.s32 v5, v0;
	v56 =	vadd.s32 v5, v1  }
.LBB2_2:
0x225: {  	_ = 	snop  }
0x226: {  	v11 =	vor.u32 v11, v63;
	v10 =	vor.u32 v15, v21;
	v9 =	vor.u32 v4, v22  }
0x227: {  	v16 =	vor.u32 v16, v42;
	v14 =	vadd.s32 $0x18, v35;
	v22 =	vor.u32 v20, v53  }
0x228: {  	v0 =	vld [tilespmem:$0x1FB90];
	v21 =	vor.u32 v19, v54;
	v23 =	vor.u32 v23, v31;
	v31 =	vor.u32 v26, v57  }
0x229: {  	v1 =	vld [tilespmem:$0x1FBA0];
	v42 =	vor.u32 v34, v58;
	v34 =	vor.u32 v30, v46;
	v46 =	vor.u32 v33, v60  }
0x22a: {  	v37 =	vor.u32 v37, v47;
	v2 =	vor.u32 v40, v62;
	v40 =	vor.u32 v41, v48;
	v20 =	vld.idx.msk [tilespmem:v13+s18+$0x0], $0xffff  }
0x22b: {  	v41 =	vor.u32 v36, v49;
	v43 =	vor.u32 v43, v61;
	v44 =	vor.u32 v44, v50  }
0x22c: {  	v39 =	vor.u32 v39, v51;
	v45 =	vor.u32 v45, v52;
	v8 =	vor.u32 v3, v12  }
0x22d: {  	v12 =	vor.u32 v18, v27;
	v19 =	vor.u32 v17, v55;
	v27 =	vor.u32 v25, v32  }
0x22e: {  	v25 =	vor.u32 v24, v38;
	v32 =	vor.u32 v29, v56;
	v29 =	vadd.s32 $0x10, v35  }
0x22f: {  	v38 =	vor.u32 v28, v59;
	v7 =	vor.u32 v0, v1;
	v15 =	vadd.s32 $0x1E, v20  }
0x230: {  	v0 =	vld [tilespmem:$0x1FB80];
	v13 =	vadd.s32 $0x1F, v20;
	v26 =	vadd.s32 $0x17, v20;
	v18 =	vadd.s32 $0x1C, v20  }
0x231: {  	v1 =	vld [tilespmem:$0x1FBB0];
	v17 =	vadd.s32 $0x1D, v20;
	v24 =	vand.u32 $0xFFFFFFF8, v20;
	v30 =	vadd.s32 $0x15, v20  }
0x232: {  	v28 =	vadd.s32 $0x16, v20;
	v54 =	vand.u32 $0x7, v20;
	v55 =	vadd.s32 $0x1, v20  }
0x233: {  	v33 =	vadd.s32 $0x14, v20;
	v57 =	vadd.s32 $0x2, v20;
	v59 =	vadd.s32 $0x3, v20  }
0x234: {  	v51 =	vadd.s32 $0xE, v20;
	v61 =	vadd.s32 $0x4, v20;
	v24 =	vadd.s32 v5, v24  }
0x235: {  	v63 =	vadd.s32 $0x5, v20;
	v56 =	vand.u32 $0xFFFFFFF8, v55;
	v24 =	vor.u32 v54, v24  }
0x236: {  	v6 =	vor.u32 v0, v1;
	v36 =	vand.u32 $0x7, v55;
	v47 =	vadd.s32 v5, v56  }
0x237: {  	v1 =	vadd.s32 $0x8, v35;
	v58 =	vand.u32 $0xFFFFFFF8, v57;
	v47 =	vor.u32 v36, v47  }
0x238: {  	v48 =	vand.u32 $0x7, v57;
	v60 =	vand.u32 $0xFFFFFFF8, v59;
	v49 =	vadd.s32 v5, v58  }
0x239: {  	v35 =	vld.idx.msk [tilespmem:v35+s10+$0x0], $0xffff;
	v50 =	vand.u32 $0x7, v59;
	v62 =	vand.u32 $0xFFFFFFF8, v61;
	v48 =	vor.u32 v48, v49  }
0x23a: {  	v53 =	vand.u32 $0x7, v61;
	v55 =	vand.u32 $0x7, v63;
	v49 =	vadd.s32 v5, v60;
	v52 =	vld.idx.msk [tilespmem:v24+s12+$0x0], $0xffff  }
0x23b: {  	v45 =	vld.idx.msk [tilespmem:v45+s10+$0x0], $0xffff;
	v61 =	vadd.s32 $0x6, v20;
	v57 =	vadd.s32 $0xB, v20;
	v49 =	vor.u32 v50, v49  }
0x23c: {  	v54 =	vadd.s32 $0xD, v20;
	v56 =	vadd.s32 $0xC, v20;
	v50 =	vadd.s32 v5, v62;
	v47 =	vld.idx.msk [tilespmem:v47+s12+$0x0], $0xffff  }
0x23d: {  	v43 =	vld.idx.msk [tilespmem:v43+s10+$0x0], $0xffff;
	v59 =	vand.u32 $0x7, v61;
	v60 =	vand.u32 $0xFFFFFFF8, v63;
	v50 =	vor.u32 v53, v50  }
0x23e: {  	v63 =	vadd.s32 $0x7, v20;
	v62 =	vand.u32 $0xFFFFFFF8, v61;
	v53 =	vadd.s32 v5, v60;
	v48 =	vld.idx.msk [tilespmem:v48+s12+$0x0], $0xffff  }
0x23f: {  	v44 =	vld.idx.msk [tilespmem:v44+s10+$0x0], $0xffff;
	v61 =	vand.u32 $0x7, v63;
	v53 =	vor.u32 v55, v53;
	v35 =	vmul.f32 v52, v35  }
0x240: {  	v60 =	vand.u32 $0xFFFFFFF8, v63;
	v63 =	vadd.s32 $0x9, v20;
	v55 =	vadd.s32 v5, v62;
	v49 =	vld.idx.msk [tilespmem:v49+s12+$0x0], $0xffff  }
0x241: {  	v39 =	vld.idx.msk [tilespmem:v39+s10+$0x0], $0xffff;
	v52 =	vor.u32 v59, v55;
	v45 =	vmul.f32 v47, v45;
	v35 =	vadd.f32 $0.0e+00, v35  }
0x242: {  	v36 =	vadd.s32 $0xF, v20;
	v62 =	vadd.s32 v5, v60;
	v60 =	vand.u32 $0xFFFFFFF8, v63;
	v47 =	vld.idx.msk [tilespmem:v50+s12+$0x0], $0xffff  }
0x243: {  	v2 =	vld.idx.msk [tilespmem:v2+s10+$0x0], $0xffff;
	v50 =	vor.u32 v61, v62;
	v43 =	vmul.f32 v48, v43;
	v35 =	vadd.f32 v45, v35  }
0x244: {  	v55 =	vadd.s32 $0xA, v20;
	v48 =	vand.u32 $0x7, v63;
	v62 =	vadd.s32 v5, v60;
	v45 =	vld.idx.msk [tilespmem:v53+s12+$0x0], $0xffff  }
0x245: {  	v40 =	vld.idx.msk [tilespmem:v40+s10+$0x0], $0xffff;
	v61 =	vmul.f32 v49, v44;
	v53 =	vadd.s32 $0x8, v24;
	v35 =	vadd.f32 v43, v35  }
0x246: {  	v63 =	vand.u32 $0xFFFFFFF8, v55;
	v58 =	vand.u32 $0x7, v55;
	v60 =	vand.u32 $0xFFFFFFF8, v57;
	v44 =	vld.idx.msk [tilespmem:v52+s12+$0x0], $0xffff  }
0x247: {  	v41 =	vld.idx.msk [tilespmem:v41+s10+$0x0], $0xffff;
	v48 =	vor.u32 v48, v62;
	v39 =	vmul.f32 v47, v39;
	v35 =	vadd.f32 v61, v35  }
0x248: {  	v59 =	vadd.s32 v5, v63;
	v62 =	vadd.s32 v5, v60;
	v63 =	vand.u32 $0xFFFFFFF8, v56;
	v43 =	vld.idx.msk [tilespmem:v50+s12+$0x0], $0xffff  }
0x249: {  	v1 =	vld.idx.msk [tilespmem:v1+s10+$0x0], $0xffff;
	v47 =	vor.u32 v58, v59;
	v2 =	vmul.f32 v45, v2;
	v35 =	vadd.f32 v39, v35  }
0x24a: {  	v52 =	vand.u32 $0x7, v56;
	v56 =	vadd.s32 v5, v63;
	v61 =	vand.u32 $0x7, v57;
	v39 =	vld.idx.msk [tilespmem:v53+s12+$0x0], $0xffff  }
0x24b: {  	v46 =	vld.idx.msk [tilespmem:v46+s10+$0x0], $0xffff;
	v45 =	vor.u32 v61, v62;
	v53 =	vmul.f32 v44, v40;
	v2 =	vadd.f32 v2, v35  }
0x24c: {  	v63 =	vand.u32 $0x7, v51;
	v58 =	vand.u32 $0x7, v54;
	v55 =	vld.idx.msk [tilespmem:v48+s12+$0x0], $0xffff;
	v57 =	vand.u32 $0xFFFFFFF8, v54  }
0x24d: {  	v37 =	vld.idx.msk [tilespmem:v37+s10+$0x0], $0xffff;
	v44 =	vor.u32 v52, v56;
	v59 =	vmul.f32 v43, v41;
	v2 =	vadd.f32 v53, v2  }
0x24e: {  	v54 =	vand.u32 $0xFFFFFFF8, v36;
	v61 =	vadd.s32 v5, v57;
	v62 =	vand.u32 $0xFFFFFFF8, v51;
	v60 =	vld.idx.msk [tilespmem:v47+s12+$0x0], $0xffff  }
0x24f: {  	v42 =	vld.idx.msk [tilespmem:v42+s10+$0x0], $0xffff;
	v43 =	vor.u32 v58, v61;
	v1 =	vmul.f32 v39, v1;
	v2 =	vadd.f32 v59, v2  }
0x250: {  	v36 =	vand.u32 $0x7, v36;
	v57 =	vadd.s32 $0x12, v20;
	v52 =	vld.idx.msk [tilespmem:v45+s12+$0x0], $0xffff;
	v53 =	vadd.s32 v5, v62  }
0x251: {  	v38 =	vld.idx.msk [tilespmem:v38+s10+$0x0], $0xffff;
	v39 =	vor.u32 v63, v53;
	v1 =	vadd.f32 v1, v2;
	v2 =	vmul.f32 v55, v46  }
0x252: {  	v56 =	vadd.s32 v5, v54;
	v48 =	vand.u32 $0x7, v57;
	v54 =	vand.u32 $0xFFFFFFF8, v33;
	v55 =	vld.idx.msk [tilespmem:v44+s12+$0x0], $0xffff  }
0x253: {  	v34 =	vld.idx.msk [tilespmem:v34+s10+$0x0], $0xffff;
	v36 =	vor.u32 v36, v56;
	v1 =	vadd.f32 v2, v1;
	v2 =	vmul.f32 v60, v37  }
0x254: {  	v58 =	vadd.s32 $0x13, v20;
	v61 =	vadd.s32 $0x10, v24;
	v59 =	vld.idx.msk [tilespmem:v43+s12+$0x0], $0xffff;
	v60 =	vadd.s32 $0x11, v20  }
0x255: {  	v32 =	vld.idx.msk [tilespmem:v32+s10+$0x0], $0xffff;
	v62 =	vand.u32 $0xFFFFFFF8, v60;
	v1 =	vadd.f32 v2, v1;
	v2 =	vmul.f32 v52, v42  }
0x256: {  	v47 =	vand.u32 $0xFFFFFFF8, v57;
	v63 =	vld.idx.msk [tilespmem:v39+s12+$0x0], $0xffff;
	v41 =	vand.u32 $0x7, v60;
	v46 =	vadd.s32 v5, v62  }
0x257: {  	v31 =	vld.idx.msk [tilespmem:v31+s10+$0x0], $0xffff;
	v39 =	vor.u32 v41, v46;
	v1 =	vadd.f32 v2, v1;
	v2 =	vmul.f32 v55, v38  }
0x258: {  	v33 =	vand.u32 $0x7, v33;
	v49 =	vadd.s32 v5, v47;
	v50 =	vand.u32 $0xFFFFFFF8, v58;
	v36 =	vld.idx.msk [tilespmem:v36+s12+$0x0], $0xffff  }
0x259: {  	v29 =	vld.idx.msk [tilespmem:v29+s10+$0x0], $0xffff;
	v38 =	vor.u32 v48, v49;
	v1 =	vadd.f32 v2, v1;
	v2 =	vmul.f32 v59, v34  }
0x25a: {  	v56 =	vadd.s32 v5, v54;
	v51 =	vand.u32 $0x7, v58;
	v53 =	vadd.s32 v5, v50;
	v52 =	vld.idx.msk [tilespmem:v61+s12+$0x0], $0xffff  }
0x25b: {  	v27 =	vld.idx.msk [tilespmem:v27+s10+$0x0], $0xffff;
	v37 =	vor.u32 v51, v53;
	v1 =	vadd.f32 v2, v1;
	v2 =	vmul.f32 v63, v32  }
0x25c: {  	v57 =	vand.u32 $0xFFFFFFF8, v30;
	v30 =	vand.u32 $0x7, v30;
	v33 =	vor.u32 v33, v56;
	v55 =	vld.idx.msk [tilespmem:v39+s12+$0x0], $0xffff  }
0x25d: {  	v25 =	vld.idx.msk [tilespmem:v25+s10+$0x0], $0xffff;
	v35 =	vadd.s32 v5, v57;
	v1 =	vadd.f32 v2, v1;
	v2 =	vmul.f32 v36, v31  }
0x25e: {  	v58 =	vand.u32 $0xFFFFFFF8, v28;
	v28 =	vand.u32 $0x7, v28;
	v30 =	vor.u32 v30, v35;
	v31 =	vld.idx.msk [tilespmem:v38+s12+$0x0], $0xffff  }
0x25f: {  	v23 =	vld.idx.msk [tilespmem:v23+s10+$0x0], $0xffff;
	v59 =	vadd.s32 v5, v58;
	v1 =	vadd.f32 v2, v1;
	v2 =	vmul.f32 v52, v29  }
0x260: {  	v60 =	vand.u32 $0xFFFFFFF8, v26;
	v26 =	vand.u32 $0x7, v26;
	v28 =	vor.u32 v28, v59;
	v29 =	vld.idx.msk [tilespmem:v37+s12+$0x0], $0xffff  }
0x261: {  	v22 =	vld.idx.msk [tilespmem:v22+s10+$0x0], $0xffff;
	v61 =	vadd.s32 v5, v60;
	v1 =	vadd.f32 v2, v1;
	v2 =	vmul.f32 v55, v27  }
0x262: {  	v62 =	vadd.s32 $0x1A, v20;
	v26 =	vor.u32 v26, v61;
	v63 =	vadd.s32 $0x1B, v20;
	v27 =	vld.idx.msk [tilespmem:v33+s12+$0x0], $0xffff  }
0x263: {  	v21 =	vld.idx.msk [tilespmem:v21+s10+$0x0], $0xffff;
	v20 =	vadd.s32 $0x19, v20;
	v1 =	vadd.f32 v2, v1;
	v2 =	vmul.f32 v31, v25  }
0x264: {  	v24 =	vadd.s32 $0x18, v24;
	v25 =	vld.idx.msk [tilespmem:v30+s12+$0x0], $0xffff;
	v30 =	vand.u32 $0xFFFFFFF8, v20;
	v20 =	vand.u32 $0x7, v20  }
0x265: {  	v1 =	vadd.f32 v2, v1;
	v2 =	vmul.f32 v29, v23;
	v23 =	vld.idx.msk [tilespmem:v28+s12+$0x0], $0xffff;
	v28 =	vadd.s32 v5, v30  }
0x266: {  	v19 =	vld.idx.msk [tilespmem:v19+s10+$0x0], $0xffff;
	v29 =	vand.u32 $0x7, v62;
	v20 =	vor.u32 v20, v28;
	v28 =	vand.u32 $0xFFFFFFF8, v62  }
0x267: {  	v1 =	vadd.f32 v2, v1;
	v2 =	vmul.f32 v27, v22;
	v22 =	vld.idx.msk [tilespmem:v26+s12+$0x0], $0xffff;
	v26 =	vadd.s32 v5, v28  }
0x268: {  	v16 =	vld.idx.msk [tilespmem:v16+s10+$0x0], $0xffff;
	v27 =	vand.u32 $0xFFFFFFF8, v63;
	v28 =	vand.u32 $0x7, v63;
	v26 =	vor.u32 v29, v26  }
0x269: {  	v1 =	vadd.f32 v2, v1;
	v2 =	vmul.f32 v25, v21;
	v21 =	vld.idx.msk [tilespmem:v24+s12+$0x0], $0xffff;
	v24 =	vadd.s32 v5, v27  }
0x26a: {  	v14 =	vld.idx.msk [tilespmem:v14+s10+$0x0], $0xffff;
	v25 =	vand.u32 $0xFFFFFFF8, v18;
	v18 =	vand.u32 $0x7, v18;
	v24 =	vor.u32 v28, v24  }
0x26b: {  	v1 =	vadd.f32 v2, v1;
	v2 =	vmul.f32 v23, v19;
	v19 =	vld.idx.msk [tilespmem:v20+s12+$0x0], $0xffff;
	v20 =	vadd.s32 v5, v25  }
0x26c: {  	v12 =	vld.idx.msk [tilespmem:v12+s10+$0x0], $0xffff;
	v18 =	vor.u32 v18, v20;
	v20 =	vand.u32 $0xFFFFFFF8, v17;
	v17 =	vand.u32 $0x7, v17  }
0x26d: {  	v11 =	vld.idx.msk [tilespmem:v11+s10+$0x0], $0xffff;
	v1 =	vadd.f32 v2, v1;
	v2 =	vmul.f32 v22, v16;
	v20 =	vadd.s32 v5, v20  }
0x26e: {  	v16 =	vld.idx.msk [tilespmem:v26+s12+$0x0], $0xffff;
	v17 =	vor.u32 v17, v20  }
0x26f: {  	v10 =	vld.idx.msk [tilespmem:v10+s10+$0x0], $0xffff;
	v20 =	vand.u32 $0xFFFFFFF8, v15;
	v1 =	vadd.f32 v2, v1;
	v2 =	vmul.f32 v21, v14  }
0x270: {  	v15 =	vand.u32 $0x7, v15;
	v14 =	vld.idx.msk [tilespmem:v24+s12+$0x0], $0xffff;
	v20 =	vadd.s32 v5, v20  }
0x271: {  	v9 =	vld.idx.msk [tilespmem:v9+s10+$0x0], $0xffff;
	v15 =	vor.u32 v15, v20;
	v1 =	vadd.f32 v2, v1;
	v2 =	vmul.f32 v19, v12  }
0x272: {  	v12 =	vld.idx.msk [tilespmem:v18+s12+$0x0], $0xffff  }
0x273: {  	v8 =	vld.idx.msk [tilespmem:v8+s10+$0x0], $0xffff;
	v20 =	vand.u32 $0xFFFFFFF8, v13;
	v1 =	vadd.f32 v2, v1;
	v2 =	vmul.f32 v16, v11  }
0x274: {  	v13 =	vand.u32 $0x7, v13;
	v5 =	vadd.s32 v5, v20;
	v11 =	vld.idx.msk [tilespmem:v17+s12+$0x0], $0xffff  }
0x275: {  	v7 =	vld.idx.msk [tilespmem:v7+s10+$0x0], $0xffff;
	v5 =	vor.u32 v13, v5;
	v1 =	vadd.f32 v2, v1;
	v2 =	vmul.f32 v14, v10  }
0x276: {  	v10 =	vld.idx.msk [tilespmem:v15+s12+$0x0], $0xffff  }
0x277: {  	v1 =	vadd.f32 v2, v1;
	v2 =	vmul.f32 v12, v9;
	_ =	sdelay $0x1  }
0x278: {  	v6 =	vld.idx.msk [tilespmem:v6+s10+$0x0], $0xffff;
	v1 =	vadd.f32 v2, v1;
	v2 =	vmul.f32 v11, v8  }
0x279: {  	v0 =	vlaneseq.u32;
	v5 =	vld.idx.msk [tilespmem:v5+s12+$0x0], $0xffff  }
0x27a: {  	v1 =	vadd.f32 v2, v1;
	v2 =	vmul.f32 v10, v7;
	v7 =	vor.u32 s26, v0;
	v0 =	vld [tilespmem:$0x1FB60];
	_ =	sdelay $0x4  }
0x27b: {  	v1 =	vadd.f32 v2, v1;
	v2 =	vmul.f32 v5, v6;
	v8 =	vand.u32 v0, v7;
	_ =	sdelay $0x1  }
0x27c: {  	v1 =	vadd.f32 v2, v1  }
0x27d: {  	s25 =	sadd.s32 $0x10, s25  }
0x27e: {  	v0 =	vld [tilespmem:$0x1FB70];
	[tilespmem:s25+$0x0] =	vst v1  }
0x27f: {  	v1 =	vld.idx.msk [tilespmem:v8+s18+$0x0], $0xffff;
	_ =	sdelay $0x3  }
0x280: {  	v5 =	vshll.u32 v7, $0x7;
	v2 =	vand.u32 $0xF8, v7  }
0x281: {  	v0 =	vor.u32 v0, v2;
	v2 =	vadd.s32 $0x1E, v1;
	v6 =	vadd.s32 $0x1F, v1  }
0x282: {  	v9 =	vadd.s32 $0x1B, v1;
	v10 =	vadd.s32 $0x1C, v1;
	v11 =	vadd.s32 $0x1D, v1  }
0x283: {  	v12 =	vadd.s32 $0x17, v1;
	v16 =	vadd.s32 $0x19, v1;
	v17 =	vadd.s32 $0x1A, v1  }
0x284: {  	v20 =	vadd.s32 $0x14, v1;
	v19 =	vadd.s32 $0x15, v1;
	v21 =	vadd.s32 $0x16, v1  }
0x285: {  	v22 =	vadd.s32 $0x11, v1;
	v24 =	vadd.s32 $0x12, v1;
	v25 =	vadd.s32 $0x13, v1  }
0x286: {  	v27 =	vadd.s32 $0xD, v1;
	v28 =	vadd.s32 $0xE, v1;
	v30 =	vadd.s32 $0xF, v1  }
0x287: {  	v31 =	vadd.s32 $0xA, v1;
	v32 =	vadd.s32 $0xB, v1;
	v33 =	vadd.s32 $0xC, v1  }
0x288: {  	v35 =	vadd.s32 $0x6, v1;
	v36 =	vadd.s32 $0x7, v1;
	v38 =	vadd.s32 $0x9, v1  }
0x289: {  	v42 =	vadd.s32 $0x3, v1;
	v39 =	vadd.s32 $0x4, v1;
	v43 =	vadd.s32 $0x5, v1  }
0x28a: {  	[tilespmem:$0x1FB30] =	vst v0;
	v0 =	vand.u32 $0x7, v1;
	v45 =	vadd.s32 $0x1, v1;
	v46 =	vadd.s32 $0x2, v1  }
0x28b: {  	v1 =	vand.u32 $0xFFFFFFF8, v1;
	[tilespmem:$0x1FB40] =	vst v0;
	v47 =	vand.u32 $0xFFFFFFF8, v6;
	v0 =	vand.u32 $0x7, v6  }
0x28c: {  	v48 =	vand.u32 $0xFFFFFFF8, v2;
	v52 =	vand.u32 $0x7, v10;
	v49 =	vand.u32 $0xFFFFFFF8, v11  }
0x28d: {  	v50 =	vand.u32 $0xFFFFFFF8, v9;
	v15 =	vand.u32 $0x7, v9;
	v51 =	vand.u32 $0xFFFFFFF8, v16  }
0x28e: {  	v18 =	vand.u32 $0x7, v16;
	v53 =	vand.u32 $0xFFFFFFF8, v17;
	v54 =	vand.u32 $0xFFFFFFF8, v12  }
0x28f: {  	v16 =	vand.u32 $0x7, v12;
	v55 =	vand.u32 $0xFFFFFFF8, v19;
	v19 =	vand.u32 $0x7, v19  }
0x290: {  	v56 =	vand.u32 $0xFFFFFFF8, v21;
	v23 =	vand.u32 $0x7, v25;
	v57 =	vand.u32 $0xFFFFFFF8, v20  }
0x291: {  	v20 =	vand.u32 $0x7, v20;
	v58 =	vand.u32 $0xFFFFFFF8, v24;
	v24 =	vand.u32 $0x7, v24  }
0x292: {  	v59 =	vand.u32 $0xFFFFFFF8, v25;
	v26 =	vand.u32 $0x7, v30;
	v60 =	vand.u32 $0xFFFFFFF8, v22  }
0x293: {  	v25 =	vand.u32 $0x7, v22;
	v61 =	vand.u32 $0xFFFFFFF8, v28;
	v29 =	vand.u32 $0x7, v28  }
0x294: {  	v62 =	vand.u32 $0xFFFFFFF8, v30;
	v28 =	vand.u32 $0x7, v33;
	v30 =	vand.u32 $0x7, v27  }
0x295: {  	v3 =	vand.u32 $0xFFFFFFF8, v32;
	v34 =	vand.u32 $0x7, v32;
	v4 =	vand.u32 $0xFFFFFFF8, v33  }
0x296: {  	v33 =	vand.u32 $0x7, v38;
	v6 =	vand.u32 $0xFFFFFFF8, v31;
	v37 =	vand.u32 $0x7, v31  }
0x297: {  	v7 =	vand.u32 $0xFFFFFFF8, v36;
	v36 =	vand.u32 $0x7, v36;
	v9 =	vand.u32 $0xFFFFFFF8, v38  }
0x298: {  	v40 =	vand.u32 $0x7, v43;
	v41 =	vand.u32 $0x7, v35;
	v13 =	vand.u32 $0xFFFFFFF8, v43  }
0x299: {  	v43 =	vand.u32 $0x7, v46;
	v8 =	vand.u32 $0xFFFFFFF8, v42;
	v44 =	vand.u32 $0x7, v42  }
0x29a: {  	v14 =	vand.u32 $0xFFFFFFF8, v45;
	v45 =	vand.u32 $0x7, v45;
	v1 =	vadd.s32 v5, v1  }
0x29b: {  	[tilespmem:$0x1FB80] =	vst v0;
	v0 =	vand.u32 $0x7, v11;
	v11 =	vand.u32 $0x7, v17;
	v17 =	vand.u32 $0xFFFFFFF8, v46  }
0x29c: {  	v12 =	vadd.s32 v5, v48;
	v42 =	vadd.s32 v5, v54;
	v63 =	vadd.s32 v5, v53  }
0x29d: {  	v53 =	vadd.s32 v5, v57;
	v54 =	vadd.s32 v5, v55;
	v55 =	vadd.s32 v5, v56  }
0x29e: {  	v32 =	vadd.s32 v5, v60;
	v38 =	vadd.s32 v5, v58;
	v31 =	vadd.s32 v5, v59  }
0x29f: {  	v56 =	vadd.s32 v5, v61;
	v57 =	vadd.s32 v5, v62;
	[tilespmem:$0x1FB20] =	vst v0;
	v0 =	vand.u32 $0x7, v2  }
0x2a0: {  	v58 =	vadd.s32 v5, v3;
	v59 =	vadd.s32 v5, v4;
	[tilespmem:$0x1FB90] =	vst v0;
	v0 =	vand.u32 $0x7, v21  }
0x2a1: {  	v60 =	vadd.s32 v5, v9;
	v62 =	vadd.s32 v5, v13;
	[tilespmem:$0x1FB50] =	vst v0;
	v0 =	vand.u32 $0xFFFFFFF8, v27  }
0x2a2: {  	p0 =	sne.s32 s26, $0xF0;
	v2 =	vand.u32 $0xFFFFFFF8, v10;
	v10 =	vand.u32 $0xFFFFFFF8, v35;
	v46 =	vadd.s32 v5, v0;
	v0 =	vld [tilespmem:$0x1FB40]  }
.Ltmp0:
0x2a3: {  	v35 =	vand.u32 $0xFFFFFFF8, v39;
	v39 =	vand.u32 $0x7, v39;
	[tilespmem:$0x1FBA0] =	vst v12;
	v12 =	vadd.s32 v5, v47;
	(pc) =	sbr.rel @p0 .LBB2_2-.Ltmp0, $4  }
0x2a4: {  	v47 =	vadd.s32 v5, v6;
	v61 =	vadd.s32 v5, v17;
	v21 =	vadd.s32 v5, v50  }
0x2a5: {  	v13 =	vld [tilespmem:$0x1FB30];
	[tilespmem:$0x1FBB0] =	vst v12;
	v22 =	vadd.s32 v5, v2;
	v12 =	vadd.s32 v5, v49;
	v48 =	vadd.s32 v5, v10  }
0x2a6: {  	v3 =	vld [tilespmem:$0x1FB20];
	v4 =	vmovc v52;
	v49 =	vadd.s32 v5, v7;
	v50 =	vadd.s32 v5, v8;
	v52 =	vadd.s32 v5, v14  }
0x2a7: {  	s26 =	sadd.s32 $0x10, s26;
	v27 =	vadd.s32 v5, v51;
	v51 =	vadd.s32 v5, v35;
	v17 =	vld [tilespmem:$0x1FB50];
	v35 =	vor.u32 v0, v1  }
0x2a8: {  	_ =	sdelay $0x1  }
0x2a9: {  	v8 =	vor.u32 v15, v21;
	v4 =	vor.u32 v4, v22;
	v16 =	vor.u32 v16, v42  }
0x2aa: {  	v15 =	vadd.s32 $0x18, v35;
	v14 =	vor.u32 v18, v27;
	v21 =	vor.u32 v20, v53  }
0x2ab: {  	v20 =	vor.u32 v19, v54;
	v27 =	vor.u32 v25, v32;
	v24 =	vor.u32 v24, v38  }
0x2ac: {  	v22 =	vor.u32 v23, v31;
	v32 =	vor.u32 v29, v56;
	v31 =	vor.u32 v26, v57  }
0x2ad: {  	v29 =	vadd.s32 $0x10, v35;
	v3 =	vor.u32 v3, v12;
	v12 =	vor.u32 v11, v63;
	v11 =	vld.idx.msk [tilespmem:v13+s18+$0x0], $0xffff  }
0x2ae: {  	v0 =	vor.u32 v34, v58;
	v38 =	vor.u32 v28, v59;
	v34 =	vor.u32 v30, v46  }
0x2af: {  	v1 =	vadd.s32 $0x8, v35;
	v2 =	vor.u32 v33, v60;
	v6 =	vor.u32 v37, v47  }
0x2b0: {  	v7 =	vor.u32 v40, v62;
	v9 =	vor.u32 v41, v48;
	v10 =	vor.u32 v36, v49  }
0x2b1: {  	v62 =	vor.u32 v43, v61;
	v36 =	vor.u32 v44, v50;
	v37 =	vor.u32 v39, v51  }
0x2b2: {  	v63 =	vor.u32 v45, v52;
	v18 =	vor.u32 v17, v55;
	v25 =	vadd.s32 $0x17, v11  }
0x2b3: {  	v23 =	vand.u32 $0xFFFFFFF8, v11;
	v28 =	vadd.s32 $0x15, v11;
	v26 =	vadd.s32 $0x16, v11  }
0x2b4: {  	v30 =	vand.u32 $0x7, v11;
	v51 =	vadd.s32 $0x1, v11;
	v53 =	vadd.s32 $0x2, v11  }
0x2b5: {  	v43 =	vadd.s32 $0xF, v11;
	v55 =	vadd.s32 $0x3, v11;
	v23 =	vadd.s32 v5, v23  }
0x2b6: {  	v45 =	vadd.s32 $0xE, v11;
	v52 =	vand.u32 $0xFFFFFFF8, v51;
	v23 =	vor.u32 v30, v23  }
0x2b7: {  	v57 =	vadd.s32 $0x4, v11;
	v40 =	vand.u32 $0x7, v51;
	v41 =	vadd.s32 v5, v52  }
0x2b8: {  	v48 =	vadd.s32 $0xD, v11;
	v54 =	vand.u32 $0xFFFFFFF8, v53;
	v40 =	vor.u32 v40, v41  }
0x2b9: {  	v35 =	vld.idx.msk [tilespmem:v35+s10+$0x0], $0xffff;
	v60 =	vadd.s32 $0x5, v11;
	v42 =	vand.u32 $0x7, v53;
	v41 =	vadd.s32 v5, v54  }
0x2ba: {  	v33 =	vld.idx.msk [tilespmem:v62+s10+$0x0], $0xffff;
	v50 =	vadd.s32 $0xC, v11;
	v56 =	vand.u32 $0xFFFFFFF8, v55;
	v41 =	vor.u32 v42, v41  }
0x2bb: {  	v62 =	vadd.s32 $0x6, v11;
	v44 =	vand.u32 $0x7, v55;
	v42 =	vadd.s32 v5, v56;
	v58 =	vld.idx.msk [tilespmem:v23+s12+$0x0], $0xffff  }
0x2bc: {  	v39 =	vld.idx.msk [tilespmem:v63+s10+$0x0], $0xffff;
	v59 =	vand.u32 $0xFFFFFFF8, v57;
	v46 =	vand.u32 $0x7, v57;
	v42 =	vor.u32 v44, v42  }
0x2bd: {  	v61 =	vand.u32 $0xFFFFFFF8, v60;
	v49 =	vand.u32 $0x7, v60;
	v44 =	vadd.s32 v5, v59;
	v40 =	vld.idx.msk [tilespmem:v40+s12+$0x0], $0xffff  }
0x2be: {  	v36 =	vld.idx.msk [tilespmem:v36+s10+$0x0], $0xffff;
	v63 =	vand.u32 $0xFFFFFFF8, v62;
	v57 =	vand.u32 $0x7, v62;
	v44 =	vor.u32 v46, v44  }
0x2bf: {  	v51 =	vadd.s32 $0xB, v11;
	v62 =	vadd.s32 $0x9, v11;
	v46 =	vadd.s32 v5, v61;
	v41 =	vld.idx.msk [tilespmem:v41+s12+$0x0], $0xffff  }
0x2c0: {  	v37 =	vld.idx.msk [tilespmem:v37+s10+$0x0], $0xffff;
	v46 =	vor.u32 v49, v46;
	v49 =	vadd.s32 v5, v63;
	v35 =	vmul.f32 v58, v35  }
0x2c1: {  	v53 =	vand.u32 $0xFFFFFFF8, v50;
	v56 =	vadd.s32 $0x7, v11;
	v47 =	vor.u32 v57, v49;
	v42 =	vld.idx.msk [tilespmem:v42+s12+$0x0], $0xffff  }
0x2c2: {  	v7 =	vld.idx.msk [tilespmem:v7+s10+$0x0], $0xffff;
	v58 =	vand.u32 $0xFFFFFFF8, v56;
	v39 =	vmul.f32 v40, v39;
	v35 =	vadd.f32 $0.0e+00, v35  }
0x2c3: {  	v59 =	vand.u32 $0x7, v56;
	v63 =	vand.u32 $0xFFFFFFF8, v62;
	v44 =	vld.idx.msk [tilespmem:v44+s12+$0x0], $0xffff;
	v60 =	vadd.s32 v5, v58  }
0x2c4: {  	v9 =	vld.idx.msk [tilespmem:v9+s10+$0x0], $0xffff;
	v40 =	vor.u32 v59, v60;
	v33 =	vmul.f32 v41, v33;
	v35 =	vadd.f32 v39, v35  }
0x2c5: {  	v61 =	vadd.s32 $0xA, v11;
	v56 =	vadd.s32 v5, v63;
	v41 =	vld.idx.msk [tilespmem:v46+s12+$0x0], $0xffff;
	v46 =	vadd.s32 $0x8, v23  }
0x2c6: {  	v10 =	vld.idx.msk [tilespmem:v10+s10+$0x0], $0xffff;
	v55 =	vmul.f32 v42, v36;
	v39 =	vand.u32 $0x7, v62;
	v33 =	vadd.f32 v33, v35  }
0x2c7: {  	v49 =	vand.u32 $0x7, v51;
	v63 =	vand.u32 $0xFFFFFFF8, v51;
	v57 =	vld.idx.msk [tilespmem:v47+s12+$0x0], $0xffff;
	v36 =	vor.u32 v39, v56  }
0x2c8: {  	v1 =	vld.idx.msk [tilespmem:v1+s10+$0x0], $0xffff;
	v58 =	vand.u32 $0xFFFFFFF8, v61;
	v60 =	vmul.f32 v44, v37;
	v33 =	vadd.f32 v55, v33  }
0x2c9: {  	v51 =	vadd.s32 v5, v63;
	v59 =	vand.u32 $0x7, v61;
	v61 =	vadd.s32 v5, v58;
	v62 =	vld.idx.msk [tilespmem:v40+s12+$0x0], $0xffff  }
0x2ca: {  	v2 =	vld.idx.msk [tilespmem:v2+s10+$0x0], $0xffff;
	v37 =	vor.u32 v59, v61;
	v7 =	vmul.f32 v41, v7;
	v33 =	vadd.f32 v60, v33  }
0x2cb: {  	v30 =	vadd.s32 $0x14, v11;
	v54 =	vand.u32 $0x7, v50;
	v35 =	vor.u32 v49, v51;
	v52 =	vld.idx.msk [tilespmem:v46+s12+$0x0], $0xffff  }
0x2cc: {  	v58 =	vand.u32 $0xFFFFFFF8, v45;
	v9 =	vmul.f32 v57, v9;
	v36 =	vld.idx.msk [tilespmem:v36+s12+$0x0], $0xffff;
	v7 =	vadd.f32 v7, v33  }
0x2cd: {  	v6 =	vld.idx.msk [tilespmem:v6+s10+$0x0], $0xffff;
	v59 =	vand.u32 $0x7, v45;
	v56 =	vand.u32 $0xFFFFFFF8, v48;
	v55 =	vadd.s32 v5, v53  }
0x2ce: {  	v0 =	vld.idx.msk [tilespmem:v0+s10+$0x0], $0xffff;
	v33 =	vor.u32 v54, v55;
	v7 =	vadd.f32 v9, v7;
	v9 =	vmul.f32 v62, v10  }
0x2cf: {  	v61 =	vand.u32 $0x7, v43;
	v57 =	vand.u32 $0x7, v48;
	v37 =	vld.idx.msk [tilespmem:v37+s12+$0x0], $0xffff;
	v10 =	vadd.s32 v5, v56  }
0x2d0: {  	v35 =	vld.idx.msk [tilespmem:v35+s12+$0x0], $0xffff;
	v1 =	vmul.f32 v52, v1;
	v10 =	vor.u32 v57, v10;
	v7 =	vadd.f32 v9, v7  }
0x2d1: {  	v60 =	vand.u32 $0xFFFFFFF8, v43;
	v2 =	vmul.f32 v36, v2;
	v9 =	vadd.s32 v5, v58  }
0x2d2: {  	v38 =	vld.idx.msk [tilespmem:v38+s10+$0x0], $0xffff;
	v9 =	vor.u32 v59, v9;
	v1 =	vadd.f32 v1, v7;
	v7 =	vadd.s32 v5, v60  }
0x2d3: {  	v63 =	vadd.s32 $0x13, v11;
	v44 =	vadd.s32 $0x10, v23;
	v33 =	vld.idx.msk [tilespmem:v33+s12+$0x0], $0xffff;
	v7 =	vor.u32 v61, v7  }
0x2d4: {  	v34 =	vld.idx.msk [tilespmem:v34+s10+$0x0], $0xffff;
	v1 =	vadd.f32 v2, v1;
	v2 =	vmul.f32 v37, v6;
	v6 =	vadd.s32 $0x11, v11  }
0x2d5: {  	v62 =	vadd.s32 $0x12, v11;
	v0 =	vmul.f32 v35, v0;
	v10 =	vld.idx.msk [tilespmem:v10+s12+$0x0], $0xffff;
	v45 =	vand.u32 $0xFFFFFFF8, v6  }
0x2d6: {  	v32 =	vld.idx.msk [tilespmem:v32+s10+$0x0], $0xffff;
	v6 =	vand.u32 $0x7, v6;
	v1 =	vadd.f32 v2, v1;
	v2 =	vadd.s32 v5, v45  }
0x2d7: {  	v46 =	vand.u32 $0x7, v62;
	v9 =	vld.idx.msk [tilespmem:v9+s12+$0x0], $0xffff;
	v2 =	vor.u32 v6, v2;
	v6 =	vand.u32 $0xFFFFFFF8, v62  }
0x2d8: {  	v31 =	vld.idx.msk [tilespmem:v31+s10+$0x0], $0xffff;
	v0 =	vadd.f32 v0, v1;
	v1 =	vmul.f32 v33, v38;
	v6 =	vadd.s32 v5, v6  }
0x2d9: {  	v47 =	vand.u32 $0xFFFFFFF8, v63;
	v48 =	vand.u32 $0x7, v63;
	v7 =	vld.idx.msk [tilespmem:v7+s12+$0x0], $0xffff;
	v6 =	vor.u32 v46, v6  }
0x2da: {  	v29 =	vld.idx.msk [tilespmem:v29+s10+$0x0], $0xffff;
	v0 =	vadd.f32 v1, v0;
	v1 =	vmul.f32 v10, v34;
	v10 =	vadd.s32 v5, v47  }
0x2db: {  	v50 =	vand.u32 $0xFFFFFFF8, v30;
	v30 =	vand.u32 $0x7, v30;
	v49 =	vld.idx.msk [tilespmem:v44+s12+$0x0], $0xffff;
	v10 =	vor.u32 v48, v10  }
0x2dc: {  	v27 =	vld.idx.msk [tilespmem:v27+s10+$0x0], $0xffff;
	v0 =	vadd.f32 v1, v0;
	v1 =	vmul.f32 v9, v32;
	v9 =	vadd.s32 v5, v50  }
0x2dd: {  	v2 =	vld.idx.msk [tilespmem:v2+s12+$0x0], $0xffff;
	v9 =	vor.u32 v30, v9;
	v30 =	vand.u32 $0xFFFFFFF8, v28;
	v28 =	vand.u32 $0x7, v28  }
0x2de: {  	v24 =	vld.idx.msk [tilespmem:v24+s10+$0x0], $0xffff;
	v0 =	vadd.f32 v1, v0;
	v1 =	vmul.f32 v7, v31;
	v7 =	vadd.s32 v5, v30  }
0x2df: {  	v6 =	vld.idx.msk [tilespmem:v6+s12+$0x0], $0xffff;
	v7 =	vor.u32 v28, v7;
	v28 =	vand.u32 $0xFFFFFFF8, v26;
	v26 =	vand.u32 $0x7, v26  }
0x2e0: {  	v22 =	vld.idx.msk [tilespmem:v22+s10+$0x0], $0xffff;
	v0 =	vadd.f32 v1, v0;
	v1 =	vmul.f32 v49, v29;
	v28 =	vadd.s32 v5, v28  }
0x2e1: {  	v10 =	vld.idx.msk [tilespmem:v10+s12+$0x0], $0xffff;
	v26 =	vor.u32 v26, v28;
	v28 =	vand.u32 $0xFFFFFFF8, v25;
	v25 =	vand.u32 $0x7, v25  }
0x2e2: {  	v21 =	vld.idx.msk [tilespmem:v21+s10+$0x0], $0xffff;
	v0 =	vadd.f32 v1, v0;
	v1 =	vmul.f32 v2, v27;
	v2 =	vadd.s32 v5, v28  }
0x2e3: {  	v9 =	vld.idx.msk [tilespmem:v9+s12+$0x0], $0xffff;
	v2 =	vor.u32 v25, v2  }
0x2e4: {  	v20 =	vld.idx.msk [tilespmem:v20+s10+$0x0], $0xffff;
	v0 =	vadd.f32 v1, v0;
	v1 =	vmul.f32 v6, v24;
	v6 =	vadd.s32 $0x19, v11  }
0x2e5: {  	v23 =	vadd.s32 $0x18, v23;
	v7 =	vld.idx.msk [tilespmem:v7+s12+$0x0], $0xffff;
	v24 =	vand.u32 $0xFFFFFFF8, v6;
	v6 =	vand.u32 $0x7, v6  }
0x2e6: {  	v18 =	vld.idx.msk [tilespmem:v18+s10+$0x0], $0xffff;
	v0 =	vadd.f32 v1, v0;
	v1 =	vmul.f32 v10, v22;
	v10 =	vadd.s32 v5, v24  }
0x2e7: {  	v25 =	vadd.s32 $0x1A, v11;
	v22 =	vld.idx.msk [tilespmem:v26+s12+$0x0], $0xffff;
	v6 =	vor.u32 v6, v10  }
0x2e8: {  	v16 =	vld.idx.msk [tilespmem:v16+s10+$0x0], $0xffff;
	v10 =	vand.u32 $0xFFFFFFF8, v25;
	v0 =	vadd.f32 v1, v0;
	v1 =	vmul.f32 v9, v21  }
0x2e9: {  	v27 =	vadd.s32 $0x1B, v11;
	v9 =	vadd.s32 v5, v10;
	v2 =	vld.idx.msk [tilespmem:v2+s12+$0x0], $0xffff  }
0x2ea: {  	v15 =	vld.idx.msk [tilespmem:v15+s10+$0x0], $0xffff;
	v10 =	vand.u32 $0xFFFFFFF8, v27;
	v0 =	vadd.f32 v1, v0;
	v1 =	vmul.f32 v7, v20  }
0x2eb: {  	v7 =	vadd.s32 v5, v10;
	v10 =	vld.idx.msk [tilespmem:v23+s12+$0x0], $0xffff  }
0x2ec: {  	v14 =	vld.idx.msk [tilespmem:v14+s10+$0x0], $0xffff;
	v0 =	vadd.f32 v1, v0;
	v1 =	vmul.f32 v22, v18  }
0x2ed: {  	v13 =	vadd.s32 $0x1E, v11;
	v19 =	vadd.s32 $0x1C, v11;
	v17 =	vadd.s32 $0x1D, v11;
	v6 =	vld.idx.msk [tilespmem:v6+s12+$0x0], $0xffff  }
0x2ee: {  	v24 =	vand.u32 $0x7, v25;
	v0 =	vadd.f32 v1, v0;
	v1 =	vmul.f32 v2, v16  }
0x2ef: {  	v12 =	vld.idx.msk [tilespmem:v12+s10+$0x0], $0xffff;
	v21 =	vand.u32 $0x7, v27;
	v9 =	vor.u32 v24, v9;
	v20 =	vand.u32 $0xFFFFFFF8, v19  }
0x2f0: {  	v16 =	vand.u32 $0xFFFFFFF8, v13;
	v0 =	vadd.f32 v1, v0;
	v1 =	vmul.f32 v10, v15;
	v15 =	vld [tilespmem:$0x1FB90]  }
0x2f1: {  	v19 =	vand.u32 $0x7, v19;
	v7 =	vor.u32 v21, v7;
	v10 =	vadd.s32 v5, v16;
	v16 =	vld [tilespmem:$0x1FBA0]  }
0x2f2: {  	v18 =	vadd.s32 v5, v20;
	v0 =	vadd.f32 v1, v0;
	v1 =	vmul.f32 v6, v14;
	v6 =	vld [tilespmem:$0x1FB80]  }
0x2f3: {  	v18 =	vor.u32 v19, v18;
	v19 =	vand.u32 $0xFFFFFFF8, v17;
	v14 =	vld [tilespmem:$0x1FBB0]  }
0x2f4: {  	v17 =	vand.u32 $0x7, v17;
	v2 =	vadd.s32 v5, v19;
	v9 =	vld.idx.msk [tilespmem:v9+s12+$0x0], $0xffff  }
0x2f5: {  	v8 =	vld.idx.msk [tilespmem:v8+s10+$0x0], $0xffff;
	v13 =	vand.u32 $0x7, v13;
	v2 =	vor.u32 v17, v2  }
0x2f6: {  	v11 =	vadd.s32 $0x1F, v11;
	v7 =	vld.idx.msk [tilespmem:v7+s12+$0x0], $0xffff;
	v10 =	vor.u32 v13, v10  }
0x2f7: {  	v4 =	vld.idx.msk [tilespmem:v4+s10+$0x0], $0xffff;
	v13 =	vand.u32 $0xFFFFFFF8, v11;
	v15 =	vor.u32 v15, v16  }
0x2f8: {  	v11 =	vand.u32 $0x7, v11;
	v5 =	vadd.s32 v5, v13;
	v6 =	vor.u32 v6, v14;
	v14 =	vld.idx.msk [tilespmem:v18+s12+$0x0], $0xffff  }
0x2f9: {  	v3 =	vld.idx.msk [tilespmem:v3+s10+$0x0], $0xffff;
	v5 =	vor.u32 v11, v5;
	v0 =	vadd.f32 v1, v0;
	v1 =	vmul.f32 v9, v12  }
0x2fa: {  	v2 =	vld.idx.msk [tilespmem:v2+s12+$0x0], $0xffff  }
0x2fb: {  	v0 =	vadd.f32 v1, v0;
	v1 =	vmul.f32 v7, v8;
	v7 =	vld.idx.msk [tilespmem:v10+s12+$0x0], $0xffff  }
0x2fc: {  	v9 =	vld.idx.msk [tilespmem:v15+s10+$0x0], $0xffff  }
0x2fd: {  	v0 =	vadd.f32 v1, v0;
	v6 =	vld.idx.msk [tilespmem:v6+s10+$0x0], $0xffff;
	v1 =	vmul.f32 v14, v4  }
0x2fe: {  	v4 =	vld.idx.msk [tilespmem:v5+s12+$0x0], $0xffff  }
0x2ff: {  	v0 =	vadd.f32 v1, v0;
	v1 =	vmul.f32 v2, v3;
	_ =	sdelay $0x1  }
0x300: {  	v0 =	vadd.f32 v1, v0;
	v1 =	vmul.f32 v7, v9;
	_ =	sdelay $0x1  }
0x301: {  	v0 =	vadd.f32 v1, v0;
	v1 =	vmul.f32 v4, v6;
	_ =	sdelay $0x1  }
0x302: {  	v0 =	vadd.f32 v1, v0  }
0x303: {  	s25 =	sadd.s32 $0x10, s25  }
0x304: {  	[tilespmem:s25+$0x0] =	vst v0  }
0x305: {  	[tilespmem:s10], [sflag:$0x1] =	stream.indirect.gather [hbm4b:s3+s8], $0x80, s19, s8, $0xb8;
	[tilespmem:$0x11000] =	vst v63  }
0x306: {  	_ = 	snop  }
0x307: {  	[tilespmem:s12], [sflag:$0x1] =	stream.indirect.gather [hbm4b:s3+s8], $0x80, s20, s8, $0xb8;
	[tilespmem:$0x11000] =	vst v63  }
0x308: {  	_ = 	snop  }
0x309: {  	[tilespmem:s14], [sflag:$0x1] =	stream.indirect.gather [hbm4b:s3+s8], $0x80, s21, s8, $0xb8;
	[tilespmem:$0x11000] =	vst v63  }
0x30a: {  	_ = 	snop  }
0x30b: {  	[tilespmem:s16], [sflag:$0x1] =	stream.indirect.gather [hbm4b:s3+s8], $0x80, s22, s8, $0xb8;
	[tilespmem:$0x11000] =	vst v63  }
0x30c: {  	_ =	swait.ge [sflag:s17], $0x4000  }
0x30d: {  	[sflag:s17] =	ssyncset.done $0x0  }
0x30e: {  	[sflag:s17] =	ssyncadd.s32 $0xFFFFC000  }
0x30f: {  	_ =	swait.ge [sflag:s17], $0x4000  }
0x310: {  	[sflag:s17] =	ssyncset.done $0x0  }
0x311: {  	[sflag:s17] =	ssyncadd.s32 $0xFFFFC000  }
0x312: {  	s30 =	simm.s32 $0x100;
	v2 =	vlaneseq.u32;
	_ =	swait.ge [sflag:s17], $0x4000  }
0x313: {  	v0 =	vor.u32 s30, v2;
	[sflag:s17] =	ssyncset.done $0x0  }
0x314: {  	[sflag:s17] =	ssyncadd.s32 $0xFFFFC000  }
0x315: {  	_ =	swait.ge [sflag:s17], $0x4000  }
0x316: {  	[sflag:s17] =	ssyncset.done $0x0  }
0x317: {  	[sflag:s17] =	ssyncadd.s32 $0xFFFFC000  }
0x318: {  	v0 =	vld.idx.msk [tilespmem:v0+s18+$0x0], $0xffff;
	_ =	sdelay $0x1  }
0x319: {  	s26 =	simm.s32 $0x0  }
0x31a: {  	v3 =	vmul.u32 $0x80, v2;
	v4 =	vor.u32 $0x200, v2;
	v1 =	vmov s26  }
0x31b: {  	v13 =	vor.u32 s30, v4;
	v1 =	vshll.u32 v1, $0x7  }
0x31c: {  	v5 =	vor.u32 v3, v1;
	v1 =	vadd.s32 $0x1E, v0;
	v2 =	vadd.s32 $0x1F, v0  }
0x31d: {  	v8 =	vadd.s32 $0x1B, v0;
	v9 =	vadd.s32 $0x1C, v0;
	v10 =	vadd.s32 $0x1D, v0  }
0x31e: {  	v11 =	vadd.s32 $0x17, v0;
	v12 =	vadd.s32 $0x19, v0;
	v14 =	vadd.s32 $0x1A, v0  }
0x31f: {  	v15 =	vadd.s32 $0x14, v0;
	v16 =	vadd.s32 $0x15, v0;
	v17 =	vadd.s32 $0x16, v0  }
0x320: {  	v18 =	vadd.s32 $0x11, v0;
	v19 =	vadd.s32 $0x12, v0;
	v20 =	vadd.s32 $0x13, v0  }
0x321: {  	v21 =	vadd.s32 $0xD, v0;
	v22 =	vadd.s32 $0xE, v0;
	v23 =	vadd.s32 $0xF, v0  }
0x322: {  	v24 =	vadd.s32 $0xA, v0;
	v25 =	vadd.s32 $0xB, v0;
	v26 =	vadd.s32 $0xC, v0  }
0x323: {  	v27 =	vadd.s32 $0x6, v0;
	v28 =	vadd.s32 $0x7, v0;
	v29 =	vadd.s32 $0x9, v0  }
0x324: {  	v30 =	vadd.s32 $0x3, v0;
	v31 =	vadd.s32 $0x4, v0;
	v32 =	vadd.s32 $0x5, v0  }
0x325: {  	v33 =	vand.u32 $0x7, v0;
	v34 =	vadd.s32 $0x1, v0;
	v35 =	vadd.s32 $0x2, v0  }
0x326: {  	v0 =	vand.u32 $0xFFFFFFF8, v0;
	v36 =	vand.u32 $0xFFFFFFF8, v2;
	v2 =	vand.u32 $0x7, v2  }
0x327: {  	v37 =	vand.u32 $0xFFFFFFF8, v1;
	v7 =	vand.u32 $0x7, v1;
	v1 =	vand.u32 $0xFFFFFFF8, v9  }
0x328: {  	v38 =	vand.u32 $0x7, v9;
	v39 =	vand.u32 $0x7, v14;
	v40 =	vand.u32 $0xFFFFFFF8, v8  }
0x329: {  	v41 =	vand.u32 $0x7, v8;
	v42 =	vand.u32 $0xFFFFFFF8, v12;
	v43 =	vand.u32 $0x7, v12  }
0x32a: {  	v12 =	vand.u32 $0xFFFFFFF8, v14;
	v44 =	vand.u32 $0x7, v17;
	v14 =	vand.u32 $0xFFFFFFF8, v11  }
0x32b: {  	v45 =	vand.u32 $0x7, v11;
	v11 =	vand.u32 $0xFFFFFFF8, v16;
	v46 =	vand.u32 $0x7, v16  }
0x32c: {  	v16 =	vand.u32 $0xFFFFFFF8, v17;
	v17 =	vand.u32 $0x7, v20;
	v47 =	vand.u32 $0xFFFFFFF8, v15  }
0x32d: {  	v48 =	vand.u32 $0x7, v15;
	v15 =	vand.u32 $0xFFFFFFF8, v19;
	v19 =	vand.u32 $0x7, v19  }
0x32e: {  	v20 =	vand.u32 $0xFFFFFFF8, v20;
	v49 =	vand.u32 $0x7, v23;
	v50 =	vand.u32 $0xFFFFFFF8, v18  }
0x32f: {  	v51 =	vand.u32 $0x7, v18;
	v18 =	vand.u32 $0xFFFFFFF8, v22;
	v52 =	vand.u32 $0x7, v22  }
0x330: {  	v22 =	vand.u32 $0xFFFFFFF8, v23;
	v53 =	vand.u32 $0x7, v26;
	v23 =	vand.u32 $0xFFFFFFF8, v21  }
0x331: {  	v21 =	vand.u32 $0x7, v21;
	v54 =	vand.u32 $0xFFFFFFF8, v25;
	v55 =	vand.u32 $0x7, v25  }
0x332: {  	v25 =	vand.u32 $0xFFFFFFF8, v26;
	v26 =	vand.u32 $0x7, v29;
	v56 =	vand.u32 $0xFFFFFFF8, v24  }
0x333: {  	v57 =	vand.u32 $0x7, v24;
	v24 =	vand.u32 $0xFFFFFFF8, v28;
	v58 =	vand.u32 $0x7, v28  }
0x334: {  	v28 =	vand.u32 $0xFFFFFFF8, v29;
	v29 =	vand.u32 $0x7, v32;
	v59 =	vand.u32 $0xFFFFFFF8, v27  }
0x335: {  	v27 =	vand.u32 $0x7, v27;
	v60 =	vand.u32 $0xFFFFFFF8, v31;
	v31 =	vand.u32 $0x7, v31  }
0x336: {  	v32 =	vand.u32 $0xFFFFFFF8, v32;
	v61 =	vand.u32 $0x7, v35;
	v62 =	vand.u32 $0xFFFFFFF8, v30  }
0x337: {  	v63 =	vand.u32 $0x7, v30;
	v30 =	vand.u32 $0xFFFFFFF8, v34;
	v34 =	vand.u32 $0x7, v34  }
0x338: {  	v35 =	vand.u32 $0xFFFFFFF8, v35;
	v0 =	vadd.s32 v5, v0;
	[tilespmem:$0x1FA60] =	vst v2;
	v2 =	vand.u32 $0x7, v10  }
0x339: {  	v10 =	vand.u32 $0xFFFFFFF8, v10;
	v9 =	vadd.s32 v5, v37;
	v8 =	vadd.s32 v5, v36  }
0x33a: {  	v36 =	vadd.s32 v5, v40;
	v1 =	vadd.s32 v5, v1;
	v37 =	vadd.s32 v5, v14  }
0x33b: {  	v40 =	vadd.s32 v5, v42;
	v12 =	vadd.s32 v5, v12;
	v42 =	vadd.s32 v5, v47  }
0x33c: {  	v47 =	vadd.s32 v5, v11;
	v11 =	vadd.s32 v5, v16;
	v50 =	vadd.s32 v5, v50  }
0x33d: {  	v14 =	vadd.s32 v5, v15;
	v15 =	vadd.s32 v5, v20;
	v16 =	vadd.s32 v5, v23  }
0x33e: {  	v18 =	vadd.s32 v5, v18;
	v20 =	vadd.s32 v5, v22;
	v56 =	vadd.s32 v5, v56  }
0x33f: {  	v54 =	vadd.s32 v5, v54;
	v22 =	vadd.s32 v5, v25;
	v59 =	vadd.s32 v5, v59  }
0x340: {  	v23 =	vadd.s32 v5, v24;
	v24 =	vadd.s32 v5, v28;
	v62 =	vadd.s32 v5, v62  }
0x341: {  	v60 =	vadd.s32 v5, v60;
	v25 =	vadd.s32 v5, v32;
	v0 =	vor.u32 v33, v0  }
0x342: {  	v28 =	vadd.s32 v5, v30;
	v30 =	vadd.s32 v5, v35;
	v10 =	vadd.s32 v5, v10  }
0x343: {  	v6 =	vor.u32 v38, v1;
	v38 =	vor.u32 v45, v37;
	v37 =	vadd.s32 $0x18, v0  }
0x344: {  	v13 =	vld.idx.msk [tilespmem:v13+s18+$0x0], $0xffff;
	v1 =	vor.u32 v43, v40;
	v40 =	vor.u32 v48, v42;
	v11 =	vor.u32 v44, v11  }
0x345: {  	v42 =	vor.u32 v51, v50;
	v33 =	vor.u32 v52, v18;
	v32 =	vor.u32 v49, v20  }
0x346: {  	v18 =	vor.u32 v55, v54;
	v35 =	vor.u32 v21, v16;
	v16 =	vadd.s32 $0x8, v0  }
0x347: {  	v20 =	vor.u32 v26, v24;
	v24 =	vor.u32 v29, v25;
	v25 =	vor.u32 v27, v59  }
0x348: {  	v23 =	vor.u32 v58, v23;
	v30 =	vor.u32 v61, v30;
	v43 =	vor.u32 v63, v62  }
0x349: {  	v44 =	vor.u32 v31, v60;
	v28 =	vor.u32 v34, v28;
	v27 =	vadd.s32 $0x17, v13  }
0x34a: {  	v26 =	vand.u32 $0xFFFFFFF8, v13;
	v31 =	vadd.s32 $0x15, v13;
	v29 =	vadd.s32 $0x16, v13  }
0x34b: {  	v51 =	vand.u32 $0x7, v13;
	v52 =	vadd.s32 $0x1, v13;
	v34 =	vadd.s32 $0x14, v13  }
0x34c: {  	v54 =	vadd.s32 $0x2, v13;
	v48 =	vadd.s32 $0xF, v13;
	v50 =	vadd.s32 $0xE, v13  }
0x34d: {  	v58 =	vadd.s32 $0x4, v13;
	v60 =	vadd.s32 $0x5, v13;
	v10 =	vor.u32 v2, v10  }
0x34e: {  	v2 =	vor.u32 v39, v12;
	v12 =	vor.u32 v41, v36;
	v39 =	vor.u32 v46, v47  }
0x34f: {  	v41 =	vor.u32 v19, v14;
	v14 =	vor.u32 v17, v15;
	v26 =	vadd.s32 v5, v26  }
0x350: {  	v36 =	vor.u32 v53, v22;
	v53 =	vand.u32 $0xFFFFFFF8, v52;
	v26 =	vor.u32 v51, v26  }
0x351: {  	v15 =	vadd.s32 $0x10, v0;
	v45 =	vand.u32 $0x7, v52;
	v46 =	vadd.s32 v5, v53  }
0x352: {  	v22 =	vor.u32 v57, v56;
	v55 =	vand.u32 $0xFFFFFFF8, v54;
	v45 =	vor.u32 v45, v46  }
0x353: {  	v47 =	vand.u32 $0x7, v54;
	v56 =	vadd.s32 $0x3, v13;
	v46 =	vadd.s32 v5, v55;
	v0 =	vld.idx.msk [tilespmem:v0+s10+$0x0], $0xffff  }
0x354: {  	v62 =	vadd.s32 $0x6, v13;
	v57 =	vand.u32 $0xFFFFFFF8, v56;
	v46 =	vor.u32 v47, v46;
	v28 =	vld.idx.msk [tilespmem:v28+s10+$0x0], $0xffff  }
0x355: {  	v59 =	vand.u32 $0xFFFFFFF8, v58;
	v49 =	vand.u32 $0x7, v56;
	v47 =	vadd.s32 v5, v57;
	v52 =	vld.idx.msk [tilespmem:v26+s12+$0x0], $0xffff  }
0x356: {  	v61 =	vand.u32 $0xFFFFFFF8, v60;
	v54 =	vand.u32 $0x7, v60;
	v47 =	vor.u32 v49, v47;
	v30 =	vld.idx.msk [tilespmem:v30+s10+$0x0], $0xffff  }
0x357: {  	v63 =	vand.u32 $0xFFFFFFF8, v62;
	v51 =	vand.u32 $0x7, v58;
	v49 =	vadd.s32 v5, v59;
	v45 =	vld.idx.msk [tilespmem:v45+s12+$0x0], $0xffff  }
0x358: {  	v60 =	vadd.s32 $0x7, v13;
	v53 =	vadd.s32 $0xD, v13;
	v43 =	vld.idx.msk [tilespmem:v43+s10+$0x0], $0xffff;
	v49 =	vor.u32 v51, v49  }
0x359: {  	v55 =	vadd.s32 $0xC, v13;
	v51 =	vadd.s32 v5, v61;
	v61 =	vand.u32 $0x7, v62;
	v46 =	vld.idx.msk [tilespmem:v46+s12+$0x0], $0xffff  }
0x35a: {  	v44 =	vld.idx.msk [tilespmem:v44+s10+$0x0], $0xffff;
	v62 =	vand.u32 $0xFFFFFFF8, v60;
	v51 =	vor.u32 v54, v51;
	v0 =	vmul.f32 v52, v0  }
0x35b: {  	v54 =	vadd.s32 v5, v63;
	v63 =	vand.u32 $0x7, v60;
	v59 =	vadd.s32 v5, v62;
	v47 =	vld.idx.msk [tilespmem:v47+s12+$0x0], $0xffff  }
0x35c: {  	v24 =	vld.idx.msk [tilespmem:v24+s10+$0x0], $0xffff;
	v52 =	vor.u32 v61, v54;
	v28 =	vmul.f32 v45, v28;
	v0 =	vadd.f32 $0.0e+00, v0  }
0x35d: {  	v60 =	vadd.s32 $0xB, v13;
	v49 =	vld.idx.msk [tilespmem:v49+s12+$0x0], $0xffff;
	v54 =	vadd.s32 $0xA, v13;
	v45 =	vor.u32 v63, v59  }
0x35e: {  	v25 =	vld.idx.msk [tilespmem:v25+s10+$0x0], $0xffff;
	v63 =	vand.u32 $0xFFFFFFF8, v54;
	v0 =	vadd.f32 v28, v0;
	v28 =	vmul.f32 v46, v30  }
0x35f: {  	v57 =	vand.u32 $0x7, v54;
	v30 =	vadd.s32 $0x9, v13;
	v46 =	vld.idx.msk [tilespmem:v51+s12+$0x0], $0xffff;
	v51 =	vadd.s32 $0x8, v26  }
0x360: {  	v23 =	vld.idx.msk [tilespmem:v23+s10+$0x0], $0xffff;
	v61 =	vand.u32 $0xFFFFFFF8, v30;
	v0 =	vadd.f32 v28, v0;
	v28 =	vmul.f32 v47, v43  }
0x361: {  	v59 =	vand.u32 $0xFFFFFFF8, v60;
	v30 =	vand.u32 $0x7, v30;
	v62 =	vadd.s32 v5, v61;
	v47 =	vld.idx.msk [tilespmem:v52+s12+$0x0], $0xffff  }
0x362: {  	v16 =	vld.idx.msk [tilespmem:v16+s10+$0x0], $0xffff;
	v30 =	vor.u32 v30, v62;
	v0 =	vadd.f32 v28, v0;
	v28 =	vmul.f32 v49, v44  }
0x363: {  	v60 =	vand.u32 $0x7, v60;
	v54 =	vand.u32 $0xFFFFFFF8, v50;
	v43 =	vadd.s32 v5, v63;
	v58 =	vld.idx.msk [tilespmem:v45+s12+$0x0], $0xffff  }
0x364: {  	v43 =	vor.u32 v57, v43;
	v24 =	vmul.f32 v46, v24;
	v61 =	vld.idx.msk [tilespmem:v51+s12+$0x0], $0xffff;
	v0 =	vadd.f32 v28, v0  }
0x365: {  	v63 =	vand.u32 $0x7, v55;
	v62 =	vand.u32 $0xFFFFFFF8, v55;
	v28 =	vadd.s32 v5, v59  }
0x366: {  	v20 =	vld.idx.msk [tilespmem:v20+s10+$0x0], $0xffff;
	v28 =	vor.u32 v60, v28;
	v0 =	vadd.f32 v24, v0;
	v24 =	vmul.f32 v47, v25  }
0x367: {  	v52 =	vand.u32 $0xFFFFFFF8, v53;
	v53 =	vand.u32 $0x7, v53;
	v25 =	vadd.s32 v5, v62;
	v30 =	vld.idx.msk [tilespmem:v30+s12+$0x0], $0xffff  }
0x368: {  	v22 =	vld.idx.msk [tilespmem:v22+s10+$0x0], $0xffff;
	v23 =	vmul.f32 v58, v23;
	v25 =	vor.u32 v63, v25;
	v0 =	vadd.f32 v24, v0  }
0x369: {  	v55 =	vand.u32 $0x7, v50;
	v43 =	vld.idx.msk [tilespmem:v43+s12+$0x0], $0xffff;
	v24 =	vadd.s32 v5, v52;
	v16 =	vmul.f32 v61, v16  }
0x36a: {  	v18 =	vld.idx.msk [tilespmem:v18+s10+$0x0], $0xffff;
	v24 =	vor.u32 v53, v24;
	v0 =	vadd.f32 v23, v0;
	v23 =	vadd.s32 v5, v54  }
0x36b: {  	v56 =	vand.u32 $0xFFFFFFF8, v48;
	v57 =	vand.u32 $0x7, v48;
	v28 =	vld.idx.msk [tilespmem:v28+s12+$0x0], $0xffff;
	v23 =	vor.u32 v55, v23  }
0x36c: {  	v36 =	vld.idx.msk [tilespmem:v36+s10+$0x0], $0xffff;
	v0 =	vadd.f32 v16, v0;
	v16 =	vmul.f32 v30, v20;
	v20 =	vadd.s32 v5, v56  }
0x36d: {  	v59 =	vadd.s32 $0x10, v26;
	v58 =	vadd.s32 $0x13, v13;
	v25 =	vld.idx.msk [tilespmem:v25+s12+$0x0], $0xffff;
	v20 =	vor.u32 v57, v20  }
0x36e: {  	v35 =	vld.idx.msk [tilespmem:v35+s10+$0x0], $0xffff;
	v0 =	vadd.f32 v16, v0;
	v16 =	vmul.f32 v43, v22;
	v22 =	vadd.s32 $0x11, v13  }
0x36f: {  	v30 =	vadd.s32 $0x12, v13;
	v24 =	vld.idx.msk [tilespmem:v24+s12+$0x0], $0xffff;
	v60 =	vand.u32 $0xFFFFFFF8, v22;
	v22 =	vand.u32 $0x7, v22  }
0x370: {  	v33 =	vld.idx.msk [tilespmem:v33+s10+$0x0], $0xffff;
	v0 =	vadd.f32 v16, v0;
	v16 =	vmul.f32 v28, v18;
	v18 =	vadd.s32 v5, v60  }
0x371: {  	v23 =	vld.idx.msk [tilespmem:v23+s12+$0x0], $0xffff;
	v28 =	vand.u32 $0x7, v30;
	v18 =	vor.u32 v22, v18;
	v22 =	vand.u32 $0xFFFFFFF8, v30  }
0x372: {  	v30 =	vld.idx.msk [tilespmem:v32+s10+$0x0], $0xffff;
	v0 =	vadd.f32 v16, v0;
	v16 =	vmul.f32 v25, v36;
	v22 =	vadd.s32 v5, v22  }
0x373: {  	v20 =	vld.idx.msk [tilespmem:v20+s12+$0x0], $0xffff;
	v25 =	vand.u32 $0xFFFFFFF8, v58;
	v22 =	vor.u32 v28, v22;
	v28 =	vand.u32 $0x7, v58  }
0x374: {  	v15 =	vld.idx.msk [tilespmem:v15+s10+$0x0], $0xffff;
	v0 =	vadd.f32 v16, v0;
	v16 =	vmul.f32 v24, v35;
	v24 =	vadd.s32 v5, v25  }
0x375: {  	v61 =	vand.u32 $0x7, v34;
	v25 =	vld.idx.msk [tilespmem:v59+s12+$0x0], $0xffff;
	v24 =	vor.u32 v28, v24;
	v28 =	vand.u32 $0xFFFFFFF8, v34  }
0x376: {  	v62 =	vld.idx.msk [tilespmem:v42+s10+$0x0], $0xffff;
	v0 =	vadd.f32 v16, v0;
	v16 =	vmul.f32 v23, v33;
	v23 =	vadd.s32 v5, v28  }
0x377: {  	v18 =	vld.idx.msk [tilespmem:v18+s12+$0x0], $0xffff;
	v28 =	vand.u32 $0xFFFFFFF8, v31;
	v31 =	vand.u32 $0x7, v31;
	v23 =	vor.u32 v61, v23  }
0x378: {  	v63 =	vld.idx.msk [tilespmem:v41+s10+$0x0], $0xffff;
	v0 =	vadd.f32 v16, v0;
	v16 =	vmul.f32 v20, v30;
	v20 =	vadd.s32 v5, v28  }
0x379: {  	v22 =	vld.idx.msk [tilespmem:v22+s12+$0x0], $0xffff;
	v28 =	vand.u32 $0xFFFFFFF8, v29;
	v29 =	vand.u32 $0x7, v29;
	v20 =	vor.u32 v31, v20  }
0x37a: {  	v14 =	vld.idx.msk [tilespmem:v14+s10+$0x0], $0xffff;
	v15 =	vmul.f32 v25, v15;
	v0 =	vadd.f32 v16, v0;
	v16 =	vadd.s32 v5, v28  }
0x37b: {  	v25 =	vand.u32 $0xFFFFFFF8, v27;
	v27 =	vand.u32 $0x7, v27;
	v24 =	vld.idx.msk [tilespmem:v24+s12+$0x0], $0xffff;
	v16 =	vor.u32 v29, v16  }
0x37c: {  	v28 =	vld.idx.msk [tilespmem:v40+s10+$0x0], $0xffff;
	v0 =	vadd.f32 v15, v0;
	v15 =	vmul.f32 v18, v62;
	v18 =	vadd.s32 v5, v25  }
0x37d: {  	v26 =	vadd.s32 $0x18, v26;
	v23 =	vld.idx.msk [tilespmem:v23+s12+$0x0], $0xffff;
	v25 =	vadd.s32 $0x1A, v13;
	v18 =	vor.u32 v27, v18  }
0x37e: {  	v29 =	vld.idx.msk [tilespmem:v39+s10+$0x0], $0xffff;
	v0 =	vadd.f32 v15, v0;
	v15 =	vmul.f32 v22, v63;
	v22 =	vadd.s32 $0x19, v13  }
0x37f: {  	v27 =	vadd.s32 $0x1B, v13;
	v20 =	vld.idx.msk [tilespmem:v20+s12+$0x0], $0xffff;
	v30 =	vand.u32 $0xFFFFFFF8, v22;
	v22 =	vand.u32 $0x7, v22  }
0x380: {  	v11 =	vld.idx.msk [tilespmem:v11+s10+$0x0], $0xffff;
	v14 =	vmul.f32 v24, v14;
	v0 =	vadd.f32 v15, v0;
	v15 =	vadd.s32 v5, v30  }
0x381: {  	v24 =	vand.u32 $0x7, v25;
	v16 =	vld.idx.msk [tilespmem:v16+s12+$0x0], $0xffff;
	v15 =	vor.u32 v22, v15;
	v22 =	vand.u32 $0xFFFFFFF8, v25  }
0x382: {  	v25 =	vld.idx.msk [tilespmem:v38+s10+$0x0], $0xffff;
	v0 =	vadd.f32 v14, v0;
	v14 =	vmul.f32 v23, v28;
	v22 =	vadd.s32 v5, v22  }
0x383: {  	v18 =	vld.idx.msk [tilespmem:v18+s12+$0x0], $0xffff;
	v23 =	vand.u32 $0xFFFFFFF8, v27;
	v22 =	vor.u32 v24, v22  }
0x384: {  	v24 =	vand.u32 $0x7, v27;
	v27 =	vld.idx.msk [tilespmem:v37+s10+$0x0], $0xffff;
	v0 =	vadd.f32 v14, v0;
	v14 =	vmul.f32 v20, v29  }
0x385: {  	v20 =	vadd.s32 v5, v23;
	v23 =	vld.idx.msk [tilespmem:v26+s12+$0x0], $0xffff  }
0x386: {  	v11 =	vmul.f32 v16, v11;
	v0 =	vadd.f32 v14, v0  }
0x387: {  	v21 =	vadd.s32 $0x1C, v13  }
0x388: {  	v17 =	vadd.s32 $0x1E, v13;
	v0 =	vadd.f32 v11, v0;
	v11 =	vmul.f32 v18, v25  }
0x389: {  	v19 =	vadd.s32 $0x1D, v13;
	v1 =	vld.idx.msk [tilespmem:v1+s10+$0x0], $0xffff;
	v20 =	vor.u32 v24, v20;
	v24 =	vand.u32 $0xFFFFFFF8, v21  }
0x38a: {  	v2 =	vld.idx.msk [tilespmem:v2+s10+$0x0], $0xffff;
	v21 =	vand.u32 $0x7, v21;
	v0 =	vadd.f32 v11, v0;
	v11 =	vmul.f32 v23, v27  }
0x38b: {  	v16 =	vand.u32 $0xFFFFFFF8, v19;
	v19 =	vand.u32 $0x7, v19;
	v14 =	vadd.s32 v5, v24;
	v15 =	vld.idx.msk [tilespmem:v15+s12+$0x0], $0xffff  }
0x38c: {  	v16 =	vadd.s32 v5, v16;
	v14 =	vor.u32 v21, v14;
	v0 =	vadd.f32 v11, v0;
	v11 =	vld [tilespmem:$0x1FA60]  }
0x38d: {  	v7 =	vor.u32 v7, v9;
	v16 =	vor.u32 v19, v16;
	v19 =	vand.u32 $0xFFFFFFF8, v17;
	v18 =	vld.idx.msk [tilespmem:v22+s12+$0x0], $0xffff  }
0x38e: {  	v9 =	vadd.s32 $0x1F, v13;
	v12 =	vld.idx.msk [tilespmem:v12+s10+$0x0], $0xffff;
	v17 =	vand.u32 $0x7, v17;
	v19 =	vadd.s32 v5, v19  }
0x38f: {  	v17 =	vor.u32 v17, v19;
	v19 =	vand.u32 $0xFFFFFFF8, v9;
	v13 =	vld.idx.msk [tilespmem:v20+s12+$0x0], $0xffff  }
0x390: {  	v6 =	vld.idx.msk [tilespmem:v6+s10+$0x0], $0xffff;
	v9 =	vand.u32 $0x7, v9;
	v5 =	vadd.s32 v5, v19;
	v1 =	vmul.f32 v15, v1  }
0x391: {  	v5 =	vor.u32 v9, v5;
	v8 =	vor.u32 v11, v8;
	v11 =	vld.idx.msk [tilespmem:v14+s12+$0x0], $0xffff  }
0x392: {  	v10 =	vld.idx.msk [tilespmem:v10+s10+$0x0], $0xffff;
	v0 =	vadd.f32 v1, v0;
	v1 =	vmul.f32 v18, v2  }
0x393: {  	v2 =	vld.idx.msk [tilespmem:v16+s12+$0x0], $0xffff  }
0x394: {  	v7 =	vld.idx.msk [tilespmem:v7+s10+$0x0], $0xffff;
	v0 =	vadd.f32 v1, v0;
	v1 =	vmul.f32 v13, v12  }
0x395: {  	v9 =	vld.idx.msk [tilespmem:v17+s12+$0x0], $0xffff  }
0x396: {  	v5 =	vld.idx.msk [tilespmem:v5+s12+$0x0], $0xffff;
	v0 =	vadd.f32 v1, v0;
	v1 =	vmul.f32 v11, v6  }
0x397: {  	v8 =	vld.idx.msk [tilespmem:v8+s10+$0x0], $0xffff  }
0x398: {  	v0 =	vadd.f32 v1, v0;
	v1 =	vmul.f32 v2, v10;
	_ =	sdelay $0x1  }
0x399: {  	v0 =	vadd.f32 v1, v0;
	v1 =	vmul.f32 v9, v7  }
0x39a: {  	s31 =	simm.s32 $0x110;
	v2 =	vlaneseq.u32  }
0x39b: {  	v2 =	vor.u32 s31, v2;
	v0 =	vadd.f32 v1, v0;
	v1 =	vmul.f32 v5, v8;
	_ =	sdelay $0x1  }
0x39c: {  	v0 =	vadd.f32 v1, v0  }
0x39d: {  	s25 =	simm.s32 $0x10F00  }
0x39e: {  	[tilespmem:s25+$0x0] =	vst v0  }
0x39f: {  	v0 =	vld.idx.msk [tilespmem:v2+s18+$0x0], $0xffff;
	_ =	sdelay $0x1  }
0x3a0: {  	s28 =	simm.s32 $0x10  }
0x3a1: {  	v1 =	vmov s28  }
0x3a2: {  	v1 =	vshll.u32 v1, $0x7  }
0x3a3: {  	v13 =	vor.u32 s31, v4;
	v5 =	vor.u32 v3, v1;
	v1 =	vadd.s32 $0x1E, v0  }
0x3a4: {  	v2 =	vadd.s32 $0x1F, v0;
	v6 =	vadd.s32 $0x1B, v0;
	v7 =	vadd.s32 $0x1C, v0  }
0x3a5: {  	v8 =	vadd.s32 $0x1D, v0;
	v11 =	vadd.s32 $0x17, v0;
	v14 =	vadd.s32 $0x19, v0  }
0x3a6: {  	v15 =	vadd.s32 $0x1A, v0;
	v16 =	vadd.s32 $0x14, v0;
	v18 =	vadd.s32 $0x15, v0  }
0x3a7: {  	v19 =	vadd.s32 $0x16, v0;
	v20 =	vadd.s32 $0x11, v0;
	v21 =	vadd.s32 $0x12, v0  }
0x3a8: {  	v22 =	vadd.s32 $0x13, v0;
	v27 =	vadd.s32 $0xD, v0;
	v28 =	vadd.s32 $0xE, v0  }
0x3a9: {  	v30 =	vadd.s32 $0xF, v0;
	v31 =	vadd.s32 $0xA, v0;
	v32 =	vadd.s32 $0xB, v0  }
0x3aa: {  	v33 =	vadd.s32 $0xC, v0;
	v37 =	vadd.s32 $0x6, v0;
	v35 =	vadd.s32 $0x7, v0  }
0x3ab: {  	v38 =	vadd.s32 $0x9, v0;
	v41 =	vadd.s32 $0x3, v0;
	v42 =	vadd.s32 $0x4, v0  }
0x3ac: {  	v43 =	vadd.s32 $0x5, v0;
	v10 =	vand.u32 $0x7, v0;
	v44 =	vadd.s32 $0x1, v0  }
0x3ad: {  	[tilespmem:$0x1FA70] =	vst v4;
	v46 =	vadd.s32 $0x2, v0;
	v4 =	vand.u32 $0xFFFFFFF8, v0;
	v0 =	vand.u32 $0xFFFFFFF8, v2  }
0x3ae: {  	[tilespmem:$0x1FA90] =	vst v0;
	v0 =	vand.u32 $0x7, v8  }
0x3af: {  	[tilespmem:$0x1FB00] =	vst v0;
	v0 =	vand.u32 $0x7, v1  }
0x3b0: {  	[tilespmem:$0x1FB10] =	vst v0;
	v0 =	vand.u32 $0xFFFFFFF8, v7  }
0x3b1: {  	[tilespmem:$0x1FAB0] =	vst v0;
	v0 =	vand.u32 $0xFFFFFFF8, v8  }
0x3b2: {  	[tilespmem:$0x1FAC0] =	vst v0;
	v0 =	vand.u32 $0xFFFFFFF8, v6  }
0x3b3: {  	[tilespmem:$0x1FAA0] =	vst v0;
	v0 =	vand.u32 $0xFFFFFFF8, v14  }
0x3b4: {  	[tilespmem:$0x1FAD0] =	vst v0;
	v0 =	vand.u32 $0xFFFFFFF8, v15  }
0x3b5: {  	[tilespmem:$0x1FAE0] =	vst v0;
	v0 =	vand.u32 $0xFFFFFFF8, v18  }
0x3b6: {  	v61 =	vand.u32 $0x7, v2;
	v2 =	vand.u32 $0xFFFFFFF8, v1;
	[tilespmem:$0x1FAF0] =	vst v0;
	v0 =	vld [tilespmem:$0x1FA90]  }
0x3b7: {  	v9 =	vand.u32 $0x7, v15;
	v12 =	vand.u32 $0x7, v6;
	v17 =	vand.u32 $0x7, v14  }
0x3b8: {  	v48 =	vand.u32 $0xFFFFFFF8, v11;
	v53 =	vand.u32 $0xFFFFFFF8, v19;
	v23 =	vand.u32 $0x7, v22  }
0x3b9: {  	v54 =	vand.u32 $0xFFFFFFF8, v16;
	v55 =	vand.u32 $0xFFFFFFF8, v21;
	v25 =	vand.u32 $0x7, v21  }
0x3ba: {  	v56 =	vand.u32 $0xFFFFFFF8, v22;
	v24 =	vand.u32 $0x7, v30;
	v57 =	vand.u32 $0xFFFFFFF8, v20  }
0x3bb: {  	v26 =	vand.u32 $0x7, v20;
	v6 =	vadd.s32 v5, v2;
	v2 =	vadd.s32 v5, v0;
	v0 =	vld [tilespmem:$0x1FAA0]  }
0x3bc: {  	v58 =	vand.u32 $0xFFFFFFF8, v28;
	v29 =	vand.u32 $0x7, v28;
	v59 =	vand.u32 $0xFFFFFFF8, v30  }
0x3bd: {  	v28 =	vand.u32 $0x7, v33;
	v60 =	vand.u32 $0xFFFFFFF8, v27;
	v30 =	vand.u32 $0x7, v27  }
0x3be: {  	v62 =	vand.u32 $0xFFFFFFF8, v32;
	v34 =	vand.u32 $0x7, v32;
	v63 =	vand.u32 $0xFFFFFFF8, v33  }
0x3bf: {  	v33 =	vand.u32 $0x7, v38;
	v47 =	vand.u32 $0xFFFFFFF8, v31;
	v36 =	vand.u32 $0x7, v31  }
0x3c0: {  	v15 =	vand.u32 $0x7, v19;
	v19 =	vand.u32 $0x7, v16;
	v16 =	vadd.s32 v5, v0;
	v0 =	vld [tilespmem:$0x1FAB0]  }
0x3c1: {  	v49 =	vand.u32 $0xFFFFFFF8, v35;
	v35 =	vand.u32 $0x7, v35;
	v50 =	vand.u32 $0xFFFFFFF8, v38  }
0x3c2: {  	v39 =	vand.u32 $0x7, v43;
	v45 =	vand.u32 $0xFFFFFFF8, v37;
	v40 =	vand.u32 $0x7, v37  }
0x3c3: {  	v51 =	vand.u32 $0xFFFFFFF8, v42;
	v38 =	vand.u32 $0x7, v42;
	v52 =	vand.u32 $0xFFFFFFF8, v43  }
0x3c4: {  	[tilespmem:$0x1FA80] =	vst v3;
	v42 =	vand.u32 $0x7, v46;
	v3 =	vand.u32 $0xFFFFFFF8, v41;
	v14 =	vand.u32 $0x7, v11;
	v11 =	vld [tilespmem:$0x1FAD0]  }
0x3c5: {  	v43 =	vand.u32 $0x7, v41;
	v37 =	vadd.s32 v5, v54;
	v20 =	vadd.s32 v5, v0;
	v0 =	vld [tilespmem:$0x1FAC0]  }
0x3c6: {  	v54 =	vadd.s32 v5, v58;
	v58 =	vadd.s32 v5, v50;
	v50 =	vadd.s32 v5, v3;
	v3 =	vld [tilespmem:$0x1FB00]  }
0x3c7: {  	v4 =	vadd.s32 v5, v4;
	v22 =	vadd.s32 v5, v48;
	v53 =	vadd.s32 v5, v53  }
0x3c8: {  	v32 =	vadd.s32 v5, v55;
	v31 =	vadd.s32 v5, v56;
	v55 =	vadd.s32 v5, v59  }
0x3c9: {  	v47 =	vadd.s32 v5, v47;
	v56 =	vadd.s32 v5, v62;
	v48 =	vadd.s32 v5, v45;
	v27 =	vld [tilespmem:$0x1FAF0]  }
0x3ca: {  	v8 =	vand.u32 $0xFFFFFFF8, v44;
	v21 =	vadd.s32 v5, v11;
	v11 =	vld [tilespmem:$0x1FAE0];
	v0 =	vadd.s32 v5, v0  }
0x3cb: {  	v59 =	vadd.s32 v5, v52;
	v52 =	vadd.s32 v5, v8;
	v8 =	vor.u32 v3, v0;
	v0 =	vld [tilespmem:$0x1FB10]  }
0x3cc: {  	v49 =	vadd.s32 v5, v49;
	v51 =	vadd.s32 v5, v51;
	v45 =	vor.u32 v10, v4  }
0x3cd: {  	v1 =	vand.u32 $0x7, v7;
	v7 =	vand.u32 $0xFFFFFFF8, v46;
	v46 =	vadd.s32 v5, v60  }
0x3ce: {  	v44 =	vand.u32 $0x7, v44;
	v60 =	vadd.s32 v5, v7;
	v18 =	vand.u32 $0x7, v18  }
0x3cf: {  	v41 =	vadd.s32 v5, v27;
	v27 =	vadd.s32 v5, v57;
	v57 =	vadd.s32 v5, v63  }
0x3d0: {  	s26 =	simm.s32 $0x20;
	v11 =	vadd.s32 v5, v11;
	v7 =	vor.u32 v0, v6;
	v6 =	vor.u32 v61, v2  }
.LBB2_4:
0x3d1: {  	v11 =	vor.u32 v9, v11;
	v10 =	vor.u32 v12, v16;
	v16 =	vor.u32 v14, v22  }
0x3d2: {  	v14 =	vadd.s32 $0x18, v45;
	v22 =	vor.u32 v19, v37;
	v27 =	vor.u32 v26, v27  }
0x3d3: {  	v25 =	vor.u32 v25, v32;
	v32 =	vor.u32 v29, v54;
	v29 =	vadd.s32 $0x10, v45  }
0x3d4: {  	v37 =	vor.u32 v28, v57;
	v0 =	vadd.s32 $0x8, v45;
	v36 =	vor.u32 v36, v47  }
0x3d5: {  	v2 =	vor.u32 v40, v48;
	v62 =	vor.u32 v42, v60;
	v9 =	vor.u32 v1, v20;
	v20 =	vld.idx.msk [tilespmem:v13+s18+$0x0], $0xffff  }
0x3d6: {  	v42 =	vor.u32 v43, v50;
	v38 =	vor.u32 v38, v51;
	v63 =	vor.u32 v44, v52  }
0x3d7: {  	v12 =	vor.u32 v17, v21;
	v21 =	vor.u32 v18, v41;
	v19 =	vor.u32 v15, v53  }
0x3d8: {  	v23 =	vor.u32 v23, v31;
	v31 =	vor.u32 v24, v55;
	v41 =	vor.u32 v34, v56  }
0x3d9: {  	v34 =	vor.u32 v30, v46;
	v46 =	vor.u32 v33, v58;
	v1 =	vor.u32 v39, v59  }
0x3da: {  	v39 =	vor.u32 v35, v49;
	v15 =	vadd.s32 $0x1E, v20;
	v13 =	vadd.s32 $0x1F, v20  }
0x3db: {  	v26 =	vadd.s32 $0x17, v20;
	v18 =	vadd.s32 $0x1C, v20;
	v17 =	vadd.s32 $0x1D, v20  }
0x3dc: {  	v24 =	vand.u32 $0xFFFFFFF8, v20;
	v30 =	vadd.s32 $0x15, v20;
	v28 =	vadd.s32 $0x16, v20  }
0x3dd: {  	v51 =	vand.u32 $0x7, v20;
	v52 =	vadd.s32 $0x1, v20;
	v33 =	vadd.s32 $0x14, v20  }
0x3de: {  	v54 =	vadd.s32 $0x2, v20;
	v56 =	vadd.s32 $0x3, v20;
	v24 =	vadd.s32 v5, v24  }
0x3df: {  	v50 =	vadd.s32 $0xE, v20;
	v53 =	vand.u32 $0xFFFFFFF8, v52;
	v24 =	vor.u32 v51, v24  }
0x3e0: {  	v58 =	vadd.s32 $0x4, v20;
	v35 =	vand.u32 $0x7, v52;
	v44 =	vadd.s32 v5, v53  }
0x3e1: {  	v60 =	vadd.s32 $0x5, v20;
	v55 =	vand.u32 $0xFFFFFFF8, v54;
	v44 =	vor.u32 v35, v44  }
0x3e2: {  	v40 =	vld.idx.msk [tilespmem:v62+s10+$0x0], $0xffff;
	v62 =	vadd.s32 $0x6, v20;
	v47 =	vand.u32 $0x7, v54;
	v48 =	vadd.s32 v5, v55  }
0x3e3: {  	v45 =	vld.idx.msk [tilespmem:v45+s10+$0x0], $0xffff;
	v57 =	vand.u32 $0xFFFFFFF8, v56;
	v49 =	vand.u32 $0x7, v56;
	v47 =	vor.u32 v47, v48  }
0x3e4: {  	v59 =	vand.u32 $0xFFFFFFF8, v58;
	v52 =	vand.u32 $0x7, v58;
	v48 =	vadd.s32 v5, v57;
	v51 =	vld.idx.msk [tilespmem:v24+s12+$0x0], $0xffff  }
0x3e5: {  	v43 =	vld.idx.msk [tilespmem:v63+s10+$0x0], $0xffff;
	v61 =	vand.u32 $0xFFFFFFF8, v60;
	v54 =	vand.u32 $0x7, v60;
	v48 =	vor.u32 v49, v48  }
0x3e6: {  	v63 =	vand.u32 $0xFFFFFFF8, v62;
	v60 =	vadd.s32 $0x7, v20;
	v49 =	vadd.s32 v5, v59;
	v44 =	vld.idx.msk [tilespmem:v44+s12+$0x0], $0xffff  }
0x3e7: {  	v56 =	vadd.s32 $0xB, v20;
	v53 =	vadd.s32 $0xD, v20;
	v49 =	vor.u32 v52, v49  }
0x3e8: {  	v55 =	vadd.s32 $0xC, v20;
	v35 =	vadd.s32 $0xF, v20;
	v52 =	vadd.s32 v5, v61;
	v47 =	vld.idx.msk [tilespmem:v47+s12+$0x0], $0xffff  }
0x3e9: {  	v42 =	vld.idx.msk [tilespmem:v42+s10+$0x0], $0xffff;
	v58 =	vand.u32 $0xFFFFFFF8, v55;
	v52 =	vor.u32 v54, v52;
	v45 =	vmul.f32 v51, v45  }
0x3ea: {  	v61 =	vand.u32 $0x7, v62;
	v62 =	vand.u32 $0xFFFFFFF8, v60;
	v54 =	vadd.s32 v5, v63;
	v48 =	vld.idx.msk [tilespmem:v48+s12+$0x0], $0xffff  }
0x3eb: {  	v38 =	vld.idx.msk [tilespmem:v38+s10+$0x0], $0xffff;
	v51 =	vor.u32 v61, v54;
	v43 =	vmul.f32 v44, v43;
	v45 =	vadd.f32 $0.0e+00, v45  }
0x3ec: {  	v63 =	vand.u32 $0x7, v60;
	v60 =	vadd.s32 v5, v62;
	v62 =	vadd.s32 $0x9, v20;
	v44 =	vld.idx.msk [tilespmem:v49+s12+$0x0], $0xffff  }
0x3ed: {  	v1 =	vld.idx.msk [tilespmem:v1+s10+$0x0], $0xffff;
	v49 =	vor.u32 v63, v60;
	v40 =	vmul.f32 v47, v40;
	v43 =	vadd.f32 v43, v45  }
0x3ee: {  	v61 =	vadd.s32 $0xA, v20;
	v54 =	vand.u32 $0x7, v56;
	v63 =	vand.u32 $0xFFFFFFF8, v62;
	v45 =	vld.idx.msk [tilespmem:v52+s12+$0x0], $0xffff  }
0x3ef: {  	v2 =	vld.idx.msk [tilespmem:v2+s10+$0x0], $0xffff;
	v42 =	vmul.f32 v48, v42;
	v52 =	vadd.s32 $0x8, v24;
	v40 =	vadd.f32 v40, v43  }
0x3f0: {  	v47 =	vand.u32 $0x7, v62;
	v60 =	vand.u32 $0xFFFFFFF8, v61;
	v59 =	vadd.s32 v5, v63;
	v43 =	vld.idx.msk [tilespmem:v51+s12+$0x0], $0xffff  }
0x3f1: {  	v39 =	vld.idx.msk [tilespmem:v39+s10+$0x0], $0xffff;
	v47 =	vor.u32 v47, v59;
	v38 =	vmul.f32 v44, v38;
	v40 =	vadd.f32 v42, v40  }
0x3f2: {  	v61 =	vand.u32 $0x7, v61;
	v62 =	vadd.s32 v5, v60;
	v63 =	vand.u32 $0xFFFFFFF8, v56;
	v42 =	vld.idx.msk [tilespmem:v49+s12+$0x0], $0xffff  }
0x3f3: {  	v0 =	vld.idx.msk [tilespmem:v0+s10+$0x0], $0xffff;
	v44 =	vor.u32 v61, v62;
	v1 =	vmul.f32 v45, v1;
	v38 =	vadd.f32 v38, v40  }
0x3f4: {  	v57 =	vadd.s32 v5, v63;
	v59 =	vand.u32 $0x7, v55;
	v63 =	vand.u32 $0x7, v53;
	v56 =	vld.idx.msk [tilespmem:v52+s12+$0x0], $0xffff  }
0x3f5: {  	v46 =	vld.idx.msk [tilespmem:v46+s10+$0x0], $0xffff;
	v45 =	vor.u32 v54, v57;
	v2 =	vmul.f32 v43, v2;
	v1 =	vadd.f32 v1, v38  }
0x3f6: {  	v55 =	vand.u32 $0x7, v50;
	v61 =	vadd.s32 v5, v58;
	v62 =	vand.u32 $0xFFFFFFF8, v53;
	v60 =	vld.idx.msk [tilespmem:v47+s12+$0x0], $0xffff  }
0x3f7: {  	v36 =	vld.idx.msk [tilespmem:v36+s10+$0x0], $0xffff;
	v43 =	vor.u32 v59, v61;
	v1 =	vadd.f32 v2, v1;
	v2 =	vmul.f32 v42, v39  }
0x3f8: {  	v53 =	vadd.s32 v5, v62;
	v54 =	vand.u32 $0xFFFFFFF8, v50;
	v57 =	vand.u32 $0xFFFFFFF8, v35;
	v52 =	vld.idx.msk [tilespmem:v44+s12+$0x0], $0xffff  }
0x3f9: {  	v41 =	vld.idx.msk [tilespmem:v41+s10+$0x0], $0xffff;
	v42 =	vor.u32 v63, v53;
	v0 =	vmul.f32 v56, v0;
	v1 =	vadd.f32 v2, v1  }
0x3fa: {  	v35 =	vand.u32 $0x7, v35;
	v59 =	vadd.s32 v5, v57;
	v56 =	vadd.s32 v5, v54;
	v2 =	vld.idx.msk [tilespmem:v45+s12+$0x0], $0xffff  }
0x3fb: {  	v37 =	vld.idx.msk [tilespmem:v37+s10+$0x0], $0xffff;
	v40 =	vor.u32 v55, v56;
	v0 =	vadd.f32 v0, v1;
	v1 =	vmul.f32 v60, v46  }
0x3fc: {  	v48 =	vadd.s32 $0x10, v24;
	v61 =	vadd.s32 $0x13, v20;
	v35 =	vor.u32 v35, v59;
	v58 =	vld.idx.msk [tilespmem:v43+s12+$0x0], $0xffff  }
0x3fd: {  	v34 =	vld.idx.msk [tilespmem:v34+s10+$0x0], $0xffff;
	v63 =	vadd.s32 $0x11, v20;
	v0 =	vadd.f32 v1, v0;
	v1 =	vmul.f32 v52, v36  }
0x3fe: {  	v54 =	vand.u32 $0xFFFFFFF8, v61;
	v49 =	vand.u32 $0xFFFFFFF8, v63;
	v39 =	vand.u32 $0x7, v63;
	v62 =	vld.idx.msk [tilespmem:v42+s12+$0x0], $0xffff  }
0x3ff: {  	v32 =	vld.idx.msk [tilespmem:v32+s10+$0x0], $0xffff;
	v50 =	vadd.s32 v5, v49;
	v0 =	vadd.f32 v1, v0;
	v1 =	vmul.f32 v2, v41  }
0x400: {  	v55 =	vand.u32 $0x7, v61;
	v39 =	vor.u32 v39, v50;
	v60 =	vadd.s32 $0x12, v20;
	v2 =	vld.idx.msk [tilespmem:v40+s12+$0x0], $0xffff  }
0x401: {  	v31 =	vld.idx.msk [tilespmem:v31+s10+$0x0], $0xffff;
	v51 =	vand.u32 $0xFFFFFFF8, v60;
	v0 =	vadd.f32 v1, v0;
	v1 =	vmul.f32 v58, v37  }
0x402: {  	v57 =	vadd.s32 v5, v54;
	v35 =	vld.idx.msk [tilespmem:v35+s12+$0x0], $0xffff;
	v52 =	vand.u32 $0x7, v60;
	v53 =	vadd.s32 v5, v51  }
0x403: {  	v29 =	vld.idx.msk [tilespmem:v29+s10+$0x0], $0xffff;
	v37 =	vor.u32 v52, v53;
	v0 =	vadd.f32 v1, v0;
	v1 =	vmul.f32 v62, v34  }
0x404: {  	v56 =	vld.idx.msk [tilespmem:v48+s12+$0x0], $0xffff;
	v36 =	vor.u32 v55, v57;
	v58 =	vand.u32 $0xFFFFFFF8, v33;
	v33 =	vand.u32 $0x7, v33  }
0x405: {  	v27 =	vld.idx.msk [tilespmem:v27+s10+$0x0], $0xffff;
	v59 =	vadd.s32 v5, v58;
	v0 =	vadd.f32 v1, v0;
	v1 =	vmul.f32 v2, v32  }
0x406: {  	v60 =	vand.u32 $0xFFFFFFF8, v30;
	v30 =	vand.u32 $0x7, v30;
	v2 =	vld.idx.msk [tilespmem:v39+s12+$0x0], $0xffff;
	v32 =	vor.u32 v33, v59  }
0x407: {  	v25 =	vld.idx.msk [tilespmem:v25+s10+$0x0], $0xffff;
	v33 =	vadd.s32 v5, v60;
	v0 =	vadd.f32 v1, v0;
	v1 =	vmul.f32 v35, v31  }
0x408: {  	v61 =	vand.u32 $0xFFFFFFF8, v28;
	v28 =	vand.u32 $0x7, v28;
	v30 =	vor.u32 v30, v33;
	v31 =	vld.idx.msk [tilespmem:v37+s12+$0x0], $0xffff  }
0x409: {  	v23 =	vld.idx.msk [tilespmem:v23+s10+$0x0], $0xffff;
	v33 =	vadd.s32 v5, v61;
	v0 =	vadd.f32 v1, v0;
	v1 =	vmul.f32 v56, v29  }
0x40a: {  	v62 =	vand.u32 $0xFFFFFFF8, v26;
	v26 =	vand.u32 $0x7, v26;
	v28 =	vor.u32 v28, v33;
	v29 =	vld.idx.msk [tilespmem:v36+s12+$0x0], $0xffff  }
0x40b: {  	v22 =	vld.idx.msk [tilespmem:v22+s10+$0x0], $0xffff;
	v0 =	vadd.f32 v1, v0;
	v1 =	vmul.f32 v2, v27;
	v27 =	vadd.s32 v5, v62  }
0x40c: {  	v63 =	vadd.s32 $0x1B, v20;
	v2 =	vld.idx.msk [tilespmem:v32+s12+$0x0], $0xffff;
	v26 =	vor.u32 v26, v27;
	v27 =	vadd.s32 $0x1A, v20  }
0x40d: {  	v21 =	vld.idx.msk [tilespmem:v21+s10+$0x0], $0xffff;
	v20 =	vadd.s32 $0x19, v20;
	v0 =	vadd.f32 v1, v0;
	v1 =	vmul.f32 v31, v25  }
0x40e: {  	v24 =	vadd.s32 $0x18, v24;
	v25 =	vld.idx.msk [tilespmem:v30+s12+$0x0], $0xffff;
	v30 =	vand.u32 $0xFFFFFFF8, v20;
	v20 =	vand.u32 $0x7, v20  }
0x40f: {  	v0 =	vadd.f32 v1, v0;
	v1 =	vmul.f32 v29, v23;
	v23 =	vld.idx.msk [tilespmem:v28+s12+$0x0], $0xffff;
	v28 =	vadd.s32 v5, v30  }
0x410: {  	v19 =	vld.idx.msk [tilespmem:v19+s10+$0x0], $0xffff;
	v20 =	vor.u32 v20, v28;
	v28 =	vand.u32 $0xFFFFFFF8, v27;
	v27 =	vand.u32 $0x7, v27  }
0x411: {  	v16 =	vld.idx.msk [tilespmem:v16+s10+$0x0], $0xffff;
	v0 =	vadd.f32 v1, v0;
	v1 =	vmul.f32 v2, v22;
	v22 =	vadd.s32 v5, v28  }
0x412: {  	v2 =	vld.idx.msk [tilespmem:v26+s12+$0x0], $0xffff;
	v26 =	vand.u32 $0xFFFFFFF8, v63;
	v22 =	vor.u32 v27, v22;
	v27 =	vand.u32 $0x7, v63  }
0x413: {  	v0 =	vadd.f32 v1, v0;
	v1 =	vmul.f32 v25, v21;
	v21 =	vld.idx.msk [tilespmem:v24+s12+$0x0], $0xffff;
	v24 =	vadd.s32 v5, v26  }
0x414: {  	v14 =	vld.idx.msk [tilespmem:v14+s10+$0x0], $0xffff;
	v25 =	vand.u32 $0xFFFFFFF8, v18;
	v18 =	vand.u32 $0x7, v18;
	v24 =	vor.u32 v27, v24  }
0x415: {  	v0 =	vadd.f32 v1, v0;
	v1 =	vmul.f32 v23, v19;
	v19 =	vld.idx.msk [tilespmem:v20+s12+$0x0], $0xffff;
	v20 =	vadd.s32 v5, v25  }
0x416: {  	v12 =	vld.idx.msk [tilespmem:v12+s10+$0x0], $0xffff;
	v18 =	vor.u32 v18, v20;
	v20 =	vand.u32 $0xFFFFFFF8, v17;
	v17 =	vand.u32 $0x7, v17  }
0x417: {  	v11 =	vld.idx.msk [tilespmem:v11+s10+$0x0], $0xffff;
	v0 =	vadd.f32 v1, v0;
	v1 =	vmul.f32 v2, v16;
	v16 =	vadd.s32 v5, v20  }
0x418: {  	v2 =	vld.idx.msk [tilespmem:v22+s12+$0x0], $0xffff;
	v16 =	vor.u32 v17, v16;
	v17 =	vand.u32 $0xFFFFFFF8, v15;
	v15 =	vand.u32 $0x7, v15  }
0x419: {  	v10 =	vld.idx.msk [tilespmem:v10+s10+$0x0], $0xffff;
	v0 =	vadd.f32 v1, v0;
	v1 =	vmul.f32 v21, v14;
	v17 =	vadd.s32 v5, v17  }
0x41a: {  	v14 =	vld.idx.msk [tilespmem:v24+s12+$0x0], $0xffff;
	v15 =	vor.u32 v15, v17  }
0x41b: {  	v9 =	vld.idx.msk [tilespmem:v9+s10+$0x0], $0xffff;
	v17 =	vand.u32 $0xFFFFFFF8, v13;
	v0 =	vadd.f32 v1, v0;
	v1 =	vmul.f32 v19, v12  }
0x41c: {  	v13 =	vand.u32 $0x7, v13;
	v12 =	vld.idx.msk [tilespmem:v18+s12+$0x0], $0xffff;
	v5 =	vadd.s32 v5, v17  }
0x41d: {  	v8 =	vld.idx.msk [tilespmem:v8+s10+$0x0], $0xffff;
	v5 =	vor.u32 v13, v5;
	v0 =	vadd.f32 v1, v0;
	v1 =	vmul.f32 v2, v11  }
0x41e: {  	v2 =	vld.idx.msk [tilespmem:v16+s12+$0x0], $0xffff  }
0x41f: {  	v7 =	vld.idx.msk [tilespmem:v7+s10+$0x0], $0xffff;
	v0 =	vadd.f32 v1, v0;
	v1 =	vmul.f32 v14, v10  }
0x420: {  	v10 =	vld.idx.msk [tilespmem:v15+s12+$0x0], $0xffff  }
0x421: {  	v6 =	vld.idx.msk [tilespmem:v6+s10+$0x0], $0xffff;
	v0 =	vadd.f32 v1, v0;
	v1 =	vmul.f32 v12, v9  }
0x422: {  	v5 =	vld.idx.msk [tilespmem:v5+s12+$0x0], $0xffff  }
0x423: {  	v0 =	vadd.f32 v1, v0;
	v1 =	vmul.f32 v2, v8;
	_ =	sdelay $0x1  }
0x424: {  	v0 =	vadd.f32 v1, v0;
	v1 =	vmul.f32 v10, v7  }
0x425: {  	s28 =	sadd.s32 $0x100, s26;
	v2 =	vlaneseq.u32  }
0x426: {  	v2 =	vor.u32 s28, v2;
	v0 =	vadd.f32 v1, v0;
	v1 =	vmul.f32 v5, v6;
	_ =	sdelay $0x1  }
0x427: {  	v0 =	vadd.f32 v1, v0  }
0x428: {  	s25 =	sadd.s32 $0x10, s25  }
0x429: {  	[tilespmem:s25+$0x0] =	vst v0  }
0x42a: {  	v0 =	vld.idx.msk [tilespmem:v2+s18+$0x0], $0xffff  }
0x42b: {  	v2 =	vld [tilespmem:$0x1FA70];
	_ =	sdelay $0x3  }
0x42c: {  	v1 =	vmov s26  }
0x42d: {  	v1 =	vshll.u32 v1, $0x7;
	v2 =	vor.u32 s28, v2  }
0x42e: {  	v6 =	vadd.s32 $0x1B, v0;
	v7 =	vadd.s32 $0x1C, v0;
	v8 =	vadd.s32 $0x1D, v0  }
0x42f: {  	v11 =	vadd.s32 $0x17, v0;
	v14 =	vadd.s32 $0x19, v0;
	v15 =	vadd.s32 $0x1A, v0  }
0x430: {  	v16 =	vadd.s32 $0x14, v0;
	v18 =	vadd.s32 $0x15, v0;
	v19 =	vadd.s32 $0x16, v0  }
0x431: {  	v20 =	vadd.s32 $0x11, v0;
	v21 =	vadd.s32 $0x12, v0;
	v22 =	vadd.s32 $0x13, v0  }
0x432: {  	v27 =	vadd.s32 $0xD, v0;
	v28 =	vadd.s32 $0xE, v0;
	v30 =	vadd.s32 $0xF, v0  }
0x433: {  	v31 =	vadd.s32 $0xA, v0;
	v32 =	vadd.s32 $0xB, v0;
	v33 =	vadd.s32 $0xC, v0  }
0x434: {  	v37 =	vadd.s32 $0x6, v0;
	v35 =	vadd.s32 $0x7, v0;
	v38 =	vadd.s32 $0x9, v0  }
0x435: {  	v41 =	vadd.s32 $0x3, v0;
	v42 =	vadd.s32 $0x4, v0;
	v43 =	vadd.s32 $0x5, v0;
	[tilespmem:$0x1F9D0] =	vst v2;
	v2 =	vld [tilespmem:$0x1FA80]  }
0x436: {  	v3 =	vand.u32 $0x7, v0;
	v44 =	vadd.s32 $0x1, v0;
	v46 =	vadd.s32 $0x2, v0  }
0x437: {  	v49 =	vand.u32 $0xFFFFFFF8, v7;
	v45 =	vand.u32 $0x7, v15;
	v12 =	vand.u32 $0x7, v6  }
0x438: {  	v50 =	vand.u32 $0xFFFFFFF8, v15;
	v51 =	vand.u32 $0xFFFFFFF8, v11;
	v52 =	vand.u32 $0xFFFFFFF8, v18  }
0x439: {  	v18 =	vand.u32 $0x7, v18;
	v53 =	vand.u32 $0xFFFFFFF8, v19;
	v54 =	vand.u32 $0xFFFFFFF8, v16  }
0x43a: {  	v55 =	vand.u32 $0xFFFFFFF8, v21;
	v5 =	vor.u32 v2, v1;
	v2 =	vadd.s32 $0x1F, v0  }
0x43b: {  	[tilespmem:$0x1F9F0] =	vst v3;
	v1 =	vadd.s32 $0x1E, v0;
	v47 =	vand.u32 $0xFFFFFFF8, v2;
	v2 =	vand.u32 $0x7, v2  }
0x43c: {  	v25 =	vand.u32 $0x7, v21;
	v48 =	vand.u32 $0xFFFFFFF8, v1;
	v1 =	vand.u32 $0x7, v1;
	[tilespmem:$0x1FA40] =	vst v2  }
0x43d: {  	v56 =	vand.u32 $0xFFFFFFF8, v22;
	v24 =	vand.u32 $0x7, v30;
	v2 =	vand.u32 $0x7, v8;
	[tilespmem:$0x1FA30] =	vst v1  }
0x43e: {  	v57 =	vand.u32 $0xFFFFFFF8, v20;
	v26 =	vand.u32 $0x7, v20;
	v1 =	vand.u32 $0x7, v7;
	[tilespmem:$0x1FA20] =	vst v2  }
0x43f: {  	v58 =	vand.u32 $0xFFFFFFF8, v28;
	v29 =	vand.u32 $0x7, v28;
	[tilespmem:$0x1F9E0] =	vst v1;
	v1 =	vand.u32 $0x7, v14  }
0x440: {  	v59 =	vand.u32 $0xFFFFFFF8, v30;
	v2 =	vand.u32 $0xFFFFFFF8, v42;
	[tilespmem:$0x1FA10] =	vst v1;
	v1 =	vand.u32 $0x7, v19  }
0x441: {  	[tilespmem:$0x1FA00] =	vst v1;
	v1 =	vand.u32 $0x7, v22;
	v22 =	vadd.s32 v5, v51;
	v51 =	vadd.s32 v5, v2;
	v2 =	vld [tilespmem:$0x1F9F0]  }
0x442: {  	v28 =	vand.u32 $0x7, v33;
	v60 =	vand.u32 $0xFFFFFFF8, v27;
	v30 =	vand.u32 $0x7, v27  }
0x443: {  	v62 =	vand.u32 $0xFFFFFFF8, v32;
	v34 =	vand.u32 $0x7, v32;
	v9 =	vand.u32 $0xFFFFFFF8, v37  }
0x444: {  	v63 =	vand.u32 $0xFFFFFFF8, v33;
	v33 =	vand.u32 $0x7, v38;
	v0 =	vand.u32 $0xFFFFFFF8, v0  }
0x445: {  	v3 =	vand.u32 $0xFFFFFFF8, v31;
	v36 =	vand.u32 $0x7, v31;
	v0 =	vadd.s32 v5, v0  }
0x446: {  	v10 =	vadd.s32 v5, v48;
	v48 =	vadd.s32 v5, v9;
	v9 =	vmovc v45;
	v45 =	vor.u32 v2, v0;
	v0 =	vld [tilespmem:$0x1FA20]  }
0x447: {  	v4 =	vand.u32 $0xFFFFFFF8, v35;
	v35 =	vand.u32 $0x7, v35;
	v13 =	vand.u32 $0xFFFFFFF8, v38  }
0x448: {  	v39 =	vand.u32 $0x7, v43;
	v40 =	vand.u32 $0x7, v37;
	v38 =	vand.u32 $0x7, v42  }
0x449: {  	v61 =	vand.u32 $0xFFFFFFF8, v43;
	v43 =	vand.u32 $0x7, v41;
	v7 =	vand.u32 $0xFFFFFFF8, v8  }
0x44a: {  	v15 =	vand.u32 $0xFFFFFFF8, v44;
	v8 =	vand.u32 $0xFFFFFFF8, v6;
	v7 =	vadd.s32 v5, v7  }
0x44b: {  	v19 =	vand.u32 $0x7, v16;
	v16 =	vadd.s32 v5, v8;
	v8 =	vor.u32 v0, v7;
	v0 =	vld [tilespmem:$0x1FA30]  }
0x44c: {  	v44 =	vand.u32 $0x7, v44;
	v17 =	vand.u32 $0xFFFFFFF8, v46;
	v20 =	vadd.s32 v5, v49  }
0x44d: {  	v37 =	vadd.s32 v5, v54;
	v53 =	vadd.s32 v5, v53;
	v27 =	vadd.s32 v5, v57  }
0x44e: {  	v32 =	vadd.s32 v5, v55;
	v31 =	vadd.s32 v5, v56;
	v54 =	vadd.s32 v5, v58  }
0x44f: {  	v55 =	vadd.s32 v5, v59;
	v56 =	vadd.s32 v5, v62;
	v57 =	vadd.s32 v5, v63  }
0x450: {  	p0 =	sne.s32 s26, $0xF0;
	v49 =	vadd.s32 v5, v4;
	v58 =	vadd.s32 v5, v13;
	v7 =	vor.u32 v0, v10;
	v0 =	vld [tilespmem:$0x1FA40]  }
.Ltmp1:
0x451: {  	v13 =	vld [tilespmem:$0x1F9D0];
	v59 =	vadd.s32 v5, v61;
	v6 =	vand.u32 $0xFFFFFFF8, v14;
	v23 =	vadd.s32 v5, v47;
	(pc) =	sbr.rel @p0 .LBB2_4-.Ltmp1, $4  }
0x452: {  	v42 =	vand.u32 $0x7, v46;
	v46 =	vadd.s32 v5, v60;
	v60 =	vadd.s32 v5, v17;
	v17 =	vld [tilespmem:$0x1FA10]  }
0x453: {  	[tilespmem:$0x1FA50] =	vst v1;
	v1 =	vand.u32 $0xFFFFFFF8, v41;
	v41 =	vadd.s32 v5, v52;
	v52 =	vadd.s32 v5, v15;
	v15 =	vld [tilespmem:$0x1FA00]  }
0x454: {  	v14 =	vand.u32 $0x7, v11;
	v11 =	vadd.s32 v5, v50;
	v50 =	vadd.s32 v5, v1;
	v1 =	vld [tilespmem:$0x1F9E0]  }
0x455: {  	s26 =	sadd.s32 $0x10, s26;
	v47 =	vadd.s32 v5, v3;
	v21 =	vadd.s32 v5, v6;
	v6 =	vor.u32 v0, v23;
	v23 =	vld [tilespmem:$0x1FA50]  }
0x456: {  	v10 =	vor.u32 v9, v11  }
0x457: {  	v4 =	vor.u32 v12, v16;
	v14 =	vor.u32 v14, v22;
	v12 =	vadd.s32 $0x18, v45  }
0x458: {  	v19 =	vor.u32 v19, v37;
	v18 =	vor.u32 v18, v41;
	v26 =	vor.u32 v26, v27  }
0x459: {  	v0 =	vor.u32 v34, v56;
	v30 =	vor.u32 v30, v46;
	v2 =	vor.u32 v33, v58  }
0x45a: {  	v33 =	vor.u32 v36, v47;
	v34 =	vor.u32 v39, v59;
	v36 =	vor.u32 v40, v48  }
0x45b: {  	v9 =	vld.idx.msk [tilespmem:v13+s18+$0x0], $0xffff;
	v35 =	vor.u32 v35, v49;
	v37 =	vor.u32 v42, v60;
	v39 =	vor.u32 v43, v50  }
0x45c: {  	v38 =	vor.u32 v38, v51;
	v63 =	vor.u32 v44, v52;
	v11 =	vor.u32 v17, v21  }
0x45d: {  	v21 =	vor.u32 v25, v32;
	v25 =	vadd.s32 $0x10, v45;
	v32 =	vor.u32 v28, v57  }
0x45e: {  	v16 =	vor.u32 v15, v53;
	v3 =	vor.u32 v1, v20;
	v1 =	vadd.s32 $0x8, v45  }
0x45f: {  	v20 =	vor.u32 v23, v31;
	v31 =	vor.u32 v29, v54;
	v29 =	vor.u32 v24, v55  }
0x460: {  	v13 =	vadd.s32 $0x1E, v9;
	v23 =	vadd.s32 $0x17, v9;
	v17 =	vadd.s32 $0x1C, v9  }
0x461: {  	v15 =	vadd.s32 $0x1D, v9;
	v50 =	vand.u32 $0xFFFFFFF8, v9;
	v27 =	vadd.s32 $0x15, v9  }
0x462: {  	v51 =	vand.u32 $0x7, v9;
	v52 =	vadd.s32 $0x1, v9;
	v28 =	vadd.s32 $0x14, v9  }
0x463: {  	v54 =	vadd.s32 $0x2, v9;
	v44 =	vadd.s32 $0xF, v9;
	v22 =	vadd.s32 v5, v50  }
0x464: {  	v56 =	vadd.s32 $0x3, v9;
	v53 =	vand.u32 $0xFFFFFFF8, v52;
	v22 =	vor.u32 v51, v22  }
0x465: {  	v47 =	vadd.s32 $0xE, v9;
	v41 =	vand.u32 $0x7, v52;
	v42 =	vadd.s32 v5, v53  }
0x466: {  	v45 =	vld.idx.msk [tilespmem:v45+s10+$0x0], $0xffff;
	v58 =	vadd.s32 $0x4, v9;
	v55 =	vand.u32 $0xFFFFFFF8, v54;
	v41 =	vor.u32 v41, v42  }
0x467: {  	v40 =	vld.idx.msk [tilespmem:v63+s10+$0x0], $0xffff;
	v61 =	vadd.s32 $0x5, v9;
	v43 =	vand.u32 $0x7, v54;
	v42 =	vadd.s32 v5, v55  }
0x468: {  	v37 =	vld.idx.msk [tilespmem:v37+s10+$0x0], $0xffff;
	v63 =	vadd.s32 $0x6, v9;
	v57 =	vand.u32 $0xFFFFFFF8, v56;
	v42 =	vor.u32 v43, v42  }
0x469: {  	v46 =	vand.u32 $0x7, v56;
	v60 =	vand.u32 $0xFFFFFFF8, v58;
	v43 =	vadd.s32 v5, v57;
	v59 =	vld.idx.msk [tilespmem:v22+s12+$0x0], $0xffff  }
0x46a: {  	v39 =	vld.idx.msk [tilespmem:v39+s10+$0x0], $0xffff;
	v50 =	vadd.s32 $0xD, v9;
	v48 =	vand.u32 $0x7, v58;
	v43 =	vor.u32 v46, v43  }
0x46b: {  	v62 =	vand.u32 $0xFFFFFFF8, v61;
	v58 =	vadd.s32 $0x7, v9;
	v46 =	vadd.s32 v5, v60;
	v41 =	vld.idx.msk [tilespmem:v41+s12+$0x0], $0xffff  }
0x46c: {  	v38 =	vld.idx.msk [tilespmem:v38+s10+$0x0], $0xffff;
	v51 =	vand.u32 $0x7, v61;
	v61 =	vand.u32 $0x7, v58;
	v46 =	vor.u32 v48, v46  }
0x46d: {  	v60 =	vand.u32 $0xFFFFFFF8, v58;
	v58 =	vadd.s32 $0x8, v22;
	v48 =	vadd.s32 v5, v62;
	v42 =	vld.idx.msk [tilespmem:v42+s12+$0x0], $0xffff  }
0x46e: {  	v34 =	vld.idx.msk [tilespmem:v34+s10+$0x0], $0xffff;
	v57 =	vand.u32 $0xFFFFFFF8, v63;
	v48 =	vor.u32 v51, v48;
	v45 =	vmul.f32 v59, v45  }
0x46f: {  	v52 =	vadd.s32 $0xC, v9;
	v51 =	vadd.s32 v5, v57;
	v43 =	vld.idx.msk [tilespmem:v43+s12+$0x0], $0xffff;
	v59 =	vand.u32 $0x7, v63  }
0x470: {  	v36 =	vld.idx.msk [tilespmem:v36+s10+$0x0], $0xffff;
	v49 =	vor.u32 v59, v51;
	v40 =	vmul.f32 v41, v40;
	v45 =	vadd.f32 $0.0e+00, v45  }
0x471: {  	v53 =	vadd.s32 $0xB, v9;
	v56 =	vand.u32 $0xFFFFFFF8, v52;
	v62 =	vadd.s32 v5, v60;
	v46 =	vld.idx.msk [tilespmem:v46+s12+$0x0], $0xffff  }
0x472: {  	v55 =	vld.idx.msk [tilespmem:v58+s12+$0x0], $0xffff;
	v41 =	vor.u32 v61, v62;
	v37 =	vmul.f32 v42, v37;
	v40 =	vadd.f32 v40, v45  }
0x473: {  	v58 =	vadd.s32 v5, v56;
	v63 =	vadd.s32 $0x9, v9;
	v57 =	vld.idx.msk [tilespmem:v48+s12+$0x0], $0xffff;
	v51 =	vadd.s32 $0xA, v9  }
0x474: {  	v35 =	vld.idx.msk [tilespmem:v35+s10+$0x0], $0xffff;
	v59 =	vand.u32 $0xFFFFFFF8, v63;
	v39 =	vmul.f32 v43, v39;
	v37 =	vadd.f32 v37, v40  }
0x475: {  	v42 =	vand.u32 $0x7, v63;
	v60 =	vadd.s32 v5, v59;
	v62 =	vand.u32 $0xFFFFFFF8, v51;
	v61 =	vld.idx.msk [tilespmem:v49+s12+$0x0], $0xffff  }
0x476: {  	v1 =	vld.idx.msk [tilespmem:v1+s10+$0x0], $0xffff;
	v38 =	vmul.f32 v46, v38;
	v40 =	vor.u32 v42, v60;
	v37 =	vadd.f32 v39, v37  }
0x477: {  	v63 =	vand.u32 $0x7, v51;
	v51 =	vand.u32 $0xFFFFFFF8, v53;
	v46 =	vadd.s32 v5, v62;
	v41 =	vld.idx.msk [tilespmem:v41+s12+$0x0], $0xffff  }
0x478: {  	v34 =	vmul.f32 v57, v34;
	v39 =	vor.u32 v63, v46;
	v37 =	vadd.f32 v38, v37  }
0x479: {  	v48 =	vadd.s32 $0x12, v9;
	v53 =	vand.u32 $0x7, v53;
	v54 =	vadd.s32 v5, v51  }
0x47a: {  	v2 =	vld.idx.msk [tilespmem:v2+s10+$0x0], $0xffff;
	v38 =	vor.u32 v53, v54;
	v36 =	vmul.f32 v61, v36;
	v34 =	vadd.f32 v34, v37  }
0x47b: {  	v59 =	vand.u32 $0xFFFFFFF8, v50;
	v1 =	vmul.f32 v55, v1;
	v57 =	vand.u32 $0x7, v52;
	v40 =	vld.idx.msk [tilespmem:v40+s12+$0x0], $0xffff  }
0x47c: {  	v33 =	vld.idx.msk [tilespmem:v33+s10+$0x0], $0xffff;
	v35 =	vmul.f32 v41, v35;
	v37 =	vor.u32 v57, v58;
	v34 =	vadd.f32 v36, v34  }
0x47d: {  	v51 =	vadd.s32 $0x10, v22;
	v60 =	vand.u32 $0x7, v50;
	v61 =	vadd.s32 v5, v59;
	v39 =	vld.idx.msk [tilespmem:v39+s12+$0x0], $0xffff  }
0x47e: {  	v0 =	vld.idx.msk [tilespmem:v0+s10+$0x0], $0xffff;
	v62 =	vand.u32 $0xFFFFFFF8, v47;
	v36 =	vor.u32 v60, v61;
	v34 =	vadd.f32 v35, v34  }
0x47f: {  	v45 =	vand.u32 $0xFFFFFFF8, v44;
	v42 =	vadd.s32 v5, v62;
	v63 =	vand.u32 $0x7, v47;
	v38 =	vld.idx.msk [tilespmem:v38+s12+$0x0], $0xffff  }
0x480: {  	v32 =	vld.idx.msk [tilespmem:v32+s10+$0x0], $0xffff;
	v35 =	vor.u32 v63, v42;
	v2 =	vmul.f32 v40, v2;
	v1 =	vadd.f32 v1, v34  }
0x481: {  	v50 =	vadd.s32 $0x11, v9;
	v46 =	vand.u32 $0x7, v44;
	v47 =	vadd.s32 v5, v45;
	v37 =	vld.idx.msk [tilespmem:v37+s12+$0x0], $0xffff  }
0x482: {  	v30 =	vld.idx.msk [tilespmem:v30+s10+$0x0], $0xffff;
	v34 =	vor.u32 v46, v47;
	v1 =	vadd.f32 v2, v1;
	v2 =	vmul.f32 v39, v33  }
0x483: {  	v49 =	vadd.s32 $0x13, v9;
	v52 =	vand.u32 $0xFFFFFFF8, v50;
	v53 =	vand.u32 $0xFFFFFFF8, v48;
	v36 =	vld.idx.msk [tilespmem:v36+s12+$0x0], $0xffff  }
0x484: {  	v31 =	vld.idx.msk [tilespmem:v31+s10+$0x0], $0xffff;
	v54 =	vand.u32 $0x7, v48;
	v0 =	vmul.f32 v38, v0;
	v1 =	vadd.f32 v2, v1  }
0x485: {  	v55 =	vadd.s32 v5, v53;
	v33 =	vand.u32 $0x7, v50;
	v35 =	vld.idx.msk [tilespmem:v35+s12+$0x0], $0xffff;
	v2 =	vadd.s32 v5, v52  }
0x486: {  	v29 =	vld.idx.msk [tilespmem:v29+s10+$0x0], $0xffff;
	v2 =	vor.u32 v33, v2;
	v0 =	vadd.f32 v0, v1;
	v1 =	vmul.f32 v37, v32  }
0x487: {  	v57 =	vand.u32 $0xFFFFFFF8, v49;
	v58 =	vand.u32 $0x7, v49;
	v61 =	vand.u32 $0xFFFFFFF8, v28;
	v56 =	vld.idx.msk [tilespmem:v34+s12+$0x0], $0xffff  }
0x488: {  	v25 =	vld.idx.msk [tilespmem:v25+s10+$0x0], $0xffff;
	v32 =	vor.u32 v54, v55;
	v0 =	vadd.f32 v1, v0;
	v1 =	vmul.f32 v36, v30  }
0x489: {  	v59 =	vadd.s32 v5, v57;
	v60 =	vld.idx.msk [tilespmem:v51+s12+$0x0], $0xffff;
	v28 =	vand.u32 $0x7, v28;
	v62 =	vadd.s32 v5, v61  }
0x48a: {  	v26 =	vld.idx.msk [tilespmem:v26+s10+$0x0], $0xffff;
	v30 =	vor.u32 v58, v59;
	v0 =	vadd.f32 v1, v0;
	v1 =	vmul.f32 v35, v31  }
0x48b: {  	v24 =	vadd.s32 $0x16, v9;
	v43 =	vadd.s32 $0x1B, v9;
	v28 =	vor.u32 v28, v62;
	v2 =	vld.idx.msk [tilespmem:v2+s12+$0x0], $0xffff  }
0x48c: {  	v21 =	vld.idx.msk [tilespmem:v21+s10+$0x0], $0xffff;
	v63 =	vand.u32 $0xFFFFFFF8, v27;
	v0 =	vadd.f32 v1, v0;
	v1 =	vmul.f32 v56, v29  }
0x48d: {  	v27 =	vand.u32 $0x7, v27;
	v37 =	vand.u32 $0xFFFFFFF8, v24;
	v35 =	vadd.s32 v5, v63;
	v36 =	vld.idx.msk [tilespmem:v32+s12+$0x0], $0xffff  }
0x48e: {  	v20 =	vld.idx.msk [tilespmem:v20+s10+$0x0], $0xffff;
	v27 =	vor.u32 v27, v35;
	v0 =	vadd.f32 v1, v0;
	v1 =	vmul.f32 v60, v25  }
0x48f: {  	v40 =	vand.u32 $0xFFFFFFF8, v23;
	v24 =	vand.u32 $0x7, v24;
	v38 =	vadd.s32 v5, v37;
	v39 =	vld.idx.msk [tilespmem:v30+s12+$0x0], $0xffff  }
0x490: {  	v19 =	vld.idx.msk [tilespmem:v19+s10+$0x0], $0xffff;
	v24 =	vor.u32 v24, v38;
	v0 =	vadd.f32 v1, v0;
	v1 =	vmul.f32 v2, v26  }
0x491: {  	v44 =	vadd.s32 $0x19, v9;
	v23 =	vand.u32 $0x7, v23;
	v41 =	vld.idx.msk [tilespmem:v28+s12+$0x0], $0xffff;
	v2 =	vadd.s32 v5, v40  }
0x492: {  	v18 =	vld.idx.msk [tilespmem:v18+s10+$0x0], $0xffff;
	v2 =	vor.u32 v23, v2;
	v0 =	vadd.f32 v1, v0;
	v1 =	vmul.f32 v36, v21  }
0x493: {  	v22 =	vadd.s32 $0x18, v22;
	v45 =	vand.u32 $0xFFFFFFF8, v44;
	v53 =	vand.u32 $0xFFFFFFF8, v17;
	v27 =	vld.idx.msk [tilespmem:v27+s12+$0x0], $0xffff  }
0x494: {  	v16 =	vld.idx.msk [tilespmem:v16+s10+$0x0], $0xffff;
	v42 =	vadd.s32 $0x1A, v9;
	v0 =	vadd.f32 v1, v0;
	v1 =	vmul.f32 v39, v20  }
0x495: {  	v46 =	vadd.s32 v5, v45;
	v47 =	vand.u32 $0xFFFFFFF8, v42;
	v24 =	vld.idx.msk [tilespmem:v24+s12+$0x0], $0xffff;
	v21 =	vand.u32 $0x7, v44  }
0x496: {  	v14 =	vld.idx.msk [tilespmem:v14+s10+$0x0], $0xffff;
	v20 =	vor.u32 v21, v46;
	v0 =	vadd.f32 v1, v0;
	v1 =	vmul.f32 v41, v19  }
0x497: {  	v49 =	vand.u32 $0xFFFFFFF8, v43;
	v48 =	vadd.s32 v5, v47;
	v23 =	vand.u32 $0x7, v42;
	v2 =	vld.idx.msk [tilespmem:v2+s12+$0x0], $0xffff  }
0x498: {  	v12 =	vld.idx.msk [tilespmem:v12+s10+$0x0], $0xffff;
	v19 =	vor.u32 v23, v48;
	v0 =	vadd.f32 v1, v0;
	v1 =	vmul.f32 v27, v18  }
0x499: {  	v17 =	vand.u32 $0x7, v17;
	v51 =	vadd.s32 v5, v49;
	v50 =	vand.u32 $0x7, v43;
	v52 =	vld.idx.msk [tilespmem:v22+s12+$0x0], $0xffff  }
0x49a: {  	v11 =	vld.idx.msk [tilespmem:v11+s10+$0x0], $0xffff;
	v18 =	vor.u32 v50, v51;
	v0 =	vadd.f32 v1, v0;
	v1 =	vmul.f32 v24, v16  }
0x49b: {  	v57 =	vand.u32 $0xFFFFFFF8, v13;
	v54 =	vadd.s32 v5, v53;
	v55 =	vand.u32 $0xFFFFFFF8, v15;
	v20 =	vld.idx.msk [tilespmem:v20+s12+$0x0], $0xffff  }
0x49c: {  	v10 =	vld.idx.msk [tilespmem:v10+s10+$0x0], $0xffff;
	v16 =	vor.u32 v17, v54;
	v0 =	vadd.f32 v1, v0;
	v1 =	vmul.f32 v2, v14  }
0x49d: {  	v9 =	vadd.s32 $0x1F, v9;
	v15 =	vand.u32 $0x7, v15;
	v56 =	vld.idx.msk [tilespmem:v19+s12+$0x0], $0xffff;
	v2 =	vadd.s32 v5, v55  }
0x49e: {  	v4 =	vld.idx.msk [tilespmem:v4+s10+$0x0], $0xffff;
	v2 =	vor.u32 v15, v2;
	v0 =	vadd.f32 v1, v0;
	v1 =	vmul.f32 v52, v12  }
0x49f: {  	v13 =	vand.u32 $0x7, v13;
	v58 =	vadd.s32 v5, v57;
	v60 =	vand.u32 $0xFFFFFFF8, v9;
	v59 =	vld.idx.msk [tilespmem:v18+s12+$0x0], $0xffff  }
0x4a0: {  	v3 =	vld.idx.msk [tilespmem:v3+s10+$0x0], $0xffff;
	v12 =	vor.u32 v13, v58;
	v0 =	vadd.f32 v1, v0;
	v1 =	vmul.f32 v20, v11  }
0x4a1: {  	v9 =	vand.u32 $0x7, v9;
	v62 =	vadd.s32 v5, v60;
	v61 =	vld.idx.msk [tilespmem:v16+s12+$0x0], $0xffff  }
0x4a2: {  	v8 =	vld.idx.msk [tilespmem:v8+s10+$0x0], $0xffff;
	v5 =	vor.u32 v9, v62;
	v0 =	vadd.f32 v1, v0;
	v1 =	vmul.f32 v56, v10  }
0x4a3: {  	v2 =	vld.idx.msk [tilespmem:v2+s12+$0x0], $0xffff  }
0x4a4: {  	v7 =	vld.idx.msk [tilespmem:v7+s10+$0x0], $0xffff;
	v0 =	vadd.f32 v1, v0;
	v1 =	vmul.f32 v59, v4  }
0x4a5: {  	v63 =	vld.idx.msk [tilespmem:v12+s12+$0x0], $0xffff  }
0x4a6: {  	v6 =	vld.idx.msk [tilespmem:v6+s10+$0x0], $0xffff;
	v0 =	vadd.f32 v1, v0;
	v1 =	vmul.f32 v61, v3  }
0x4a7: {  	v3 =	vld.idx.msk [tilespmem:v5+s12+$0x0], $0xffff  }
0x4a8: {  	v0 =	vadd.f32 v1, v0;
	v1 =	vmul.f32 v2, v8;
	_ =	sdelay $0x1  }
0x4a9: {  	v0 =	vadd.f32 v1, v0;
	v1 =	vmul.f32 v63, v7;
	_ =	sdelay $0x1  }
0x4aa: {  	v0 =	vadd.f32 v1, v0;
	v1 =	vmul.f32 v3, v6;
	_ =	sdelay $0x1  }
0x4ab: {  	s24 =	sadd.s32 $0x1, s24;
	v0 =	vadd.f32 v1, v0  }
0x4ac: {  	s25 =	sadd.s32 $0x10, s25;
	p0 =	sne.s32 s24, s6  }
.Ltmp2:
0x4ad: {  	[tilespmem:s25+$0x0] =	vst v0;
	(pc) =	sbr.rel @p0 .LBB2_1-.Ltmp2, $4  }
0x4ae: {  	[hbm4b:s5+s2] =	stream.linear.scatter [tilespmem:s23], [sflag:$0x2], $0x200, $0x38;
	[tilespmem:$0x11000] =	vst v63  }
0x4af: {  	_ =	swait.ge [sflag:s7], $0x200  }
0x4b0: {  	[sflag:s7] =	ssyncset.done $0x0  }
0x4b1: {  	v0 =	vlaneseq.u32;
	[sflag:s7] =	ssyncadd.s32 $0xFFFFFE00  }
0x4b2: {  	_ =	sfence.sel $0x180000  }
0x4b3: {  	[bflag:$0x0] =	sbarrier.arrive $0xFFFF  }
0x4b4: {  	p0 =	sne.s32 s0, $0x0;
	_ =	strace $0x90000047  }
0x4b5: {  	s0 =	sadd.s32 @!p0 $0x100000, s1;
	[bflag:$0x2] =	sbarrier.arrive $0xFFFF  }
0x4b6: {  	[sflag:s0] =	ssyncadd.tile.s32 @!p0 $0x1;
	_ =	shalt  }
.Lfunc_end2:
_tile_overlayer_lowered:
.L_overlay_start_2:
0x4b7: {  	(tag) =	ssettag $0x2  }
0x4b8: {  	s0 =	rddreg [dreg:$0x0];
	s2 =	stileid.u32  }
0x4b9: {  	s1 =	rddreg [dreg:$0x1];
	p0 =	sne.s32 s2, $0x0  }
0x4ba: {  	s3 =	rddreg [dreg:$0x2];
	[bflag:$0x3] =	sbarrier.arrive $0xFFFF;
	s2 =	simm.s32 @!p0 $0x1C02  }
0x4bb: {  	[timem:s3], [sflag:s2] =	dma.local @!p0 [hbm:s0], s1  }
0x4bc: {  	s0 =	simm.s32 @!p0 $0x2  }
0x4bd: {  	_ =	swait.ge @!p0 [sflag:s0], s1  }
0x4be: {  	s1 =	ssub.s32 @!p0 $0x0, s1;
	[sflag:s0] =	ssyncset.done @!p0 $0x0  }
0x4bf: {  	[sflag:s0] =	ssyncadd.s32 @!p0 s1  }
0x4c0: {  	[bflag:$0x3] =	sbarrier.arrive $0xFFFF  }
0x4c1: {  	_ =	shalt  }

</sc_bundles>
